<compile_context>
chip_gen: v7x
topology: tpu7x:2x2x1
jax: 0.10.2.dev20260603
libtpu: 0.0.44.dev20260713+nightly
codegen_flags: <defaults>
</compile_context>

<pallas_src>
import functools

import jax
import jax.numpy as jnp
from jax import lax
from jax.experimental import pallas as pl
from jax.experimental.pallas import tpu as pltpu
from jax.experimental.pallas import tpu_sc as plsc

B = 16384
K = 32
L = 16
TW = 128
NC = 2
NS = 16
NW = NC * NS
BPW = B // NW
GROUPS = BPW // L
NBUF = 8
LOOKAHEAD = NBUF - 1

_mesh = plsc.VectorSubcoreMesh(core_axis_name="c", subcore_axis_name="s")


@functools.partial(
    pl.kernel,
    out_type=jax.ShapeDtypeStruct((B,), jnp.float32),
    mesh=_mesh,
    compiler_params=pltpu.CompilerParams(
        use_tc_tiling_on_sc=True, needs_layout_passes=False
    ),
    scratch_types=[
        pltpu.VMEM((BPW,), jnp.int32),
        pltpu.VMEM((BPW,), jnp.int32),
        pltpu.VMEM((NBUF, K, TW), jnp.float32),
        pltpu.VMEM((NBUF, K, TW), jnp.float32),
        pltpu.VMEM((BPW,), jnp.float32),
        pltpu.SemaphoreType.DMA,
        pltpu.SemaphoreType.DMA,
    ],
)
def _mf_score(u_hbm, i_hbm, uet_hbm, iet_hbm, out_hbm,
              uidx_v, iidx_v, ubuf, ibuf, out_v, usem, isem):
    wid = lax.axis_index("s") * NC + lax.axis_index("c")
    base = wid * BPW

    pltpu.sync_copy(u_hbm.at[pl.ds(base, BPW)], uidx_v)
    pltpu.sync_copy(i_hbm.at[pl.ds(base, BPW)], iidx_v)

    lanes = lax.iota(jnp.int32, L)
    rows_lo = lanes
    rows_hi = lanes + L

    def fetch(uvec, ivec, r):
        slot = r % NBUF
        cu = pl.multiple_of((uvec[r] // TW) * TW, TW)
        ci = pl.multiple_of((ivec[r] // TW) * TW, TW)
        pltpu.async_copy(uet_hbm.at[pl.ds(0, K), pl.ds(cu, TW)], ubuf.at[slot], usem)
        pltpu.async_copy(iet_hbm.at[pl.ds(0, K), pl.ds(ci, TW)], ibuf.at[slot], isem)

    def dot(uvec, ivec, r):
        slot = r % NBUF
        pltpu.make_async_copy(
            uet_hbm.at[pl.ds(0, K), pl.ds(0, TW)], ubuf.at[slot], usem).wait()
        pltpu.make_async_copy(
            iet_hbm.at[pl.ds(0, K), pl.ds(0, TW)], ibuf.at[slot], isem).wait()
        lu_v = jnp.full((L,), 0, jnp.int32) + (uvec[r] % TW)
        li_v = jnp.full((L,), 0, jnp.int32) + (ivec[r] % TW)
        u_lo = plsc.load_gather(ubuf.at[slot], [rows_lo, lu_v])
        u_hi = plsc.load_gather(ubuf.at[slot], [rows_hi, lu_v])
        i_lo = plsc.load_gather(ibuf.at[slot], [rows_lo, li_v])
        i_hi = plsc.load_gather(ibuf.at[slot], [rows_hi, li_v])
        return jnp.sum(u_lo * i_lo + u_hi * i_hi)

    def group(g, _):
        uvec = uidx_v[pl.ds(g * L, L)]
        ivec = iidx_v[pl.ds(g * L, L)]
        gn = jnp.minimum(g + 1, GROUPS - 1) * L
        uvn = uidx_v[pl.ds(gn, L)]
        ivn = iidx_v[pl.ds(gn, L)]
        acc = jnp.zeros((L,), jnp.float32)
        for r in range(L):
            if r + LOOKAHEAD < L:
                fetch(uvec, ivec, r + LOOKAHEAD)
            else:
                @pl.when(g < GROUPS - 1)
                def _():
                    fetch(uvn, ivn, r + LOOKAHEAD - L)
            s = dot(uvec, ivec, r)
            acc = jnp.where(lanes == r, s, acc)
        out_v[pl.ds(g * L, L)] = acc
        return 0

    uv0 = uidx_v[pl.ds(0, L)]
    iv0 = iidx_v[pl.ds(0, L)]
    for q in range(LOOKAHEAD):
        fetch(uv0, iv0, q)
    lax.fori_loop(0, GROUPS, group, 0)
    pltpu.sync_copy(out_v, out_hbm.at[pl.ds(base, BPW)])


def kernel(u, i, user_emb, item_emb):
    return _mf_score(u, i, user_emb.T, item_emb.T)

# --- scband reference (transcript-rebuilt; emitter-appended) ---
"""Pipeline reference for scband-mf-implicit-9216999817522 (READ-ONLY COPY).

The authoritative reference and input builder live on the scoring server;
editing this copy changes nothing except your own understanding.
"""

import jax, jax.numpy as jnp
import numpy as np

N_USERS = 1000000
N_ITEMS = 1000000
K = 32
BATCH = 16384

def setup_inputs(seed: int = 0) -> dict:
    key = jax.random.key(seed)
    k_u, k_i, k_ue, k_ie = jax.random.split(key, 4)
    u = jax.random.randint(k_u, (BATCH,), 0, N_USERS, dtype=jnp.int64 if jax.config.jax_enable_x64 else jnp.int32).astype(jnp.int32)
    i = jax.random.randint(k_i, (BATCH,), 0, N_ITEMS, dtype=jnp.int64 if jax.config.jax_enable_x64 else jnp.int32).astype(jnp.int32)
    user_emb = jax.random.normal(k_ue, (N_USERS, K), dtype=jnp.float32) * 0.01
    item_emb = jax.random.normal(k_ie, (N_ITEMS, K), dtype=jnp.float32) * 0.01
    return {"u": u, "i": i, "user_emb": user_emb, "item_emb": item_emb}

def reference(u, i, user_emb, item_emb):
    # gather rows from both embedding tables (SparseCore gather)
    ue = jnp.take(user_emb, u, axis=0)  # [B, K]
    ie = jnp.take(item_emb, i, axis=0)  # [B, K]
    # elementwise product + reduce over embedding dim -> implicit-feedback score
    return (ue * ie).sum(axis=1)  # [B]

if __name__ == "__main__":
    import jax
    _d = setup_inputs()
    print(jax.jit(kernel)(*tuple(_d.values())))

</pallas_src>

<mosaic_0001>
#map = affine_map<(d0, d1) -> (0)>
#map1 = affine_map<(d0, d1) -> (0, 0)>
module attributes {stable_mosaic.version = 14 : i64} {
  func.func @_mf_score(%arg0: i32, %arg1: i32, %arg2: memref<16384xi32, #tpu.memory_space<hbm>>, %arg3: memref<16384xi32, #tpu.memory_space<hbm>>, %arg4: memref<32x1000000xf32, #tpu.memory_space<hbm>>, %arg5: memref<32x1000000xf32, #tpu.memory_space<hbm>>, %arg6: memref<16384xf32, #tpu.memory_space<hbm>>, %arg7: memref<512xi32, #tpu.memory_space<vmem>>, %arg8: memref<512xi32, #tpu.memory_space<vmem>>, %arg9: memref<8x32x128xf32, #tpu.memory_space<vmem>>, %arg10: memref<8x32x128xf32, #tpu.memory_space<vmem>>, %arg11: memref<512xf32, #tpu.memory_space<vmem>>, %arg12: memref<!tpu.dma_semaphore, #tpu.memory_space<semaphore_mem>>, %arg13: memref<!tpu.dma_semaphore, #tpu.memory_space<semaphore_mem>>) attributes {dimension_semantics = [#tpu.dimension_semantics<core_parallel>, #tpu.dimension_semantics<subcore_parallel>], iteration_bounds = array<i64: 2, 16>, scalar_prefetch = 0 : i64, scratch_operands = 7 : i64, tpu.core_type = #tpu.core_type<sc_vector_subcore>, window_params = [{transform_indices = #map}, {transform_indices = #map}, {transform_indices = #map1}, {transform_indices = #map1}, {transform_indices = #map}]} {
    %mul3A = arith.constant 2 : i32
    %mul3A_0 = arith.muli %arg1, %mul3A : i32
    %add3A = arith.addi %mul3A_0, %arg0 : i32
    %mul3A_1 = arith.constant 512 : i32
    %mul3A_2 = arith.muli %add3A, %mul3A_1 : i32
    "tpu.region"() ({
      %run_scoped3A = tpu.sem_alloc : memref<!tpu.dma_semaphore, #tpu.memory_space<semaphore_mem>>
      %dma_start3A_591 = tpu.memref_slice %arg2[%mul3A_2] : memref<16384xi32, #tpu.memory_space<hbm>> -> memref<512xi32, #tpu.memory_space<hbm>>
      %dma_start3A_592 = tpu.memref_slice %arg2[%mul3A_2] : memref<16384xi32, #tpu.memory_space<hbm>> -> memref<512xi32, #tpu.memory_space<hbm>>
      tpu.enqueue_dma source(%dma_start3A_592 : memref<512xi32, #tpu.memory_space<hbm>>) target(%arg7 : memref<512xi32, #tpu.memory_space<vmem>>) target_semaphore(%run_scoped3A : memref<!tpu.dma_semaphore, #tpu.memory_space<semaphore_mem>>)
      %dma_wait3A = tpu.memref_slice %arg2[%mul3A_2] : memref<16384xi32, #tpu.memory_space<hbm>> -> memref<512xi32, #tpu.memory_space<hbm>>
      %dma_wait3A_593 = tpu.memref_slice %arg2[%mul3A_2] : memref<16384xi32, #tpu.memory_space<hbm>> -> memref<512xi32, #tpu.memory_space<hbm>>
      tpu.wait_dma2 semaphore(%run_scoped3A : memref<!tpu.dma_semaphore, #tpu.memory_space<semaphore_mem>>) src(%dma_wait3A_593 : memref<512xi32, #tpu.memory_space<hbm>>) dst(%arg7 : memref<512xi32, #tpu.memory_space<vmem>>)
      tpu.yield
    }) : () -> ()
    "tpu.region"() ({
      %run_scoped3A = tpu.sem_alloc : memref<!tpu.dma_semaphore, #tpu.memory_space<semaphore_mem>>
      %dma_start3A_591 = tpu.memref_slice %arg3[%mul3A_2] : memref<16384xi32, #tpu.memory_space<hbm>> -> memref<512xi32, #tpu.memory_space<hbm>>
      %dma_start3A_592 = tpu.memref_slice %arg3[%mul3A_2] : memref<16384xi32, #tpu.memory_space<hbm>> -> memref<512xi32, #tpu.memory_space<hbm>>
      tpu.enqueue_dma source(%dma_start3A_592 : memref<512xi32, #tpu.memory_space<hbm>>) target(%arg8 : memref<512xi32, #tpu.memory_space<vmem>>) target_semaphore(%run_scoped3A : memref<!tpu.dma_semaphore, #tpu.memory_space<semaphore_mem>>)
      %dma_wait3A = tpu.memref_slice %arg3[%mul3A_2] : memref<16384xi32, #tpu.memory_space<hbm>> -> memref<512xi32, #tpu.memory_space<hbm>>
      %dma_wait3A_593 = tpu.memref_slice %arg3[%mul3A_2] : memref<16384xi32, #tpu.memory_space<hbm>> -> memref<512xi32, #tpu.memory_space<hbm>>
      tpu.wait_dma2 semaphore(%run_scoped3A : memref<!tpu.dma_semaphore, #tpu.memory_space<semaphore_mem>>) src(%dma_wait3A_593 : memref<512xi32, #tpu.memory_space<hbm>>) dst(%arg8 : memref<512xi32, #tpu.memory_space<vmem>>)
      tpu.yield
    }) : () -> ()
    %iota3A = tpu.iota {dimensions = array<i32: 0>} : vector<16xi32>
    %add3A_3 = arith.constant 16 : i32
    %add3A_4 = vector.broadcast %add3A_3 : i32 to vector<16xi32>
    %add3A_5 = arith.addi %iota3A, %add3A_4 : vector<16xi32>
    %get3A = arith.constant 0 : index
    %get3A_6 = tpu.vector_load %arg7[%get3A] {strides = array<i32>} : memref<512xi32, #tpu.memory_space<vmem>>, vector<16xi32>,
    %get3A_7 = arith.constant 0 : index
    %get3A_8 = tpu.vector_load %arg8[%get3A_7] {strides = array<i32>} : memref<512xi32, #tpu.memory_space<vmem>>, vector<16xi32>,
    %slice3A = vector.extract_strided_slice %get3A_6 {offsets = [0], sizes = [1], strides = [1]} : vector<16xi32> to vector<1xi32>
    %squeeze3A = vector.extract %slice3A[0] : i32 from vector<1xi32>
    %jit3A = arith.constant 128 : i32
    %div3A = arith.divsi %squeeze3A, %jit3A : i32
    %sign3A = arith.constant 0 : i32
    %sign3A_9 = arith.cmpi sgt, %squeeze3A, %sign3A : i32
    %sign3A_10 = arith.extui %sign3A_9 : i1 to i32
    %sign3A_11 = arith.constant 0 : i32
    %sign3A_12 = arith.cmpi slt, %squeeze3A, %sign3A_11 : i32
    %sign3A_13 = arith.extui %sign3A_12 : i1 to i32
    %sign3A_14 = arith.subi %sign3A_10, %sign3A_13 : i32
    %sign3A_15 = arith.constant 0 : i32
    %sign3A_16 = arith.cmpi sgt, %jit3A, %sign3A_15 : i32
    %sign3A_17 = arith.extui %sign3A_16 : i1 to i32
    %sign3A_18 = arith.constant 0 : i32
    %sign3A_19 = arith.cmpi slt, %jit3A, %sign3A_18 : i32
    %sign3A_20 = arith.extui %sign3A_19 : i1 to i32
    %sign3A_21 = arith.subi %sign3A_17, %sign3A_20 : i32
    %ne3A = arith.cmpi ne, %sign3A_14, %sign3A_21 : i32
    %rem3A = arith.remsi %squeeze3A, %jit3A : i32
    %ne3A_22 = arith.constant 0 : i32
    %ne3A_23 = arith.cmpi ne, %rem3A, %ne3A_22 : i32
    %and3A = arith.andi %ne3A, %ne3A_23 : i1
    %sub3A = arith.constant 1 : i32
    %sub3A_24 = arith.subi %div3A, %sub3A : i32
    %select_n3A = arith.select %and3A, %sub3A_24, %div3A : i32
    %mul3A_25 = arith.constant 128 : i32
    %mul3A_26 = arith.muli %select_n3A, %mul3A_25 : i32
    %multiple_of3A = tpu.assume_multiple %mul3A_26, 128 : i32
    %slice3A_27 = vector.extract_strided_slice %get3A_8 {offsets = [0], sizes = [1], strides = [1]} : vector<16xi32> to vector<1xi32>
    %squeeze3A_28 = vector.extract %slice3A_27[0] : i32 from vector<1xi32>
    %jit3A_29 = arith.constant 128 : i32
    %div3A_30 = arith.divsi %squeeze3A_28, %jit3A_29 : i32
    %sign3A_31 = arith.constant 0 : i32
    %sign3A_32 = arith.cmpi sgt, %squeeze3A_28, %sign3A_31 : i32
    %sign3A_33 = arith.extui %sign3A_32 : i1 to i32
    %sign3A_34 = arith.constant 0 : i32
    %sign3A_35 = arith.cmpi slt, %squeeze3A_28, %sign3A_34 : i32
    %sign3A_36 = arith.extui %sign3A_35 : i1 to i32
    %sign3A_37 = arith.subi %sign3A_33, %sign3A_36 : i32
    %sign3A_38 = arith.constant 0 : i32
    %sign3A_39 = arith.cmpi sgt, %jit3A_29, %sign3A_38 : i32
    %sign3A_40 = arith.extui %sign3A_39 : i1 to i32
    %sign3A_41 = arith.constant 0 : i32
    %sign3A_42 = arith.cmpi slt, %jit3A_29, %sign3A_41 : i32
    %sign3A_43 = arith.extui %sign3A_42 : i1 to i32
    %sign3A_44 = arith.subi %sign3A_40, %sign3A_43 : i32
    %ne3A_45 = arith.cmpi ne, %sign3A_37, %sign3A_44 : i32
    %rem3A_46 = arith.remsi %squeeze3A_28, %jit3A_29 : i32
    %ne3A_47 = arith.constant 0 : i32
    %ne3A_48 = arith.cmpi ne, %rem3A_46, %ne3A_47 : i32
    %and3A_49 = arith.andi %ne3A_45, %ne3A_48 : i1
    %sub3A_50 = arith.constant 1 : i32
    %sub3A_51 = arith.subi %div3A_30, %sub3A_50 : i32
    %select_n3A_52 = arith.select %and3A_49, %sub3A_51, %div3A_30 : i32
    %mul3A_53 = arith.constant 128 : i32
    %mul3A_54 = arith.muli %select_n3A_52, %mul3A_53 : i32
    %multiple_of3A_55 = tpu.assume_multiple %mul3A_54, 128 : i32
    %dma_start3A = arith.constant 0 : i32
    %dma_start3A_56 = arith.constant 0 : i32
    %dma_start3A_57 = arith.constant 0 : i32
    %dma_start3A_58 = tpu.memref_slice %arg9[%dma_start3A, %dma_start3A_56, %dma_start3A_57] : memref<8x32x128xf32, #tpu.memory_space<vmem>> -> memref<1x32x128xf32, #tpu.memory_space<vmem>>
    %dma_start3A_59 = tpu.memref_squeeze %dma_start3A_58 : memref<1x32x128xf32, #tpu.memory_space<vmem>> -> memref<32x128xf32, #tpu.memory_space<vmem>>
    %dma_start3A_60 = arith.constant 0 : i32
    %dma_start3A_61 = tpu.memref_slice %arg4[%dma_start3A_60, %multiple_of3A] : memref<32x1000000xf32, #tpu.memory_space<hbm>> -> memref<32x128xf32, #tpu.memory_space<hbm>>
    %dma_start3A_62 = arith.constant 0 : i32
    %dma_start3A_63 = arith.constant 0 : i32
    %dma_start3A_64 = tpu.memref_slice %arg9[%dma_start3A, %dma_start3A_62, %dma_start3A_63] : memref<8x32x128xf32, #tpu.memory_space<vmem>> -> memref<1x32x128xf32, #tpu.memory_space<vmem>>
    %dma_start3A_65 = tpu.memref_squeeze %dma_start3A_64 : memref<1x32x128xf32, #tpu.memory_space<vmem>> -> memref<32x128xf32, #tpu.memory_space<vmem>>
    %dma_start3A_66 = arith.constant 0 : i32
    %dma_start3A_67 = tpu.memref_slice %arg4[%dma_start3A_66, %multiple_of3A] : memref<32x1000000xf32, #tpu.memory_space<hbm>> -> memref<32x128xf32, #tpu.memory_space<hbm>>
    tpu.enqueue_dma source(%dma_start3A_67 : memref<32x128xf32, #tpu.memory_space<hbm>>) target(%dma_start3A_65 : memref<32x128xf32, #tpu.memory_space<vmem>>) target_semaphore(%arg12 : memref<!tpu.dma_semaphore, #tpu.memory_space<semaphore_mem>>)
    %dma_start3A_68 = arith.constant 0 : i32
    %dma_start3A_69 = arith.constant 0 : i32
    %dma_start3A_70 = arith.constant 0 : i32
    %dma_start3A_71 = tpu.memref_slice %arg10[%dma_start3A_68, %dma_start3A_69, %dma_start3A_70] : memref<8x32x128xf32, #tpu.memory_space<vmem>> -> memref<1x32x128xf32, #tpu.memory_space<vmem>>
    %dma_start3A_72 = tpu.memref_squeeze %dma_start3A_71 : memref<1x32x128xf32, #tpu.memory_space<vmem>> -> memref<32x128xf32, #tpu.memory_space<vmem>>
    %dma_start3A_73 = arith.constant 0 : i32
    %dma_start3A_74 = tpu.memref_slice %arg5[%dma_start3A_73, %multiple_of3A_55] : memref<32x1000000xf32, #tpu.memory_space<hbm>> -> memref<32x128xf32, #tpu.memory_space<hbm>>
    %dma_start3A_75 = arith.constant 0 : i32
    %dma_start3A_76 = arith.constant 0 : i32
    %dma_start3A_77 = tpu.memref_slice %arg10[%dma_start3A_68, %dma_start3A_75, %dma_start3A_76] : memref<8x32x128xf32, #tpu.memory_space<vmem>> -> memref<1x32x128xf32, #tpu.memory_space<vmem>>
    %dma_start3A_78 = tpu.memref_squeeze %dma_start3A_77 : memref<1x32x128xf32, #tpu.memory_space<vmem>> -> memref<32x128xf32, #tpu.memory_space<vmem>>
    %dma_start3A_79 = arith.constant 0 : i32
    %dma_start3A_80 = tpu.memref_slice %arg5[%dma_start3A_79, %multiple_of3A_55] : memref<32x1000000xf32, #tpu.memory_space<hbm>> -> memref<32x128xf32, #tpu.memory_space<hbm>>
    tpu.enqueue_dma source(%dma_start3A_80 : memref<32x128xf32, #tpu.memory_space<hbm>>) target(%dma_start3A_78 : memref<32x128xf32, #tpu.memory_space<vmem>>) target_semaphore(%arg13 : memref<!tpu.dma_semaphore, #tpu.memory_space<semaphore_mem>>)
    %slice3A_81 = vector.extract_strided_slice %get3A_6 {offsets = [1], sizes = [1], strides = [1]} : vector<16xi32> to vector<1xi32>
    %squeeze3A_82 = vector.extract %slice3A_81[0] : i32 from vector<1xi32>
    %jit3A_83 = arith.constant 128 : i32
    %div3A_84 = arith.divsi %squeeze3A_82, %jit3A_83 : i32
    %sign3A_85 = arith.constant 0 : i32
    %sign3A_86 = arith.cmpi sgt, %squeeze3A_82, %sign3A_85 : i32
    %sign3A_87 = arith.extui %sign3A_86 : i1 to i32
    %sign3A_88 = arith.constant 0 : i32
    %sign3A_89 = arith.cmpi slt, %squeeze3A_82, %sign3A_88 : i32
    %sign3A_90 = arith.extui %sign3A_89 : i1 to i32
    %sign3A_91 = arith.subi %sign3A_87, %sign3A_90 : i32
    %sign3A_92 = arith.constant 0 : i32
    %sign3A_93 = arith.cmpi sgt, %jit3A_83, %sign3A_92 : i32
    %sign3A_94 = arith.extui %sign3A_93 : i1 to i32
    %sign3A_95 = arith.constant 0 : i32
    %sign3A_96 = arith.cmpi slt, %jit3A_83, %sign3A_95 : i32
    %sign3A_97 = arith.extui %sign3A_96 : i1 to i32
    %sign3A_98 = arith.subi %sign3A_94, %sign3A_97 : i32
    %ne3A_99 = arith.cmpi ne, %sign3A_91, %sign3A_98 : i32
    %rem3A_100 = arith.remsi %squeeze3A_82, %jit3A_83 : i32
    %ne3A_101 = arith.constant 0 : i32
    %ne3A_102 = arith.cmpi ne, %rem3A_100, %ne3A_101 : i32
    %and3A_103 = arith.andi %ne3A_99, %ne3A_102 : i1
    %sub3A_104 = arith.constant 1 : i32
    %sub3A_105 = arith.subi %div3A_84, %sub3A_104 : i32
    %select_n3A_106 = arith.select %and3A_103, %sub3A_105, %div3A_84 : i32
    %mul3A_107 = arith.constant 128 : i32
    %mul3A_108 = arith.muli %select_n3A_106, %mul3A_107 : i32
    %multiple_of3A_109 = tpu.assume_multiple %mul3A_108, 128 : i32
    %slice3A_110 = vector.extract_strided_slice %get3A_8 {offsets = [1], sizes = [1], strides = [1]} : vector<16xi32> to vector<1xi32>
    %squeeze3A_111 = vector.extract %slice3A_110[0] : i32 from vector<1xi32>
    %jit3A_112 = arith.constant 128 : i32
    %div3A_113 = arith.divsi %squeeze3A_111, %jit3A_112 : i32
    %sign3A_114 = arith.constant 0 : i32
    %sign3A_115 = arith.cmpi sgt, %squeeze3A_111, %sign3A_114 : i32
    %sign3A_116 = arith.extui %sign3A_115 : i1 to i32
    %sign3A_117 = arith.constant 0 : i32
    %sign3A_118 = arith.cmpi slt, %squeeze3A_111, %sign3A_117 : i32
    %sign3A_119 = arith.extui %sign3A_118 : i1 to i32
    %sign3A_120 = arith.subi %sign3A_116, %sign3A_119 : i32
    %sign3A_121 = arith.constant 0 : i32
    %sign3A_122 = arith.cmpi sgt, %jit3A_112, %sign3A_121 : i32
    %sign3A_123 = arith.extui %sign3A_122 : i1 to i32
    %sign3A_124 = arith.constant 0 : i32
    %sign3A_125 = arith.cmpi slt, %jit3A_112, %sign3A_124 : i32
    %sign3A_126 = arith.extui %sign3A_125 : i1 to i32
    %sign3A_127 = arith.subi %sign3A_123, %sign3A_126 : i32
    %ne3A_128 = arith.cmpi ne, %sign3A_120, %sign3A_127 : i32
    %rem3A_129 = arith.remsi %squeeze3A_111, %jit3A_112 : i32
    %ne3A_130 = arith.constant 0 : i32
    %ne3A_131 = arith.cmpi ne, %rem3A_129, %ne3A_130 : i32
    %and3A_132 = arith.andi %ne3A_128, %ne3A_131 : i1
    %sub3A_133 = arith.constant 1 : i32
    %sub3A_134 = arith.subi %div3A_113, %sub3A_133 : i32
    %select_n3A_135 = arith.select %and3A_132, %sub3A_134, %div3A_113 : i32
    %mul3A_136 = arith.constant 128 : i32
    %mul3A_137 = arith.muli %select_n3A_135, %mul3A_136 : i32
    %multiple_of3A_138 = tpu.assume_multiple %mul3A_137, 128 : i32
    %dma_start3A_139 = arith.constant 1 : i32
    %dma_start3A_140 = arith.constant 0 : i32
    %dma_start3A_141 = arith.constant 0 : i32
    %dma_start3A_142 = tpu.memref_slice %arg9[%dma_start3A_139, %dma_start3A_140, %dma_start3A_141] : memref<8x32x128xf32, #tpu.memory_space<vmem>> -> memref<1x32x128xf32, #tpu.memory_space<vmem>>
    %dma_start3A_143 = tpu.memref_squeeze %dma_start3A_142 : memref<1x32x128xf32, #tpu.memory_space<vmem>> -> memref<32x128xf32, #tpu.memory_space<vmem>>
    %dma_start3A_144 = arith.constant 0 : i32
    %dma_start3A_145 = tpu.memref_slice %arg4[%dma_start3A_144, %multiple_of3A_109] : memref<32x1000000xf32, #tpu.memory_space<hbm>> -> memref<32x128xf32, #tpu.memory_space<hbm>>
    %dma_start3A_146 = arith.constant 0 : i32
    %dma_start3A_147 = arith.constant 0 : i32
    %dma_start3A_148 = tpu.memref_slice %arg9[%dma_start3A_139, %dma_start3A_146, %dma_start3A_147] : memref<8x32x128xf32, #tpu.memory_space<vmem>> -> memref<1x32x128xf32, #tpu.memory_space<vmem>>
    %dma_start3A_149 = tpu.memref_squeeze %dma_start3A_148 : memref<1x32x128xf32, #tpu.memory_space<vmem>> -> memref<32x128xf32, #tpu.memory_space<vmem>>
    %dma_start3A_150 = arith.constant 0 : i32
    %dma_start3A_151 = tpu.memref_slice %arg4[%dma_start3A_150, %multiple_of3A_109] : memref<32x1000000xf32, #tpu.memory_space<hbm>> -> memref<32x128xf32, #tpu.memory_space<hbm>>
    tpu.enqueue_dma source(%dma_start3A_151 : memref<32x128xf32, #tpu.memory_space<hbm>>) target(%dma_start3A_149 : memref<32x128xf32, #tpu.memory_space<vmem>>) target_semaphore(%arg12 : memref<!tpu.dma_semaphore, #tpu.memory_space<semaphore_mem>>)
    %dma_start3A_152 = arith.constant 1 : i32
    %dma_start3A_153 = arith.constant 0 : i32
    %dma_start3A_154 = arith.constant 0 : i32
    %dma_start3A_155 = tpu.memref_slice %arg10[%dma_start3A_152, %dma_start3A_153, %dma_start3A_154] : memref<8x32x128xf32, #tpu.memory_space<vmem>> -> memref<1x32x128xf32, #tpu.memory_space<vmem>>
    %dma_start3A_156 = tpu.memref_squeeze %dma_start3A_155 : memref<1x32x128xf32, #tpu.memory_space<vmem>> -> memref<32x128xf32, #tpu.memory_space<vmem>>
    %dma_start3A_157 = arith.constant 0 : i32
    %dma_start3A_158 = tpu.memref_slice %arg5[%dma_start3A_157, %multiple_of3A_138] : memref<32x1000000xf32, #tpu.memory_space<hbm>> -> memref<32x128xf32, #tpu.memory_space<hbm>>
    %dma_start3A_159 = arith.constant 0 : i32
    %dma_start3A_160 = arith.constant 0 : i32
    %dma_start3A_161 = tpu.memref_slice %arg10[%dma_start3A_152, %dma_start3A_159, %dma_start3A_160] : memref<8x32x128xf32, #tpu.memory_space<vmem>> -> memref<1x32x128xf32, #tpu.memory_space<vmem>>
    %dma_start3A_162 = tpu.memref_squeeze %dma_start3A_161 : memref<1x32x128xf32, #tpu.memory_space<vmem>> -> memref<32x128xf32, #tpu.memory_space<vmem>>
    %dma_start3A_163 = arith.constant 0 : i32
    %dma_start3A_164 = tpu.memref_slice %arg5[%dma_start3A_163, %multiple_of3A_138] : memref<32x1000000xf32, #tpu.memory_space<hbm>> -> memref<32x128xf32, #tpu.memory_space<hbm>>
    tpu.enqueue_dma source(%dma_start3A_164 : memref<32x128xf32, #tpu.memory_space<hbm>>) target(%dma_start3A_162 : memref<32x128xf32, #tpu.memory_space<vmem>>) target_semaphore(%arg13 : memref<!tpu.dma_semaphore, #tpu.memory_space<semaphore_mem>>)
    %slice3A_165 = vector.extract_strided_slice %get3A_6 {offsets = [2], sizes = [1], strides = [1]} : vector<16xi32> to vector<1xi32>
    %squeeze3A_166 = vector.extract %slice3A_165[0] : i32 from vector<1xi32>
    %jit3A_167 = arith.constant 128 : i32
    %div3A_168 = arith.divsi %squeeze3A_166, %jit3A_167 : i32
    %sign3A_169 = arith.constant 0 : i32
    %sign3A_170 = arith.cmpi sgt, %squeeze3A_166, %sign3A_169 : i32
    %sign3A_171 = arith.extui %sign3A_170 : i1 to i32
    %sign3A_172 = arith.constant 0 : i32
    %sign3A_173 = arith.cmpi slt, %squeeze3A_166, %sign3A_172 : i32
    %sign3A_174 = arith.extui %sign3A_173 : i1 to i32
    %sign3A_175 = arith.subi %sign3A_171, %sign3A_174 : i32
    %sign3A_176 = arith.constant 0 : i32
    %sign3A_177 = arith.cmpi sgt, %jit3A_167, %sign3A_176 : i32
    %sign3A_178 = arith.extui %sign3A_177 : i1 to i32
    %sign3A_179 = arith.constant 0 : i32
    %sign3A_180 = arith.cmpi slt, %jit3A_167, %sign3A_179 : i32
    %sign3A_181 = arith.extui %sign3A_180 : i1 to i32
    %sign3A_182 = arith.subi %sign3A_178, %sign3A_181 : i32
    %ne3A_183 = arith.cmpi ne, %sign3A_175, %sign3A_182 : i32
    %rem3A_184 = arith.remsi %squeeze3A_166, %jit3A_167 : i32
    %ne3A_185 = arith.constant 0 : i32
    %ne3A_186 = arith.cmpi ne, %rem3A_184, %ne3A_185 : i32
    %and3A_187 = arith.andi %ne3A_183, %ne3A_186 : i1
    %sub3A_188 = arith.constant 1 : i32
    %sub3A_189 = arith.subi %div3A_168, %sub3A_188 : i32
    %select_n3A_190 = arith.select %and3A_187, %sub3A_189, %div3A_168 : i32
    %mul3A_191 = arith.constant 128 : i32
    %mul3A_192 = arith.muli %select_n3A_190, %mul3A_191 : i32
    %multiple_of3A_193 = tpu.assume_multiple %mul3A_192, 128 : i32
    %slice3A_194 = vector.extract_strided_slice %get3A_8 {offsets = [2], sizes = [1], strides = [1]} : vector<16xi32> to vector<1xi32>
    %squeeze3A_195 = vector.extract %slice3A_194[0] : i32 from vector<1xi32>
    %jit3A_196 = arith.constant 128 : i32
    %div3A_197 = arith.divsi %squeeze3A_195, %jit3A_196 : i32
    %sign3A_198 = arith.constant 0 : i32
    %sign3A_199 = arith.cmpi sgt, %squeeze3A_195, %sign3A_198 : i32
    %sign3A_200 = arith.extui %sign3A_199 : i1 to i32
    %sign3A_201 = arith.constant 0 : i32
    %sign3A_202 = arith.cmpi slt, %squeeze3A_195, %sign3A_201 : i32
    %sign3A_203 = arith.extui %sign3A_202 : i1 to i32
    %sign3A_204 = arith.subi %sign3A_200, %sign3A_203 : i32
    %sign3A_205 = arith.constant 0 : i32
    %sign3A_206 = arith.cmpi sgt, %jit3A_196, %sign3A_205 : i32
    %sign3A_207 = arith.extui %sign3A_206 : i1 to i32
    %sign3A_208 = arith.constant 0 : i32
    %sign3A_209 = arith.cmpi slt, %jit3A_196, %sign3A_208 : i32
    %sign3A_210 = arith.extui %sign3A_209 : i1 to i32
    %sign3A_211 = arith.subi %sign3A_207, %sign3A_210 : i32
    %ne3A_212 = arith.cmpi ne, %sign3A_204, %sign3A_211 : i32
    %rem3A_213 = arith.remsi %squeeze3A_195, %jit3A_196 : i32
    %ne3A_214 = arith.constant 0 : i32
    %ne3A_215 = arith.cmpi ne, %rem3A_213, %ne3A_214 : i32
    %and3A_216 = arith.andi %ne3A_212, %ne3A_215 : i1
    %sub3A_217 = arith.constant 1 : i32
    %sub3A_218 = arith.subi %div3A_197, %sub3A_217 : i32
    %select_n3A_219 = arith.select %and3A_216, %sub3A_218, %div3A_197 : i32
    %mul3A_220 = arith.constant 128 : i32
    %mul3A_221 = arith.muli %select_n3A_219, %mul3A_220 : i32
    %multiple_of3A_222 = tpu.assume_multiple %mul3A_221, 128 : i32
    %dma_start3A_223 = arith.constant 2 : i32
    %dma_start3A_224 = arith.constant 0 : i32
    %dma_start3A_225 = arith.constant 0 : i32
    %dma_start3A_226 = tpu.memref_slice %arg9[%dma_start3A_223, %dma_start3A_224, %dma_start3A_225] : memref<8x32x128xf32, #tpu.memory_space<vmem>> -> memref<1x32x128xf32, #tpu.memory_space<vmem>>
    %dma_start3A_227 = tpu.memref_squeeze %dma_start3A_226 : memref<1x32x128xf32, #tpu.memory_space<vmem>> -> memref<32x128xf32, #tpu.memory_space<vmem>>
    %dma_start3A_228 = arith.constant 0 : i32
    %dma_start3A_229 = tpu.memref_slice %arg4[%dma_start3A_228, %multiple_of3A_193] : memref<32x1000000xf32, #tpu.memory_space<hbm>> -> memref<32x128xf32, #tpu.memory_space<hbm>>
    %dma_start3A_230 = arith.constant 0 : i32
    %dma_start3A_231 = arith.constant 0 : i32
    %dma_start3A_232 = tpu.memref_slice %arg9[%dma_start3A_223, %dma_start3A_230, %dma_start3A_231] : memref<8x32x128xf32, #tpu.memory_space<vmem>> -> memref<1x32x128xf32, #tpu.memory_space<vmem>>
    %dma_start3A_233 = tpu.memref_squeeze %dma_start3A_232 : memref<1x32x128xf32, #tpu.memory_space<vmem>> -> memref<32x128xf32, #tpu.memory_space<vmem>>
    %dma_start3A_234 = arith.constant 0 : i32
    %dma_start3A_235 = tpu.memref_slice %arg4[%dma_start3A_234, %multiple_of3A_193] : memref<32x1000000xf32, #tpu.memory_space<hbm>> -> memref<32x128xf32, #tpu.memory_space<hbm>>
    tpu.enqueue_dma source(%dma_start3A_235 : memref<32x128xf32, #tpu.memory_space<hbm>>) target(%dma_start3A_233 : memref<32x128xf32, #tpu.memory_space<vmem>>) target_semaphore(%arg12 : memref<!tpu.dma_semaphore, #tpu.memory_space<semaphore_mem>>)
    %dma_start3A_236 = arith.constant 2 : i32
    %dma_start3A_237 = arith.constant 0 : i32
    %dma_start3A_238 = arith.constant 0 : i32
    %dma_start3A_239 = tpu.memref_slice %arg10[%dma_start3A_236, %dma_start3A_237, %dma_start3A_238] : memref<8x32x128xf32, #tpu.memory_space<vmem>> -> memref<1x32x128xf32, #tpu.memory_space<vmem>>
    %dma_start3A_240 = tpu.memref_squeeze %dma_start3A_239 : memref<1x32x128xf32, #tpu.memory_space<vmem>> -> memref<32x128xf32, #tpu.memory_space<vmem>>
    %dma_start3A_241 = arith.constant 0 : i32
    %dma_start3A_242 = tpu.memref_slice %arg5[%dma_start3A_241, %multiple_of3A_222] : memref<32x1000000xf32, #tpu.memory_space<hbm>> -> memref<32x128xf32, #tpu.memory_space<hbm>>
    %dma_start3A_243 = arith.constant 0 : i32
    %dma_start3A_244 = arith.constant 0 : i32
    %dma_start3A_245 = tpu.memref_slice %arg10[%dma_start3A_236, %dma_start3A_243, %dma_start3A_244] : memref<8x32x128xf32, #tpu.memory_space<vmem>> -> memref<1x32x128xf32, #tpu.memory_space<vmem>>
    %dma_start3A_246 = tpu.memref_squeeze %dma_start3A_245 : memref<1x32x128xf32, #tpu.memory_space<vmem>> -> memref<32x128xf32, #tpu.memory_space<vmem>>
    %dma_start3A_247 = arith.constant 0 : i32
    %dma_start3A_248 = tpu.memref_slice %arg5[%dma_start3A_247, %multiple_of3A_222] : memref<32x1000000xf32, #tpu.memory_space<hbm>> -> memref<32x128xf32, #tpu.memory_space<hbm>>
    tpu.enqueue_dma source(%dma_start3A_248 : memref<32x128xf32, #tpu.memory_space<hbm>>) target(%dma_start3A_246 : memref<32x128xf32, #tpu.memory_space<vmem>>) target_semaphore(%arg13 : memref<!tpu.dma_semaphore, #tpu.memory_space<semaphore_mem>>)
    %slice3A_249 = vector.extract_strided_slice %get3A_6 {offsets = [3], sizes = [1], strides = [1]} : vector<16xi32> to vector<1xi32>
    %squeeze3A_250 = vector.extract %slice3A_249[0] : i32 from vector<1xi32>
    %jit3A_251 = arith.constant 128 : i32
    %div3A_252 = arith.divsi %squeeze3A_250, %jit3A_251 : i32
    %sign3A_253 = arith.constant 0 : i32
    %sign3A_254 = arith.cmpi sgt, %squeeze3A_250, %sign3A_253 : i32
    %sign3A_255 = arith.extui %sign3A_254 : i1 to i32
    %sign3A_256 = arith.constant 0 : i32
    %sign3A_257 = arith.cmpi slt, %squeeze3A_250, %sign3A_256 : i32
    %sign3A_258 = arith.extui %sign3A_257 : i1 to i32
    %sign3A_259 = arith.subi %sign3A_255, %sign3A_258 : i32
    %sign3A_260 = arith.constant 0 : i32
    %sign3A_261 = arith.cmpi sgt, %jit3A_251, %sign3A_260 : i32
    %sign3A_262 = arith.extui %sign3A_261 : i1 to i32
    %sign3A_263 = arith.constant 0 : i32
    %sign3A_264 = arith.cmpi slt, %jit3A_251, %sign3A_263 : i32
    %sign3A_265 = arith.extui %sign3A_264 : i1 to i32
    %sign3A_266 = arith.subi %sign3A_262, %sign3A_265 : i32
    %ne3A_267 = arith.cmpi ne, %sign3A_259, %sign3A_266 : i32
    %rem3A_268 = arith.remsi %squeeze3A_250, %jit3A_251 : i32
    %ne3A_269 = arith.constant 0 : i32
    %ne3A_270 = arith.cmpi ne, %rem3A_268, %ne3A_269 : i32
    %and3A_271 = arith.andi %ne3A_267, %ne3A_270 : i1
    %sub3A_272 = arith.constant 1 : i32
    %sub3A_273 = arith.subi %div3A_252, %sub3A_272 : i32
    %select_n3A_274 = arith.select %and3A_271, %sub3A_273, %div3A_252 : i32
    %mul3A_275 = arith.constant 128 : i32
    %mul3A_276 = arith.muli %select_n3A_274, %mul3A_275 : i32
    %multiple_of3A_277 = tpu.assume_multiple %mul3A_276, 128 : i32
    %slice3A_278 = vector.extract_strided_slice %get3A_8 {offsets = [3], sizes = [1], strides = [1]} : vector<16xi32> to vector<1xi32>
    %squeeze3A_279 = vector.extract %slice3A_278[0] : i32 from vector<1xi32>
    %jit3A_280 = arith.constant 128 : i32
    %div3A_281 = arith.divsi %squeeze3A_279, %jit3A_280 : i32
    %sign3A_282 = arith.constant 0 : i32
    %sign3A_283 = arith.cmpi sgt, %squeeze3A_279, %sign3A_282 : i32
    %sign3A_284 = arith.extui %sign3A_283 : i1 to i32
    %sign3A_285 = arith.constant 0 : i32
    %sign3A_286 = arith.cmpi slt, %squeeze3A_279, %sign3A_285 : i32
    %sign3A_287 = arith.extui %sign3A_286 : i1 to i32
    %sign3A_288 = arith.subi %sign3A_284, %sign3A_287 : i32
    %sign3A_289 = arith.constant 0 : i32
    %sign3A_290 = arith.cmpi sgt, %jit3A_280, %sign3A_289 : i32
    %sign3A_291 = arith.extui %sign3A_290 : i1 to i32
    %sign3A_292 = arith.constant 0 : i32
    %sign3A_293 = arith.cmpi slt, %jit3A_280, %sign3A_292 : i32
    %sign3A_294 = arith.extui %sign3A_293 : i1 to i32
    %sign3A_295 = arith.subi %sign3A_291, %sign3A_294 : i32
    %ne3A_296 = arith.cmpi ne, %sign3A_288, %sign3A_295 : i32
    %rem3A_297 = arith.remsi %squeeze3A_279, %jit3A_280 : i32
    %ne3A_298 = arith.constant 0 : i32
    %ne3A_299 = arith.cmpi ne, %rem3A_297, %ne3A_298 : i32
    %and3A_300 = arith.andi %ne3A_296, %ne3A_299 : i1
    %sub3A_301 = arith.constant 1 : i32
    %sub3A_302 = arith.subi %div3A_281, %sub3A_301 : i32
    %select_n3A_303 = arith.select %and3A_300, %sub3A_302, %div3A_281 : i32
    %mul3A_304 = arith.constant 128 : i32
    %mul3A_305 = arith.muli %select_n3A_303, %mul3A_304 : i32
    %multiple_of3A_306 = tpu.assume_multiple %mul3A_305, 128 : i32
    %dma_start3A_307 = arith.constant 3 : i32
    %dma_start3A_308 = arith.constant 0 : i32
    %dma_start3A_309 = arith.constant 0 : i32
    %dma_start3A_310 = tpu.memref_slice %arg9[%dma_start3A_307, %dma_start3A_308, %dma_start3A_309] : memref<8x32x128xf32, #tpu.memory_space<vmem>> -> memref<1x32x128xf32, #tpu.memory_space<vmem>>
    %dma_start3A_311 = tpu.memref_squeeze %dma_start3A_310 : memref<1x32x128xf32, #tpu.memory_space<vmem>> -> memref<32x128xf32, #tpu.memory_space<vmem>>
    %dma_start3A_312 = arith.constant 0 : i32
    %dma_start3A_313 = tpu.memref_slice %arg4[%dma_start3A_312, %multiple_of3A_277] : memref<32x1000000xf32, #tpu.memory_space<hbm>> -> memref<32x128xf32, #tpu.memory_space<hbm>>
    %dma_start3A_314 = arith.constant 0 : i32
    %dma_start3A_315 = arith.constant 0 : i32
    %dma_start3A_316 = tpu.memref_slice %arg9[%dma_start3A_307, %dma_start3A_314, %dma_start3A_315] : memref<8x32x128xf32, #tpu.memory_space<vmem>> -> memref<1x32x128xf32, #tpu.memory_space<vmem>>
    %dma_start3A_317 = tpu.memref_squeeze %dma_start3A_316 : memref<1x32x128xf32, #tpu.memory_space<vmem>> -> memref<32x128xf32, #tpu.memory_space<vmem>>
    %dma_start3A_318 = arith.constant 0 : i32
    %dma_start3A_319 = tpu.memref_slice %arg4[%dma_start3A_318, %multiple_of3A_277] : memref<32x1000000xf32, #tpu.memory_space<hbm>> -> memref<32x128xf32, #tpu.memory_space<hbm>>
    tpu.enqueue_dma source(%dma_start3A_319 : memref<32x128xf32, #tpu.memory_space<hbm>>) target(%dma_start3A_317 : memref<32x128xf32, #tpu.memory_space<vmem>>) target_semaphore(%arg12 : memref<!tpu.dma_semaphore, #tpu.memory_space<semaphore_mem>>)
    %dma_start3A_320 = arith.constant 3 : i32
    %dma_start3A_321 = arith.constant 0 : i32
    %dma_start3A_322 = arith.constant 0 : i32
    %dma_start3A_323 = tpu.memref_slice %arg10[%dma_start3A_320, %dma_start3A_321, %dma_start3A_322] : memref<8x32x128xf32, #tpu.memory_space<vmem>> -> memref<1x32x128xf32, #tpu.memory_space<vmem>>
    %dma_start3A_324 = tpu.memref_squeeze %dma_start3A_323 : memref<1x32x128xf32, #tpu.memory_space<vmem>> -> memref<32x128xf32, #tpu.memory_space<vmem>>
    %dma_start3A_325 = arith.constant 0 : i32
    %dma_start3A_326 = tpu.memref_slice %arg5[%dma_start3A_325, %multiple_of3A_306] : memref<32x1000000xf32, #tpu.memory_space<hbm>> -> memref<32x128xf32, #tpu.memory_space<hbm>>
    %dma_start3A_327 = arith.constant 0 : i32
    %dma_start3A_328 = arith.constant 0 : i32
    %dma_start3A_329 = tpu.memref_slice %arg10[%dma_start3A_320, %dma_start3A_327, %dma_start3A_328] : memref<8x32x128xf32, #tpu.memory_space<vmem>> -> memref<1x32x128xf32, #tpu.memory_space<vmem>>
    %dma_start3A_330 = tpu.memref_squeeze %dma_start3A_329 : memref<1x32x128xf32, #tpu.memory_space<vmem>> -> memref<32x128xf32, #tpu.memory_space<vmem>>
    %dma_start3A_331 = arith.constant 0 : i32
    %dma_start3A_332 = tpu.memref_slice %arg5[%dma_start3A_331, %multiple_of3A_306] : memref<32x1000000xf32, #tpu.memory_space<hbm>> -> memref<32x128xf32, #tpu.memory_space<hbm>>
    tpu.enqueue_dma source(%dma_start3A_332 : memref<32x128xf32, #tpu.memory_space<hbm>>) target(%dma_start3A_330 : memref<32x128xf32, #tpu.memory_space<vmem>>) target_semaphore(%arg13 : memref<!tpu.dma_semaphore, #tpu.memory_space<semaphore_mem>>)
    %slice3A_333 = vector.extract_strided_slice %get3A_6 {offsets = [4], sizes = [1], strides = [1]} : vector<16xi32> to vector<1xi32>
    %squeeze3A_334 = vector.extract %slice3A_333[0] : i32 from vector<1xi32>
    %jit3A_335 = arith.constant 128 : i32
    %div3A_336 = arith.divsi %squeeze3A_334, %jit3A_335 : i32
    %sign3A_337 = arith.constant 0 : i32
    %sign3A_338 = arith.cmpi sgt, %squeeze3A_334, %sign3A_337 : i32
    %sign3A_339 = arith.extui %sign3A_338 : i1 to i32
    %sign3A_340 = arith.constant 0 : i32
    %sign3A_341 = arith.cmpi slt, %squeeze3A_334, %sign3A_340 : i32
    %sign3A_342 = arith.extui %sign3A_341 : i1 to i32
    %sign3A_343 = arith.subi %sign3A_339, %sign3A_342 : i32
    %sign3A_344 = arith.constant 0 : i32
    %sign3A_345 = arith.cmpi sgt, %jit3A_335, %sign3A_344 : i32
    %sign3A_346 = arith.extui %sign3A_345 : i1 to i32
    %sign3A_347 = arith.constant 0 : i32
    %sign3A_348 = arith.cmpi slt, %jit3A_335, %sign3A_347 : i32
    %sign3A_349 = arith.extui %sign3A_348 : i1 to i32
    %sign3A_350 = arith.subi %sign3A_346, %sign3A_349 : i32
    %ne3A_351 = arith.cmpi ne, %sign3A_343, %sign3A_350 : i32
    %rem3A_352 = arith.remsi %squeeze3A_334, %jit3A_335 : i32
    %ne3A_353 = arith.constant 0 : i32
    %ne3A_354 = arith.cmpi ne, %rem3A_352, %ne3A_353 : i32
    %and3A_355 = arith.andi %ne3A_351, %ne3A_354 : i1
    %sub3A_356 = arith.constant 1 : i32
    %sub3A_357 = arith.subi %div3A_336, %sub3A_356 : i32
    %select_n3A_358 = arith.select %and3A_355, %sub3A_357, %div3A_336 : i32
    %mul3A_359 = arith.constant 128 : i32
    %mul3A_360 = arith.muli %select_n3A_358, %mul3A_359 : i32
    %multiple_of3A_361 = tpu.assume_multiple %mul3A_360, 128 : i32
    %slice3A_362 = vector.extract_strided_slice %get3A_8 {offsets = [4], sizes = [1], strides = [1]} : vector<16xi32> to vector<1xi32>
    %squeeze3A_363 = vector.extract %slice3A_362[0] : i32 from vector<1xi32>
    %jit3A_364 = arith.constant 128 : i32
    %div3A_365 = arith.divsi %squeeze3A_363, %jit3A_364 : i32
    %sign3A_366 = arith.constant 0 : i32
    %sign3A_367 = arith.cmpi sgt, %squeeze3A_363, %sign3A_366 : i32
    %sign3A_368 = arith.extui %sign3A_367 : i1 to i32
    %sign3A_369 = arith.constant 0 : i32
    %sign3A_370 = arith.cmpi slt, %squeeze3A_363, %sign3A_369 : i32
    %sign3A_371 = arith.extui %sign3A_370 : i1 to i32
    %sign3A_372 = arith.subi %sign3A_368, %sign3A_371 : i32
    %sign3A_373 = arith.constant 0 : i32
    %sign3A_374 = arith.cmpi sgt, %jit3A_364, %sign3A_373 : i32
    %sign3A_375 = arith.extui %sign3A_374 : i1 to i32
    %sign3A_376 = arith.constant 0 : i32
    %sign3A_377 = arith.cmpi slt, %jit3A_364, %sign3A_376 : i32
    %sign3A_378 = arith.extui %sign3A_377 : i1 to i32
    %sign3A_379 = arith.subi %sign3A_375, %sign3A_378 : i32
    %ne3A_380 = arith.cmpi ne, %sign3A_372, %sign3A_379 : i32
    %rem3A_381 = arith.remsi %squeeze3A_363, %jit3A_364 : i32
    %ne3A_382 = arith.constant 0 : i32
    %ne3A_383 = arith.cmpi ne, %rem3A_381, %ne3A_382 : i32
    %and3A_384 = arith.andi %ne3A_380, %ne3A_383 : i1
    %sub3A_385 = arith.constant 1 : i32
    %sub3A_386 = arith.subi %div3A_365, %sub3A_385 : i32
    %select_n3A_387 = arith.select %and3A_384, %sub3A_386, %div3A_365 : i32
    %mul3A_388 = arith.constant 128 : i32
    %mul3A_389 = arith.muli %select_n3A_387, %mul3A_388 : i32
    %multiple_of3A_390 = tpu.assume_multiple %mul3A_389, 128 : i32
    %dma_start3A_391 = arith.constant 4 : i32
    %dma_start3A_392 = arith.constant 0 : i32
    %dma_start3A_393 = arith.constant 0 : i32
    %dma_start3A_394 = tpu.memref_slice %arg9[%dma_start3A_391, %dma_start3A_392, %dma_start3A_393] : memref<8x32x128xf32, #tpu.memory_space<vmem>> -> memref<1x32x128xf32, #tpu.memory_space<vmem>>
    %dma_start3A_395 = tpu.memref_squeeze %dma_start3A_394 : memref<1x32x128xf32, #tpu.memory_space<vmem>> -> memref<32x128xf32, #tpu.memory_space<vmem>>
    %dma_start3A_396 = arith.constant 0 : i32
    %dma_start3A_397 = tpu.memref_slice %arg4[%dma_start3A_396, %multiple_of3A_361] : memref<32x1000000xf32, #tpu.memory_space<hbm>> -> memref<32x128xf32, #tpu.memory_space<hbm>>
    %dma_start3A_398 = arith.constant 0 : i32
    %dma_start3A_399 = arith.constant 0 : i32
    %dma_start3A_400 = tpu.memref_slice %arg9[%dma_start3A_391, %dma_start3A_398, %dma_start3A_399] : memref<8x32x128xf32, #tpu.memory_space<vmem>> -> memref<1x32x128xf32, #tpu.memory_space<vmem>>
    %dma_start3A_401 = tpu.memref_squeeze %dma_start3A_400 : memref<1x32x128xf32, #tpu.memory_space<vmem>> -> memref<32x128xf32, #tpu.memory_space<vmem>>
    %dma_start3A_402 = arith.constant 0 : i32
    %dma_start3A_403 = tpu.memref_slice %arg4[%dma_start3A_402, %multiple_of3A_361] : memref<32x1000000xf32, #tpu.memory_space<hbm>> -> memref<32x128xf32, #tpu.memory_space<hbm>>
    tpu.enqueue_dma source(%dma_start3A_403 : memref<32x128xf32, #tpu.memory_space<hbm>>) target(%dma_start3A_401 : memref<32x128xf32, #tpu.memory_space<vmem>>) target_semaphore(%arg12 : memref<!tpu.dma_semaphore, #tpu.memory_space<semaphore_mem>>)
    %dma_start3A_404 = arith.constant 4 : i32
    %dma_start3A_405 = arith.constant 0 : i32
    %dma_start3A_406 = arith.constant 0 : i32
    %dma_start3A_407 = tpu.memref_slice %arg10[%dma_start3A_404, %dma_start3A_405, %dma_start3A_406] : memref<8x32x128xf32, #tpu.memory_space<vmem>> -> memref<1x32x128xf32, #tpu.memory_space<vmem>>
    %dma_start3A_408 = tpu.memref_squeeze %dma_start3A_407 : memref<1x32x128xf32, #tpu.memory_space<vmem>> -> memref<32x128xf32, #tpu.memory_space<vmem>>
    %dma_start3A_409 = arith.constant 0 : i32
    %dma_start3A_410 = tpu.memref_slice %arg5[%dma_start3A_409, %multiple_of3A_390] : memref<32x1000000xf32, #tpu.memory_space<hbm>> -> memref<32x128xf32, #tpu.memory_space<hbm>>
    %dma_start3A_411 = arith.constant 0 : i32
    %dma_start3A_412 = arith.constant 0 : i32
    %dma_start3A_413 = tpu.memref_slice %arg10[%dma_start3A_404, %dma_start3A_411, %dma_start3A_412] : memref<8x32x128xf32, #tpu.memory_space<vmem>> -> memref<1x32x128xf32, #tpu.memory_space<vmem>>
    %dma_start3A_414 = tpu.memref_squeeze %dma_start3A_413 : memref<1x32x128xf32, #tpu.memory_space<vmem>> -> memref<32x128xf32, #tpu.memory_space<vmem>>
    %dma_start3A_415 = arith.constant 0 : i32
    %dma_start3A_416 = tpu.memref_slice %arg5[%dma_start3A_415, %multiple_of3A_390] : memref<32x1000000xf32, #tpu.memory_space<hbm>> -> memref<32x128xf32, #tpu.memory_space<hbm>>
    tpu.enqueue_dma source(%dma_start3A_416 : memref<32x128xf32, #tpu.memory_space<hbm>>) target(%dma_start3A_414 : memref<32x128xf32, #tpu.memory_space<vmem>>) target_semaphore(%arg13 : memref<!tpu.dma_semaphore, #tpu.memory_space<semaphore_mem>>)
    %slice3A_417 = vector.extract_strided_slice %get3A_6 {offsets = [5], sizes = [1], strides = [1]} : vector<16xi32> to vector<1xi32>
    %squeeze3A_418 = vector.extract %slice3A_417[0] : i32 from vector<1xi32>
    %jit3A_419 = arith.constant 128 : i32
    %div3A_420 = arith.divsi %squeeze3A_418, %jit3A_419 : i32
    %sign3A_421 = arith.constant 0 : i32
    %sign3A_422 = arith.cmpi sgt, %squeeze3A_418, %sign3A_421 : i32
    %sign3A_423 = arith.extui %sign3A_422 : i1 to i32
    %sign3A_424 = arith.constant 0 : i32
    %sign3A_425 = arith.cmpi slt, %squeeze3A_418, %sign3A_424 : i32
    %sign3A_426 = arith.extui %sign3A_425 : i1 to i32
    %sign3A_427 = arith.subi %sign3A_423, %sign3A_426 : i32
    %sign3A_428 = arith.constant 0 : i32
    %sign3A_429 = arith.cmpi sgt, %jit3A_419, %sign3A_428 : i32
    %sign3A_430 = arith.extui %sign3A_429 : i1 to i32
    %sign3A_431 = arith.constant 0 : i32
    %sign3A_432 = arith.cmpi slt, %jit3A_419, %sign3A_431 : i32
    %sign3A_433 = arith.extui %sign3A_432 : i1 to i32
    %sign3A_434 = arith.subi %sign3A_430, %sign3A_433 : i32
    %ne3A_435 = arith.cmpi ne, %sign3A_427, %sign3A_434 : i32
    %rem3A_436 = arith.remsi %squeeze3A_418, %jit3A_419 : i32
    %ne3A_437 = arith.constant 0 : i32
    %ne3A_438 = arith.cmpi ne, %rem3A_436, %ne3A_437 : i32
    %and3A_439 = arith.andi %ne3A_435, %ne3A_438 : i1
    %sub3A_440 = arith.constant 1 : i32
    %sub3A_441 = arith.subi %div3A_420, %sub3A_440 : i32
    %select_n3A_442 = arith.select %and3A_439, %sub3A_441, %div3A_420 : i32
    %mul3A_443 = arith.constant 128 : i32
    %mul3A_444 = arith.muli %select_n3A_442, %mul3A_443 : i32
    %multiple_of3A_445 = tpu.assume_multiple %mul3A_444, 128 : i32
    %slice3A_446 = vector.extract_strided_slice %get3A_8 {offsets = [5], sizes = [1], strides = [1]} : vector<16xi32> to vector<1xi32>
    %squeeze3A_447 = vector.extract %slice3A_446[0] : i32 from vector<1xi32>
    %jit3A_448 = arith.constant 128 : i32
    %div3A_449 = arith.divsi %squeeze3A_447, %jit3A_448 : i32
    %sign3A_450 = arith.constant 0 : i32
    %sign3A_451 = arith.cmpi sgt, %squeeze3A_447, %sign3A_450 : i32
    %sign3A_452 = arith.extui %sign3A_451 : i1 to i32
    %sign3A_453 = arith.constant 0 : i32
    %sign3A_454 = arith.cmpi slt, %squeeze3A_447, %sign3A_453 : i32
    %sign3A_455 = arith.extui %sign3A_454 : i1 to i32
    %sign3A_456 = arith.subi %sign3A_452, %sign3A_455 : i32
    %sign3A_457 = arith.constant 0 : i32
    %sign3A_458 = arith.cmpi sgt, %jit3A_448, %sign3A_457 : i32
    %sign3A_459 = arith.extui %sign3A_458 : i1 to i32
    %sign3A_460 = arith.constant 0 : i32
    %sign3A_461 = arith.cmpi slt, %jit3A_448, %sign3A_460 : i32
    %sign3A_462 = arith.extui %sign3A_461 : i1 to i32
    %sign3A_463 = arith.subi %sign3A_459, %sign3A_462 : i32
    %ne3A_464 = arith.cmpi ne, %sign3A_456, %sign3A_463 : i32
    %rem3A_465 = arith.remsi %squeeze3A_447, %jit3A_448 : i32
    %ne3A_466 = arith.constant 0 : i32
    %ne3A_467 = arith.cmpi ne, %rem3A_465, %ne3A_466 : i32
    %and3A_468 = arith.andi %ne3A_464, %ne3A_467 : i1
    %sub3A_469 = arith.constant 1 : i32
    %sub3A_470 = arith.subi %div3A_449, %sub3A_469 : i32
    %select_n3A_471 = arith.select %and3A_468, %sub3A_470, %div3A_449 : i32
    %mul3A_472 = arith.constant 128 : i32
    %mul3A_473 = arith.muli %select_n3A_471, %mul3A_472 : i32
    %multiple_of3A_474 = tpu.assume_multiple %mul3A_473, 128 : i32
    %dma_start3A_475 = arith.constant 5 : i32
    %dma_start3A_476 = arith.constant 0 : i32
    %dma_start3A_477 = arith.constant 0 : i32
    %dma_start3A_478 = tpu.memref_slice %arg9[%dma_start3A_475, %dma_start3A_476, %dma_start3A_477] : memref<8x32x128xf32, #tpu.memory_space<vmem>> -> memref<1x32x128xf32, #tpu.memory_space<vmem>>
    %dma_start3A_479 = tpu.memref_squeeze %dma_start3A_478 : memref<1x32x128xf32, #tpu.memory_space<vmem>> -> memref<32x128xf32, #tpu.memory_space<vmem>>
    %dma_start3A_480 = arith.constant 0 : i32
    %dma_start3A_481 = tpu.memref_slice %arg4[%dma_start3A_480, %multiple_of3A_445] : memref<32x1000000xf32, #tpu.memory_space<hbm>> -> memref<32x128xf32, #tpu.memory_space<hbm>>
    %dma_start3A_482 = arith.constant 0 : i32
    %dma_start3A_483 = arith.constant 0 : i32
    %dma_start3A_484 = tpu.memref_slice %arg9[%dma_start3A_475, %dma_start3A_482, %dma_start3A_483] : memref<8x32x128xf32, #tpu.memory_space<vmem>> -> memref<1x32x128xf32, #tpu.memory_space<vmem>>
    %dma_start3A_485 = tpu.memref_squeeze %dma_start3A_484 : memref<1x32x128xf32, #tpu.memory_space<vmem>> -> memref<32x128xf32, #tpu.memory_space<vmem>>
    %dma_start3A_486 = arith.constant 0 : i32
    %dma_start3A_487 = tpu.memref_slice %arg4[%dma_start3A_486, %multiple_of3A_445] : memref<32x1000000xf32, #tpu.memory_space<hbm>> -> memref<32x128xf32, #tpu.memory_space<hbm>>
    tpu.enqueue_dma source(%dma_start3A_487 : memref<32x128xf32, #tpu.memory_space<hbm>>) target(%dma_start3A_485 : memref<32x128xf32, #tpu.memory_space<vmem>>) target_semaphore(%arg12 : memref<!tpu.dma_semaphore, #tpu.memory_space<semaphore_mem>>)
    %dma_start3A_488 = arith.constant 5 : i32
    %dma_start3A_489 = arith.constant 0 : i32
    %dma_start3A_490 = arith.constant 0 : i32
    %dma_start3A_491 = tpu.memref_slice %arg10[%dma_start3A_488, %dma_start3A_489, %dma_start3A_490] : memref<8x32x128xf32, #tpu.memory_space<vmem>> -> memref<1x32x128xf32, #tpu.memory_space<vmem>>
    %dma_start3A_492 = tpu.memref_squeeze %dma_start3A_491 : memref<1x32x128xf32, #tpu.memory_space<vmem>> -> memref<32x128xf32, #tpu.memory_space<vmem>>
    %dma_start3A_493 = arith.constant 0 : i32
    %dma_start3A_494 = tpu.memref_slice %arg5[%dma_start3A_493, %multiple_of3A_474] : memref<32x1000000xf32, #tpu.memory_space<hbm>> -> memref<32x128xf32, #tpu.memory_space<hbm>>
    %dma_start3A_495 = arith.constant 0 : i32
    %dma_start3A_496 = arith.constant 0 : i32
    %dma_start3A_497 = tpu.memref_slice %arg10[%dma_start3A_488, %dma_start3A_495, %dma_start3A_496] : memref<8x32x128xf32, #tpu.memory_space<vmem>> -> memref<1x32x128xf32, #tpu.memory_space<vmem>>
    %dma_start3A_498 = tpu.memref_squeeze %dma_start3A_497 : memref<1x32x128xf32, #tpu.memory_space<vmem>> -> memref<32x128xf32, #tpu.memory_space<vmem>>
    %dma_start3A_499 = arith.constant 0 : i32
    %dma_start3A_500 = tpu.memref_slice %arg5[%dma_start3A_499, %multiple_of3A_474] : memref<32x1000000xf32, #tpu.memory_space<hbm>> -> memref<32x128xf32, #tpu.memory_space<hbm>>
    tpu.enqueue_dma source(%dma_start3A_500 : memref<32x128xf32, #tpu.memory_space<hbm>>) target(%dma_start3A_498 : memref<32x128xf32, #tpu.memory_space<vmem>>) target_semaphore(%arg13 : memref<!tpu.dma_semaphore, #tpu.memory_space<semaphore_mem>>)
    %slice3A_501 = vector.extract_strided_slice %get3A_6 {offsets = [6], sizes = [1], strides = [1]} : vector<16xi32> to vector<1xi32>
    %squeeze3A_502 = vector.extract %slice3A_501[0] : i32 from vector<1xi32>
    %jit3A_503 = arith.constant 128 : i32
    %div3A_504 = arith.divsi %squeeze3A_502, %jit3A_503 : i32
    %sign3A_505 = arith.constant 0 : i32
    %sign3A_506 = arith.cmpi sgt, %squeeze3A_502, %sign3A_505 : i32
    %sign3A_507 = arith.extui %sign3A_506 : i1 to i32
    %sign3A_508 = arith.constant 0 : i32
    %sign3A_509 = arith.cmpi slt, %squeeze3A_502, %sign3A_508 : i32
    %sign3A_510 = arith.extui %sign3A_509 : i1 to i32
    %sign3A_511 = arith.subi %sign3A_507, %sign3A_510 : i32
    %sign3A_512 = arith.constant 0 : i32
    %sign3A_513 = arith.cmpi sgt, %jit3A_503, %sign3A_512 : i32
    %sign3A_514 = arith.extui %sign3A_513 : i1 to i32
    %sign3A_515 = arith.constant 0 : i32
    %sign3A_516 = arith.cmpi slt, %jit3A_503, %sign3A_515 : i32
    %sign3A_517 = arith.extui %sign3A_516 : i1 to i32
    %sign3A_518 = arith.subi %sign3A_514, %sign3A_517 : i32
    %ne3A_519 = arith.cmpi ne, %sign3A_511, %sign3A_518 : i32
    %rem3A_520 = arith.remsi %squeeze3A_502, %jit3A_503 : i32
    %ne3A_521 = arith.constant 0 : i32
    %ne3A_522 = arith.cmpi ne, %rem3A_520, %ne3A_521 : i32
    %and3A_523 = arith.andi %ne3A_519, %ne3A_522 : i1
    %sub3A_524 = arith.constant 1 : i32
    %sub3A_525 = arith.subi %div3A_504, %sub3A_524 : i32
    %select_n3A_526 = arith.select %and3A_523, %sub3A_525, %div3A_504 : i32
    %mul3A_527 = arith.constant 128 : i32
    %mul3A_528 = arith.muli %select_n3A_526, %mul3A_527 : i32
    %multiple_of3A_529 = tpu.assume_multiple %mul3A_528, 128 : i32
    %slice3A_530 = vector.extract_strided_slice %get3A_8 {offsets = [6], sizes = [1], strides = [1]} : vector<16xi32> to vector<1xi32>
    %squeeze3A_531 = vector.extract %slice3A_530[0] : i32 from vector<1xi32>
    %jit3A_532 = arith.constant 128 : i32
    %div3A_533 = arith.divsi %squeeze3A_531, %jit3A_532 : i32
    %sign3A_534 = arith.constant 0 : i32
    %sign3A_535 = arith.cmpi sgt, %squeeze3A_531, %sign3A_534 : i32
    %sign3A_536 = arith.extui %sign3A_535 : i1 to i32
    %sign3A_537 = arith.constant 0 : i32
    %sign3A_538 = arith.cmpi slt, %squeeze3A_531, %sign3A_537 : i32
    %sign3A_539 = arith.extui %sign3A_538 : i1 to i32
    %sign3A_540 = arith.subi %sign3A_536, %sign3A_539 : i32
    %sign3A_541 = arith.constant 0 : i32
    %sign3A_542 = arith.cmpi sgt, %jit3A_532, %sign3A_541 : i32
    %sign3A_543 = arith.extui %sign3A_542 : i1 to i32
    %sign3A_544 = arith.constant 0 : i32
    %sign3A_545 = arith.cmpi slt, %jit3A_532, %sign3A_544 : i32
    %sign3A_546 = arith.extui %sign3A_545 : i1 to i32
    %sign3A_547 = arith.subi %sign3A_543, %sign3A_546 : i32
    %ne3A_548 = arith.cmpi ne, %sign3A_540, %sign3A_547 : i32
    %rem3A_549 = arith.remsi %squeeze3A_531, %jit3A_532 : i32
    %ne3A_550 = arith.constant 0 : i32
    %ne3A_551 = arith.cmpi ne, %rem3A_549, %ne3A_550 : i32
    %and3A_552 = arith.andi %ne3A_548, %ne3A_551 : i1
    %sub3A_553 = arith.constant 1 : i32
    %sub3A_554 = arith.subi %div3A_533, %sub3A_553 : i32
    %select_n3A_555 = arith.select %and3A_552, %sub3A_554, %div3A_533 : i32
    %mul3A_556 = arith.constant 128 : i32
    %mul3A_557 = arith.muli %select_n3A_555, %mul3A_556 : i32
    %multiple_of3A_558 = tpu.assume_multiple %mul3A_557, 128 : i32
    %dma_start3A_559 = arith.constant 6 : i32
    %dma_start3A_560 = arith.constant 0 : i32
    %dma_start3A_561 = arith.constant 0 : i32
    %dma_start3A_562 = tpu.memref_slice %arg9[%dma_start3A_559, %dma_start3A_560, %dma_start3A_561] : memref<8x32x128xf32, #tpu.memory_space<vmem>> -> memref<1x32x128xf32, #tpu.memory_space<vmem>>
    %dma_start3A_563 = tpu.memref_squeeze %dma_start3A_562 : memref<1x32x128xf32, #tpu.memory_space<vmem>> -> memref<32x128xf32, #tpu.memory_space<vmem>>
    %dma_start3A_564 = arith.constant 0 : i32
    %dma_start3A_565 = tpu.memref_slice %arg4[%dma_start3A_564, %multiple_of3A_529] : memref<32x1000000xf32, #tpu.memory_space<hbm>> -> memref<32x128xf32, #tpu.memory_space<hbm>>
    %dma_start3A_566 = arith.constant 0 : i32
    %dma_start3A_567 = arith.constant 0 : i32
    %dma_start3A_568 = tpu.memref_slice %arg9[%dma_start3A_559, %dma_start3A_566, %dma_start3A_567] : memref<8x32x128xf32, #tpu.memory_space<vmem>> -> memref<1x32x128xf32, #tpu.memory_space<vmem>>
    %dma_start3A_569 = tpu.memref_squeeze %dma_start3A_568 : memref<1x32x128xf32, #tpu.memory_space<vmem>> -> memref<32x128xf32, #tpu.memory_space<vmem>>
    %dma_start3A_570 = arith.constant 0 : i32
    %dma_start3A_571 = tpu.memref_slice %arg4[%dma_start3A_570, %multiple_of3A_529] : memref<32x1000000xf32, #tpu.memory_space<hbm>> -> memref<32x128xf32, #tpu.memory_space<hbm>>
    tpu.enqueue_dma source(%dma_start3A_571 : memref<32x128xf32, #tpu.memory_space<hbm>>) target(%dma_start3A_569 : memref<32x128xf32, #tpu.memory_space<vmem>>) target_semaphore(%arg12 : memref<!tpu.dma_semaphore, #tpu.memory_space<semaphore_mem>>)
    %dma_start3A_572 = arith.constant 6 : i32
    %dma_start3A_573 = arith.constant 0 : i32
    %dma_start3A_574 = arith.constant 0 : i32
    %dma_start3A_575 = tpu.memref_slice %arg10[%dma_start3A_572, %dma_start3A_573, %dma_start3A_574] : memref<8x32x128xf32, #tpu.memory_space<vmem>> -> memref<1x32x128xf32, #tpu.memory_space<vmem>>
    %dma_start3A_576 = tpu.memref_squeeze %dma_start3A_575 : memref<1x32x128xf32, #tpu.memory_space<vmem>> -> memref<32x128xf32, #tpu.memory_space<vmem>>
    %dma_start3A_577 = arith.constant 0 : i32
    %dma_start3A_578 = tpu.memref_slice %arg5[%dma_start3A_577, %multiple_of3A_558] : memref<32x1000000xf32, #tpu.memory_space<hbm>> -> memref<32x128xf32, #tpu.memory_space<hbm>>
    %dma_start3A_579 = arith.constant 0 : i32
    %dma_start3A_580 = arith.constant 0 : i32
    %dma_start3A_581 = tpu.memref_slice %arg10[%dma_start3A_572, %dma_start3A_579, %dma_start3A_580] : memref<8x32x128xf32, #tpu.memory_space<vmem>> -> memref<1x32x128xf32, #tpu.memory_space<vmem>>
    %dma_start3A_582 = tpu.memref_squeeze %dma_start3A_581 : memref<1x32x128xf32, #tpu.memory_space<vmem>> -> memref<32x128xf32, #tpu.memory_space<vmem>>
    %dma_start3A_583 = arith.constant 0 : i32
    %dma_start3A_584 = tpu.memref_slice %arg5[%dma_start3A_583, %multiple_of3A_558] : memref<32x1000000xf32, #tpu.memory_space<hbm>> -> memref<32x128xf32, #tpu.memory_space<hbm>>
    tpu.enqueue_dma source(%dma_start3A_584 : memref<32x128xf32, #tpu.memory_space<hbm>>) target(%dma_start3A_582 : memref<32x128xf32, #tpu.memory_space<vmem>>) target_semaphore(%arg13 : memref<!tpu.dma_semaphore, #tpu.memory_space<semaphore_mem>>)
    %scan3A = arith.constant 0 : i32
    %scan3A_585 = arith.constant 0 : i32
    %scan3A_586 = arith.constant 32 : i32
    %scan3A_587 = arith.addi %scan3A_585, %scan3A_586 : i32
    %scan3A_588 = arith.constant 1 : i32
    %scan3A_589 = scf.for %scan3A_591 = %scan3A_585 to %scan3A_587 step %scan3A_588 iter_args(%scan3A_592 = %scan3A) -> (i32)  : i32 {
      %mul3A_593 = arith.constant 16 : i32
      %mul3A_594 = arith.muli %scan3A_591, %mul3A_593 : i32
      %get3A_595 = arith.index_cast %mul3A_594 : i32 to index
      %get3A_596 = tpu.vector_load %arg7[%get3A_595] {strides = array<i32>} : memref<512xi32, #tpu.memory_space<vmem>>, vector<16xi32>,
      %mul3A_597 = arith.constant 16 : i32
      %mul3A_598 = arith.muli %scan3A_591, %mul3A_597 : i32
      %get3A_599 = arith.index_cast %mul3A_598 : i32 to index
      %get3A_600 = tpu.vector_load %arg8[%get3A_599] {strides = array<i32>} : memref<512xi32, #tpu.memory_space<vmem>>, vector<16xi32>,
      %add3A_601 = arith.constant 1 : i32
      %add3A_602 = arith.addi %scan3A_591, %add3A_601 : i32
      %min3A = arith.constant 31 : i32
      %min3A_603 = arith.minsi %add3A_602, %min3A : i32
      %mul3A_604 = arith.constant 16 : i32
      %mul3A_605 = arith.muli %min3A_603, %mul3A_604 : i32
      %get3A_606 = arith.index_cast %mul3A_605 : i32 to index
      %get3A_607 = tpu.vector_load %arg7[%get3A_606] {strides = array<i32>} : memref<512xi32, #tpu.memory_space<vmem>>, vector<16xi32>,
      %get3A_608 = arith.index_cast %mul3A_605 : i32 to index
      %get3A_609 = tpu.vector_load %arg8[%get3A_608] {strides = array<i32>} : memref<512xi32, #tpu.memory_space<vmem>>, vector<16xi32>,
      %broadcast_in_dim3A = arith.constant 0.000000e+00 : f32
      %broadcast_in_dim3A_610 = vector.broadcast %broadcast_in_dim3A : f32 to vector<16xf32>
      %slice3A_611 = vector.extract_strided_slice %get3A_596 {offsets = [7], sizes = [1], strides = [1]} : vector<16xi32> to vector<1xi32>
      %squeeze3A_612 = vector.extract %slice3A_611[0] : i32 from vector<1xi32>
      %jit3A_613 = arith.constant 128 : i32
      %div3A_614 = arith.divsi %squeeze3A_612, %jit3A_613 : i32
      %sign3A_615 = arith.constant 0 : i32
      %sign3A_616 = arith.cmpi sgt, %squeeze3A_612, %sign3A_615 : i32
      %sign3A_617 = arith.extui %sign3A_616 : i1 to i32
      %sign3A_618 = arith.constant 0 : i32
      %sign3A_619 = arith.cmpi slt, %squeeze3A_612, %sign3A_618 : i32
      %sign3A_620 = arith.extui %sign3A_619 : i1 to i32
      %sign3A_621 = arith.subi %sign3A_617, %sign3A_620 : i32
      %sign3A_622 = arith.constant 0 : i32
      %sign3A_623 = arith.cmpi sgt, %jit3A_613, %sign3A_622 : i32
      %sign3A_624 = arith.extui %sign3A_623 : i1 to i32
      %sign3A_625 = arith.constant 0 : i32
      %sign3A_626 = arith.cmpi slt, %jit3A_613, %sign3A_625 : i32
      %sign3A_627 = arith.extui %sign3A_626 : i1 to i32
      %sign3A_628 = arith.subi %sign3A_624, %sign3A_627 : i32
      %ne3A_629 = arith.cmpi ne, %sign3A_621, %sign3A_628 : i32
      %rem3A_630 = arith.remsi %squeeze3A_612, %jit3A_613 : i32
      %ne3A_631 = arith.constant 0 : i32
      %ne3A_632 = arith.cmpi ne, %rem3A_630, %ne3A_631 : i32
      %and3A_633 = arith.andi %ne3A_629, %ne3A_632 : i1
      %sub3A_634 = arith.constant 1 : i32
      %sub3A_635 = arith.subi %div3A_614, %sub3A_634 : i32
      %select_n3A_636 = arith.select %and3A_633, %sub3A_635, %div3A_614 : i32
      %mul3A_637 = arith.constant 128 : i32
      %mul3A_638 = arith.muli %select_n3A_636, %mul3A_637 : i32
      %multiple_of3A_639 = tpu.assume_multiple %mul3A_638, 128 : i32
      %slice3A_640 = vector.extract_strided_slice %get3A_600 {offsets = [7], sizes = [1], strides = [1]} : vector<16xi32> to vector<1xi32>
      %squeeze3A_641 = vector.extract %slice3A_640[0] : i32 from vector<1xi32>
      %jit3A_642 = arith.constant 128 : i32
      %div3A_643 = arith.divsi %squeeze3A_641, %jit3A_642 : i32
      %sign3A_644 = arith.constant 0 : i32
      %sign3A_645 = arith.cmpi sgt, %squeeze3A_641, %sign3A_644 : i32
      %sign3A_646 = arith.extui %sign3A_645 : i1 to i32
      %sign3A_647 = arith.constant 0 : i32
      %sign3A_648 = arith.cmpi slt, %squeeze3A_641, %sign3A_647 : i32
      %sign3A_649 = arith.extui %sign3A_648 : i1 to i32
      %sign3A_650 = arith.subi %sign3A_646, %sign3A_649 : i32
      %sign3A_651 = arith.constant 0 : i32
      %sign3A_652 = arith.cmpi sgt, %jit3A_642, %sign3A_651 : i32
      %sign3A_653 = arith.extui %sign3A_652 : i1 to i32
      %sign3A_654 = arith.constant 0 : i32
      %sign3A_655 = arith.cmpi slt, %jit3A_642, %sign3A_654 : i32
      %sign3A_656 = arith.extui %sign3A_655 : i1 to i32
      %sign3A_657 = arith.subi %sign3A_653, %sign3A_656 : i32
      %ne3A_658 = arith.cmpi ne, %sign3A_650, %sign3A_657 : i32
      %rem3A_659 = arith.remsi %squeeze3A_641, %jit3A_642 : i32
      %ne3A_660 = arith.constant 0 : i32
      %ne3A_661 = arith.cmpi ne, %rem3A_659, %ne3A_660 : i32
      %and3A_662 = arith.andi %ne3A_658, %ne3A_661 : i1
      %sub3A_663 = arith.constant 1 : i32
      %sub3A_664 = arith.subi %div3A_643, %sub3A_663 : i32
      %select_n3A_665 = arith.select %and3A_662, %sub3A_664, %div3A_643 : i32
      %mul3A_666 = arith.constant 128 : i32
      %mul3A_667 = arith.muli %select_n3A_665, %mul3A_666 : i32
      %multiple_of3A_668 = tpu.assume_multiple %mul3A_667, 128 : i32
      %dma_start3A_669 = arith.constant 7 : i32
      %dma_start3A_670 = arith.constant 0 : i32
      %dma_start3A_671 = arith.constant 0 : i32
      %dma_start3A_672 = tpu.memref_slice %arg9[%dma_start3A_669, %dma_start3A_670, %dma_start3A_671] : memref<8x32x128xf32, #tpu.memory_space<vmem>> -> memref<1x32x128xf32, #tpu.memory_space<vmem>>
      %dma_start3A_673 = tpu.memref_squeeze %dma_start3A_672 : memref<1x32x128xf32, #tpu.memory_space<vmem>> -> memref<32x128xf32, #tpu.memory_space<vmem>>
      %dma_start3A_674 = arith.constant 0 : i32
      %dma_start3A_675 = tpu.memref_slice %arg4[%dma_start3A_674, %multiple_of3A_639] : memref<32x1000000xf32, #tpu.memory_space<hbm>> -> memref<32x128xf32, #tpu.memory_space<hbm>>
      %dma_start3A_676 = arith.constant 0 : i32
      %dma_start3A_677 = arith.constant 0 : i32
      %dma_start3A_678 = tpu.memref_slice %arg9[%dma_start3A_669, %dma_start3A_676, %dma_start3A_677] : memref<8x32x128xf32, #tpu.memory_space<vmem>> -> memref<1x32x128xf32, #tpu.memory_space<vmem>>
      %dma_start3A_679 = tpu.memref_squeeze %dma_start3A_678 : memref<1x32x128xf32, #tpu.memory_space<vmem>> -> memref<32x128xf32, #tpu.memory_space<vmem>>
      %dma_start3A_680 = arith.constant 0 : i32
      %dma_start3A_681 = tpu.memref_slice %arg4[%dma_start3A_680, %multiple_of3A_639] : memref<32x1000000xf32, #tpu.memory_space<hbm>> -> memref<32x128xf32, #tpu.memory_space<hbm>>
      tpu.enqueue_dma source(%dma_start3A_681 : memref<32x128xf32, #tpu.memory_space<hbm>>) target(%dma_start3A_679 : memref<32x128xf32, #tpu.memory_space<vmem>>) target_semaphore(%arg12 : memref<!tpu.dma_semaphore, #tpu.memory_space<semaphore_mem>>)
      %dma_start3A_682 = arith.constant 7 : i32
      %dma_start3A_683 = arith.constant 0 : i32
      %dma_start3A_684 = arith.constant 0 : i32
      %dma_start3A_685 = tpu.memref_slice %arg10[%dma_start3A_682, %dma_start3A_683, %dma_start3A_684] : memref<8x32x128xf32, #tpu.memory_space<vmem>> -> memref<1x32x128xf32, #tpu.memory_space<vmem>>
      %dma_start3A_686 = tpu.memref_squeeze %dma_start3A_685 : memref<1x32x128xf32, #tpu.memory_space<vmem>> -> memref<32x128xf32, #tpu.memory_space<vmem>>
      %dma_start3A_687 = arith.constant 0 : i32
      %dma_start3A_688 = tpu.memref_slice %arg5[%dma_start3A_687, %multiple_of3A_668] : memref<32x1000000xf32, #tpu.memory_space<hbm>> -> memref<32x128xf32, #tpu.memory_space<hbm>>
      %dma_start3A_689 = arith.constant 0 : i32
      %dma_start3A_690 = arith.constant 0 : i32
      %dma_start3A_691 = tpu.memref_slice %arg10[%dma_start3A_682, %dma_start3A_689, %dma_start3A_690] : memref<8x32x128xf32, #tpu.memory_space<vmem>> -> memref<1x32x128xf32, #tpu.memory_space<vmem>>
      %dma_start3A_692 = tpu.memref_squeeze %dma_start3A_691 : memref<1x32x128xf32, #tpu.memory_space<vmem>> -> memref<32x128xf32, #tpu.memory_space<vmem>>
      %dma_start3A_693 = arith.constant 0 : i32
      %dma_start3A_694 = tpu.memref_slice %arg5[%dma_start3A_693, %multiple_of3A_668] : memref<32x1000000xf32, #tpu.memory_space<hbm>> -> memref<32x128xf32, #tpu.memory_space<hbm>>
      tpu.enqueue_dma source(%dma_start3A_694 : memref<32x128xf32, #tpu.memory_space<hbm>>) target(%dma_start3A_692 : memref<32x128xf32, #tpu.memory_space<vmem>>) target_semaphore(%arg13 : memref<!tpu.dma_semaphore, #tpu.memory_space<semaphore_mem>>)
      %dma_wait3A = arith.constant 0 : i32
      %dma_wait3A_695 = arith.constant 0 : i32
      %dma_wait3A_696 = arith.constant 0 : i32
      %dma_wait3A_697 = tpu.memref_slice %arg9[%dma_wait3A, %dma_wait3A_695, %dma_wait3A_696] : memref<8x32x128xf32, #tpu.memory_space<vmem>> -> memref<1x32x128xf32, #tpu.memory_space<vmem>>
      %dma_wait3A_698 = tpu.memref_squeeze %dma_wait3A_697 : memref<1x32x128xf32, #tpu.memory_space<vmem>> -> memref<32x128xf32, #tpu.memory_space<vmem>>
      %dma_wait3A_699 = arith.constant 0 : i32
      %dma_wait3A_700 = arith.constant 0 : i32
      %dma_wait3A_701 = tpu.memref_slice %arg4[%dma_wait3A_699, %dma_wait3A_700] : memref<32x1000000xf32, #tpu.memory_space<hbm>> -> memref<32x128xf32, #tpu.memory_space<hbm>>
      %dma_wait3A_702 = arith.constant 0 : i32
      %dma_wait3A_703 = arith.constant 0 : i32
      %dma_wait3A_704 = tpu.memref_slice %arg9[%dma_wait3A, %dma_wait3A_702, %dma_wait3A_703] : memref<8x32x128xf32, #tpu.memory_space<vmem>> -> memref<1x32x128xf32, #tpu.memory_space<vmem>>
      %dma_wait3A_705 = tpu.memref_squeeze %dma_wait3A_704 : memref<1x32x128xf32, #tpu.memory_space<vmem>> -> memref<32x128xf32, #tpu.memory_space<vmem>>
      %dma_wait3A_706 = arith.constant 0 : i32
      %dma_wait3A_707 = arith.constant 0 : i32
      %dma_wait3A_708 = tpu.memref_slice %arg4[%dma_wait3A_706, %dma_wait3A_707] : memref<32x1000000xf32, #tpu.memory_space<hbm>> -> memref<32x128xf32, #tpu.memory_space<hbm>>
      tpu.wait_dma2 semaphore(%arg12 : memref<!tpu.dma_semaphore, #tpu.memory_space<semaphore_mem>>) src(%dma_wait3A_708 : memref<32x128xf32, #tpu.memory_space<hbm>>) dst(%dma_wait3A_705 : memref<32x128xf32, #tpu.memory_space<vmem>>)
      %dma_wait3A_709 = arith.constant 0 : i32
      %dma_wait3A_710 = arith.constant 0 : i32
      %dma_wait3A_711 = arith.constant 0 : i32
      %dma_wait3A_712 = tpu.memref_slice %arg10[%dma_wait3A_709, %dma_wait3A_710, %dma_wait3A_711] : memref<8x32x128xf32, #tpu.memory_space<vmem>> -> memref<1x32x128xf32, #tpu.memory_space<vmem>>
      %dma_wait3A_713 = tpu.memref_squeeze %dma_wait3A_712 : memref<1x32x128xf32, #tpu.memory_space<vmem>> -> memref<32x128xf32, #tpu.memory_space<vmem>>
      %dma_wait3A_714 = arith.constant 0 : i32
      %dma_wait3A_715 = arith.constant 0 : i32
      %dma_wait3A_716 = tpu.memref_slice %arg5[%dma_wait3A_714, %dma_wait3A_715] : memref<32x1000000xf32, #tpu.memory_space<hbm>> -> memref<32x128xf32, #tpu.memory_space<hbm>>
      %dma_wait3A_717 = arith.constant 0 : i32
      %dma_wait3A_718 = arith.constant 0 : i32
      %dma_wait3A_719 = tpu.memref_slice %arg10[%dma_wait3A_709, %dma_wait3A_717, %dma_wait3A_718] : memref<8x32x128xf32, #tpu.memory_space<vmem>> -> memref<1x32x128xf32, #tpu.memory_space<vmem>>
      %dma_wait3A_720 = tpu.memref_squeeze %dma_wait3A_719 : memref<1x32x128xf32, #tpu.memory_space<vmem>> -> memref<32x128xf32, #tpu.memory_space<vmem>>
      %dma_wait3A_721 = arith.constant 0 : i32
      %dma_wait3A_722 = arith.constant 0 : i32
      %dma_wait3A_723 = tpu.memref_slice %arg5[%dma_wait3A_721, %dma_wait3A_722] : memref<32x1000000xf32, #tpu.memory_space<hbm>> -> memref<32x128xf32, #tpu.memory_space<hbm>>
      tpu.wait_dma2 semaphore(%arg13 : memref<!tpu.dma_semaphore, #tpu.memory_space<semaphore_mem>>) src(%dma_wait3A_723 : memref<32x128xf32, #tpu.memory_space<hbm>>) dst(%dma_wait3A_720 : memref<32x128xf32, #tpu.memory_space<vmem>>)
      %broadcast_in_dim3A_724 = arith.constant 0 : i32
      %broadcast_in_dim3A_725 = vector.broadcast %broadcast_in_dim3A_724 : i32 to vector<16xi32>
      %slice3A_726 = vector.extract_strided_slice %get3A_596 {offsets = [0], sizes = [1], strides = [1]} : vector<16xi32> to vector<1xi32>
      %squeeze3A_727 = vector.extract %slice3A_726[0] : i32 from vector<1xi32>
      %jit3A_728 = arith.constant 128 : i32
      %eq3A = arith.constant 0 : i32
      %eq3A_729 = arith.cmpi eq, %jit3A_728, %eq3A : i32
      %jit3A_730 = arith.constant 1 : i32
      %select_n3A_731 = arith.select %eq3A_729, %jit3A_730, %jit3A_728 : i32
      %rem3A_732 = arith.remsi %squeeze3A_727, %select_n3A_731 : i32
      %ne3A_733 = arith.constant 0 : i32
      %ne3A_734 = arith.cmpi ne, %rem3A_732, %ne3A_733 : i32
      %lt3A = arith.constant 0 : i32
      %lt3A_735 = arith.cmpi slt, %rem3A_732, %lt3A : i32
      %lt3A_736 = arith.constant 0 : i32
      %lt3A_737 = arith.cmpi slt, %select_n3A_731, %lt3A_736 : i32
      %ne3A_738 = arith.xori %lt3A_735, %lt3A_737 : i1
      %and3A_739 = arith.andi %ne3A_738, %ne3A_734 : i1
      %add3A_740 = arith.addi %rem3A_732, %select_n3A_731 : i32
      %select_n3A_741 = arith.select %and3A_739, %add3A_740, %rem3A_732 : i32
      %add3A_742 = vector.broadcast %select_n3A_741 : i32 to vector<16xi32>
      %add3A_743 = arith.addi %broadcast_in_dim3A_725, %add3A_742 : vector<16xi32>
      %broadcast_in_dim3A_744 = arith.constant 0 : i32
      %broadcast_in_dim3A_745 = vector.broadcast %broadcast_in_dim3A_744 : i32 to vector<16xi32>
      %slice3A_746 = vector.extract_strided_slice %get3A_600 {offsets = [0], sizes = [1], strides = [1]} : vector<16xi32> to vector<1xi32>
      %squeeze3A_747 = vector.extract %slice3A_746[0] : i32 from vector<1xi32>
      %jit3A_748 = arith.constant 128 : i32
      %eq3A_749 = arith.constant 0 : i32
      %eq3A_750 = arith.cmpi eq, %jit3A_748, %eq3A_749 : i32
      %jit3A_751 = arith.constant 1 : i32
      %select_n3A_752 = arith.select %eq3A_750, %jit3A_751, %jit3A_748 : i32
      %rem3A_753 = arith.remsi %squeeze3A_747, %select_n3A_752 : i32
      %ne3A_754 = arith.constant 0 : i32
      %ne3A_755 = arith.cmpi ne, %rem3A_753, %ne3A_754 : i32
      %lt3A_756 = arith.constant 0 : i32
      %lt3A_757 = arith.cmpi slt, %rem3A_753, %lt3A_756 : i32
      %lt3A_758 = arith.constant 0 : i32
      %lt3A_759 = arith.cmpi slt, %select_n3A_752, %lt3A_758 : i32
      %ne3A_760 = arith.xori %lt3A_757, %lt3A_759 : i1
      %and3A_761 = arith.andi %ne3A_760, %ne3A_755 : i1
      %add3A_762 = arith.addi %rem3A_753, %select_n3A_752 : i32
      %select_n3A_763 = arith.select %and3A_761, %add3A_762, %rem3A_753 : i32
      %add3A_764 = vector.broadcast %select_n3A_763 : i32 to vector<16xi32>
      %add3A_765 = arith.addi %broadcast_in_dim3A_745, %add3A_764 : vector<16xi32>
      %gather3A = arith.constant 0 : i32
      %gather3A_766 = arith.constant 0 : i32
      %gather3A_767 = arith.constant 0 : i32
      %gather3A_768 = tpu.memref_slice %arg9[%gather3A, %gather3A_766, %gather3A_767] : memref<8x32x128xf32, #tpu.memory_space<vmem>> -> memref<1x32x128xf32, #tpu.memory_space<vmem>>
      %gather3A_769 = tpu.memref_squeeze %gather3A_768 : memref<1x32x128xf32, #tpu.memory_space<vmem>> -> memref<32x128xf32, #tpu.memory_space<vmem>>
      %gather3A_770 = tpu.vector_load_idx %gather3A_769[%iota3A, %add3A_743] : memref<32x128xf32, #tpu.memory_space<vmem>>[vector<16xi32>, vector<16xi32>], vector<16xf32>,
      %gather3A_771 = arith.constant 0 : i32
      %gather3A_772 = arith.constant 0 : i32
      %gather3A_773 = arith.constant 0 : i32
      %gather3A_774 = tpu.memref_slice %arg9[%gather3A_771, %gather3A_772, %gather3A_773] : memref<8x32x128xf32, #tpu.memory_space<vmem>> -> memref<1x32x128xf32, #tpu.memory_space<vmem>>
      %gather3A_775 = tpu.memref_squeeze %gather3A_774 : memref<1x32x128xf32, #tpu.memory_space<vmem>> -> memref<32x128xf32, #tpu.memory_space<vmem>>
      %gather3A_776 = tpu.vector_load_idx %gather3A_775[%add3A_5, %add3A_743] : memref<32x128xf32, #tpu.memory_space<vmem>>[vector<16xi32>, vector<16xi32>], vector<16xf32>,
      %gather3A_777 = arith.constant 0 : i32
      %gather3A_778 = arith.constant 0 : i32
      %gather3A_779 = arith.constant 0 : i32
      %gather3A_780 = tpu.memref_slice %arg10[%gather3A_777, %gather3A_778, %gather3A_779] : memref<8x32x128xf32, #tpu.memory_space<vmem>> -> memref<1x32x128xf32, #tpu.memory_space<vmem>>
      %gather3A_781 = tpu.memref_squeeze %gather3A_780 : memref<1x32x128xf32, #tpu.memory_space<vmem>> -> memref<32x128xf32, #tpu.memory_space<vmem>>
      %gather3A_782 = tpu.vector_load_idx %gather3A_781[%iota3A, %add3A_765] : memref<32x128xf32, #tpu.memory_space<vmem>>[vector<16xi32>, vector<16xi32>], vector<16xf32>,
      %gather3A_783 = arith.constant 0 : i32
      %gather3A_784 = arith.constant 0 : i32
      %gather3A_785 = arith.constant 0 : i32
      %gather3A_786 = tpu.memref_slice %arg10[%gather3A_783, %gather3A_784, %gather3A_785] : memref<8x32x128xf32, #tpu.memory_space<vmem>> -> memref<1x32x128xf32, #tpu.memory_space<vmem>>
      %gather3A_787 = tpu.memref_squeeze %gather3A_786 : memref<1x32x128xf32, #tpu.memory_space<vmem>> -> memref<32x128xf32, #tpu.memory_space<vmem>>
      %gather3A_788 = tpu.vector_load_idx %gather3A_787[%add3A_5, %add3A_765] : memref<32x128xf32, #tpu.memory_space<vmem>>[vector<16xi32>, vector<16xi32>], vector<16xf32>,
      %mul3A_789 = arith.mulf %gather3A_770, %gather3A_782 : vector<16xf32>
      %mul3A_790 = arith.mulf %gather3A_776, %gather3A_788 : vector<16xf32>
      %add3A_791 = arith.addf %mul3A_789, %mul3A_790 : vector<16xf32>
      %reduce_sum3A = arith.constant true
      %reduce_sum3A_792 = vector.broadcast %reduce_sum3A : i1 to vector<16xi1>
      %reduce_sum3A_793 = tpu.scan <sum>, %add3A_791 masked %reduce_sum3A_792 : vector<16xf32>, vector<16xi1> -> vector<16xf32>
      %reduce_sum3A_794 = vector.extract %reduce_sum3A_793[15] : f32 from vector<16xf32>
      %eq3A_795 = arith.constant 0 : i32
      %eq3A_796 = vector.broadcast %eq3A_795 : i32 to vector<16xi32>
      %eq3A_797 = arith.cmpi eq, %iota3A, %eq3A_796 : vector<16xi32>
      %broadcast_in_dim3A_798 = vector.broadcast %reduce_sum3A_794 : f32 to vector<16xf32>
      %select_n3A_799 = arith.select %eq3A_797, %broadcast_in_dim3A_798, %broadcast_in_dim3A_610 : vector<16xi1>, vector<16xf32>
      %slice3A_800 = vector.extract_strided_slice %get3A_596 {offsets = [8], sizes = [1], strides = [1]} : vector<16xi32> to vector<1xi32>
      %squeeze3A_801 = vector.extract %slice3A_800[0] : i32 from vector<1xi32>
      %jit3A_802 = arith.constant 128 : i32
      %div3A_803 = arith.divsi %squeeze3A_801, %jit3A_802 : i32
      %sign3A_804 = arith.constant 0 : i32
      %sign3A_805 = arith.cmpi sgt, %squeeze3A_801, %sign3A_804 : i32
      %sign3A_806 = arith.extui %sign3A_805 : i1 to i32
      %sign3A_807 = arith.constant 0 : i32
      %sign3A_808 = arith.cmpi slt, %squeeze3A_801, %sign3A_807 : i32
      %sign3A_809 = arith.extui %sign3A_808 : i1 to i32
      %sign3A_810 = arith.subi %sign3A_806, %sign3A_809 : i32
      %sign3A_811 = arith.constant 0 : i32
      %sign3A_812 = arith.cmpi sgt, %jit3A_802, %sign3A_811 : i32
      %sign3A_813 = arith.extui %sign3A_812 : i1 to i32
      %sign3A_814 = arith.constant 0 : i32
      %sign3A_815 = arith.cmpi slt, %jit3A_802, %sign3A_814 : i32
      %sign3A_816 = arith.extui %sign3A_815 : i1 to i32
      %sign3A_817 = arith.subi %sign3A_813, %sign3A_816 : i32
      %ne3A_818 = arith.cmpi ne, %sign3A_810, %sign3A_817 : i32
      %rem3A_819 = arith.remsi %squeeze3A_801, %jit3A_802 : i32
      %ne3A_820 = arith.constant 0 : i32
      %ne3A_821 = arith.cmpi ne, %rem3A_819, %ne3A_820 : i32
      %and3A_822 = arith.andi %ne3A_818, %ne3A_821 : i1
      %sub3A_823 = arith.constant 1 : i32
      %sub3A_824 = arith.subi %div3A_803, %sub3A_823 : i32
      %select_n3A_825 = arith.select %and3A_822, %sub3A_824, %div3A_803 : i32
      %mul3A_826 = arith.constant 128 : i32
      %mul3A_827 = arith.muli %select_n3A_825, %mul3A_826 : i32
      %multiple_of3A_828 = tpu.assume_multiple %mul3A_827, 128 : i32
      %slice3A_829 = vector.extract_strided_slice %get3A_600 {offsets = [8], sizes = [1], strides = [1]} : vector<16xi32> to vector<1xi32>
      %squeeze3A_830 = vector.extract %slice3A_829[0] : i32 from vector<1xi32>
      %jit3A_831 = arith.constant 128 : i32
      %div3A_832 = arith.divsi %squeeze3A_830, %jit3A_831 : i32
      %sign3A_833 = arith.constant 0 : i32
      %sign3A_834 = arith.cmpi sgt, %squeeze3A_830, %sign3A_833 : i32
      %sign3A_835 = arith.extui %sign3A_834 : i1 to i32
      %sign3A_836 = arith.constant 0 : i32
      %sign3A_837 = arith.cmpi slt, %squeeze3A_830, %sign3A_836 : i32
      %sign3A_838 = arith.extui %sign3A_837 : i1 to i32
      %sign3A_839 = arith.subi %sign3A_835, %sign3A_838 : i32
      %sign3A_840 = arith.constant 0 : i32
      %sign3A_841 = arith.cmpi sgt, %jit3A_831, %sign3A_840 : i32
      %sign3A_842 = arith.extui %sign3A_841 : i1 to i32
      %sign3A_843 = arith.constant 0 : i32
      %sign3A_844 = arith.cmpi slt, %jit3A_831, %sign3A_843 : i32
      %sign3A_845 = arith.extui %sign3A_844 : i1 to i32
      %sign3A_846 = arith.subi %sign3A_842, %sign3A_845 : i32
      %ne3A_847 = arith.cmpi ne, %sign3A_839, %sign3A_846 : i32
      %rem3A_848 = arith.remsi %squeeze3A_830, %jit3A_831 : i32
      %ne3A_849 = arith.constant 0 : i32
      %ne3A_850 = arith.cmpi ne, %rem3A_848, %ne3A_849 : i32
      %and3A_851 = arith.andi %ne3A_847, %ne3A_850 : i1
      %sub3A_852 = arith.constant 1 : i32
      %sub3A_853 = arith.subi %div3A_832, %sub3A_852 : i32
      %select_n3A_854 = arith.select %and3A_851, %sub3A_853, %div3A_832 : i32
      %mul3A_855 = arith.constant 128 : i32
      %mul3A_856 = arith.muli %select_n3A_854, %mul3A_855 : i32
      %multiple_of3A_857 = tpu.assume_multiple %mul3A_856, 128 : i32
      %dma_start3A_858 = arith.constant 0 : i32
      %dma_start3A_859 = arith.constant 0 : i32
      %dma_start3A_860 = arith.constant 0 : i32
      %dma_start3A_861 = tpu.memref_slice %arg9[%dma_start3A_858, %dma_start3A_859, %dma_start3A_860] : memref<8x32x128xf32, #tpu.memory_space<vmem>> -> memref<1x32x128xf32, #tpu.memory_space<vmem>>
      %dma_start3A_862 = tpu.memref_squeeze %dma_start3A_861 : memref<1x32x128xf32, #tpu.memory_space<vmem>> -> memref<32x128xf32, #tpu.memory_space<vmem>>
      %dma_start3A_863 = arith.constant 0 : i32
      %dma_start3A_864 = tpu.memref_slice %arg4[%dma_start3A_863, %multiple_of3A_828] : memref<32x1000000xf32, #tpu.memory_space<hbm>> -> memref<32x128xf32, #tpu.memory_space<hbm>>
      %dma_start3A_865 = arith.constant 0 : i32
      %dma_start3A_866 = arith.constant 0 : i32
      %dma_start3A_867 = tpu.memref_slice %arg9[%dma_start3A_858, %dma_start3A_865, %dma_start3A_866] : memref<8x32x128xf32, #tpu.memory_space<vmem>> -> memref<1x32x128xf32, #tpu.memory_space<vmem>>
      %dma_start3A_868 = tpu.memref_squeeze %dma_start3A_867 : memref<1x32x128xf32, #tpu.memory_space<vmem>> -> memref<32x128xf32, #tpu.memory_space<vmem>>
      %dma_start3A_869 = arith.constant 0 : i32
      %dma_start3A_870 = tpu.memref_slice %arg4[%dma_start3A_869, %multiple_of3A_828] : memref<32x1000000xf32, #tpu.memory_space<hbm>> -> memref<32x128xf32, #tpu.memory_space<hbm>>
      tpu.enqueue_dma source(%dma_start3A_870 : memref<32x128xf32, #tpu.memory_space<hbm>>) target(%dma_start3A_868 : memref<32x128xf32, #tpu.memory_space<vmem>>) target_semaphore(%arg12 : memref<!tpu.dma_semaphore, #tpu.memory_space<semaphore_mem>>)
      %dma_start3A_871 = arith.constant 0 : i32
      %dma_start3A_872 = arith.constant 0 : i32
      %dma_start3A_873 = arith.constant 0 : i32
      %dma_start3A_874 = tpu.memref_slice %arg10[%dma_start3A_871, %dma_start3A_872, %dma_start3A_873] : memref<8x32x128xf32, #tpu.memory_space<vmem>> -> memref<1x32x128xf32, #tpu.memory_space<vmem>>
      %dma_start3A_875 = tpu.memref_squeeze %dma_start3A_874 : memref<1x32x128xf32, #tpu.memory_space<vmem>> -> memref<32x128xf32, #tpu.memory_space<vmem>>
      %dma_start3A_876 = arith.constant 0 : i32
      %dma_start3A_877 = tpu.memref_slice %arg5[%dma_start3A_876, %multiple_of3A_857] : memref<32x1000000xf32, #tpu.memory_space<hbm>> -> memref<32x128xf32, #tpu.memory_space<hbm>>
      %dma_start3A_878 = arith.constant 0 : i32
      %dma_start3A_879 = arith.constant 0 : i32
      %dma_start3A_880 = tpu.memref_slice %arg10[%dma_start3A_871, %dma_start3A_878, %dma_start3A_879] : memref<8x32x128xf32, #tpu.memory_space<vmem>> -> memref<1x32x128xf32, #tpu.memory_space<vmem>>
      %dma_start3A_881 = tpu.memref_squeeze %dma_start3A_880 : memref<1x32x128xf32, #tpu.memory_space<vmem>> -> memref<32x128xf32, #tpu.memory_space<vmem>>
      %dma_start3A_882 = arith.constant 0 : i32
      %dma_start3A_883 = tpu.memref_slice %arg5[%dma_start3A_882, %multiple_of3A_857] : memref<32x1000000xf32, #tpu.memory_space<hbm>> -> memref<32x128xf32, #tpu.memory_space<hbm>>
      tpu.enqueue_dma source(%dma_start3A_883 : memref<32x128xf32, #tpu.memory_space<hbm>>) target(%dma_start3A_881 : memref<32x128xf32, #tpu.memory_space<vmem>>) target_semaphore(%arg13 : memref<!tpu.dma_semaphore, #tpu.memory_space<semaphore_mem>>)
      %dma_wait3A_884 = arith.constant 1 : i32
      %dma_wait3A_885 = arith.constant 0 : i32
      %dma_wait3A_886 = arith.constant 0 : i32
      %dma_wait3A_887 = tpu.memref_slice %arg9[%dma_wait3A_884, %dma_wait3A_885, %dma_wait3A_886] : memref<8x32x128xf32, #tpu.memory_space<vmem>> -> memref<1x32x128xf32, #tpu.memory_space<vmem>>
      %dma_wait3A_888 = tpu.memref_squeeze %dma_wait3A_887 : memref<1x32x128xf32, #tpu.memory_space<vmem>> -> memref<32x128xf32, #tpu.memory_space<vmem>>
      %dma_wait3A_889 = arith.constant 0 : i32
      %dma_wait3A_890 = arith.constant 0 : i32
      %dma_wait3A_891 = tpu.memref_slice %arg4[%dma_wait3A_889, %dma_wait3A_890] : memref<32x1000000xf32, #tpu.memory_space<hbm>> -> memref<32x128xf32, #tpu.memory_space<hbm>>
      %dma_wait3A_892 = arith.constant 0 : i32
      %dma_wait3A_893 = arith.constant 0 : i32
      %dma_wait3A_894 = tpu.memref_slice %arg9[%dma_wait3A_884, %dma_wait3A_892, %dma_wait3A_893] : memref<8x32x128xf32, #tpu.memory_space<vmem>> -> memref<1x32x128xf32, #tpu.memory_space<vmem>>
      %dma_wait3A_895 = tpu.memref_squeeze %dma_wait3A_894 : memref<1x32x128xf32, #tpu.memory_space<vmem>> -> memref<32x128xf32, #tpu.memory_space<vmem>>
      %dma_wait3A_896 = arith.constant 0 : i32
      %dma_wait3A_897 = arith.constant 0 : i32
      %dma_wait3A_898 = tpu.memref_slice %arg4[%dma_wait3A_896, %dma_wait3A_897] : memref<32x1000000xf32, #tpu.memory_space<hbm>> -> memref<32x128xf32, #tpu.memory_space<hbm>>
      tpu.wait_dma2 semaphore(%arg12 : memref<!tpu.dma_semaphore, #tpu.memory_space<semaphore_mem>>) src(%dma_wait3A_898 : memref<32x128xf32, #tpu.memory_space<hbm>>) dst(%dma_wait3A_895 : memref<32x128xf32, #tpu.memory_space<vmem>>)
      %dma_wait3A_899 = arith.constant 1 : i32
      %dma_wait3A_900 = arith.constant 0 : i32
      %dma_wait3A_901 = arith.constant 0 : i32
      %dma_wait3A_902 = tpu.memref_slice %arg10[%dma_wait3A_899, %dma_wait3A_900, %dma_wait3A_901] : memref<8x32x128xf32, #tpu.memory_space<vmem>> -> memref<1x32x128xf32, #tpu.memory_space<vmem>>
      %dma_wait3A_903 = tpu.memref_squeeze %dma_wait3A_902 : memref<1x32x128xf32, #tpu.memory_space<vmem>> -> memref<32x128xf32, #tpu.memory_space<vmem>>
      %dma_wait3A_904 = arith.constant 0 : i32
      %dma_wait3A_905 = arith.constant 0 : i32
      %dma_wait3A_906 = tpu.memref_slice %arg5[%dma_wait3A_904, %dma_wait3A_905] : memref<32x1000000xf32, #tpu.memory_space<hbm>> -> memref<32x128xf32, #tpu.memory_space<hbm>>
      %dma_wait3A_907 = arith.constant 0 : i32
      %dma_wait3A_908 = arith.constant 0 : i32
      %dma_wait3A_909 = tpu.memref_slice %arg10[%dma_wait3A_899, %dma_wait3A_907, %dma_wait3A_908] : memref<8x32x128xf32, #tpu.memory_space<vmem>> -> memref<1x32x128xf32, #tpu.memory_space<vmem>>
      %dma_wait3A_910 = tpu.memref_squeeze %dma_wait3A_909 : memref<1x32x128xf32, #tpu.memory_space<vmem>> -> memref<32x128xf32, #tpu.memory_space<vmem>>
      %dma_wait3A_911 = arith.constant 0 : i32
      %dma_wait3A_912 = arith.constant 0 : i32
      %dma_wait3A_913 = tpu.memref_slice %arg5[%dma_wait3A_911, %dma_wait3A_912] : memref<32x1000000xf32, #tpu.memory_space<hbm>> -> memref<32x128xf32, #tpu.memory_space<hbm>>
      tpu.wait_dma2 semaphore(%arg13 : memref<!tpu.dma_semaphore, #tpu.memory_space<semaphore_mem>>) src(%dma_wait3A_913 : memref<32x128xf32, #tpu.memory_space<hbm>>) dst(%dma_wait3A_910 : memref<32x128xf32, #tpu.memory_space<vmem>>)
      %broadcast_in_dim3A_914 = arith.constant 0 : i32
      %broadcast_in_dim3A_915 = vector.broadcast %broadcast_in_dim3A_914 : i32 to vector<16xi32>
      %slice3A_916 = vector.extract_strided_slice %get3A_596 {offsets = [1], sizes = [1], strides = [1]} : vector<16xi32> to vector<1xi32>
      %squeeze3A_917 = vector.extract %slice3A_916[0] : i32 from vector<1xi32>
      %jit3A_918 = arith.constant 128 : i32
      %eq3A_919 = arith.constant 0 : i32
      %eq3A_920 = arith.cmpi eq, %jit3A_918, %eq3A_919 : i32
      %jit3A_921 = arith.constant 1 : i32
      %select_n3A_922 = arith.select %eq3A_920, %jit3A_921, %jit3A_918 : i32
      %rem3A_923 = arith.remsi %squeeze3A_917, %select_n3A_922 : i32
      %ne3A_924 = arith.constant 0 : i32
      %ne3A_925 = arith.cmpi ne, %rem3A_923, %ne3A_924 : i32
      %lt3A_926 = arith.constant 0 : i32
      %lt3A_927 = arith.cmpi slt, %rem3A_923, %lt3A_926 : i32
      %lt3A_928 = arith.constant 0 : i32
      %lt3A_929 = arith.cmpi slt, %select_n3A_922, %lt3A_928 : i32
      %ne3A_930 = arith.xori %lt3A_927, %lt3A_929 : i1
      %and3A_931 = arith.andi %ne3A_930, %ne3A_925 : i1
      %add3A_932 = arith.addi %rem3A_923, %select_n3A_922 : i32
      %select_n3A_933 = arith.select %and3A_931, %add3A_932, %rem3A_923 : i32
      %add3A_934 = vector.broadcast %select_n3A_933 : i32 to vector<16xi32>
      %add3A_935 = arith.addi %broadcast_in_dim3A_915, %add3A_934 : vector<16xi32>
      %broadcast_in_dim3A_936 = arith.constant 0 : i32
      %broadcast_in_dim3A_937 = vector.broadcast %broadcast_in_dim3A_936 : i32 to vector<16xi32>
      %slice3A_938 = vector.extract_strided_slice %get3A_600 {offsets = [1], sizes = [1], strides = [1]} : vector<16xi32> to vector<1xi32>
      %squeeze3A_939 = vector.extract %slice3A_938[0] : i32 from vector<1xi32>
      %jit3A_940 = arith.constant 128 : i32
      %eq3A_941 = arith.constant 0 : i32
      %eq3A_942 = arith.cmpi eq, %jit3A_940, %eq3A_941 : i32
      %jit3A_943 = arith.constant 1 : i32
      %select_n3A_944 = arith.select %eq3A_942, %jit3A_943, %jit3A_940 : i32
      %rem3A_945 = arith.remsi %squeeze3A_939, %select_n3A_944 : i32
      %ne3A_946 = arith.constant 0 : i32
      %ne3A_947 = arith.cmpi ne, %rem3A_945, %ne3A_946 : i32
      %lt3A_948 = arith.constant 0 : i32
      %lt3A_949 = arith.cmpi slt, %rem3A_945, %lt3A_948 : i32
      %lt3A_950 = arith.constant 0 : i32
      %lt3A_951 = arith.cmpi slt, %select_n3A_944, %lt3A_950 : i32
      %ne3A_952 = arith.xori %lt3A_949, %lt3A_951 : i1
      %and3A_953 = arith.andi %ne3A_952, %ne3A_947 : i1
      %add3A_954 = arith.addi %rem3A_945, %select_n3A_944 : i32
      %select_n3A_955 = arith.select %and3A_953, %add3A_954, %rem3A_945 : i32
      %add3A_956 = vector.broadcast %select_n3A_955 : i32 to vector<16xi32>
      %add3A_957 = arith.addi %broadcast_in_dim3A_937, %add3A_956 : vector<16xi32>
      %gather3A_958 = arith.constant 1 : i32
      %gather3A_959 = arith.constant 0 : i32
      %gather3A_960 = arith.constant 0 : i32
      %gather3A_961 = tpu.memref_slice %arg9[%gather3A_958, %gather3A_959, %gather3A_960] : memref<8x32x128xf32, #tpu.memory_space<vmem>> -> memref<1x32x128xf32, #tpu.memory_space<vmem>>
      %gather3A_962 = tpu.memref_squeeze %gather3A_961 : memref<1x32x128xf32, #tpu.memory_space<vmem>> -> memref<32x128xf32, #tpu.memory_space<vmem>>
      %gather3A_963 = tpu.vector_load_idx %gather3A_962[%iota3A, %add3A_935] : memref<32x128xf32, #tpu.memory_space<vmem>>[vector<16xi32>, vector<16xi32>], vector<16xf32>,
      %gather3A_964 = arith.constant 1 : i32
      %gather3A_965 = arith.constant 0 : i32
      %gather3A_966 = arith.constant 0 : i32
      %gather3A_967 = tpu.memref_slice %arg9[%gather3A_964, %gather3A_965, %gather3A_966] : memref<8x32x128xf32, #tpu.memory_space<vmem>> -> memref<1x32x128xf32, #tpu.memory_space<vmem>>
      %gather3A_968 = tpu.memref_squeeze %gather3A_967 : memref<1x32x128xf32, #tpu.memory_space<vmem>> -> memref<32x128xf32, #tpu.memory_space<vmem>>
      %gather3A_969 = tpu.vector_load_idx %gather3A_968[%add3A_5, %add3A_935] : memref<32x128xf32, #tpu.memory_space<vmem>>[vector<16xi32>, vector<16xi32>], vector<16xf32>,
      %gather3A_970 = arith.constant 1 : i32
      %gather3A_971 = arith.constant 0 : i32
      %gather3A_972 = arith.constant 0 : i32
      %gather3A_973 = tpu.memref_slice %arg10[%gather3A_970, %gather3A_971, %gather3A_972] : memref<8x32x128xf32, #tpu.memory_space<vmem>> -> memref<1x32x128xf32, #tpu.memory_space<vmem>>
      %gather3A_974 = tpu.memref_squeeze %gather3A_973 : memref<1x32x128xf32, #tpu.memory_space<vmem>> -> memref<32x128xf32, #tpu.memory_space<vmem>>
      %gather3A_975 = tpu.vector_load_idx %gather3A_974[%iota3A, %add3A_957] : memref<32x128xf32, #tpu.memory_space<vmem>>[vector<16xi32>, vector<16xi32>], vector<16xf32>,
      %gather3A_976 = arith.constant 1 : i32
      %gather3A_977 = arith.constant 0 : i32
      %gather3A_978 = arith.constant 0 : i32
      %gather3A_979 = tpu.memref_slice %arg10[%gather3A_976, %gather3A_977, %gather3A_978] : memref<8x32x128xf32, #tpu.memory_space<vmem>> -> memref<1x32x128xf32, #tpu.memory_space<vmem>>
      %gather3A_980 = tpu.memref_squeeze %gather3A_979 : memref<1x32x128xf32, #tpu.memory_space<vmem>> -> memref<32x128xf32, #tpu.memory_space<vmem>>
      %gather3A_981 = tpu.vector_load_idx %gather3A_980[%add3A_5, %add3A_957] : memref<32x128xf32, #tpu.memory_space<vmem>>[vector<16xi32>, vector<16xi32>], vector<16xf32>,
      %mul3A_982 = arith.mulf %gather3A_963, %gather3A_975 : vector<16xf32>
      %mul3A_983 = arith.mulf %gather3A_969, %gather3A_981 : vector<16xf32>
      %add3A_984 = arith.addf %mul3A_982, %mul3A_983 : vector<16xf32>
      %reduce_sum3A_985 = arith.constant true
      %reduce_sum3A_986 = vector.broadcast %reduce_sum3A_985 : i1 to vector<16xi1>
      %reduce_sum3A_987 = tpu.scan <sum>, %add3A_984 masked %reduce_sum3A_986 : vector<16xf32>, vector<16xi1> -> vector<16xf32>
      %reduce_sum3A_988 = vector.extract %reduce_sum3A_987[15] : f32 from vector<16xf32>
      %eq3A_989 = arith.constant 1 : i32
      %eq3A_990 = vector.broadcast %eq3A_989 : i32 to vector<16xi32>
      %eq3A_991 = arith.cmpi eq, %iota3A, %eq3A_990 : vector<16xi32>
      %broadcast_in_dim3A_992 = vector.broadcast %reduce_sum3A_988 : f32 to vector<16xf32>
      %select_n3A_993 = arith.select %eq3A_991, %broadcast_in_dim3A_992, %select_n3A_799 : vector<16xi1>, vector<16xf32>
      %slice3A_994 = vector.extract_strided_slice %get3A_596 {offsets = [9], sizes = [1], strides = [1]} : vector<16xi32> to vector<1xi32>
      %squeeze3A_995 = vector.extract %slice3A_994[0] : i32 from vector<1xi32>
      %jit3A_996 = arith.constant 128 : i32
      %div3A_997 = arith.divsi %squeeze3A_995, %jit3A_996 : i32
      %sign3A_998 = arith.constant 0 : i32
      %sign3A_999 = arith.cmpi sgt, %squeeze3A_995, %sign3A_998 : i32
      %sign3A_1000 = arith.extui %sign3A_999 : i1 to i32
      %sign3A_1001 = arith.constant 0 : i32
      %sign3A_1002 = arith.cmpi slt, %squeeze3A_995, %sign3A_1001 : i32
      %sign3A_1003 = arith.extui %sign3A_1002 : i1 to i32
      %sign3A_1004 = arith.subi %sign3A_1000, %sign3A_1003 : i32
      %sign3A_1005 = arith.constant 0 : i32
      %sign3A_1006 = arith.cmpi sgt, %jit3A_996, %sign3A_1005 : i32
      %sign3A_1007 = arith.extui %sign3A_1006 : i1 to i32
      %sign3A_1008 = arith.constant 0 : i32
      %sign3A_1009 = arith.cmpi slt, %jit3A_996, %sign3A_1008 : i32
      %sign3A_1010 = arith.extui %sign3A_1009 : i1 to i32
      %sign3A_1011 = arith.subi %sign3A_1007, %sign3A_1010 : i32
      %ne3A_1012 = arith.cmpi ne, %sign3A_1004, %sign3A_1011 : i32
      %rem3A_1013 = arith.remsi %squeeze3A_995, %jit3A_996 : i32
      %ne3A_1014 = arith.constant 0 : i32
      %ne3A_1015 = arith.cmpi ne, %rem3A_1013, %ne3A_1014 : i32
      %and3A_1016 = arith.andi %ne3A_1012, %ne3A_1015 : i1
      %sub3A_1017 = arith.constant 1 : i32
      %sub3A_1018 = arith.subi %div3A_997, %sub3A_1017 : i32
      %select_n3A_1019 = arith.select %and3A_1016, %sub3A_1018, %div3A_997 : i32
      %mul3A_1020 = arith.constant 128 : i32
      %mul3A_1021 = arith.muli %select_n3A_1019, %mul3A_1020 : i32
      %multiple_of3A_1022 = tpu.assume_multiple %mul3A_1021, 128 : i32
      %slice3A_1023 = vector.extract_strided_slice %get3A_600 {offsets = [9], sizes = [1], strides = [1]} : vector<16xi32> to vector<1xi32>
      %squeeze3A_1024 = vector.extract %slice3A_1023[0] : i32 from vector<1xi32>
      %jit3A_1025 = arith.constant 128 : i32
      %div3A_1026 = arith.divsi %squeeze3A_1024, %jit3A_1025 : i32
      %sign3A_1027 = arith.constant 0 : i32
      %sign3A_1028 = arith.cmpi sgt, %squeeze3A_1024, %sign3A_1027 : i32
      %sign3A_1029 = arith.extui %sign3A_1028 : i1 to i32
      %sign3A_1030 = arith.constant 0 : i32
      %sign3A_1031 = arith.cmpi slt, %squeeze3A_1024, %sign3A_1030 : i32
      %sign3A_1032 = arith.extui %sign3A_1031 : i1 to i32
      %sign3A_1033 = arith.subi %sign3A_1029, %sign3A_1032 : i32
      %sign3A_1034 = arith.constant 0 : i32
      %sign3A_1035 = arith.cmpi sgt, %jit3A_1025, %sign3A_1034 : i32
      %sign3A_1036 = arith.extui %sign3A_1035 : i1 to i32
      %sign3A_1037 = arith.constant 0 : i32
      %sign3A_1038 = arith.cmpi slt, %jit3A_1025, %sign3A_1037 : i32
      %sign3A_1039 = arith.extui %sign3A_1038 : i1 to i32
      %sign3A_1040 = arith.subi %sign3A_1036, %sign3A_1039 : i32
      %ne3A_1041 = arith.cmpi ne, %sign3A_1033, %sign3A_1040 : i32
      %rem3A_1042 = arith.remsi %squeeze3A_1024, %jit3A_1025 : i32
      %ne3A_1043 = arith.constant 0 : i32
      %ne3A_1044 = arith.cmpi ne, %rem3A_1042, %ne3A_1043 : i32
      %and3A_1045 = arith.andi %ne3A_1041, %ne3A_1044 : i1
      %sub3A_1046 = arith.constant 1 : i32
      %sub3A_1047 = arith.subi %div3A_1026, %sub3A_1046 : i32
      %select_n3A_1048 = arith.select %and3A_1045, %sub3A_1047, %div3A_1026 : i32
      %mul3A_1049 = arith.constant 128 : i32
      %mul3A_1050 = arith.muli %select_n3A_1048, %mul3A_1049 : i32
      %multiple_of3A_1051 = tpu.assume_multiple %mul3A_1050, 128 : i32
      %dma_start3A_1052 = arith.constant 1 : i32
      %dma_start3A_1053 = arith.constant 0 : i32
      %dma_start3A_1054 = arith.constant 0 : i32
      %dma_start3A_1055 = tpu.memref_slice %arg9[%dma_start3A_1052, %dma_start3A_1053, %dma_start3A_1054] : memref<8x32x128xf32, #tpu.memory_space<vmem>> -> memref<1x32x128xf32, #tpu.memory_space<vmem>>
      %dma_start3A_1056 = tpu.memref_squeeze %dma_start3A_1055 : memref<1x32x128xf32, #tpu.memory_space<vmem>> -> memref<32x128xf32, #tpu.memory_space<vmem>>
      %dma_start3A_1057 = arith.constant 0 : i32
      %dma_start3A_1058 = tpu.memref_slice %arg4[%dma_start3A_1057, %multiple_of3A_1022] : memref<32x1000000xf32, #tpu.memory_space<hbm>> -> memref<32x128xf32, #tpu.memory_space<hbm>>
      %dma_start3A_1059 = arith.constant 0 : i32
      %dma_start3A_1060 = arith.constant 0 : i32
      %dma_start3A_1061 = tpu.memref_slice %arg9[%dma_start3A_1052, %dma_start3A_1059, %dma_start3A_1060] : memref<8x32x128xf32, #tpu.memory_space<vmem>> -> memref<1x32x128xf32, #tpu.memory_space<vmem>>
      %dma_start3A_1062 = tpu.memref_squeeze %dma_start3A_1061 : memref<1x32x128xf32, #tpu.memory_space<vmem>> -> memref<32x128xf32, #tpu.memory_space<vmem>>
      %dma_start3A_1063 = arith.constant 0 : i32
      %dma_start3A_1064 = tpu.memref_slice %arg4[%dma_start3A_1063, %multiple_of3A_1022] : memref<32x1000000xf32, #tpu.memory_space<hbm>> -> memref<32x128xf32, #tpu.memory_space<hbm>>
      tpu.enqueue_dma source(%dma_start3A_1064 : memref<32x128xf32, #tpu.memory_space<hbm>>) target(%dma_start3A_1062 : memref<32x128xf32, #tpu.memory_space<vmem>>) target_semaphore(%arg12 : memref<!tpu.dma_semaphore, #tpu.memory_space<semaphore_mem>>)
      %dma_start3A_1065 = arith.constant 1 : i32
      %dma_start3A_1066 = arith.constant 0 : i32
      %dma_start3A_1067 = arith.constant 0 : i32
      %dma_start3A_1068 = tpu.memref_slice %arg10[%dma_start3A_1065, %dma_start3A_1066, %dma_start3A_1067] : memref<8x32x128xf32, #tpu.memory_space<vmem>> -> memref<1x32x128xf32, #tpu.memory_space<vmem>>
      %dma_start3A_1069 = tpu.memref_squeeze %dma_start3A_1068 : memref<1x32x128xf32, #tpu.memory_space<vmem>> -> memref<32x128xf32, #tpu.memory_space<vmem>>
      %dma_start3A_1070 = arith.constant 0 : i32
      %dma_start3A_1071 = tpu.memref_slice %arg5[%dma_start3A_1070, %multiple_of3A_1051] : memref<32x1000000xf32, #tpu.memory_space<hbm>> -> memref<32x128xf32, #tpu.memory_space<hbm>>
      %dma_start3A_1072 = arith.constant 0 : i32
      %dma_start3A_1073 = arith.constant 0 : i32
      %dma_start3A_1074 = tpu.memref_slice %arg10[%dma_start3A_1065, %dma_start3A_1072, %dma_start3A_1073] : memref<8x32x128xf32, #tpu.memory_space<vmem>> -> memref<1x32x128xf32, #tpu.memory_space<vmem>>
      %dma_start3A_1075 = tpu.memref_squeeze %dma_start3A_1074 : memref<1x32x128xf32, #tpu.memory_space<vmem>> -> memref<32x128xf32, #tpu.memory_space<vmem>>
      %dma_start3A_1076 = arith.constant 0 : i32
      %dma_start3A_1077 = tpu.memref_slice %arg5[%dma_start3A_1076, %multiple_of3A_1051] : memref<32x1000000xf32, #tpu.memory_space<hbm>> -> memref<32x128xf32, #tpu.memory_space<hbm>>
      tpu.enqueue_dma source(%dma_start3A_1077 : memref<32x128xf32, #tpu.memory_space<hbm>>) target(%dma_start3A_1075 : memref<32x128xf32, #tpu.memory_space<vmem>>) target_semaphore(%arg13 : memref<!tpu.dma_semaphore, #tpu.memory_space<semaphore_mem>>)
      %dma_wait3A_1078 = arith.constant 2 : i32
      %dma_wait3A_1079 = arith.constant 0 : i32
      %dma_wait3A_1080 = arith.constant 0 : i32
      %dma_wait3A_1081 = tpu.memref_slice %arg9[%dma_wait3A_1078, %dma_wait3A_1079, %dma_wait3A_1080] : memref<8x32x128xf32, #tpu.memory_space<vmem>> -> memref<1x32x128xf32, #tpu.memory_space<vmem>>
      %dma_wait3A_1082 = tpu.memref_squeeze %dma_wait3A_1081 : memref<1x32x128xf32, #tpu.memory_space<vmem>> -> memref<32x128xf32, #tpu.memory_space<vmem>>
      %dma_wait3A_1083 = arith.constant 0 : i32
      %dma_wait3A_1084 = arith.constant 0 : i32
      %dma_wait3A_1085 = tpu.memref_slice %arg4[%dma_wait3A_1083, %dma_wait3A_1084] : memref<32x1000000xf32, #tpu.memory_space<hbm>> -> memref<32x128xf32, #tpu.memory_space<hbm>>
      %dma_wait3A_1086 = arith.constant 0 : i32
      %dma_wait3A_1087 = arith.constant 0 : i32
      %dma_wait3A_1088 = tpu.memref_slice %arg9[%dma_wait3A_1078, %dma_wait3A_1086, %dma_wait3A_1087] : memref<8x32x128xf32, #tpu.memory_space<vmem>> -> memref<1x32x128xf32, #tpu.memory_space<vmem>>
      %dma_wait3A_1089 = tpu.memref_squeeze %dma_wait3A_1088 : memref<1x32x128xf32, #tpu.memory_space<vmem>> -> memref<32x128xf32, #tpu.memory_space<vmem>>
      %dma_wait3A_1090 = arith.constant 0 : i32
      %dma_wait3A_1091 = arith.constant 0 : i32
      %dma_wait3A_1092 = tpu.memref_slice %arg4[%dma_wait3A_1090, %dma_wait3A_1091] : memref<32x1000000xf32, #tpu.memory_space<hbm>> -> memref<32x128xf32, #tpu.memory_space<hbm>>
      tpu.wait_dma2 semaphore(%arg12 : memref<!tpu.dma_semaphore, #tpu.memory_space<semaphore_mem>>) src(%dma_wait3A_1092 : memref<32x128xf32, #tpu.memory_space<hbm>>) dst(%dma_wait3A_1089 : memref<32x128xf32, #tpu.memory_space<vmem>>)
      %dma_wait3A_1093 = arith.constant 2 : i32
      %dma_wait3A_1094 = arith.constant 0 : i32
      %dma_wait3A_1095 = arith.constant 0 : i32
      %dma_wait3A_1096 = tpu.memref_slice %arg10[%dma_wait3A_1093, %dma_wait3A_1094, %dma_wait3A_1095] : memref<8x32x128xf32, #tpu.memory_space<vmem>> -> memref<1x32x128xf32, #tpu.memory_space<vmem>>
      %dma_wait3A_1097 = tpu.memref_squeeze %dma_wait3A_1096 : memref<1x32x128xf32, #tpu.memory_space<vmem>> -> memref<32x128xf32, #tpu.memory_space<vmem>>
      %dma_wait3A_1098 = arith.constant 0 : i32
      %dma_wait3A_1099 = arith.constant 0 : i32
      %dma_wait3A_1100 = tpu.memref_slice %arg5[%dma_wait3A_1098, %dma_wait3A_1099] : memref<32x1000000xf32, #tpu.memory_space<hbm>> -> memref<32x128xf32, #tpu.memory_space<hbm>>
      %dma_wait3A_1101 = arith.constant 0 : i32
      %dma_wait3A_1102 = arith.constant 0 : i32
      %dma_wait3A_1103 = tpu.memref_slice %arg10[%dma_wait3A_1093, %dma_wait3A_1101, %dma_wait3A_1102] : memref<8x32x128xf32, #tpu.memory_space<vmem>> -> memref<1x32x128xf32, #tpu.memory_space<vmem>>
      %dma_wait3A_1104 = tpu.memref_squeeze %dma_wait3A_1103 : memref<1x32x128xf32, #tpu.memory_space<vmem>> -> memref<32x128xf32, #tpu.memory_space<vmem>>
      %dma_wait3A_1105 = arith.constant 0 : i32
      %dma_wait3A_1106 = arith.constant 0 : i32
      %dma_wait3A_1107 = tpu.memref_slice %arg5[%dma_wait3A_1105, %dma_wait3A_1106] : memref<32x1000000xf32, #tpu.memory_space<hbm>> -> memref<32x128xf32, #tpu.memory_space<hbm>>
      tpu.wait_dma2 semaphore(%arg13 : memref<!tpu.dma_semaphore, #tpu.memory_space<semaphore_mem>>) src(%dma_wait3A_1107 : memref<32x128xf32, #tpu.memory_space<hbm>>) dst(%dma_wait3A_1104 : memref<32x128xf32, #tpu.memory_space<vmem>>)
      %broadcast_in_dim3A_1108 = arith.constant 0 : i32
      %broadcast_in_dim3A_1109 = vector.broadcast %broadcast_in_dim3A_1108 : i32 to vector<16xi32>
      %slice3A_1110 = vector.extract_strided_slice %get3A_596 {offsets = [2], sizes = [1], strides = [1]} : vector<16xi32> to vector<1xi32>
      %squeeze3A_1111 = vector.extract %slice3A_1110[0] : i32 from vector<1xi32>
      %jit3A_1112 = arith.constant 128 : i32
      %eq3A_1113 = arith.constant 0 : i32
      %eq3A_1114 = arith.cmpi eq, %jit3A_1112, %eq3A_1113 : i32
      %jit3A_1115 = arith.constant 1 : i32
      %select_n3A_1116 = arith.select %eq3A_1114, %jit3A_1115, %jit3A_1112 : i32
      %rem3A_1117 = arith.remsi %squeeze3A_1111, %select_n3A_1116 : i32
      %ne3A_1118 = arith.constant 0 : i32
      %ne3A_1119 = arith.cmpi ne, %rem3A_1117, %ne3A_1118 : i32
      %lt3A_1120 = arith.constant 0 : i32
      %lt3A_1121 = arith.cmpi slt, %rem3A_1117, %lt3A_1120 : i32
      %lt3A_1122 = arith.constant 0 : i32
      %lt3A_1123 = arith.cmpi slt, %select_n3A_1116, %lt3A_1122 : i32
      %ne3A_1124 = arith.xori %lt3A_1121, %lt3A_1123 : i1
      %and3A_1125 = arith.andi %ne3A_1124, %ne3A_1119 : i1
      %add3A_1126 = arith.addi %rem3A_1117, %select_n3A_1116 : i32
      %select_n3A_1127 = arith.select %and3A_1125, %add3A_1126, %rem3A_1117 : i32
      %add3A_1128 = vector.broadcast %select_n3A_1127 : i32 to vector<16xi32>
      %add3A_1129 = arith.addi %broadcast_in_dim3A_1109, %add3A_1128 : vector<16xi32>
      %broadcast_in_dim3A_1130 = arith.constant 0 : i32
      %broadcast_in_dim3A_1131 = vector.broadcast %broadcast_in_dim3A_1130 : i32 to vector<16xi32>
      %slice3A_1132 = vector.extract_strided_slice %get3A_600 {offsets = [2], sizes = [1], strides = [1]} : vector<16xi32> to vector<1xi32>
      %squeeze3A_1133 = vector.extract %slice3A_1132[0] : i32 from vector<1xi32>
      %jit3A_1134 = arith.constant 128 : i32
      %eq3A_1135 = arith.constant 0 : i32
      %eq3A_1136 = arith.cmpi eq, %jit3A_1134, %eq3A_1135 : i32
      %jit3A_1137 = arith.constant 1 : i32
      %select_n3A_1138 = arith.select %eq3A_1136, %jit3A_1137, %jit3A_1134 : i32
      %rem3A_1139 = arith.remsi %squeeze3A_1133, %select_n3A_1138 : i32
      %ne3A_1140 = arith.constant 0 : i32
      %ne3A_1141 = arith.cmpi ne, %rem3A_1139, %ne3A_1140 : i32
      %lt3A_1142 = arith.constant 0 : i32
      %lt3A_1143 = arith.cmpi slt, %rem3A_1139, %lt3A_1142 : i32
      %lt3A_1144 = arith.constant 0 : i32
      %lt3A_1145 = arith.cmpi slt, %select_n3A_1138, %lt3A_1144 : i32
      %ne3A_1146 = arith.xori %lt3A_1143, %lt3A_1145 : i1
      %and3A_1147 = arith.andi %ne3A_1146, %ne3A_1141 : i1
      %add3A_1148 = arith.addi %rem3A_1139, %select_n3A_1138 : i32
      %select_n3A_1149 = arith.select %and3A_1147, %add3A_1148, %rem3A_1139 : i32
      %add3A_1150 = vector.broadcast %select_n3A_1149 : i32 to vector<16xi32>
      %add3A_1151 = arith.addi %broadcast_in_dim3A_1131, %add3A_1150 : vector<16xi32>
      %gather3A_1152 = arith.constant 2 : i32
      %gather3A_1153 = arith.constant 0 : i32
      %gather3A_1154 = arith.constant 0 : i32
      %gather3A_1155 = tpu.memref_slice %arg9[%gather3A_1152, %gather3A_1153, %gather3A_1154] : memref<8x32x128xf32, #tpu.memory_space<vmem>> -> memref<1x32x128xf32, #tpu.memory_space<vmem>>
      %gather3A_1156 = tpu.memref_squeeze %gather3A_1155 : memref<1x32x128xf32, #tpu.memory_space<vmem>> -> memref<32x128xf32, #tpu.memory_space<vmem>>
      %gather3A_1157 = tpu.vector_load_idx %gather3A_1156[%iota3A, %add3A_1129] : memref<32x128xf32, #tpu.memory_space<vmem>>[vector<16xi32>, vector<16xi32>], vector<16xf32>,
      %gather3A_1158 = arith.constant 2 : i32
      %gather3A_1159 = arith.constant 0 : i32
      %gather3A_1160 = arith.constant 0 : i32
      %gather3A_1161 = tpu.memref_slice %arg9[%gather3A_1158, %gather3A_1159, %gather3A_1160] : memref<8x32x128xf32, #tpu.memory_space<vmem>> -> memref<1x32x128xf32, #tpu.memory_space<vmem>>
      %gather3A_1162 = tpu.memref_squeeze %gather3A_1161 : memref<1x32x128xf32, #tpu.memory_space<vmem>> -> memref<32x128xf32, #tpu.memory_space<vmem>>
      %gather3A_1163 = tpu.vector_load_idx %gather3A_1162[%add3A_5, %add3A_1129] : memref<32x128xf32, #tpu.memory_space<vmem>>[vector<16xi32>, vector<16xi32>], vector<16xf32>,
      %gather3A_1164 = arith.constant 2 : i32
      %gather3A_1165 = arith.constant 0 : i32
      %gather3A_1166 = arith.constant 0 : i32
      %gather3A_1167 = tpu.memref_slice %arg10[%gather3A_1164, %gather3A_1165, %gather3A_1166] : memref<8x32x128xf32, #tpu.memory_space<vmem>> -> memref<1x32x128xf32, #tpu.memory_space<vmem>>
      %gather3A_1168 = tpu.memref_squeeze %gather3A_1167 : memref<1x32x128xf32, #tpu.memory_space<vmem>> -> memref<32x128xf32, #tpu.memory_space<vmem>>
      %gather3A_1169 = tpu.vector_load_idx %gather3A_1168[%iota3A, %add3A_1151] : memref<32x128xf32, #tpu.memory_space<vmem>>[vector<16xi32>, vector<16xi32>], vector<16xf32>,
      %gather3A_1170 = arith.constant 2 : i32
      %gather3A_1171 = arith.constant 0 : i32
      %gather3A_1172 = arith.constant 0 : i32
      %gather3A_1173 = tpu.memref_slice %arg10[%gather3A_1170, %gather3A_1171, %gather3A_1172] : memref<8x32x128xf32, #tpu.memory_space<vmem>> -> memref<1x32x128xf32, #tpu.memory_space<vmem>>
      %gather3A_1174 = tpu.memref_squeeze %gather3A_1173 : memref<1x32x128xf32, #tpu.memory_space<vmem>> -> memref<32x128xf32, #tpu.memory_space<vmem>>
      %gather3A_1175 = tpu.vector_load_idx %gather3A_1174[%add3A_5, %add3A_1151] : memref<32x128xf32, #tpu.memory_space<vmem>>[vector<16xi32>, vector<16xi32>], vector<16xf32>,
      %mul3A_1176 = arith.mulf %gather3A_1157, %gather3A_1169 : vector<16xf32>
      %mul3A_1177 = arith.mulf %gather3A_1163, %gather3A_1175 : vector<16xf32>
      %add3A_1178 = arith.addf %mul3A_1176, %mul3A_1177 : vector<16xf32>
      %reduce_sum3A_1179 = arith.constant true
      %reduce_sum3A_1180 = vector.broadcast %reduce_sum3A_1179 : i1 to vector<16xi1>
      %reduce_sum3A_1181 = tpu.scan <sum>, %add3A_1178 masked %reduce_sum3A_1180 : vector<16xf32>, vector<16xi1> -> vector<16xf32>
      %reduce_sum3A_1182 = vector.extract %reduce_sum3A_1181[15] : f32 from vector<16xf32>
      %eq3A_1183 = arith.constant 2 : i32
      %eq3A_1184 = vector.broadcast %eq3A_1183 : i32 to vector<16xi32>
      %eq3A_1185 = arith.cmpi eq, %iota3A, %eq3A_1184 : vector<16xi32>
      %broadcast_in_dim3A_1186 = vector.broadcast %reduce_sum3A_1182 : f32 to vector<16xf32>
      %select_n3A_1187 = arith.select %eq3A_1185, %broadcast_in_dim3A_1186, %select_n3A_993 : vector<16xi1>, vector<16xf32>
      %slice3A_1188 = vector.extract_strided_slice %get3A_596 {offsets = [10], sizes = [1], strides = [1]} : vector<16xi32> to vector<1xi32>
      %squeeze3A_1189 = vector.extract %slice3A_1188[0] : i32 from vector<1xi32>
      %jit3A_1190 = arith.constant 128 : i32
      %div3A_1191 = arith.divsi %squeeze3A_1189, %jit3A_1190 : i32
      %sign3A_1192 = arith.constant 0 : i32
      %sign3A_1193 = arith.cmpi sgt, %squeeze3A_1189, %sign3A_1192 : i32
      %sign3A_1194 = arith.extui %sign3A_1193 : i1 to i32
      %sign3A_1195 = arith.constant 0 : i32
      %sign3A_1196 = arith.cmpi slt, %squeeze3A_1189, %sign3A_1195 : i32
      %sign3A_1197 = arith.extui %sign3A_1196 : i1 to i32
      %sign3A_1198 = arith.subi %sign3A_1194, %sign3A_1197 : i32
      %sign3A_1199 = arith.constant 0 : i32
      %sign3A_1200 = arith.cmpi sgt, %jit3A_1190, %sign3A_1199 : i32
      %sign3A_1201 = arith.extui %sign3A_1200 : i1 to i32
      %sign3A_1202 = arith.constant 0 : i32
      %sign3A_1203 = arith.cmpi slt, %jit3A_1190, %sign3A_1202 : i32
      %sign3A_1204 = arith.extui %sign3A_1203 : i1 to i32
      %sign3A_1205 = arith.subi %sign3A_1201, %sign3A_1204 : i32
      %ne3A_1206 = arith.cmpi ne, %sign3A_1198, %sign3A_1205 : i32
      %rem3A_1207 = arith.remsi %squeeze3A_1189, %jit3A_1190 : i32
      %ne3A_1208 = arith.constant 0 : i32
      %ne3A_1209 = arith.cmpi ne, %rem3A_1207, %ne3A_1208 : i32
      %and3A_1210 = arith.andi %ne3A_1206, %ne3A_1209 : i1
      %sub3A_1211 = arith.constant 1 : i32
      %sub3A_1212 = arith.subi %div3A_1191, %sub3A_1211 : i32
      %select_n3A_1213 = arith.select %and3A_1210, %sub3A_1212, %div3A_1191 : i32
      %mul3A_1214 = arith.constant 128 : i32
      %mul3A_1215 = arith.muli %select_n3A_1213, %mul3A_1214 : i32
      %multiple_of3A_1216 = tpu.assume_multiple %mul3A_1215, 128 : i32
      %slice3A_1217 = vector.extract_strided_slice %get3A_600 {offsets = [10], sizes = [1], strides = [1]} : vector<16xi32> to vector<1xi32>
      %squeeze3A_1218 = vector.extract %slice3A_1217[0] : i32 from vector<1xi32>
      %jit3A_1219 = arith.constant 128 : i32
      %div3A_1220 = arith.divsi %squeeze3A_1218, %jit3A_1219 : i32
      %sign3A_1221 = arith.constant 0 : i32
      %sign3A_1222 = arith.cmpi sgt, %squeeze3A_1218, %sign3A_1221 : i32
      %sign3A_1223 = arith.extui %sign3A_1222 : i1 to i32
      %sign3A_1224 = arith.constant 0 : i32
      %sign3A_1225 = arith.cmpi slt, %squeeze3A_1218, %sign3A_1224 : i32
      %sign3A_1226 = arith.extui %sign3A_1225 : i1 to i32
      %sign3A_1227 = arith.subi %sign3A_1223, %sign3A_1226 : i32
      %sign3A_1228 = arith.constant 0 : i32
      %sign3A_1229 = arith.cmpi sgt, %jit3A_1219, %sign3A_1228 : i32
      %sign3A_1230 = arith.extui %sign3A_1229 : i1 to i32
      %sign3A_1231 = arith.constant 0 : i32
      %sign3A_1232 = arith.cmpi slt, %jit3A_1219, %sign3A_1231 : i32
      %sign3A_1233 = arith.extui %sign3A_1232 : i1 to i32
      %sign3A_1234 = arith.subi %sign3A_1230, %sign3A_1233 : i32
      %ne3A_1235 = arith.cmpi ne, %sign3A_1227, %sign3A_1234 : i32
      %rem3A_1236 = arith.remsi %squeeze3A_1218, %jit3A_1219 : i32
      %ne3A_1237 = arith.constant 0 : i32
      %ne3A_1238 = arith.cmpi ne, %rem3A_1236, %ne3A_1237 : i32
      %and3A_1239 = arith.andi %ne3A_1235, %ne3A_1238 : i1
      %sub3A_1240 = arith.constant 1 : i32
      %sub3A_1241 = arith.subi %div3A_1220, %sub3A_1240 : i32
      %select_n3A_1242 = arith.select %and3A_1239, %sub3A_1241, %div3A_1220 : i32
      %mul3A_1243 = arith.constant 128 : i32
      %mul3A_1244 = arith.muli %select_n3A_1242, %mul3A_1243 : i32
      %multiple_of3A_1245 = tpu.assume_multiple %mul3A_1244, 128 : i32
      %dma_start3A_1246 = arith.constant 2 : i32
      %dma_start3A_1247 = arith.constant 0 : i32
      %dma_start3A_1248 = arith.constant 0 : i32
      %dma_start3A_1249 = tpu.memref_slice %arg9[%dma_start3A_1246, %dma_start3A_1247, %dma_start3A_1248] : memref<8x32x128xf32, #tpu.memory_space<vmem>> -> memref<1x32x128xf32, #tpu.memory_space<vmem>>
      %dma_start3A_1250 = tpu.memref_squeeze %dma_start3A_1249 : memref<1x32x128xf32, #tpu.memory_space<vmem>> -> memref<32x128xf32, #tpu.memory_space<vmem>>
      %dma_start3A_1251 = arith.constant 0 : i32
      %dma_start3A_1252 = tpu.memref_slice %arg4[%dma_start3A_1251, %multiple_of3A_1216] : memref<32x1000000xf32, #tpu.memory_space<hbm>> -> memref<32x128xf32, #tpu.memory_space<hbm>>
      %dma_start3A_1253 = arith.constant 0 : i32
      %dma_start3A_1254 = arith.constant 0 : i32
      %dma_start3A_1255 = tpu.memref_slice %arg9[%dma_start3A_1246, %dma_start3A_1253, %dma_start3A_1254] : memref<8x32x128xf32, #tpu.memory_space<vmem>> -> memref<1x32x128xf32, #tpu.memory_space<vmem>>
      %dma_start3A_1256 = tpu.memref_squeeze %dma_start3A_1255 : memref<1x32x128xf32, #tpu.memory_space<vmem>> -> memref<32x128xf32, #tpu.memory_space<vmem>>
      %dma_start3A_1257 = arith.constant 0 : i32
      %dma_start3A_1258 = tpu.memref_slice %arg4[%dma_start3A_1257, %multiple_of3A_1216] : memref<32x1000000xf32, #tpu.memory_space<hbm>> -> memref<32x128xf32, #tpu.memory_space<hbm>>
      tpu.enqueue_dma source(%dma_start3A_1258 : memref<32x128xf32, #tpu.memory_space<hbm>>) target(%dma_start3A_1256 : memref<32x128xf32, #tpu.memory_space<vmem>>) target_semaphore(%arg12 : memref<!tpu.dma_semaphore, #tpu.memory_space<semaphore_mem>>)
      %dma_start3A_1259 = arith.constant 2 : i32
      %dma_start3A_1260 = arith.constant 0 : i32
      %dma_start3A_1261 = arith.constant 0 : i32
      %dma_start3A_1262 = tpu.memref_slice %arg10[%dma_start3A_1259, %dma_start3A_1260, %dma_start3A_1261] : memref<8x32x128xf32, #tpu.memory_space<vmem>> -> memref<1x32x128xf32, #tpu.memory_space<vmem>>
      %dma_start3A_1263 = tpu.memref_squeeze %dma_start3A_1262 : memref<1x32x128xf32, #tpu.memory_space<vmem>> -> memref<32x128xf32, #tpu.memory_space<vmem>>
      %dma_start3A_1264 = arith.constant 0 : i32
      %dma_start3A_1265 = tpu.memref_slice %arg5[%dma_start3A_1264, %multiple_of3A_1245] : memref<32x1000000xf32, #tpu.memory_space<hbm>> -> memref<32x128xf32, #tpu.memory_space<hbm>>
      %dma_start3A_1266 = arith.constant 0 : i32
      %dma_start3A_1267 = arith.constant 0 : i32
      %dma_start3A_1268 = tpu.memref_slice %arg10[%dma_start3A_1259, %dma_start3A_1266, %dma_start3A_1267] : memref<8x32x128xf32, #tpu.memory_space<vmem>> -> memref<1x32x128xf32, #tpu.memory_space<vmem>>
      %dma_start3A_1269 = tpu.memref_squeeze %dma_start3A_1268 : memref<1x32x128xf32, #tpu.memory_space<vmem>> -> memref<32x128xf32, #tpu.memory_space<vmem>>
      %dma_start3A_1270 = arith.constant 0 : i32
      %dma_start3A_1271 = tpu.memref_slice %arg5[%dma_start3A_1270, %multiple_of3A_1245] : memref<32x1000000xf32, #tpu.memory_space<hbm>> -> memref<32x128xf32, #tpu.memory_space<hbm>>
      tpu.enqueue_dma source(%dma_start3A_1271 : memref<32x128xf32, #tpu.memory_space<hbm>>) target(%dma_start3A_1269 : memref<32x128xf32, #tpu.memory_space<vmem>>) target_semaphore(%arg13 : memref<!tpu.dma_semaphore, #tpu.memory_space<semaphore_mem>>)
      %dma_wait3A_1272 = arith.constant 3 : i32
      %dma_wait3A_1273 = arith.constant 0 : i32
      %dma_wait3A_1274 = arith.constant 0 : i32
      %dma_wait3A_1275 = tpu.memref_slice %arg9[%dma_wait3A_1272, %dma_wait3A_1273, %dma_wait3A_1274] : memref<8x32x128xf32, #tpu.memory_space<vmem>> -> memref<1x32x128xf32, #tpu.memory_space<vmem>>
      %dma_wait3A_1276 = tpu.memref_squeeze %dma_wait3A_1275 : memref<1x32x128xf32, #tpu.memory_space<vmem>> -> memref<32x128xf32, #tpu.memory_space<vmem>>
      %dma_wait3A_1277 = arith.constant 0 : i32
      %dma_wait3A_1278 = arith.constant 0 : i32
      %dma_wait3A_1279 = tpu.memref_slice %arg4[%dma_wait3A_1277, %dma_wait3A_1278] : memref<32x1000000xf32, #tpu.memory_space<hbm>> -> memref<32x128xf32, #tpu.memory_space<hbm>>
      %dma_wait3A_1280 = arith.constant 0 : i32
      %dma_wait3A_1281 = arith.constant 0 : i32
      %dma_wait3A_1282 = tpu.memref_slice %arg9[%dma_wait3A_1272, %dma_wait3A_1280, %dma_wait3A_1281] : memref<8x32x128xf32, #tpu.memory_space<vmem>> -> memref<1x32x128xf32, #tpu.memory_space<vmem>>
      %dma_wait3A_1283 = tpu.memref_squeeze %dma_wait3A_1282 : memref<1x32x128xf32, #tpu.memory_space<vmem>> -> memref<32x128xf32, #tpu.memory_space<vmem>>
      %dma_wait3A_1284 = arith.constant 0 : i32
      %dma_wait3A_1285 = arith.constant 0 : i32
      %dma_wait3A_1286 = tpu.memref_slice %arg4[%dma_wait3A_1284, %dma_wait3A_1285] : memref<32x1000000xf32, #tpu.memory_space<hbm>> -> memref<32x128xf32, #tpu.memory_space<hbm>>
      tpu.wait_dma2 semaphore(%arg12 : memref<!tpu.dma_semaphore, #tpu.memory_space<semaphore_mem>>) src(%dma_wait3A_1286 : memref<32x128xf32, #tpu.memory_space<hbm>>) dst(%dma_wait3A_1283 : memref<32x128xf32, #tpu.memory_space<vmem>>)
      %dma_wait3A_1287 = arith.constant 3 : i32
      %dma_wait3A_1288 = arith.constant 0 : i32
      %dma_wait3A_1289 = arith.constant 0 : i32
      %dma_wait3A_1290 = tpu.memref_slice %arg10[%dma_wait3A_1287, %dma_wait3A_1288, %dma_wait3A_1289] : memref<8x32x128xf32, #tpu.memory_space<vmem>> -> memref<1x32x128xf32, #tpu.memory_space<vmem>>
      %dma_wait3A_1291 = tpu.memref_squeeze %dma_wait3A_1290 : memref<1x32x128xf32, #tpu.memory_space<vmem>> -> memref<32x128xf32, #tpu.memory_space<vmem>>
      %dma_wait3A_1292 = arith.constant 0 : i32
      %dma_wait3A_1293 = arith.constant 0 : i32
      %dma_wait3A_1294 = tpu.memref_slice %arg5[%dma_wait3A_1292, %dma_wait3A_1293] : memref<32x1000000xf32, #tpu.memory_space<hbm>> -> memref<32x128xf32, #tpu.memory_space<hbm>>
      %dma_wait3A_1295 = arith.constant 0 : i32
      %dma_wait3A_1296 = arith.constant 0 : i32
      %dma_wait3A_1297 = tpu.memref_slice %arg10[%dma_wait3A_1287, %dma_wait3A_1295, %dma_wait3A_1296] : memref<8x32x128xf32, #tpu.memory_space<vmem>> -> memref<1x32x128xf32, #tpu.memory_space<vmem>>
      %dma_wait3A_1298 = tpu.memref_squeeze %dma_wait3A_1297 : memref<1x32x128xf32, #tpu.memory_space<vmem>> -> memref<32x128xf32, #tpu.memory_space<vmem>>
      %dma_wait3A_1299 = arith.constant 0 : i32
      %dma_wait3A_1300 = arith.constant 0 : i32
      %dma_wait3A_1301 = tpu.memref_slice %arg5[%dma_wait3A_1299, %dma_wait3A_1300] : memref<32x1000000xf32, #tpu.memory_space<hbm>> -> memref<32x128xf32, #tpu.memory_space<hbm>>
      tpu.wait_dma2 semaphore(%arg13 : memref<!tpu.dma_semaphore, #tpu.memory_space<semaphore_mem>>) src(%dma_wait3A_1301 : memref<32x128xf32, #tpu.memory_space<hbm>>) dst(%dma_wait3A_1298 : memref<32x128xf32, #tpu.memory_space<vmem>>)
      %broadcast_in_dim3A_1302 = arith.constant 0 : i32
      %broadcast_in_dim3A_1303 = vector.broadcast %broadcast_in_dim3A_1302 : i32 to vector<16xi32>
      %slice3A_1304 = vector.extract_strided_slice %get3A_596 {offsets = [3], sizes = [1], strides = [1]} : vector<16xi32> to vector<1xi32>
      %squeeze3A_1305 = vector.extract %slice3A_1304[0] : i32 from vector<1xi32>
      %jit3A_1306 = arith.constant 128 : i32
      %eq3A_1307 = arith.constant 0 : i32
      %eq3A_1308 = arith.cmpi eq, %jit3A_1306, %eq3A_1307 : i32
      %jit3A_1309 = arith.constant 1 : i32
      %select_n3A_1310 = arith.select %eq3A_1308, %jit3A_1309, %jit3A_1306 : i32
      %rem3A_1311 = arith.remsi %squeeze3A_1305, %select_n3A_1310 : i32
      %ne3A_1312 = arith.constant 0 : i32
      %ne3A_1313 = arith.cmpi ne, %rem3A_1311, %ne3A_1312 : i32
      %lt3A_1314 = arith.constant 0 : i32
      %lt3A_1315 = arith.cmpi slt, %rem3A_1311, %lt3A_1314 : i32
      %lt3A_1316 = arith.constant 0 : i32
      %lt3A_1317 = arith.cmpi slt, %select_n3A_1310, %lt3A_1316 : i32
      %ne3A_1318 = arith.xori %lt3A_1315, %lt3A_1317 : i1
      %and3A_1319 = arith.andi %ne3A_1318, %ne3A_1313 : i1
      %add3A_1320 = arith.addi %rem3A_1311, %select_n3A_1310 : i32
      %select_n3A_1321 = arith.select %and3A_1319, %add3A_1320, %rem3A_1311 : i32
      %add3A_1322 = vector.broadcast %select_n3A_1321 : i32 to vector<16xi32>
      %add3A_1323 = arith.addi %broadcast_in_dim3A_1303, %add3A_1322 : vector<16xi32>
      %broadcast_in_dim3A_1324 = arith.constant 0 : i32
      %broadcast_in_dim3A_1325 = vector.broadcast %broadcast_in_dim3A_1324 : i32 to vector<16xi32>
      %slice3A_1326 = vector.extract_strided_slice %get3A_600 {offsets = [3], sizes = [1], strides = [1]} : vector<16xi32> to vector<1xi32>
      %squeeze3A_1327 = vector.extract %slice3A_1326[0] : i32 from vector<1xi32>
      %jit3A_1328 = arith.constant 128 : i32
      %eq3A_1329 = arith.constant 0 : i32
      %eq3A_1330 = arith.cmpi eq, %jit3A_1328, %eq3A_1329 : i32
      %jit3A_1331 = arith.constant 1 : i32
      %select_n3A_1332 = arith.select %eq3A_1330, %jit3A_1331, %jit3A_1328 : i32
      %rem3A_1333 = arith.remsi %squeeze3A_1327, %select_n3A_1332 : i32
      %ne3A_1334 = arith.constant 0 : i32
      %ne3A_1335 = arith.cmpi ne, %rem3A_1333, %ne3A_1334 : i32
      %lt3A_1336 = arith.constant 0 : i32
      %lt3A_1337 = arith.cmpi slt, %rem3A_1333, %lt3A_1336 : i32
      %lt3A_1338 = arith.constant 0 : i32
      %lt3A_1339 = arith.cmpi slt, %select_n3A_1332, %lt3A_1338 : i32
      %ne3A_1340 = arith.xori %lt3A_1337, %lt3A_1339 : i1
      %and3A_1341 = arith.andi %ne3A_1340, %ne3A_1335 : i1
      %add3A_1342 = arith.addi %rem3A_1333, %select_n3A_1332 : i32
      %select_n3A_1343 = arith.select %and3A_1341, %add3A_1342, %rem3A_1333 : i32
      %add3A_1344 = vector.broadcast %select_n3A_1343 : i32 to vector<16xi32>
      %add3A_1345 = arith.addi %broadcast_in_dim3A_1325, %add3A_1344 : vector<16xi32>
      %gather3A_1346 = arith.constant 3 : i32
      %gather3A_1347 = arith.constant 0 : i32
      %gather3A_1348 = arith.constant 0 : i32
      %gather3A_1349 = tpu.memref_slice %arg9[%gather3A_1346, %gather3A_1347, %gather3A_1348] : memref<8x32x128xf32, #tpu.memory_space<vmem>> -> memref<1x32x128xf32, #tpu.memory_space<vmem>>
      %gather3A_1350 = tpu.memref_squeeze %gather3A_1349 : memref<1x32x128xf32, #tpu.memory_space<vmem>> -> memref<32x128xf32, #tpu.memory_space<vmem>>
      %gather3A_1351 = tpu.vector_load_idx %gather3A_1350[%iota3A, %add3A_1323] : memref<32x128xf32, #tpu.memory_space<vmem>>[vector<16xi32>, vector<16xi32>], vector<16xf32>,
      %gather3A_1352 = arith.constant 3 : i32
      %gather3A_1353 = arith.constant 0 : i32
      %gather3A_1354 = arith.constant 0 : i32
      %gather3A_1355 = tpu.memref_slice %arg9[%gather3A_1352, %gather3A_1353, %gather3A_1354] : memref<8x32x128xf32, #tpu.memory_space<vmem>> -> memref<1x32x128xf32, #tpu.memory_space<vmem>>
      %gather3A_1356 = tpu.memref_squeeze %gather3A_1355 : memref<1x32x128xf32, #tpu.memory_space<vmem>> -> memref<32x128xf32, #tpu.memory_space<vmem>>
      %gather3A_1357 = tpu.vector_load_idx %gather3A_1356[%add3A_5, %add3A_1323] : memref<32x128xf32, #tpu.memory_space<vmem>>[vector<16xi32>, vector<16xi32>], vector<16xf32>,
      %gather3A_1358 = arith.constant 3 : i32
      %gather3A_1359 = arith.constant 0 : i32
      %gather3A_1360 = arith.constant 0 : i32
      %gather3A_1361 = tpu.memref_slice %arg10[%gather3A_1358, %gather3A_1359, %gather3A_1360] : memref<8x32x128xf32, #tpu.memory_space<vmem>> -> memref<1x32x128xf32, #tpu.memory_space<vmem>>
      %gather3A_1362 = tpu.memref_squeeze %gather3A_1361 : memref<1x32x128xf32, #tpu.memory_space<vmem>> -> memref<32x128xf32, #tpu.memory_space<vmem>>
      %gather3A_1363 = tpu.vector_load_idx %gather3A_1362[%iota3A, %add3A_1345] : memref<32x128xf32, #tpu.memory_space<vmem>>[vector<16xi32>, vector<16xi32>], vector<16xf32>,
      %gather3A_1364 = arith.constant 3 : i32
      %gather3A_1365 = arith.constant 0 : i32
      %gather3A_1366 = arith.constant 0 : i32
      %gather3A_1367 = tpu.memref_slice %arg10[%gather3A_1364, %gather3A_1365, %gather3A_1366] : memref<8x32x128xf32, #tpu.memory_space<vmem>> -> memref<1x32x128xf32, #tpu.memory_space<vmem>>
      %gather3A_1368 = tpu.memref_squeeze %gather3A_1367 : memref<1x32x128xf32, #tpu.memory_space<vmem>> -> memref<32x128xf32, #tpu.memory_space<vmem>>
      %gather3A_1369 = tpu.vector_load_idx %gather3A_1368[%add3A_5, %add3A_1345] : memref<32x128xf32, #tpu.memory_space<vmem>>[vector<16xi32>, vector<16xi32>], vector<16xf32>,
      %mul3A_1370 = arith.mulf %gather3A_1351, %gather3A_1363 : vector<16xf32>
      %mul3A_1371 = arith.mulf %gather3A_1357, %gather3A_1369 : vector<16xf32>
      %add3A_1372 = arith.addf %mul3A_1370, %mul3A_1371 : vector<16xf32>
      %reduce_sum3A_1373 = arith.constant true
      %reduce_sum3A_1374 = vector.broadcast %reduce_sum3A_1373 : i1 to vector<16xi1>
      %reduce_sum3A_1375 = tpu.scan <sum>, %add3A_1372 masked %reduce_sum3A_1374 : vector<16xf32>, vector<16xi1> -> vector<16xf32>
      %reduce_sum3A_1376 = vector.extract %reduce_sum3A_1375[15] : f32 from vector<16xf32>
      %eq3A_1377 = arith.constant 3 : i32
      %eq3A_1378 = vector.broadcast %eq3A_1377 : i32 to vector<16xi32>
      %eq3A_1379 = arith.cmpi eq, %iota3A, %eq3A_1378 : vector<16xi32>
      %broadcast_in_dim3A_1380 = vector.broadcast %reduce_sum3A_1376 : f32 to vector<16xf32>
      %select_n3A_1381 = arith.select %eq3A_1379, %broadcast_in_dim3A_1380, %select_n3A_1187 : vector<16xi1>, vector<16xf32>
      %slice3A_1382 = vector.extract_strided_slice %get3A_596 {offsets = [11], sizes = [1], strides = [1]} : vector<16xi32> to vector<1xi32>
      %squeeze3A_1383 = vector.extract %slice3A_1382[0] : i32 from vector<1xi32>
      %jit3A_1384 = arith.constant 128 : i32
      %div3A_1385 = arith.divsi %squeeze3A_1383, %jit3A_1384 : i32
      %sign3A_1386 = arith.constant 0 : i32
      %sign3A_1387 = arith.cmpi sgt, %squeeze3A_1383, %sign3A_1386 : i32
      %sign3A_1388 = arith.extui %sign3A_1387 : i1 to i32
      %sign3A_1389 = arith.constant 0 : i32
      %sign3A_1390 = arith.cmpi slt, %squeeze3A_1383, %sign3A_1389 : i32
      %sign3A_1391 = arith.extui %sign3A_1390 : i1 to i32
      %sign3A_1392 = arith.subi %sign3A_1388, %sign3A_1391 : i32
      %sign3A_1393 = arith.constant 0 : i32
      %sign3A_1394 = arith.cmpi sgt, %jit3A_1384, %sign3A_1393 : i32
      %sign3A_1395 = arith.extui %sign3A_1394 : i1 to i32
      %sign3A_1396 = arith.constant 0 : i32
      %sign3A_1397 = arith.cmpi slt, %jit3A_1384, %sign3A_1396 : i32
      %sign3A_1398 = arith.extui %sign3A_1397 : i1 to i32
      %sign3A_1399 = arith.subi %sign3A_1395, %sign3A_1398 : i32
      %ne3A_1400 = arith.cmpi ne, %sign3A_1392, %sign3A_1399 : i32
      %rem3A_1401 = arith.remsi %squeeze3A_1383, %jit3A_1384 : i32
      %ne3A_1402 = arith.constant 0 : i32
      %ne3A_1403 = arith.cmpi ne, %rem3A_1401, %ne3A_1402 : i32
      %and3A_1404 = arith.andi %ne3A_1400, %ne3A_1403 : i1
      %sub3A_1405 = arith.constant 1 : i32
      %sub3A_1406 = arith.subi %div3A_1385, %sub3A_1405 : i32
      %select_n3A_1407 = arith.select %and3A_1404, %sub3A_1406, %div3A_1385 : i32
      %mul3A_1408 = arith.constant 128 : i32
      %mul3A_1409 = arith.muli %select_n3A_1407, %mul3A_1408 : i32
      %multiple_of3A_1410 = tpu.assume_multiple %mul3A_1409, 128 : i32
      %slice3A_1411 = vector.extract_strided_slice %get3A_600 {offsets = [11], sizes = [1], strides = [1]} : vector<16xi32> to vector<1xi32>
      %squeeze3A_1412 = vector.extract %slice3A_1411[0] : i32 from vector<1xi32>
      %jit3A_1413 = arith.constant 128 : i32
      %div3A_1414 = arith.divsi %squeeze3A_1412, %jit3A_1413 : i32
      %sign3A_1415 = arith.constant 0 : i32
      %sign3A_1416 = arith.cmpi sgt, %squeeze3A_1412, %sign3A_1415 : i32
      %sign3A_1417 = arith.extui %sign3A_1416 : i1 to i32
      %sign3A_1418 = arith.constant 0 : i32
      %sign3A_1419 = arith.cmpi slt, %squeeze3A_1412, %sign3A_1418 : i32
      %sign3A_1420 = arith.extui %sign3A_1419 : i1 to i32
      %sign3A_1421 = arith.subi %sign3A_1417, %sign3A_1420 : i32
      %sign3A_1422 = arith.constant 0 : i32
      %sign3A_1423 = arith.cmpi sgt, %jit3A_1413, %sign3A_1422 : i32
      %sign3A_1424 = arith.extui %sign3A_1423 : i1 to i32
      %sign3A_1425 = arith.constant 0 : i32
      %sign3A_1426 = arith.cmpi slt, %jit3A_1413, %sign3A_1425 : i32
      %sign3A_1427 = arith.extui %sign3A_1426 : i1 to i32
      %sign3A_1428 = arith.subi %sign3A_1424, %sign3A_1427 : i32
      %ne3A_1429 = arith.cmpi ne, %sign3A_1421, %sign3A_1428 : i32
      %rem3A_1430 = arith.remsi %squeeze3A_1412, %jit3A_1413 : i32
      %ne3A_1431 = arith.constant 0 : i32
      %ne3A_1432 = arith.cmpi ne, %rem3A_1430, %ne3A_1431 : i32
      %and3A_1433 = arith.andi %ne3A_1429, %ne3A_1432 : i1
      %sub3A_1434 = arith.constant 1 : i32
      %sub3A_1435 = arith.subi %div3A_1414, %sub3A_1434 : i32
      %select_n3A_1436 = arith.select %and3A_1433, %sub3A_1435, %div3A_1414 : i32
      %mul3A_1437 = arith.constant 128 : i32
      %mul3A_1438 = arith.muli %select_n3A_1436, %mul3A_1437 : i32
      %multiple_of3A_1439 = tpu.assume_multiple %mul3A_1438, 128 : i32
      %dma_start3A_1440 = arith.constant 3 : i32
      %dma_start3A_1441 = arith.constant 0 : i32
      %dma_start3A_1442 = arith.constant 0 : i32
      %dma_start3A_1443 = tpu.memref_slice %arg9[%dma_start3A_1440, %dma_start3A_1441, %dma_start3A_1442] : memref<8x32x128xf32, #tpu.memory_space<vmem>> -> memref<1x32x128xf32, #tpu.memory_space<vmem>>
      %dma_start3A_1444 = tpu.memref_squeeze %dma_start3A_1443 : memref<1x32x128xf32, #tpu.memory_space<vmem>> -> memref<32x128xf32, #tpu.memory_space<vmem>>
      %dma_start3A_1445 = arith.constant 0 : i32
      %dma_start3A_1446 = tpu.memref_slice %arg4[%dma_start3A_1445, %multiple_of3A_1410] : memref<32x1000000xf32, #tpu.memory_space<hbm>> -> memref<32x128xf32, #tpu.memory_space<hbm>>
      %dma_start3A_1447 = arith.constant 0 : i32
      %dma_start3A_1448 = arith.constant 0 : i32
      %dma_start3A_1449 = tpu.memref_slice %arg9[%dma_start3A_1440, %dma_start3A_1447, %dma_start3A_1448] : memref<8x32x128xf32, #tpu.memory_space<vmem>> -> memref<1x32x128xf32, #tpu.memory_space<vmem>>
      %dma_start3A_1450 = tpu.memref_squeeze %dma_start3A_1449 : memref<1x32x128xf32, #tpu.memory_space<vmem>> -> memref<32x128xf32, #tpu.memory_space<vmem>>
      %dma_start3A_1451 = arith.constant 0 : i32
      %dma_start3A_1452 = tpu.memref_slice %arg4[%dma_start3A_1451, %multiple_of3A_1410] : memref<32x1000000xf32, #tpu.memory_space<hbm>> -> memref<32x128xf32, #tpu.memory_space<hbm>>
      tpu.enqueue_dma source(%dma_start3A_1452 : memref<32x128xf32, #tpu.memory_space<hbm>>) target(%dma_start3A_1450 : memref<32x128xf32, #tpu.memory_space<vmem>>) target_semaphore(%arg12 : memref<!tpu.dma_semaphore, #tpu.memory_space<semaphore_mem>>)
      %dma_start3A_1453 = arith.constant 3 : i32
      %dma_start3A_1454 = arith.constant 0 : i32
      %dma_start3A_1455 = arith.constant 0 : i32
      %dma_start3A_1456 = tpu.memref_slice %arg10[%dma_start3A_1453, %dma_start3A_1454, %dma_start3A_1455] : memref<8x32x128xf32, #tpu.memory_space<vmem>> -> memref<1x32x128xf32, #tpu.memory_space<vmem>>
      %dma_start3A_1457 = tpu.memref_squeeze %dma_start3A_1456 : memref<1x32x128xf32, #tpu.memory_space<vmem>> -> memref<32x128xf32, #tpu.memory_space<vmem>>
      %dma_start3A_1458 = arith.constant 0 : i32
      %dma_start3A_1459 = tpu.memref_slice %arg5[%dma_start3A_1458, %multiple_of3A_1439] : memref<32x1000000xf32, #tpu.memory_space<hbm>> -> memref<32x128xf32, #tpu.memory_space<hbm>>
      %dma_start3A_1460 = arith.constant 0 : i32
      %dma_start3A_1461 = arith.constant 0 : i32
      %dma_start3A_1462 = tpu.memref_slice %arg10[%dma_start3A_1453, %dma_start3A_1460, %dma_start3A_1461] : memref<8x32x128xf32, #tpu.memory_space<vmem>> -> memref<1x32x128xf32, #tpu.memory_space<vmem>>
      %dma_start3A_1463 = tpu.memref_squeeze %dma_start3A_1462 : memref<1x32x128xf32, #tpu.memory_space<vmem>> -> memref<32x128xf32, #tpu.memory_space<vmem>>
      %dma_start3A_1464 = arith.constant 0 : i32
      %dma_start3A_1465 = tpu.memref_slice %arg5[%dma_start3A_1464, %multiple_of3A_1439] : memref<32x1000000xf32, #tpu.memory_space<hbm>> -> memref<32x128xf32, #tpu.memory_space<hbm>>
      tpu.enqueue_dma source(%dma_start3A_1465 : memref<32x128xf32, #tpu.memory_space<hbm>>) target(%dma_start3A_1463 : memref<32x128xf32, #tpu.memory_space<vmem>>) target_semaphore(%arg13 : memref<!tpu.dma_semaphore, #tpu.memory_space<semaphore_mem>>)
      %dma_wait3A_1466 = arith.constant 4 : i32
      %dma_wait3A_1467 = arith.constant 0 : i32
      %dma_wait3A_1468 = arith.constant 0 : i32
      %dma_wait3A_1469 = tpu.memref_slice %arg9[%dma_wait3A_1466, %dma_wait3A_1467, %dma_wait3A_1468] : memref<8x32x128xf32, #tpu.memory_space<vmem>> -> memref<1x32x128xf32, #tpu.memory_space<vmem>>
      %dma_wait3A_1470 = tpu.memref_squeeze %dma_wait3A_1469 : memref<1x32x128xf32, #tpu.memory_space<vmem>> -> memref<32x128xf32, #tpu.memory_space<vmem>>
      %dma_wait3A_1471 = arith.constant 0 : i32
      %dma_wait3A_1472 = arith.constant 0 : i32
      %dma_wait3A_1473 = tpu.memref_slice %arg4[%dma_wait3A_1471, %dma_wait3A_1472] : memref<32x1000000xf32, #tpu.memory_space<hbm>> -> memref<32x128xf32, #tpu.memory_space<hbm>>
      %dma_wait3A_1474 = arith.constant 0 : i32
      %dma_wait3A_1475 = arith.constant 0 : i32
      %dma_wait3A_1476 = tpu.memref_slice %arg9[%dma_wait3A_1466, %dma_wait3A_1474, %dma_wait3A_1475] : memref<8x32x128xf32, #tpu.memory_space<vmem>> -> memref<1x32x128xf32, #tpu.memory_space<vmem>>
      %dma_wait3A_1477 = tpu.memref_squeeze %dma_wait3A_1476 : memref<1x32x128xf32, #tpu.memory_space<vmem>> -> memref<32x128xf32, #tpu.memory_space<vmem>>
      %dma_wait3A_1478 = arith.constant 0 : i32
      %dma_wait3A_1479 = arith.constant 0 : i32
      %dma_wait3A_1480 = tpu.memref_slice %arg4[%dma_wait3A_1478, %dma_wait3A_1479] : memref<32x1000000xf32, #tpu.memory_space<hbm>> -> memref<32x128xf32, #tpu.memory_space<hbm>>
      tpu.wait_dma2 semaphore(%arg12 : memref<!tpu.dma_semaphore, #tpu.memory_space<semaphore_mem>>) src(%dma_wait3A_1480 : memref<32x128xf32, #tpu.memory_space<hbm>>) dst(%dma_wait3A_1477 : memref<32x128xf32, #tpu.memory_space<vmem>>)
      %dma_wait3A_1481 = arith.constant 4 : i32
      %dma_wait3A_1482 = arith.constant 0 : i32
      %dma_wait3A_1483 = arith.constant 0 : i32
      %dma_wait3A_1484 = tpu.memref_slice %arg10[%dma_wait3A_1481, %dma_wait3A_1482, %dma_wait3A_1483] : memref<8x32x128xf32, #tpu.memory_space<vmem>> -> memref<1x32x128xf32, #tpu.memory_space<vmem>>
      %dma_wait3A_1485 = tpu.memref_squeeze %dma_wait3A_1484 : memref<1x32x128xf32, #tpu.memory_space<vmem>> -> memref<32x128xf32, #tpu.memory_space<vmem>>
      %dma_wait3A_1486 = arith.constant 0 : i32
      %dma_wait3A_1487 = arith.constant 0 : i32
      %dma_wait3A_1488 = tpu.memref_slice %arg5[%dma_wait3A_1486, %dma_wait3A_1487] : memref<32x1000000xf32, #tpu.memory_space<hbm>> -> memref<32x128xf32, #tpu.memory_space<hbm>>
      %dma_wait3A_1489 = arith.constant 0 : i32
      %dma_wait3A_1490 = arith.constant 0 : i32
      %dma_wait3A_1491 = tpu.memref_slice %arg10[%dma_wait3A_1481, %dma_wait3A_1489, %dma_wait3A_1490] : memref<8x32x128xf32, #tpu.memory_space<vmem>> -> memref<1x32x128xf32, #tpu.memory_space<vmem>>
      %dma_wait3A_1492 = tpu.memref_squeeze %dma_wait3A_1491 : memref<1x32x128xf32, #tpu.memory_space<vmem>> -> memref<32x128xf32, #tpu.memory_space<vmem>>
      %dma_wait3A_1493 = arith.constant 0 : i32
      %dma_wait3A_1494 = arith.constant 0 : i32
      %dma_wait3A_1495 = tpu.memref_slice %arg5[%dma_wait3A_1493, %dma_wait3A_1494] : memref<32x1000000xf32, #tpu.memory_space<hbm>> -> memref<32x128xf32, #tpu.memory_space<hbm>>
      tpu.wait_dma2 semaphore(%arg13 : memref<!tpu.dma_semaphore, #tpu.memory_space<semaphore_mem>>) src(%dma_wait3A_1495 : memref<32x128xf32, #tpu.memory_space<hbm>>) dst(%dma_wait3A_1492 : memref<32x128xf32, #tpu.memory_space<vmem>>)
      %broadcast_in_dim3A_1496 = arith.constant 0 : i32
      %broadcast_in_dim3A_1497 = vector.broadcast %broadcast_in_dim3A_1496 : i32 to vector<16xi32>
      %slice3A_1498 = vector.extract_strided_slice %get3A_596 {offsets = [4], sizes = [1], strides = [1]} : vector<16xi32> to vector<1xi32>
      %squeeze3A_1499 = vector.extract %slice3A_1498[0] : i32 from vector<1xi32>
      %jit3A_1500 = arith.constant 128 : i32
      %eq3A_1501 = arith.constant 0 : i32
      %eq3A_1502 = arith.cmpi eq, %jit3A_1500, %eq3A_1501 : i32
      %jit3A_1503 = arith.constant 1 : i32
      %select_n3A_1504 = arith.select %eq3A_1502, %jit3A_1503, %jit3A_1500 : i32
      %rem3A_1505 = arith.remsi %squeeze3A_1499, %select_n3A_1504 : i32
      %ne3A_1506 = arith.constant 0 : i32
      %ne3A_1507 = arith.cmpi ne, %rem3A_1505, %ne3A_1506 : i32
      %lt3A_1508 = arith.constant 0 : i32
      %lt3A_1509 = arith.cmpi slt, %rem3A_1505, %lt3A_1508 : i32
      %lt3A_1510 = arith.constant 0 : i32
      %lt3A_1511 = arith.cmpi slt, %select_n3A_1504, %lt3A_1510 : i32
      %ne3A_1512 = arith.xori %lt3A_1509, %lt3A_1511 : i1
      %and3A_1513 = arith.andi %ne3A_1512, %ne3A_1507 : i1
      %add3A_1514 = arith.addi %rem3A_1505, %select_n3A_1504 : i32
      %select_n3A_1515 = arith.select %and3A_1513, %add3A_1514, %rem3A_1505 : i32
      %add3A_1516 = vector.broadcast %select_n3A_1515 : i32 to vector<16xi32>
      %add3A_1517 = arith.addi %broadcast_in_dim3A_1497, %add3A_1516 : vector<16xi32>
      %broadcast_in_dim3A_1518 = arith.constant 0 : i32
      %broadcast_in_dim3A_1519 = vector.broadcast %broadcast_in_dim3A_1518 : i32 to vector<16xi32>
      %slice3A_1520 = vector.extract_strided_slice %get3A_600 {offsets = [4], sizes = [1], strides = [1]} : vector<16xi32> to vector<1xi32>
      %squeeze3A_1521 = vector.extract %slice3A_1520[0] : i32 from vector<1xi32>
      %jit3A_1522 = arith.constant 128 : i32
      %eq3A_1523 = arith.constant 0 : i32
      %eq3A_1524 = arith.cmpi eq, %jit3A_1522, %eq3A_1523 : i32
      %jit3A_1525 = arith.constant 1 : i32
      %select_n3A_1526 = arith.select %eq3A_1524, %jit3A_1525, %jit3A_1522 : i32
      %rem3A_1527 = arith.remsi %squeeze3A_1521, %select_n3A_1526 : i32
      %ne3A_1528 = arith.constant 0 : i32
      %ne3A_1529 = arith.cmpi ne, %rem3A_1527, %ne3A_1528 : i32
      %lt3A_1530 = arith.constant 0 : i32
      %lt3A_1531 = arith.cmpi slt, %rem3A_1527, %lt3A_1530 : i32
      %lt3A_1532 = arith.constant 0 : i32
      %lt3A_1533 = arith.cmpi slt, %select_n3A_1526, %lt3A_1532 : i32
      %ne3A_1534 = arith.xori %lt3A_1531, %lt3A_1533 : i1
      %and3A_1535 = arith.andi %ne3A_1534, %ne3A_1529 : i1
      %add3A_1536 = arith.addi %rem3A_1527, %select_n3A_1526 : i32
      %select_n3A_1537 = arith.select %and3A_1535, %add3A_1536, %rem3A_1527 : i32
      %add3A_1538 = vector.broadcast %select_n3A_1537 : i32 to vector<16xi32>
      %add3A_1539 = arith.addi %broadcast_in_dim3A_1519, %add3A_1538 : vector<16xi32>
      %gather3A_1540 = arith.constant 4 : i32
      %gather3A_1541 = arith.constant 0 : i32
      %gather3A_1542 = arith.constant 0 : i32
      %gather3A_1543 = tpu.memref_slice %arg9[%gather3A_1540, %gather3A_1541, %gather3A_1542] : memref<8x32x128xf32, #tpu.memory_space<vmem>> -> memref<1x32x128xf32, #tpu.memory_space<vmem>>
      %gather3A_1544 = tpu.memref_squeeze %gather3A_1543 : memref<1x32x128xf32, #tpu.memory_space<vmem>> -> memref<32x128xf32, #tpu.memory_space<vmem>>
      %gather3A_1545 = tpu.vector_load_idx %gather3A_1544[%iota3A, %add3A_1517] : memref<32x128xf32, #tpu.memory_space<vmem>>[vector<16xi32>, vector<16xi32>], vector<16xf32>,
      %gather3A_1546 = arith.constant 4 : i32
      %gather3A_1547 = arith.constant 0 : i32
      %gather3A_1548 = arith.constant 0 : i32
      %gather3A_1549 = tpu.memref_slice %arg9[%gather3A_1546, %gather3A_1547, %gather3A_1548] : memref<8x32x128xf32, #tpu.memory_space<vmem>> -> memref<1x32x128xf32, #tpu.memory_space<vmem>>
      %gather3A_1550 = tpu.memref_squeeze %gather3A_1549 : memref<1x32x128xf32, #tpu.memory_space<vmem>> -> memref<32x128xf32, #tpu.memory_space<vmem>>
      %gather3A_1551 = tpu.vector_load_idx %gather3A_1550[%add3A_5, %add3A_1517] : memref<32x128xf32, #tpu.memory_space<vmem>>[vector<16xi32>, vector<16xi32>], vector<16xf32>,
      %gather3A_1552 = arith.constant 4 : i32
      %gather3A_1553 = arith.constant 0 : i32
      %gather3A_1554 = arith.constant 0 : i32
      %gather3A_1555 = tpu.memref_slice %arg10[%gather3A_1552, %gather3A_1553, %gather3A_1554] : memref<8x32x128xf32, #tpu.memory_space<vmem>> -> memref<1x32x128xf32, #tpu.memory_space<vmem>>
      %gather3A_1556 = tpu.memref_squeeze %gather3A_1555 : memref<1x32x128xf32, #tpu.memory_space<vmem>> -> memref<32x128xf32, #tpu.memory_space<vmem>>
      %gather3A_1557 = tpu.vector_load_idx %gather3A_1556[%iota3A, %add3A_1539] : memref<32x128xf32, #tpu.memory_space<vmem>>[vector<16xi32>, vector<16xi32>], vector<16xf32>,
      %gather3A_1558 = arith.constant 4 : i32
      %gather3A_1559 = arith.constant 0 : i32
      %gather3A_1560 = arith.constant 0 : i32
      %gather3A_1561 = tpu.memref_slice %arg10[%gather3A_1558, %gather3A_1559, %gather3A_1560] : memref<8x32x128xf32, #tpu.memory_space<vmem>> -> memref<1x32x128xf32, #tpu.memory_space<vmem>>
      %gather3A_1562 = tpu.memref_squeeze %gather3A_1561 : memref<1x32x128xf32, #tpu.memory_space<vmem>> -> memref<32x128xf32, #tpu.memory_space<vmem>>
      %gather3A_1563 = tpu.vector_load_idx %gather3A_1562[%add3A_5, %add3A_1539] : memref<32x128xf32, #tpu.memory_space<vmem>>[vector<16xi32>, vector<16xi32>], vector<16xf32>,
      %mul3A_1564 = arith.mulf %gather3A_1545, %gather3A_1557 : vector<16xf32>
      %mul3A_1565 = arith.mulf %gather3A_1551, %gather3A_1563 : vector<16xf32>
      %add3A_1566 = arith.addf %mul3A_1564, %mul3A_1565 : vector<16xf32>
      %reduce_sum3A_1567 = arith.constant true
      %reduce_sum3A_1568 = vector.broadcast %reduce_sum3A_1567 : i1 to vector<16xi1>
      %reduce_sum3A_1569 = tpu.scan <sum>, %add3A_1566 masked %reduce_sum3A_1568 : vector<16xf32>, vector<16xi1> -> vector<16xf32>
      %reduce_sum3A_1570 = vector.extract %reduce_sum3A_1569[15] : f32 from vector<16xf32>
      %eq3A_1571 = arith.constant 4 : i32
      %eq3A_1572 = vector.broadcast %eq3A_1571 : i32 to vector<16xi32>
      %eq3A_1573 = arith.cmpi eq, %iota3A, %eq3A_1572 : vector<16xi32>
      %broadcast_in_dim3A_1574 = vector.broadcast %reduce_sum3A_1570 : f32 to vector<16xf32>
      %select_n3A_1575 = arith.select %eq3A_1573, %broadcast_in_dim3A_1574, %select_n3A_1381 : vector<16xi1>, vector<16xf32>
      %slice3A_1576 = vector.extract_strided_slice %get3A_596 {offsets = [12], sizes = [1], strides = [1]} : vector<16xi32> to vector<1xi32>
      %squeeze3A_1577 = vector.extract %slice3A_1576[0] : i32 from vector<1xi32>
      %jit3A_1578 = arith.constant 128 : i32
      %div3A_1579 = arith.divsi %squeeze3A_1577, %jit3A_1578 : i32
      %sign3A_1580 = arith.constant 0 : i32
      %sign3A_1581 = arith.cmpi sgt, %squeeze3A_1577, %sign3A_1580 : i32
      %sign3A_1582 = arith.extui %sign3A_1581 : i1 to i32
      %sign3A_1583 = arith.constant 0 : i32
      %sign3A_1584 = arith.cmpi slt, %squeeze3A_1577, %sign3A_1583 : i32
      %sign3A_1585 = arith.extui %sign3A_1584 : i1 to i32
      %sign3A_1586 = arith.subi %sign3A_1582, %sign3A_1585 : i32
      %sign3A_1587 = arith.constant 0 : i32
      %sign3A_1588 = arith.cmpi sgt, %jit3A_1578, %sign3A_1587 : i32
      %sign3A_1589 = arith.extui %sign3A_1588 : i1 to i32
      %sign3A_1590 = arith.constant 0 : i32
      %sign3A_1591 = arith.cmpi slt, %jit3A_1578, %sign3A_1590 : i32
      %sign3A_1592 = arith.extui %sign3A_1591 : i1 to i32
      %sign3A_1593 = arith.subi %sign3A_1589, %sign3A_1592 : i32
      %ne3A_1594 = arith.cmpi ne, %sign3A_1586, %sign3A_1593 : i32
      %rem3A_1595 = arith.remsi %squeeze3A_1577, %jit3A_1578 : i32
      %ne3A_1596 = arith.constant 0 : i32
      %ne3A_1597 = arith.cmpi ne, %rem3A_1595, %ne3A_1596 : i32
      %and3A_1598 = arith.andi %ne3A_1594, %ne3A_1597 : i1
      %sub3A_1599 = arith.constant 1 : i32
      %sub3A_1600 = arith.subi %div3A_1579, %sub3A_1599 : i32
      %select_n3A_1601 = arith.select %and3A_1598, %sub3A_1600, %div3A_1579 : i32
      %mul3A_1602 = arith.constant 128 : i32
      %mul3A_1603 = arith.muli %select_n3A_1601, %mul3A_1602 : i32
      %multiple_of3A_1604 = tpu.assume_multiple %mul3A_1603, 128 : i32
      %slice3A_1605 = vector.extract_strided_slice %get3A_600 {offsets = [12], sizes = [1], strides = [1]} : vector<16xi32> to vector<1xi32>
      %squeeze3A_1606 = vector.extract %slice3A_1605[0] : i32 from vector<1xi32>
      %jit3A_1607 = arith.constant 128 : i32
      %div3A_1608 = arith.divsi %squeeze3A_1606, %jit3A_1607 : i32
      %sign3A_1609 = arith.constant 0 : i32
      %sign3A_1610 = arith.cmpi sgt, %squeeze3A_1606, %sign3A_1609 : i32
      %sign3A_1611 = arith.extui %sign3A_1610 : i1 to i32
      %sign3A_1612 = arith.constant 0 : i32
      %sign3A_1613 = arith.cmpi slt, %squeeze3A_1606, %sign3A_1612 : i32
      %sign3A_1614 = arith.extui %sign3A_1613 : i1 to i32
      %sign3A_1615 = arith.subi %sign3A_1611, %sign3A_1614 : i32
      %sign3A_1616 = arith.constant 0 : i32
      %sign3A_1617 = arith.cmpi sgt, %jit3A_1607, %sign3A_1616 : i32
      %sign3A_1618 = arith.extui %sign3A_1617 : i1 to i32
      %sign3A_1619 = arith.constant 0 : i32
      %sign3A_1620 = arith.cmpi slt, %jit3A_1607, %sign3A_1619 : i32
      %sign3A_1621 = arith.extui %sign3A_1620 : i1 to i32
      %sign3A_1622 = arith.subi %sign3A_1618, %sign3A_1621 : i32
      %ne3A_1623 = arith.cmpi ne, %sign3A_1615, %sign3A_1622 : i32
      %rem3A_1624 = arith.remsi %squeeze3A_1606, %jit3A_1607 : i32
      %ne3A_1625 = arith.constant 0 : i32
      %ne3A_1626 = arith.cmpi ne, %rem3A_1624, %ne3A_1625 : i32
      %and3A_1627 = arith.andi %ne3A_1623, %ne3A_1626 : i1
      %sub3A_1628 = arith.constant 1 : i32
      %sub3A_1629 = arith.subi %div3A_1608, %sub3A_1628 : i32
      %select_n3A_1630 = arith.select %and3A_1627, %sub3A_1629, %div3A_1608 : i32
      %mul3A_1631 = arith.constant 128 : i32
      %mul3A_1632 = arith.muli %select_n3A_1630, %mul3A_1631 : i32
      %multiple_of3A_1633 = tpu.assume_multiple %mul3A_1632, 128 : i32
      %dma_start3A_1634 = arith.constant 4 : i32
      %dma_start3A_1635 = arith.constant 0 : i32
      %dma_start3A_1636 = arith.constant 0 : i32
      %dma_start3A_1637 = tpu.memref_slice %arg9[%dma_start3A_1634, %dma_start3A_1635, %dma_start3A_1636] : memref<8x32x128xf32, #tpu.memory_space<vmem>> -> memref<1x32x128xf32, #tpu.memory_space<vmem>>
      %dma_start3A_1638 = tpu.memref_squeeze %dma_start3A_1637 : memref<1x32x128xf32, #tpu.memory_space<vmem>> -> memref<32x128xf32, #tpu.memory_space<vmem>>
      %dma_start3A_1639 = arith.constant 0 : i32
      %dma_start3A_1640 = tpu.memref_slice %arg4[%dma_start3A_1639, %multiple_of3A_1604] : memref<32x1000000xf32, #tpu.memory_space<hbm>> -> memref<32x128xf32, #tpu.memory_space<hbm>>
      %dma_start3A_1641 = arith.constant 0 : i32
      %dma_start3A_1642 = arith.constant 0 : i32
      %dma_start3A_1643 = tpu.memref_slice %arg9[%dma_start3A_1634, %dma_start3A_1641, %dma_start3A_1642] : memref<8x32x128xf32, #tpu.memory_space<vmem>> -> memref<1x32x128xf32, #tpu.memory_space<vmem>>
      %dma_start3A_1644 = tpu.memref_squeeze %dma_start3A_1643 : memref<1x32x128xf32, #tpu.memory_space<vmem>> -> memref<32x128xf32, #tpu.memory_space<vmem>>
      %dma_start3A_1645 = arith.constant 0 : i32
      %dma_start3A_1646 = tpu.memref_slice %arg4[%dma_start3A_1645, %multiple_of3A_1604] : memref<32x1000000xf32, #tpu.memory_space<hbm>> -> memref<32x128xf32, #tpu.memory_space<hbm>>
      tpu.enqueue_dma source(%dma_start3A_1646 : memref<32x128xf32, #tpu.memory_space<hbm>>) target(%dma_start3A_1644 : memref<32x128xf32, #tpu.memory_space<vmem>>) target_semaphore(%arg12 : memref<!tpu.dma_semaphore, #tpu.memory_space<semaphore_mem>>)
      %dma_start3A_1647 = arith.constant 4 : i32
      %dma_start3A_1648 = arith.constant 0 : i32
      %dma_start3A_1649 = arith.constant 0 : i32
      %dma_start3A_1650 = tpu.memref_slice %arg10[%dma_start3A_1647, %dma_start3A_1648, %dma_start3A_1649] : memref<8x32x128xf32, #tpu.memory_space<vmem>> -> memref<1x32x128xf32, #tpu.memory_space<vmem>>
      %dma_start3A_1651 = tpu.memref_squeeze %dma_start3A_1650 : memref<1x32x128xf32, #tpu.memory_space<vmem>> -> memref<32x128xf32, #tpu.memory_space<vmem>>
      %dma_start3A_1652 = arith.constant 0 : i32
      %dma_start3A_1653 = tpu.memref_slice %arg5[%dma_start3A_1652, %multiple_of3A_1633] : memref<32x1000000xf32, #tpu.memory_space<hbm>> -> memref<32x128xf32, #tpu.memory_space<hbm>>
      %dma_start3A_1654 = arith.constant 0 : i32
      %dma_start3A_1655 = arith.constant 0 : i32
      %dma_start3A_1656 = tpu.memref_slice %arg10[%dma_start3A_1647, %dma_start3A_1654, %dma_start3A_1655] : memref<8x32x128xf32, #tpu.memory_space<vmem>> -> memref<1x32x128xf32, #tpu.memory_space<vmem>>
      %dma_start3A_1657 = tpu.memref_squeeze %dma_start3A_1656 : memref<1x32x128xf32, #tpu.memory_space<vmem>> -> memref<32x128xf32, #tpu.memory_space<vmem>>
      %dma_start3A_1658 = arith.constant 0 : i32
      %dma_start3A_1659 = tpu.memref_slice %arg5[%dma_start3A_1658, %multiple_of3A_1633] : memref<32x1000000xf32, #tpu.memory_space<hbm>> -> memref<32x128xf32, #tpu.memory_space<hbm>>
      tpu.enqueue_dma source(%dma_start3A_1659 : memref<32x128xf32, #tpu.memory_space<hbm>>) target(%dma_start3A_1657 : memref<32x128xf32, #tpu.memory_space<vmem>>) target_semaphore(%arg13 : memref<!tpu.dma_semaphore, #tpu.memory_space<semaphore_mem>>)
      %dma_wait3A_1660 = arith.constant 5 : i32
      %dma_wait3A_1661 = arith.constant 0 : i32
      %dma_wait3A_1662 = arith.constant 0 : i32
      %dma_wait3A_1663 = tpu.memref_slice %arg9[%dma_wait3A_1660, %dma_wait3A_1661, %dma_wait3A_1662] : memref<8x32x128xf32, #tpu.memory_space<vmem>> -> memref<1x32x128xf32, #tpu.memory_space<vmem>>
      %dma_wait3A_1664 = tpu.memref_squeeze %dma_wait3A_1663 : memref<1x32x128xf32, #tpu.memory_space<vmem>> -> memref<32x128xf32, #tpu.memory_space<vmem>>
      %dma_wait3A_1665 = arith.constant 0 : i32
      %dma_wait3A_1666 = arith.constant 0 : i32
      %dma_wait3A_1667 = tpu.memref_slice %arg4[%dma_wait3A_1665, %dma_wait3A_1666] : memref<32x1000000xf32, #tpu.memory_space<hbm>> -> memref<32x128xf32, #tpu.memory_space<hbm>>
      %dma_wait3A_1668 = arith.constant 0 : i32
      %dma_wait3A_1669 = arith.constant 0 : i32
      %dma_wait3A_1670 = tpu.memref_slice %arg9[%dma_wait3A_1660, %dma_wait3A_1668, %dma_wait3A_1669] : memref<8x32x128xf32, #tpu.memory_space<vmem>> -> memref<1x32x128xf32, #tpu.memory_space<vmem>>
      %dma_wait3A_1671 = tpu.memref_squeeze %dma_wait3A_1670 : memref<1x32x128xf32, #tpu.memory_space<vmem>> -> memref<32x128xf32, #tpu.memory_space<vmem>>
      %dma_wait3A_1672 = arith.constant 0 : i32
      %dma_wait3A_1673 = arith.constant 0 : i32
      %dma_wait3A_1674 = tpu.memref_slice %arg4[%dma_wait3A_1672, %dma_wait3A_1673] : memref<32x1000000xf32, #tpu.memory_space<hbm>> -> memref<32x128xf32, #tpu.memory_space<hbm>>
      tpu.wait_dma2 semaphore(%arg12 : memref<!tpu.dma_semaphore, #tpu.memory_space<semaphore_mem>>) src(%dma_wait3A_1674 : memref<32x128xf32, #tpu.memory_space<hbm>>) dst(%dma_wait3A_1671 : memref<32x128xf32, #tpu.memory_space<vmem>>)
      %dma_wait3A_1675 = arith.constant 5 : i32
      %dma_wait3A_1676 = arith.constant 0 : i32
      %dma_wait3A_1677 = arith.constant 0 : i32
      %dma_wait3A_1678 = tpu.memref_slice %arg10[%dma_wait3A_1675, %dma_wait3A_1676, %dma_wait3A_1677] : memref<8x32x128xf32, #tpu.memory_space<vmem>> -> memref<1x32x128xf32, #tpu.memory_space<vmem>>
      %dma_wait3A_1679 = tpu.memref_squeeze %dma_wait3A_1678 : memref<1x32x128xf32, #tpu.memory_space<vmem>> -> memref<32x128xf32, #tpu.memory_space<vmem>>
      %dma_wait3A_1680 = arith.constant 0 : i32
      %dma_wait3A_1681 = arith.constant 0 : i32
      %dma_wait3A_1682 = tpu.memref_slice %arg5[%dma_wait3A_1680, %dma_wait3A_1681] : memref<32x1000000xf32, #tpu.memory_space<hbm>> -> memref<32x128xf32, #tpu.memory_space<hbm>>
      %dma_wait3A_1683 = arith.constant 0 : i32
      %dma_wait3A_1684 = arith.constant 0 : i32
      %dma_wait3A_1685 = tpu.memref_slice %arg10[%dma_wait3A_1675, %dma_wait3A_1683, %dma_wait3A_1684] : memref<8x32x128xf32, #tpu.memory_space<vmem>> -> memref<1x32x128xf32, #tpu.memory_space<vmem>>
      %dma_wait3A_1686 = tpu.memref_squeeze %dma_wait3A_1685 : memref<1x32x128xf32, #tpu.memory_space<vmem>> -> memref<32x128xf32, #tpu.memory_space<vmem>>
      %dma_wait3A_1687 = arith.constant 0 : i32
      %dma_wait3A_1688 = arith.constant 0 : i32
      %dma_wait3A_1689 = tpu.memref_slice %arg5[%dma_wait3A_1687, %dma_wait3A_1688] : memref<32x1000000xf32, #tpu.memory_space<hbm>> -> memref<32x128xf32, #tpu.memory_space<hbm>>
      tpu.wait_dma2 semaphore(%arg13 : memref<!tpu.dma_semaphore, #tpu.memory_space<semaphore_mem>>) src(%dma_wait3A_1689 : memref<32x128xf32, #tpu.memory_space<hbm>>) dst(%dma_wait3A_1686 : memref<32x128xf32, #tpu.memory_space<vmem>>)
      %broadcast_in_dim3A_1690 = arith.constant 0 : i32
      %broadcast_in_dim3A_1691 = vector.broadcast %broadcast_in_dim3A_1690 : i32 to vector<16xi32>
      %slice3A_1692 = vector.extract_strided_slice %get3A_596 {offsets = [5], sizes = [1], strides = [1]} : vector<16xi32> to vector<1xi32>
      %squeeze3A_1693 = vector.extract %slice3A_1692[0] : i32 from vector<1xi32>
      %jit3A_1694 = arith.constant 128 : i32
      %eq3A_1695 = arith.constant 0 : i32
      %eq3A_1696 = arith.cmpi eq, %jit3A_1694, %eq3A_1695 : i32
      %jit3A_1697 = arith.constant 1 : i32
      %select_n3A_1698 = arith.select %eq3A_1696, %jit3A_1697, %jit3A_1694 : i32
      %rem3A_1699 = arith.remsi %squeeze3A_1693, %select_n3A_1698 : i32
      %ne3A_1700 = arith.constant 0 : i32
      %ne3A_1701 = arith.cmpi ne, %rem3A_1699, %ne3A_1700 : i32
      %lt3A_1702 = arith.constant 0 : i32
      %lt3A_1703 = arith.cmpi slt, %rem3A_1699, %lt3A_1702 : i32
      %lt3A_1704 = arith.constant 0 : i32
      %lt3A_1705 = arith.cmpi slt, %select_n3A_1698, %lt3A_1704 : i32
      %ne3A_1706 = arith.xori %lt3A_1703, %lt3A_1705 : i1
      %and3A_1707 = arith.andi %ne3A_1706, %ne3A_1701 : i1
      %add3A_1708 = arith.addi %rem3A_1699, %select_n3A_1698 : i32
      %select_n3A_1709 = arith.select %and3A_1707, %add3A_1708, %rem3A_1699 : i32
      %add3A_1710 = vector.broadcast %select_n3A_1709 : i32 to vector<16xi32>
      %add3A_1711 = arith.addi %broadcast_in_dim3A_1691, %add3A_1710 : vector<16xi32>
      %broadcast_in_dim3A_1712 = arith.constant 0 : i32
      %broadcast_in_dim3A_1713 = vector.broadcast %broadcast_in_dim3A_1712 : i32 to vector<16xi32>
      %slice3A_1714 = vector.extract_strided_slice %get3A_600 {offsets = [5], sizes = [1], strides = [1]} : vector<16xi32> to vector<1xi32>
      %squeeze3A_1715 = vector.extract %slice3A_1714[0] : i32 from vector<1xi32>
      %jit3A_1716 = arith.constant 128 : i32
      %eq3A_1717 = arith.constant 0 : i32
      %eq3A_1718 = arith.cmpi eq, %jit3A_1716, %eq3A_1717 : i32
      %jit3A_1719 = arith.constant 1 : i32
      %select_n3A_1720 = arith.select %eq3A_1718, %jit3A_1719, %jit3A_1716 : i32
      %rem3A_1721 = arith.remsi %squeeze3A_1715, %select_n3A_1720 : i32
      %ne3A_1722 = arith.constant 0 : i32
      %ne3A_1723 = arith.cmpi ne, %rem3A_1721, %ne3A_1722 : i32
      %lt3A_1724 = arith.constant 0 : i32
      %lt3A_1725 = arith.cmpi slt, %rem3A_1721, %lt3A_1724 : i32
      %lt3A_1726 = arith.constant 0 : i32
      %lt3A_1727 = arith.cmpi slt, %select_n3A_1720, %lt3A_1726 : i32
      %ne3A_1728 = arith.xori %lt3A_1725, %lt3A_1727 : i1
      %and3A_1729 = arith.andi %ne3A_1728, %ne3A_1723 : i1
      %add3A_1730 = arith.addi %rem3A_1721, %select_n3A_1720 : i32
      %select_n3A_1731 = arith.select %and3A_1729, %add3A_1730, %rem3A_1721 : i32
      %add3A_1732 = vector.broadcast %select_n3A_1731 : i32 to vector<16xi32>
      %add3A_1733 = arith.addi %broadcast_in_dim3A_1713, %add3A_1732 : vector<16xi32>
      %gather3A_1734 = arith.constant 5 : i32
      %gather3A_1735 = arith.constant 0 : i32
      %gather3A_1736 = arith.constant 0 : i32
      %gather3A_1737 = tpu.memref_slice %arg9[%gather3A_1734, %gather3A_1735, %gather3A_1736] : memref<8x32x128xf32, #tpu.memory_space<vmem>> -> memref<1x32x128xf32, #tpu.memory_space<vmem>>
      %gather3A_1738 = tpu.memref_squeeze %gather3A_1737 : memref<1x32x128xf32, #tpu.memory_space<vmem>> -> memref<32x128xf32, #tpu.memory_space<vmem>>
      %gather3A_1739 = tpu.vector_load_idx %gather3A_1738[%iota3A, %add3A_1711] : memref<32x128xf32, #tpu.memory_space<vmem>>[vector<16xi32>, vector<16xi32>], vector<16xf32>,
      %gather3A_1740 = arith.constant 5 : i32
      %gather3A_1741 = arith.constant 0 : i32
      %gather3A_1742 = arith.constant 0 : i32
      %gather3A_1743 = tpu.memref_slice %arg9[%gather3A_1740, %gather3A_1741, %gather3A_1742] : memref<8x32x128xf32, #tpu.memory_space<vmem>> -> memref<1x32x128xf32, #tpu.memory_space<vmem>>
      %gather3A_1744 = tpu.memref_squeeze %gather3A_1743 : memref<1x32x128xf32, #tpu.memory_space<vmem>> -> memref<32x128xf32, #tpu.memory_space<vmem>>
      %gather3A_1745 = tpu.vector_load_idx %gather3A_1744[%add3A_5, %add3A_1711] : memref<32x128xf32, #tpu.memory_space<vmem>>[vector<16xi32>, vector<16xi32>], vector<16xf32>,
      %gather3A_1746 = arith.constant 5 : i32
      %gather3A_1747 = arith.constant 0 : i32
      %gather3A_1748 = arith.constant 0 : i32
      %gather3A_1749 = tpu.memref_slice %arg10[%gather3A_1746, %gather3A_1747, %gather3A_1748] : memref<8x32x128xf32, #tpu.memory_space<vmem>> -> memref<1x32x128xf32, #tpu.memory_space<vmem>>
      %gather3A_1750 = tpu.memref_squeeze %gather3A_1749 : memref<1x32x128xf32, #tpu.memory_space<vmem>> -> memref<32x128xf32, #tpu.memory_space<vmem>>
      %gather3A_1751 = tpu.vector_load_idx %gather3A_1750[%iota3A, %add3A_1733] : memref<32x128xf32, #tpu.memory_space<vmem>>[vector<16xi32>, vector<16xi32>], vector<16xf32>,
      %gather3A_1752 = arith.constant 5 : i32
      %gather3A_1753 = arith.constant 0 : i32
      %gather3A_1754 = arith.constant 0 : i32
      %gather3A_1755 = tpu.memref_slice %arg10[%gather3A_1752, %gather3A_1753, %gather3A_1754] : memref<8x32x128xf32, #tpu.memory_space<vmem>> -> memref<1x32x128xf32, #tpu.memory_space<vmem>>
      %gather3A_1756 = tpu.memref_squeeze %gather3A_1755 : memref<1x32x128xf32, #tpu.memory_space<vmem>> -> memref<32x128xf32, #tpu.memory_space<vmem>>
      %gather3A_1757 = tpu.vector_load_idx %gather3A_1756[%add3A_5, %add3A_1733] : memref<32x128xf32, #tpu.memory_space<vmem>>[vector<16xi32>, vector<16xi32>], vector<16xf32>,
      %mul3A_1758 = arith.mulf %gather3A_1739, %gather3A_1751 : vector<16xf32>
      %mul3A_1759 = arith.mulf %gather3A_1745, %gather3A_1757 : vector<16xf32>
      %add3A_1760 = arith.addf %mul3A_1758, %mul3A_1759 : vector<16xf32>
      %reduce_sum3A_1761 = arith.constant true
      %reduce_sum3A_1762 = vector.broadcast %reduce_sum3A_1761 : i1 to vector<16xi1>
      %reduce_sum3A_1763 = tpu.scan <sum>, %add3A_1760 masked %reduce_sum3A_1762 : vector<16xf32>, vector<16xi1> -> vector<16xf32>
      %reduce_sum3A_1764 = vector.extract %reduce_sum3A_1763[15] : f32 from vector<16xf32>
      %eq3A_1765 = arith.constant 5 : i32
      %eq3A_1766 = vector.broadcast %eq3A_1765 : i32 to vector<16xi32>
      %eq3A_1767 = arith.cmpi eq, %iota3A, %eq3A_1766 : vector<16xi32>
      %broadcast_in_dim3A_1768 = vector.broadcast %reduce_sum3A_1764 : f32 to vector<16xf32>
      %select_n3A_1769 = arith.select %eq3A_1767, %broadcast_in_dim3A_1768, %select_n3A_1575 : vector<16xi1>, vector<16xf32>
      %slice3A_1770 = vector.extract_strided_slice %get3A_596 {offsets = [13], sizes = [1], strides = [1]} : vector<16xi32> to vector<1xi32>
      %squeeze3A_1771 = vector.extract %slice3A_1770[0] : i32 from vector<1xi32>
      %jit3A_1772 = arith.constant 128 : i32
      %div3A_1773 = arith.divsi %squeeze3A_1771, %jit3A_1772 : i32
      %sign3A_1774 = arith.constant 0 : i32
      %sign3A_1775 = arith.cmpi sgt, %squeeze3A_1771, %sign3A_1774 : i32
      %sign3A_1776 = arith.extui %sign3A_1775 : i1 to i32
      %sign3A_1777 = arith.constant 0 : i32
      %sign3A_1778 = arith.cmpi slt, %squeeze3A_1771, %sign3A_1777 : i32
      %sign3A_1779 = arith.extui %sign3A_1778 : i1 to i32
      %sign3A_1780 = arith.subi %sign3A_1776, %sign3A_1779 : i32
      %sign3A_1781 = arith.constant 0 : i32
      %sign3A_1782 = arith.cmpi sgt, %jit3A_1772, %sign3A_1781 : i32
      %sign3A_1783 = arith.extui %sign3A_1782 : i1 to i32
      %sign3A_1784 = arith.constant 0 : i32
      %sign3A_1785 = arith.cmpi slt, %jit3A_1772, %sign3A_1784 : i32
      %sign3A_1786 = arith.extui %sign3A_1785 : i1 to i32
      %sign3A_1787 = arith.subi %sign3A_1783, %sign3A_1786 : i32
      %ne3A_1788 = arith.cmpi ne, %sign3A_1780, %sign3A_1787 : i32
      %rem3A_1789 = arith.remsi %squeeze3A_1771, %jit3A_1772 : i32
      %ne3A_1790 = arith.constant 0 : i32
      %ne3A_1791 = arith.cmpi ne, %rem3A_1789, %ne3A_1790 : i32
      %and3A_1792 = arith.andi %ne3A_1788, %ne3A_1791 : i1
      %sub3A_1793 = arith.constant 1 : i32
      %sub3A_1794 = arith.subi %div3A_1773, %sub3A_1793 : i32
      %select_n3A_1795 = arith.select %and3A_1792, %sub3A_1794, %div3A_1773 : i32
      %mul3A_1796 = arith.constant 128 : i32
      %mul3A_1797 = arith.muli %select_n3A_1795, %mul3A_1796 : i32
      %multiple_of3A_1798 = tpu.assume_multiple %mul3A_1797, 128 : i32
      %slice3A_1799 = vector.extract_strided_slice %get3A_600 {offsets = [13], sizes = [1], strides = [1]} : vector<16xi32> to vector<1xi32>
      %squeeze3A_1800 = vector.extract %slice3A_1799[0] : i32 from vector<1xi32>
      %jit3A_1801 = arith.constant 128 : i32
      %div3A_1802 = arith.divsi %squeeze3A_1800, %jit3A_1801 : i32
      %sign3A_1803 = arith.constant 0 : i32
      %sign3A_1804 = arith.cmpi sgt, %squeeze3A_1800, %sign3A_1803 : i32
      %sign3A_1805 = arith.extui %sign3A_1804 : i1 to i32
      %sign3A_1806 = arith.constant 0 : i32
      %sign3A_1807 = arith.cmpi slt, %squeeze3A_1800, %sign3A_1806 : i32
      %sign3A_1808 = arith.extui %sign3A_1807 : i1 to i32
      %sign3A_1809 = arith.subi %sign3A_1805, %sign3A_1808 : i32
      %sign3A_1810 = arith.constant 0 : i32
      %sign3A_1811 = arith.cmpi sgt, %jit3A_1801, %sign3A_1810 : i32
      %sign3A_1812 = arith.extui %sign3A_1811 : i1 to i32
      %sign3A_1813 = arith.constant 0 : i32
      %sign3A_1814 = arith.cmpi slt, %jit3A_1801, %sign3A_1813 : i32
      %sign3A_1815 = arith.extui %sign3A_1814 : i1 to i32
      %sign3A_1816 = arith.subi %sign3A_1812, %sign3A_1815 : i32
      %ne3A_1817 = arith.cmpi ne, %sign3A_1809, %sign3A_1816 : i32
      %rem3A_1818 = arith.remsi %squeeze3A_1800, %jit3A_1801 : i32
      %ne3A_1819 = arith.constant 0 : i32
      %ne3A_1820 = arith.cmpi ne, %rem3A_1818, %ne3A_1819 : i32
      %and3A_1821 = arith.andi %ne3A_1817, %ne3A_1820 : i1
      %sub3A_1822 = arith.constant 1 : i32
      %sub3A_1823 = arith.subi %div3A_1802, %sub3A_1822 : i32
      %select_n3A_1824 = arith.select %and3A_1821, %sub3A_1823, %div3A_1802 : i32
      %mul3A_1825 = arith.constant 128 : i32
      %mul3A_1826 = arith.muli %select_n3A_1824, %mul3A_1825 : i32
      %multiple_of3A_1827 = tpu.assume_multiple %mul3A_1826, 128 : i32
      %dma_start3A_1828 = arith.constant 5 : i32
      %dma_start3A_1829 = arith.constant 0 : i32
      %dma_start3A_1830 = arith.constant 0 : i32
      %dma_start3A_1831 = tpu.memref_slice %arg9[%dma_start3A_1828, %dma_start3A_1829, %dma_start3A_1830] : memref<8x32x128xf32, #tpu.memory_space<vmem>> -> memref<1x32x128xf32, #tpu.memory_space<vmem>>
      %dma_start3A_1832 = tpu.memref_squeeze %dma_start3A_1831 : memref<1x32x128xf32, #tpu.memory_space<vmem>> -> memref<32x128xf32, #tpu.memory_space<vmem>>
      %dma_start3A_1833 = arith.constant 0 : i32
      %dma_start3A_1834 = tpu.memref_slice %arg4[%dma_start3A_1833, %multiple_of3A_1798] : memref<32x1000000xf32, #tpu.memory_space<hbm>> -> memref<32x128xf32, #tpu.memory_space<hbm>>
      %dma_start3A_1835 = arith.constant 0 : i32
      %dma_start3A_1836 = arith.constant 0 : i32
      %dma_start3A_1837 = tpu.memref_slice %arg9[%dma_start3A_1828, %dma_start3A_1835, %dma_start3A_1836] : memref<8x32x128xf32, #tpu.memory_space<vmem>> -> memref<1x32x128xf32, #tpu.memory_space<vmem>>
      %dma_start3A_1838 = tpu.memref_squeeze %dma_start3A_1837 : memref<1x32x128xf32, #tpu.memory_space<vmem>> -> memref<32x128xf32, #tpu.memory_space<vmem>>
      %dma_start3A_1839 = arith.constant 0 : i32
      %dma_start3A_1840 = tpu.memref_slice %arg4[%dma_start3A_1839, %multiple_of3A_1798] : memref<32x1000000xf32, #tpu.memory_space<hbm>> -> memref<32x128xf32, #tpu.memory_space<hbm>>
      tpu.enqueue_dma source(%dma_start3A_1840 : memref<32x128xf32, #tpu.memory_space<hbm>>) target(%dma_start3A_1838 : memref<32x128xf32, #tpu.memory_space<vmem>>) target_semaphore(%arg12 : memref<!tpu.dma_semaphore, #tpu.memory_space<semaphore_mem>>)
      %dma_start3A_1841 = arith.constant 5 : i32
      %dma_start3A_1842 = arith.constant 0 : i32
      %dma_start3A_1843 = arith.constant 0 : i32
      %dma_start3A_1844 = tpu.memref_slice %arg10[%dma_start3A_1841, %dma_start3A_1842, %dma_start3A_1843] : memref<8x32x128xf32, #tpu.memory_space<vmem>> -> memref<1x32x128xf32, #tpu.memory_space<vmem>>
      %dma_start3A_1845 = tpu.memref_squeeze %dma_start3A_1844 : memref<1x32x128xf32, #tpu.memory_space<vmem>> -> memref<32x128xf32, #tpu.memory_space<vmem>>
      %dma_start3A_1846 = arith.constant 0 : i32
      %dma_start3A_1847 = tpu.memref_slice %arg5[%dma_start3A_1846, %multiple_of3A_1827] : memref<32x1000000xf32, #tpu.memory_space<hbm>> -> memref<32x128xf32, #tpu.memory_space<hbm>>
      %dma_start3A_1848 = arith.constant 0 : i32
      %dma_start3A_1849 = arith.constant 0 : i32
      %dma_start3A_1850 = tpu.memref_slice %arg10[%dma_start3A_1841, %dma_start3A_1848, %dma_start3A_1849] : memref<8x32x128xf32, #tpu.memory_space<vmem>> -> memref<1x32x128xf32, #tpu.memory_space<vmem>>
      %dma_start3A_1851 = tpu.memref_squeeze %dma_start3A_1850 : memref<1x32x128xf32, #tpu.memory_space<vmem>> -> memref<32x128xf32, #tpu.memory_space<vmem>>
      %dma_start3A_1852 = arith.constant 0 : i32
      %dma_start3A_1853 = tpu.memref_slice %arg5[%dma_start3A_1852, %multiple_of3A_1827] : memref<32x1000000xf32, #tpu.memory_space<hbm>> -> memref<32x128xf32, #tpu.memory_space<hbm>>
      tpu.enqueue_dma source(%dma_start3A_1853 : memref<32x128xf32, #tpu.memory_space<hbm>>) target(%dma_start3A_1851 : memref<32x128xf32, #tpu.memory_space<vmem>>) target_semaphore(%arg13 : memref<!tpu.dma_semaphore, #tpu.memory_space<semaphore_mem>>)
      %dma_wait3A_1854 = arith.constant 6 : i32
      %dma_wait3A_1855 = arith.constant 0 : i32
      %dma_wait3A_1856 = arith.constant 0 : i32
      %dma_wait3A_1857 = tpu.memref_slice %arg9[%dma_wait3A_1854, %dma_wait3A_1855, %dma_wait3A_1856] : memref<8x32x128xf32, #tpu.memory_space<vmem>> -> memref<1x32x128xf32, #tpu.memory_space<vmem>>
      %dma_wait3A_1858 = tpu.memref_squeeze %dma_wait3A_1857 : memref<1x32x128xf32, #tpu.memory_space<vmem>> -> memref<32x128xf32, #tpu.memory_space<vmem>>
      %dma_wait3A_1859 = arith.constant 0 : i32
      %dma_wait3A_1860 = arith.constant 0 : i32
      %dma_wait3A_1861 = tpu.memref_slice %arg4[%dma_wait3A_1859, %dma_wait3A_1860] : memref<32x1000000xf32, #tpu.memory_space<hbm>> -> memref<32x128xf32, #tpu.memory_space<hbm>>
      %dma_wait3A_1862 = arith.constant 0 : i32
      %dma_wait3A_1863 = arith.constant 0 : i32
      %dma_wait3A_1864 = tpu.memref_slice %arg9[%dma_wait3A_1854, %dma_wait3A_1862, %dma_wait3A_1863] : memref<8x32x128xf32, #tpu.memory_space<vmem>> -> memref<1x32x128xf32, #tpu.memory_space<vmem>>
      %dma_wait3A_1865 = tpu.memref_squeeze %dma_wait3A_1864 : memref<1x32x128xf32, #tpu.memory_space<vmem>> -> memref<32x128xf32, #tpu.memory_space<vmem>>
      %dma_wait3A_1866 = arith.constant 0 : i32
      %dma_wait3A_1867 = arith.constant 0 : i32
      %dma_wait3A_1868 = tpu.memref_slice %arg4[%dma_wait3A_1866, %dma_wait3A_1867] : memref<32x1000000xf32, #tpu.memory_space<hbm>> -> memref<32x128xf32, #tpu.memory_space<hbm>>
      tpu.wait_dma2 semaphore(%arg12 : memref<!tpu.dma_semaphore, #tpu.memory_space<semaphore_mem>>) src(%dma_wait3A_1868 : memref<32x128xf32, #tpu.memory_space<hbm>>) dst(%dma_wait3A_1865 : memref<32x128xf32, #tpu.memory_space<vmem>>)
      %dma_wait3A_1869 = arith.constant 6 : i32
      %dma_wait3A_1870 = arith.constant 0 : i32
      %dma_wait3A_1871 = arith.constant 0 : i32
      %dma_wait3A_1872 = tpu.memref_slice %arg10[%dma_wait3A_1869, %dma_wait3A_1870, %dma_wait3A_1871] : memref<8x32x128xf32, #tpu.memory_space<vmem>> -> memref<1x32x128xf32, #tpu.memory_space<vmem>>
      %dma_wait3A_1873 = tpu.memref_squeeze %dma_wait3A_1872 : memref<1x32x128xf32, #tpu.memory_space<vmem>> -> memref<32x128xf32, #tpu.memory_space<vmem>>
      %dma_wait3A_1874 = arith.constant 0 : i32
      %dma_wait3A_1875 = arith.constant 0 : i32
      %dma_wait3A_1876 = tpu.memref_slice %arg5[%dma_wait3A_1874, %dma_wait3A_1875] : memref<32x1000000xf32, #tpu.memory_space<hbm>> -> memref<32x128xf32, #tpu.memory_space<hbm>>
      %dma_wait3A_1877 = arith.constant 0 : i32
      %dma_wait3A_1878 = arith.constant 0 : i32
      %dma_wait3A_1879 = tpu.memref_slice %arg10[%dma_wait3A_1869, %dma_wait3A_1877, %dma_wait3A_1878] : memref<8x32x128xf32, #tpu.memory_space<vmem>> -> memref<1x32x128xf32, #tpu.memory_space<vmem>>
      %dma_wait3A_1880 = tpu.memref_squeeze %dma_wait3A_1879 : memref<1x32x128xf32, #tpu.memory_space<vmem>> -> memref<32x128xf32, #tpu.memory_space<vmem>>
      %dma_wait3A_1881 = arith.constant 0 : i32
      %dma_wait3A_1882 = arith.constant 0 : i32
      %dma_wait3A_1883 = tpu.memref_slice %arg5[%dma_wait3A_1881, %dma_wait3A_1882] : memref<32x1000000xf32, #tpu.memory_space<hbm>> -> memref<32x128xf32, #tpu.memory_space<hbm>>
      tpu.wait_dma2 semaphore(%arg13 : memref<!tpu.dma_semaphore, #tpu.memory_space<semaphore_mem>>) src(%dma_wait3A_1883 : memref<32x128xf32, #tpu.memory_space<hbm>>) dst(%dma_wait3A_1880 : memref<32x128xf32, #tpu.memory_space<vmem>>)
      %broadcast_in_dim3A_1884 = arith.constant 0 : i32
      %broadcast_in_dim3A_1885 = vector.broadcast %broadcast_in_dim3A_1884 : i32 to vector<16xi32>
      %slice3A_1886 = vector.extract_strided_slice %get3A_596 {offsets = [6], sizes = [1], strides = [1]} : vector<16xi32> to vector<1xi32>
      %squeeze3A_1887 = vector.extract %slice3A_1886[0] : i32 from vector<1xi32>
      %jit3A_1888 = arith.constant 128 : i32
      %eq3A_1889 = arith.constant 0 : i32
      %eq3A_1890 = arith.cmpi eq, %jit3A_1888, %eq3A_1889 : i32
      %jit3A_1891 = arith.constant 1 : i32
      %select_n3A_1892 = arith.select %eq3A_1890, %jit3A_1891, %jit3A_1888 : i32
      %rem3A_1893 = arith.remsi %squeeze3A_1887, %select_n3A_1892 : i32
      %ne3A_1894 = arith.constant 0 : i32
      %ne3A_1895 = arith.cmpi ne, %rem3A_1893, %ne3A_1894 : i32
      %lt3A_1896 = arith.constant 0 : i32
      %lt3A_1897 = arith.cmpi slt, %rem3A_1893, %lt3A_1896 : i32
      %lt3A_1898 = arith.constant 0 : i32
      %lt3A_1899 = arith.cmpi slt, %select_n3A_1892, %lt3A_1898 : i32
      %ne3A_1900 = arith.xori %lt3A_1897, %lt3A_1899 : i1
      %and3A_1901 = arith.andi %ne3A_1900, %ne3A_1895 : i1
      %add3A_1902 = arith.addi %rem3A_1893, %select_n3A_1892 : i32
      %select_n3A_1903 = arith.select %and3A_1901, %add3A_1902, %rem3A_1893 : i32
      %add3A_1904 = vector.broadcast %select_n3A_1903 : i32 to vector<16xi32>
      %add3A_1905 = arith.addi %broadcast_in_dim3A_1885, %add3A_1904 : vector<16xi32>
      %broadcast_in_dim3A_1906 = arith.constant 0 : i32
      %broadcast_in_dim3A_1907 = vector.broadcast %broadcast_in_dim3A_1906 : i32 to vector<16xi32>
      %slice3A_1908 = vector.extract_strided_slice %get3A_600 {offsets = [6], sizes = [1], strides = [1]} : vector<16xi32> to vector<1xi32>
      %squeeze3A_1909 = vector.extract %slice3A_1908[0] : i32 from vector<1xi32>
      %jit3A_1910 = arith.constant 128 : i32
      %eq3A_1911 = arith.constant 0 : i32
      %eq3A_1912 = arith.cmpi eq, %jit3A_1910, %eq3A_1911 : i32
      %jit3A_1913 = arith.constant 1 : i32
      %select_n3A_1914 = arith.select %eq3A_1912, %jit3A_1913, %jit3A_1910 : i32
      %rem3A_1915 = arith.remsi %squeeze3A_1909, %select_n3A_1914 : i32
      %ne3A_1916 = arith.constant 0 : i32
      %ne3A_1917 = arith.cmpi ne, %rem3A_1915, %ne3A_1916 : i32
      %lt3A_1918 = arith.constant 0 : i32
      %lt3A_1919 = arith.cmpi slt, %rem3A_1915, %lt3A_1918 : i32
      %lt3A_1920 = arith.constant 0 : i32
      %lt3A_1921 = arith.cmpi slt, %select_n3A_1914, %lt3A_1920 : i32
      %ne3A_1922 = arith.xori %lt3A_1919, %lt3A_1921 : i1
      %and3A_1923 = arith.andi %ne3A_1922, %ne3A_1917 : i1
      %add3A_1924 = arith.addi %rem3A_1915, %select_n3A_1914 : i32
      %select_n3A_1925 = arith.select %and3A_1923, %add3A_1924, %rem3A_1915 : i32
      %add3A_1926 = vector.broadcast %select_n3A_1925 : i32 to vector<16xi32>
      %add3A_1927 = arith.addi %broadcast_in_dim3A_1907, %add3A_1926 : vector<16xi32>
      %gather3A_1928 = arith.constant 6 : i32
      %gather3A_1929 = arith.constant 0 : i32
      %gather3A_1930 = arith.constant 0 : i32
      %gather3A_1931 = tpu.memref_slice %arg9[%gather3A_1928, %gather3A_1929, %gather3A_1930] : memref<8x32x128xf32, #tpu.memory_space<vmem>> -> memref<1x32x128xf32, #tpu.memory_space<vmem>>
      %gather3A_1932 = tpu.memref_squeeze %gather3A_1931 : memref<1x32x128xf32, #tpu.memory_space<vmem>> -> memref<32x128xf32, #tpu.memory_space<vmem>>
      %gather3A_1933 = tpu.vector_load_idx %gather3A_1932[%iota3A, %add3A_1905] : memref<32x128xf32, #tpu.memory_space<vmem>>[vector<16xi32>, vector<16xi32>], vector<16xf32>,
      %gather3A_1934 = arith.constant 6 : i32
      %gather3A_1935 = arith.constant 0 : i32
      %gather3A_1936 = arith.constant 0 : i32
      %gather3A_1937 = tpu.memref_slice %arg9[%gather3A_1934, %gather3A_1935, %gather3A_1936] : memref<8x32x128xf32, #tpu.memory_space<vmem>> -> memref<1x32x128xf32, #tpu.memory_space<vmem>>
      %gather3A_1938 = tpu.memref_squeeze %gather3A_1937 : memref<1x32x128xf32, #tpu.memory_space<vmem>> -> memref<32x128xf32, #tpu.memory_space<vmem>>
      %gather3A_1939 = tpu.vector_load_idx %gather3A_1938[%add3A_5, %add3A_1905] : memref<32x128xf32, #tpu.memory_space<vmem>>[vector<16xi32>, vector<16xi32>], vector<16xf32>,
      %gather3A_1940 = arith.constant 6 : i32
      %gather3A_1941 = arith.constant 0 : i32
      %gather3A_1942 = arith.constant 0 : i32
      %gather3A_1943 = tpu.memref_slice %arg10[%gather3A_1940, %gather3A_1941, %gather3A_1942] : memref<8x32x128xf32, #tpu.memory_space<vmem>> -> memref<1x32x128xf32, #tpu.memory_space<vmem>>
      %gather3A_1944 = tpu.memref_squeeze %gather3A_1943 : memref<1x32x128xf32, #tpu.memory_space<vmem>> -> memref<32x128xf32, #tpu.memory_space<vmem>>
      %gather3A_1945 = tpu.vector_load_idx %gather3A_1944[%iota3A, %add3A_1927] : memref<32x128xf32, #tpu.memory_space<vmem>>[vector<16xi32>, vector<16xi32>], vector<16xf32>,
      %gather3A_1946 = arith.constant 6 : i32
      %gather3A_1947 = arith.constant 0 : i32
      %gather3A_1948 = arith.constant 0 : i32
      %gather3A_1949 = tpu.memref_slice %arg10[%gather3A_1946, %gather3A_1947, %gather3A_1948] : memref<8x32x128xf32, #tpu.memory_space<vmem>> -> memref<1x32x128xf32, #tpu.memory_space<vmem>>
      %gather3A_1950 = tpu.memref_squeeze %gather3A_1949 : memref<1x32x128xf32, #tpu.memory_space<vmem>> -> memref<32x128xf32, #tpu.memory_space<vmem>>
      %gather3A_1951 = tpu.vector_load_idx %gather3A_1950[%add3A_5, %add3A_1927] : memref<32x128xf32, #tpu.memory_space<vmem>>[vector<16xi32>, vector<16xi32>], vector<16xf32>,
      %mul3A_1952 = arith.mulf %gather3A_1933, %gather3A_1945 : vector<16xf32>
      %mul3A_1953 = arith.mulf %gather3A_1939, %gather3A_1951 : vector<16xf32>
      %add3A_1954 = arith.addf %mul3A_1952, %mul3A_1953 : vector<16xf32>
      %reduce_sum3A_1955 = arith.constant true
      %reduce_sum3A_1956 = vector.broadcast %reduce_sum3A_1955 : i1 to vector<16xi1>
      %reduce_sum3A_1957 = tpu.scan <sum>, %add3A_1954 masked %reduce_sum3A_1956 : vector<16xf32>, vector<16xi1> -> vector<16xf32>
      %reduce_sum3A_1958 = vector.extract %reduce_sum3A_1957[15] : f32 from vector<16xf32>
      %eq3A_1959 = arith.constant 6 : i32
      %eq3A_1960 = vector.broadcast %eq3A_1959 : i32 to vector<16xi32>
      %eq3A_1961 = arith.cmpi eq, %iota3A, %eq3A_1960 : vector<16xi32>
      %broadcast_in_dim3A_1962 = vector.broadcast %reduce_sum3A_1958 : f32 to vector<16xf32>
      %select_n3A_1963 = arith.select %eq3A_1961, %broadcast_in_dim3A_1962, %select_n3A_1769 : vector<16xi1>, vector<16xf32>
      %slice3A_1964 = vector.extract_strided_slice %get3A_596 {offsets = [14], sizes = [1], strides = [1]} : vector<16xi32> to vector<1xi32>
      %squeeze3A_1965 = vector.extract %slice3A_1964[0] : i32 from vector<1xi32>
      %jit3A_1966 = arith.constant 128 : i32
      %div3A_1967 = arith.divsi %squeeze3A_1965, %jit3A_1966 : i32
      %sign3A_1968 = arith.constant 0 : i32
      %sign3A_1969 = arith.cmpi sgt, %squeeze3A_1965, %sign3A_1968 : i32
      %sign3A_1970 = arith.extui %sign3A_1969 : i1 to i32
      %sign3A_1971 = arith.constant 0 : i32
      %sign3A_1972 = arith.cmpi slt, %squeeze3A_1965, %sign3A_1971 : i32
      %sign3A_1973 = arith.extui %sign3A_1972 : i1 to i32
      %sign3A_1974 = arith.subi %sign3A_1970, %sign3A_1973 : i32
      %sign3A_1975 = arith.constant 0 : i32
      %sign3A_1976 = arith.cmpi sgt, %jit3A_1966, %sign3A_1975 : i32
      %sign3A_1977 = arith.extui %sign3A_1976 : i1 to i32
      %sign3A_1978 = arith.constant 0 : i32
      %sign3A_1979 = arith.cmpi slt, %jit3A_1966, %sign3A_1978 : i32
      %sign3A_1980 = arith.extui %sign3A_1979 : i1 to i32
      %sign3A_1981 = arith.subi %sign3A_1977, %sign3A_1980 : i32
      %ne3A_1982 = arith.cmpi ne, %sign3A_1974, %sign3A_1981 : i32
      %rem3A_1983 = arith.remsi %squeeze3A_1965, %jit3A_1966 : i32
      %ne3A_1984 = arith.constant 0 : i32
      %ne3A_1985 = arith.cmpi ne, %rem3A_1983, %ne3A_1984 : i32
      %and3A_1986 = arith.andi %ne3A_1982, %ne3A_1985 : i1
      %sub3A_1987 = arith.constant 1 : i32
      %sub3A_1988 = arith.subi %div3A_1967, %sub3A_1987 : i32
      %select_n3A_1989 = arith.select %and3A_1986, %sub3A_1988, %div3A_1967 : i32
      %mul3A_1990 = arith.constant 128 : i32
      %mul3A_1991 = arith.muli %select_n3A_1989, %mul3A_1990 : i32
      %multiple_of3A_1992 = tpu.assume_multiple %mul3A_1991, 128 : i32
      %slice3A_1993 = vector.extract_strided_slice %get3A_600 {offsets = [14], sizes = [1], strides = [1]} : vector<16xi32> to vector<1xi32>
      %squeeze3A_1994 = vector.extract %slice3A_1993[0] : i32 from vector<1xi32>
      %jit3A_1995 = arith.constant 128 : i32
      %div3A_1996 = arith.divsi %squeeze3A_1994, %jit3A_1995 : i32
      %sign3A_1997 = arith.constant 0 : i32
      %sign3A_1998 = arith.cmpi sgt, %squeeze3A_1994, %sign3A_1997 : i32
      %sign3A_1999 = arith.extui %sign3A_1998 : i1 to i32
      %sign3A_2000 = arith.constant 0 : i32
      %sign3A_2001 = arith.cmpi slt, %squeeze3A_1994, %sign3A_2000 : i32
      %sign3A_2002 = arith.extui %sign3A_2001 : i1 to i32
      %sign3A_2003 = arith.subi %sign3A_1999, %sign3A_2002 : i32
      %sign3A_2004 = arith.constant 0 : i32
      %sign3A_2005 = arith.cmpi sgt, %jit3A_1995, %sign3A_2004 : i32
      %sign3A_2006 = arith.extui %sign3A_2005 : i1 to i32
      %sign3A_2007 = arith.constant 0 : i32
      %sign3A_2008 = arith.cmpi slt, %jit3A_1995, %sign3A_2007 : i32
      %sign3A_2009 = arith.extui %sign3A_2008 : i1 to i32
      %sign3A_2010 = arith.subi %sign3A_2006, %sign3A_2009 : i32
      %ne3A_2011 = arith.cmpi ne, %sign3A_2003, %sign3A_2010 : i32
      %rem3A_2012 = arith.remsi %squeeze3A_1994, %jit3A_1995 : i32
      %ne3A_2013 = arith.constant 0 : i32
      %ne3A_2014 = arith.cmpi ne, %rem3A_2012, %ne3A_2013 : i32
      %and3A_2015 = arith.andi %ne3A_2011, %ne3A_2014 : i1
      %sub3A_2016 = arith.constant 1 : i32
      %sub3A_2017 = arith.subi %div3A_1996, %sub3A_2016 : i32
      %select_n3A_2018 = arith.select %and3A_2015, %sub3A_2017, %div3A_1996 : i32
      %mul3A_2019 = arith.constant 128 : i32
      %mul3A_2020 = arith.muli %select_n3A_2018, %mul3A_2019 : i32
      %multiple_of3A_2021 = tpu.assume_multiple %mul3A_2020, 128 : i32
      %dma_start3A_2022 = arith.constant 6 : i32
      %dma_start3A_2023 = arith.constant 0 : i32
      %dma_start3A_2024 = arith.constant 0 : i32
      %dma_start3A_2025 = tpu.memref_slice %arg9[%dma_start3A_2022, %dma_start3A_2023, %dma_start3A_2024] : memref<8x32x128xf32, #tpu.memory_space<vmem>> -> memref<1x32x128xf32, #tpu.memory_space<vmem>>
      %dma_start3A_2026 = tpu.memref_squeeze %dma_start3A_2025 : memref<1x32x128xf32, #tpu.memory_space<vmem>> -> memref<32x128xf32, #tpu.memory_space<vmem>>
      %dma_start3A_2027 = arith.constant 0 : i32
      %dma_start3A_2028 = tpu.memref_slice %arg4[%dma_start3A_2027, %multiple_of3A_1992] : memref<32x1000000xf32, #tpu.memory_space<hbm>> -> memref<32x128xf32, #tpu.memory_space<hbm>>
      %dma_start3A_2029 = arith.constant 0 : i32
      %dma_start3A_2030 = arith.constant 0 : i32
      %dma_start3A_2031 = tpu.memref_slice %arg9[%dma_start3A_2022, %dma_start3A_2029, %dma_start3A_2030] : memref<8x32x128xf32, #tpu.memory_space<vmem>> -> memref<1x32x128xf32, #tpu.memory_space<vmem>>
      %dma_start3A_2032 = tpu.memref_squeeze %dma_start3A_2031 : memref<1x32x128xf32, #tpu.memory_space<vmem>> -> memref<32x128xf32, #tpu.memory_space<vmem>>
      %dma_start3A_2033 = arith.constant 0 : i32
      %dma_start3A_2034 = tpu.memref_slice %arg4[%dma_start3A_2033, %multiple_of3A_1992] : memref<32x1000000xf32, #tpu.memory_space<hbm>> -> memref<32x128xf32, #tpu.memory_space<hbm>>
      tpu.enqueue_dma source(%dma_start3A_2034 : memref<32x128xf32, #tpu.memory_space<hbm>>) target(%dma_start3A_2032 : memref<32x128xf32, #tpu.memory_space<vmem>>) target_semaphore(%arg12 : memref<!tpu.dma_semaphore, #tpu.memory_space<semaphore_mem>>)
      %dma_start3A_2035 = arith.constant 6 : i32
      %dma_start3A_2036 = arith.constant 0 : i32
      %dma_start3A_2037 = arith.constant 0 : i32
      %dma_start3A_2038 = tpu.memref_slice %arg10[%dma_start3A_2035, %dma_start3A_2036, %dma_start3A_2037] : memref<8x32x128xf32, #tpu.memory_space<vmem>> -> memref<1x32x128xf32, #tpu.memory_space<vmem>>
      %dma_start3A_2039 = tpu.memref_squeeze %dma_start3A_2038 : memref<1x32x128xf32, #tpu.memory_space<vmem>> -> memref<32x128xf32, #tpu.memory_space<vmem>>
      %dma_start3A_2040 = arith.constant 0 : i32
      %dma_start3A_2041 = tpu.memref_slice %arg5[%dma_start3A_2040, %multiple_of3A_2021] : memref<32x1000000xf32, #tpu.memory_space<hbm>> -> memref<32x128xf32, #tpu.memory_space<hbm>>
      %dma_start3A_2042 = arith.constant 0 : i32
      %dma_start3A_2043 = arith.constant 0 : i32
      %dma_start3A_2044 = tpu.memref_slice %arg10[%dma_start3A_2035, %dma_start3A_2042, %dma_start3A_2043] : memref<8x32x128xf32, #tpu.memory_space<vmem>> -> memref<1x32x128xf32, #tpu.memory_space<vmem>>
      %dma_start3A_2045 = tpu.memref_squeeze %dma_start3A_2044 : memref<1x32x128xf32, #tpu.memory_space<vmem>> -> memref<32x128xf32, #tpu.memory_space<vmem>>
      %dma_start3A_2046 = arith.constant 0 : i32
      %dma_start3A_2047 = tpu.memref_slice %arg5[%dma_start3A_2046, %multiple_of3A_2021] : memref<32x1000000xf32, #tpu.memory_space<hbm>> -> memref<32x128xf32, #tpu.memory_space<hbm>>
      tpu.enqueue_dma source(%dma_start3A_2047 : memref<32x128xf32, #tpu.memory_space<hbm>>) target(%dma_start3A_2045 : memref<32x128xf32, #tpu.memory_space<vmem>>) target_semaphore(%arg13 : memref<!tpu.dma_semaphore, #tpu.memory_space<semaphore_mem>>)
      %dma_wait3A_2048 = arith.constant 7 : i32
      %dma_wait3A_2049 = arith.constant 0 : i32
      %dma_wait3A_2050 = arith.constant 0 : i32
      %dma_wait3A_2051 = tpu.memref_slice %arg9[%dma_wait3A_2048, %dma_wait3A_2049, %dma_wait3A_2050] : memref<8x32x128xf32, #tpu.memory_space<vmem>> -> memref<1x32x128xf32, #tpu.memory_space<vmem>>
      %dma_wait3A_2052 = tpu.memref_squeeze %dma_wait3A_2051 : memref<1x32x128xf32, #tpu.memory_space<vmem>> -> memref<32x128xf32, #tpu.memory_space<vmem>>
      %dma_wait3A_2053 = arith.constant 0 : i32
      %dma_wait3A_2054 = arith.constant 0 : i32
      %dma_wait3A_2055 = tpu.memref_slice %arg4[%dma_wait3A_2053, %dma_wait3A_2054] : memref<32x1000000xf32, #tpu.memory_space<hbm>> -> memref<32x128xf32, #tpu.memory_space<hbm>>
      %dma_wait3A_2056 = arith.constant 0 : i32
      %dma_wait3A_2057 = arith.constant 0 : i32
      %dma_wait3A_2058 = tpu.memref_slice %arg9[%dma_wait3A_2048, %dma_wait3A_2056, %dma_wait3A_2057] : memref<8x32x128xf32, #tpu.memory_space<vmem>> -> memref<1x32x128xf32, #tpu.memory_space<vmem>>
      %dma_wait3A_2059 = tpu.memref_squeeze %dma_wait3A_2058 : memref<1x32x128xf32, #tpu.memory_space<vmem>> -> memref<32x128xf32, #tpu.memory_space<vmem>>
      %dma_wait3A_2060 = arith.constant 0 : i32
      %dma_wait3A_2061 = arith.constant 0 : i32
      %dma_wait3A_2062 = tpu.memref_slice %arg4[%dma_wait3A_2060, %dma_wait3A_2061] : memref<32x1000000xf32, #tpu.memory_space<hbm>> -> memref<32x128xf32, #tpu.memory_space<hbm>>
      tpu.wait_dma2 semaphore(%arg12 : memref<!tpu.dma_semaphore, #tpu.memory_space<semaphore_mem>>) src(%dma_wait3A_2062 : memref<32x128xf32, #tpu.memory_space<hbm>>) dst(%dma_wait3A_2059 : memref<32x128xf32, #tpu.memory_space<vmem>>)
      %dma_wait3A_2063 = arith.constant 7 : i32
      %dma_wait3A_2064 = arith.constant 0 : i32
      %dma_wait3A_2065 = arith.constant 0 : i32
      %dma_wait3A_2066 = tpu.memref_slice %arg10[%dma_wait3A_2063, %dma_wait3A_2064, %dma_wait3A_2065] : memref<8x32x128xf32, #tpu.memory_space<vmem>> -> memref<1x32x128xf32, #tpu.memory_space<vmem>>
      %dma_wait3A_2067 = tpu.memref_squeeze %dma_wait3A_2066 : memref<1x32x128xf32, #tpu.memory_space<vmem>> -> memref<32x128xf32, #tpu.memory_space<vmem>>
      %dma_wait3A_2068 = arith.constant 0 : i32
      %dma_wait3A_2069 = arith.constant 0 : i32
      %dma_wait3A_2070 = tpu.memref_slice %arg5[%dma_wait3A_2068, %dma_wait3A_2069] : memref<32x1000000xf32, #tpu.memory_space<hbm>> -> memref<32x128xf32, #tpu.memory_space<hbm>>
      %dma_wait3A_2071 = arith.constant 0 : i32
      %dma_wait3A_2072 = arith.constant 0 : i32
      %dma_wait3A_2073 = tpu.memref_slice %arg10[%dma_wait3A_2063, %dma_wait3A_2071, %dma_wait3A_2072] : memref<8x32x128xf32, #tpu.memory_space<vmem>> -> memref<1x32x128xf32, #tpu.memory_space<vmem>>
      %dma_wait3A_2074 = tpu.memref_squeeze %dma_wait3A_2073 : memref<1x32x128xf32, #tpu.memory_space<vmem>> -> memref<32x128xf32, #tpu.memory_space<vmem>>
      %dma_wait3A_2075 = arith.constant 0 : i32
      %dma_wait3A_2076 = arith.constant 0 : i32
      %dma_wait3A_2077 = tpu.memref_slice %arg5[%dma_wait3A_2075, %dma_wait3A_2076] : memref<32x1000000xf32, #tpu.memory_space<hbm>> -> memref<32x128xf32, #tpu.memory_space<hbm>>
      tpu.wait_dma2 semaphore(%arg13 : memref<!tpu.dma_semaphore, #tpu.memory_space<semaphore_mem>>) src(%dma_wait3A_2077 : memref<32x128xf32, #tpu.memory_space<hbm>>) dst(%dma_wait3A_2074 : memref<32x128xf32, #tpu.memory_space<vmem>>)
      %broadcast_in_dim3A_2078 = arith.constant 0 : i32
      %broadcast_in_dim3A_2079 = vector.broadcast %broadcast_in_dim3A_2078 : i32 to vector<16xi32>
      %slice3A_2080 = vector.extract_strided_slice %get3A_596 {offsets = [7], sizes = [1], strides = [1]} : vector<16xi32> to vector<1xi32>
      %squeeze3A_2081 = vector.extract %slice3A_2080[0] : i32 from vector<1xi32>
      %jit3A_2082 = arith.constant 128 : i32
      %eq3A_2083 = arith.constant 0 : i32
      %eq3A_2084 = arith.cmpi eq, %jit3A_2082, %eq3A_2083 : i32
      %jit3A_2085 = arith.constant 1 : i32
      %select_n3A_2086 = arith.select %eq3A_2084, %jit3A_2085, %jit3A_2082 : i32
      %rem3A_2087 = arith.remsi %squeeze3A_2081, %select_n3A_2086 : i32
      %ne3A_2088 = arith.constant 0 : i32
      %ne3A_2089 = arith.cmpi ne, %rem3A_2087, %ne3A_2088 : i32
      %lt3A_2090 = arith.constant 0 : i32
      %lt3A_2091 = arith.cmpi slt, %rem3A_2087, %lt3A_2090 : i32
      %lt3A_2092 = arith.constant 0 : i32
      %lt3A_2093 = arith.cmpi slt, %select_n3A_2086, %lt3A_2092 : i32
      %ne3A_2094 = arith.xori %lt3A_2091, %lt3A_2093 : i1
      %and3A_2095 = arith.andi %ne3A_2094, %ne3A_2089 : i1
      %add3A_2096 = arith.addi %rem3A_2087, %select_n3A_2086 : i32
      %select_n3A_2097 = arith.select %and3A_2095, %add3A_2096, %rem3A_2087 : i32
      %add3A_2098 = vector.broadcast %select_n3A_2097 : i32 to vector<16xi32>
      %add3A_2099 = arith.addi %broadcast_in_dim3A_2079, %add3A_2098 : vector<16xi32>
      %broadcast_in_dim3A_2100 = arith.constant 0 : i32
      %broadcast_in_dim3A_2101 = vector.broadcast %broadcast_in_dim3A_2100 : i32 to vector<16xi32>
      %slice3A_2102 = vector.extract_strided_slice %get3A_600 {offsets = [7], sizes = [1], strides = [1]} : vector<16xi32> to vector<1xi32>
      %squeeze3A_2103 = vector.extract %slice3A_2102[0] : i32 from vector<1xi32>
      %jit3A_2104 = arith.constant 128 : i32
      %eq3A_2105 = arith.constant 0 : i32
      %eq3A_2106 = arith.cmpi eq, %jit3A_2104, %eq3A_2105 : i32
      %jit3A_2107 = arith.constant 1 : i32
      %select_n3A_2108 = arith.select %eq3A_2106, %jit3A_2107, %jit3A_2104 : i32
      %rem3A_2109 = arith.remsi %squeeze3A_2103, %select_n3A_2108 : i32
      %ne3A_2110 = arith.constant 0 : i32
      %ne3A_2111 = arith.cmpi ne, %rem3A_2109, %ne3A_2110 : i32
      %lt3A_2112 = arith.constant 0 : i32
      %lt3A_2113 = arith.cmpi slt, %rem3A_2109, %lt3A_2112 : i32
      %lt3A_2114 = arith.constant 0 : i32
      %lt3A_2115 = arith.cmpi slt, %select_n3A_2108, %lt3A_2114 : i32
      %ne3A_2116 = arith.xori %lt3A_2113, %lt3A_2115 : i1
      %and3A_2117 = arith.andi %ne3A_2116, %ne3A_2111 : i1
      %add3A_2118 = arith.addi %rem3A_2109, %select_n3A_2108 : i32
      %select_n3A_2119 = arith.select %and3A_2117, %add3A_2118, %rem3A_2109 : i32
      %add3A_2120 = vector.broadcast %select_n3A_2119 : i32 to vector<16xi32>
      %add3A_2121 = arith.addi %broadcast_in_dim3A_2101, %add3A_2120 : vector<16xi32>
      %gather3A_2122 = arith.constant 7 : i32
      %gather3A_2123 = arith.constant 0 : i32
      %gather3A_2124 = arith.constant 0 : i32
      %gather3A_2125 = tpu.memref_slice %arg9[%gather3A_2122, %gather3A_2123, %gather3A_2124] : memref<8x32x128xf32, #tpu.memory_space<vmem>> -> memref<1x32x128xf32, #tpu.memory_space<vmem>>
      %gather3A_2126 = tpu.memref_squeeze %gather3A_2125 : memref<1x32x128xf32, #tpu.memory_space<vmem>> -> memref<32x128xf32, #tpu.memory_space<vmem>>
      %gather3A_2127 = tpu.vector_load_idx %gather3A_2126[%iota3A, %add3A_2099] : memref<32x128xf32, #tpu.memory_space<vmem>>[vector<16xi32>, vector<16xi32>], vector<16xf32>,
      %gather3A_2128 = arith.constant 7 : i32
      %gather3A_2129 = arith.constant 0 : i32
      %gather3A_2130 = arith.constant 0 : i32
      %gather3A_2131 = tpu.memref_slice %arg9[%gather3A_2128, %gather3A_2129, %gather3A_2130] : memref<8x32x128xf32, #tpu.memory_space<vmem>> -> memref<1x32x128xf32, #tpu.memory_space<vmem>>
      %gather3A_2132 = tpu.memref_squeeze %gather3A_2131 : memref<1x32x128xf32, #tpu.memory_space<vmem>> -> memref<32x128xf32, #tpu.memory_space<vmem>>
      %gather3A_2133 = tpu.vector_load_idx %gather3A_2132[%add3A_5, %add3A_2099] : memref<32x128xf32, #tpu.memory_space<vmem>>[vector<16xi32>, vector<16xi32>], vector<16xf32>,
      %gather3A_2134 = arith.constant 7 : i32
      %gather3A_2135 = arith.constant 0 : i32
      %gather3A_2136 = arith.constant 0 : i32
      %gather3A_2137 = tpu.memref_slice %arg10[%gather3A_2134, %gather3A_2135, %gather3A_2136] : memref<8x32x128xf32, #tpu.memory_space<vmem>> -> memref<1x32x128xf32, #tpu.memory_space<vmem>>
      %gather3A_2138 = tpu.memref_squeeze %gather3A_2137 : memref<1x32x128xf32, #tpu.memory_space<vmem>> -> memref<32x128xf32, #tpu.memory_space<vmem>>
      %gather3A_2139 = tpu.vector_load_idx %gather3A_2138[%iota3A, %add3A_2121] : memref<32x128xf32, #tpu.memory_space<vmem>>[vector<16xi32>, vector<16xi32>], vector<16xf32>,
      %gather3A_2140 = arith.constant 7 : i32
      %gather3A_2141 = arith.constant 0 : i32
      %gather3A_2142 = arith.constant 0 : i32
      %gather3A_2143 = tpu.memref_slice %arg10[%gather3A_2140, %gather3A_2141, %gather3A_2142] : memref<8x32x128xf32, #tpu.memory_space<vmem>> -> memref<1x32x128xf32, #tpu.memory_space<vmem>>
      %gather3A_2144 = tpu.memref_squeeze %gather3A_2143 : memref<1x32x128xf32, #tpu.memory_space<vmem>> -> memref<32x128xf32, #tpu.memory_space<vmem>>
      %gather3A_2145 = tpu.vector_load_idx %gather3A_2144[%add3A_5, %add3A_2121] : memref<32x128xf32, #tpu.memory_space<vmem>>[vector<16xi32>, vector<16xi32>], vector<16xf32>,
      %mul3A_2146 = arith.mulf %gather3A_2127, %gather3A_2139 : vector<16xf32>
      %mul3A_2147 = arith.mulf %gather3A_2133, %gather3A_2145 : vector<16xf32>
      %add3A_2148 = arith.addf %mul3A_2146, %mul3A_2147 : vector<16xf32>
      %reduce_sum3A_2149 = arith.constant true
      %reduce_sum3A_2150 = vector.broadcast %reduce_sum3A_2149 : i1 to vector<16xi1>
      %reduce_sum3A_2151 = tpu.scan <sum>, %add3A_2148 masked %reduce_sum3A_2150 : vector<16xf32>, vector<16xi1> -> vector<16xf32>
      %reduce_sum3A_2152 = vector.extract %reduce_sum3A_2151[15] : f32 from vector<16xf32>
      %eq3A_2153 = arith.constant 7 : i32
      %eq3A_2154 = vector.broadcast %eq3A_2153 : i32 to vector<16xi32>
      %eq3A_2155 = arith.cmpi eq, %iota3A, %eq3A_2154 : vector<16xi32>
      %broadcast_in_dim3A_2156 = vector.broadcast %reduce_sum3A_2152 : f32 to vector<16xf32>
      %select_n3A_2157 = arith.select %eq3A_2155, %broadcast_in_dim3A_2156, %select_n3A_1963 : vector<16xi1>, vector<16xf32>
      %slice3A_2158 = vector.extract_strided_slice %get3A_596 {offsets = [15], sizes = [1], strides = [1]} : vector<16xi32> to vector<1xi32>
      %squeeze3A_2159 = vector.extract %slice3A_2158[0] : i32 from vector<1xi32>
      %jit3A_2160 = arith.constant 128 : i32
      %div3A_2161 = arith.divsi %squeeze3A_2159, %jit3A_2160 : i32
      %sign3A_2162 = arith.constant 0 : i32
      %sign3A_2163 = arith.cmpi sgt, %squeeze3A_2159, %sign3A_2162 : i32
      %sign3A_2164 = arith.extui %sign3A_2163 : i1 to i32
      %sign3A_2165 = arith.constant 0 : i32
      %sign3A_2166 = arith.cmpi slt, %squeeze3A_2159, %sign3A_2165 : i32
      %sign3A_2167 = arith.extui %sign3A_2166 : i1 to i32
      %sign3A_2168 = arith.subi %sign3A_2164, %sign3A_2167 : i32
      %sign3A_2169 = arith.constant 0 : i32
      %sign3A_2170 = arith.cmpi sgt, %jit3A_2160, %sign3A_2169 : i32
      %sign3A_2171 = arith.extui %sign3A_2170 : i1 to i32
      %sign3A_2172 = arith.constant 0 : i32
      %sign3A_2173 = arith.cmpi slt, %jit3A_2160, %sign3A_2172 : i32
      %sign3A_2174 = arith.extui %sign3A_2173 : i1 to i32
      %sign3A_2175 = arith.subi %sign3A_2171, %sign3A_2174 : i32
      %ne3A_2176 = arith.cmpi ne, %sign3A_2168, %sign3A_2175 : i32
      %rem3A_2177 = arith.remsi %squeeze3A_2159, %jit3A_2160 : i32
      %ne3A_2178 = arith.constant 0 : i32
      %ne3A_2179 = arith.cmpi ne, %rem3A_2177, %ne3A_2178 : i32
      %and3A_2180 = arith.andi %ne3A_2176, %ne3A_2179 : i1
      %sub3A_2181 = arith.constant 1 : i32
      %sub3A_2182 = arith.subi %div3A_2161, %sub3A_2181 : i32
      %select_n3A_2183 = arith.select %and3A_2180, %sub3A_2182, %div3A_2161 : i32
      %mul3A_2184 = arith.constant 128 : i32
      %mul3A_2185 = arith.muli %select_n3A_2183, %mul3A_2184 : i32
      %multiple_of3A_2186 = tpu.assume_multiple %mul3A_2185, 128 : i32
      %slice3A_2187 = vector.extract_strided_slice %get3A_600 {offsets = [15], sizes = [1], strides = [1]} : vector<16xi32> to vector<1xi32>
      %squeeze3A_2188 = vector.extract %slice3A_2187[0] : i32 from vector<1xi32>
      %jit3A_2189 = arith.constant 128 : i32
      %div3A_2190 = arith.divsi %squeeze3A_2188, %jit3A_2189 : i32
      %sign3A_2191 = arith.constant 0 : i32
      %sign3A_2192 = arith.cmpi sgt, %squeeze3A_2188, %sign3A_2191 : i32
      %sign3A_2193 = arith.extui %sign3A_2192 : i1 to i32
      %sign3A_2194 = arith.constant 0 : i32
      %sign3A_2195 = arith.cmpi slt, %squeeze3A_2188, %sign3A_2194 : i32
      %sign3A_2196 = arith.extui %sign3A_2195 : i1 to i32
      %sign3A_2197 = arith.subi %sign3A_2193, %sign3A_2196 : i32
      %sign3A_2198 = arith.constant 0 : i32
      %sign3A_2199 = arith.cmpi sgt, %jit3A_2189, %sign3A_2198 : i32
      %sign3A_2200 = arith.extui %sign3A_2199 : i1 to i32
      %sign3A_2201 = arith.constant 0 : i32
      %sign3A_2202 = arith.cmpi slt, %jit3A_2189, %sign3A_2201 : i32
      %sign3A_2203 = arith.extui %sign3A_2202 : i1 to i32
      %sign3A_2204 = arith.subi %sign3A_2200, %sign3A_2203 : i32
      %ne3A_2205 = arith.cmpi ne, %sign3A_2197, %sign3A_2204 : i32
      %rem3A_2206 = arith.remsi %squeeze3A_2188, %jit3A_2189 : i32
      %ne3A_2207 = arith.constant 0 : i32
      %ne3A_2208 = arith.cmpi ne, %rem3A_2206, %ne3A_2207 : i32
      %and3A_2209 = arith.andi %ne3A_2205, %ne3A_2208 : i1
      %sub3A_2210 = arith.constant 1 : i32
      %sub3A_2211 = arith.subi %div3A_2190, %sub3A_2210 : i32
      %select_n3A_2212 = arith.select %and3A_2209, %sub3A_2211, %div3A_2190 : i32
      %mul3A_2213 = arith.constant 128 : i32
      %mul3A_2214 = arith.muli %select_n3A_2212, %mul3A_2213 : i32
      %multiple_of3A_2215 = tpu.assume_multiple %mul3A_2214, 128 : i32
      %dma_start3A_2216 = arith.constant 7 : i32
      %dma_start3A_2217 = arith.constant 0 : i32
      %dma_start3A_2218 = arith.constant 0 : i32
      %dma_start3A_2219 = tpu.memref_slice %arg9[%dma_start3A_2216, %dma_start3A_2217, %dma_start3A_2218] : memref<8x32x128xf32, #tpu.memory_space<vmem>> -> memref<1x32x128xf32, #tpu.memory_space<vmem>>
      %dma_start3A_2220 = tpu.memref_squeeze %dma_start3A_2219 : memref<1x32x128xf32, #tpu.memory_space<vmem>> -> memref<32x128xf32, #tpu.memory_space<vmem>>
      %dma_start3A_2221 = arith.constant 0 : i32
      %dma_start3A_2222 = tpu.memref_slice %arg4[%dma_start3A_2221, %multiple_of3A_2186] : memref<32x1000000xf32, #tpu.memory_space<hbm>> -> memref<32x128xf32, #tpu.memory_space<hbm>>
      %dma_start3A_2223 = arith.constant 0 : i32
      %dma_start3A_2224 = arith.constant 0 : i32
      %dma_start3A_2225 = tpu.memref_slice %arg9[%dma_start3A_2216, %dma_start3A_2223, %dma_start3A_2224] : memref<8x32x128xf32, #tpu.memory_space<vmem>> -> memref<1x32x128xf32, #tpu.memory_space<vmem>>
      %dma_start3A_2226 = tpu.memref_squeeze %dma_start3A_2225 : memref<1x32x128xf32, #tpu.memory_space<vmem>> -> memref<32x128xf32, #tpu.memory_space<vmem>>
      %dma_start3A_2227 = arith.constant 0 : i32
      %dma_start3A_2228 = tpu.memref_slice %arg4[%dma_start3A_2227, %multiple_of3A_2186] : memref<32x1000000xf32, #tpu.memory_space<hbm>> -> memref<32x128xf32, #tpu.memory_space<hbm>>
      tpu.enqueue_dma source(%dma_start3A_2228 : memref<32x128xf32, #tpu.memory_space<hbm>>) target(%dma_start3A_2226 : memref<32x128xf32, #tpu.memory_space<vmem>>) target_semaphore(%arg12 : memref<!tpu.dma_semaphore, #tpu.memory_space<semaphore_mem>>)
      %dma_start3A_2229 = arith.constant 7 : i32
      %dma_start3A_2230 = arith.constant 0 : i32
      %dma_start3A_2231 = arith.constant 0 : i32
      %dma_start3A_2232 = tpu.memref_slice %arg10[%dma_start3A_2229, %dma_start3A_2230, %dma_start3A_2231] : memref<8x32x128xf32, #tpu.memory_space<vmem>> -> memref<1x32x128xf32, #tpu.memory_space<vmem>>
      %dma_start3A_2233 = tpu.memref_squeeze %dma_start3A_2232 : memref<1x32x128xf32, #tpu.memory_space<vmem>> -> memref<32x128xf32, #tpu.memory_space<vmem>>
      %dma_start3A_2234 = arith.constant 0 : i32
      %dma_start3A_2235 = tpu.memref_slice %arg5[%dma_start3A_2234, %multiple_of3A_2215] : memref<32x1000000xf32, #tpu.memory_space<hbm>> -> memref<32x128xf32, #tpu.memory_space<hbm>>
      %dma_start3A_2236 = arith.constant 0 : i32
      %dma_start3A_2237 = arith.constant 0 : i32
      %dma_start3A_2238 = tpu.memref_slice %arg10[%dma_start3A_2229, %dma_start3A_2236, %dma_start3A_2237] : memref<8x32x128xf32, #tpu.memory_space<vmem>> -> memref<1x32x128xf32, #tpu.memory_space<vmem>>
      %dma_start3A_2239 = tpu.memref_squeeze %dma_start3A_2238 : memref<1x32x128xf32, #tpu.memory_space<vmem>> -> memref<32x128xf32, #tpu.memory_space<vmem>>
      %dma_start3A_2240 = arith.constant 0 : i32
      %dma_start3A_2241 = tpu.memref_slice %arg5[%dma_start3A_2240, %multiple_of3A_2215] : memref<32x1000000xf32, #tpu.memory_space<hbm>> -> memref<32x128xf32, #tpu.memory_space<hbm>>
      tpu.enqueue_dma source(%dma_start3A_2241 : memref<32x128xf32, #tpu.memory_space<hbm>>) target(%dma_start3A_2239 : memref<32x128xf32, #tpu.memory_space<vmem>>) target_semaphore(%arg13 : memref<!tpu.dma_semaphore, #tpu.memory_space<semaphore_mem>>)
      %dma_wait3A_2242 = arith.constant 0 : i32
      %dma_wait3A_2243 = arith.constant 0 : i32
      %dma_wait3A_2244 = arith.constant 0 : i32
      %dma_wait3A_2245 = tpu.memref_slice %arg9[%dma_wait3A_2242, %dma_wait3A_2243, %dma_wait3A_2244] : memref<8x32x128xf32, #tpu.memory_space<vmem>> -> memref<1x32x128xf32, #tpu.memory_space<vmem>>
      %dma_wait3A_2246 = tpu.memref_squeeze %dma_wait3A_2245 : memref<1x32x128xf32, #tpu.memory_space<vmem>> -> memref<32x128xf32, #tpu.memory_space<vmem>>
      %dma_wait3A_2247 = arith.constant 0 : i32
      %dma_wait3A_2248 = arith.constant 0 : i32
      %dma_wait3A_2249 = tpu.memref_slice %arg4[%dma_wait3A_2247, %dma_wait3A_2248] : memref<32x1000000xf32, #tpu.memory_space<hbm>> -> memref<32x128xf32, #tpu.memory_space<hbm>>
      %dma_wait3A_2250 = arith.constant 0 : i32
      %dma_wait3A_2251 = arith.constant 0 : i32
      %dma_wait3A_2252 = tpu.memref_slice %arg9[%dma_wait3A_2242, %dma_wait3A_2250, %dma_wait3A_2251] : memref<8x32x128xf32, #tpu.memory_space<vmem>> -> memref<1x32x128xf32, #tpu.memory_space<vmem>>
      %dma_wait3A_2253 = tpu.memref_squeeze %dma_wait3A_2252 : memref<1x32x128xf32, #tpu.memory_space<vmem>> -> memref<32x128xf32, #tpu.memory_space<vmem>>
      %dma_wait3A_2254 = arith.constant 0 : i32
      %dma_wait3A_2255 = arith.constant 0 : i32
      %dma_wait3A_2256 = tpu.memref_slice %arg4[%dma_wait3A_2254, %dma_wait3A_2255] : memref<32x1000000xf32, #tpu.memory_space<hbm>> -> memref<32x128xf32, #tpu.memory_space<hbm>>
      tpu.wait_dma2 semaphore(%arg12 : memref<!tpu.dma_semaphore, #tpu.memory_space<semaphore_mem>>) src(%dma_wait3A_2256 : memref<32x128xf32, #tpu.memory_space<hbm>>) dst(%dma_wait3A_2253 : memref<32x128xf32, #tpu.memory_space<vmem>>)
      %dma_wait3A_2257 = arith.constant 0 : i32
      %dma_wait3A_2258 = arith.constant 0 : i32
      %dma_wait3A_2259 = arith.constant 0 : i32
      %dma_wait3A_2260 = tpu.memref_slice %arg10[%dma_wait3A_2257, %dma_wait3A_2258, %dma_wait3A_2259] : memref<8x32x128xf32, #tpu.memory_space<vmem>> -> memref<1x32x128xf32, #tpu.memory_space<vmem>>
      %dma_wait3A_2261 = tpu.memref_squeeze %dma_wait3A_2260 : memref<1x32x128xf32, #tpu.memory_space<vmem>> -> memref<32x128xf32, #tpu.memory_space<vmem>>
      %dma_wait3A_2262 = arith.constant 0 : i32
      %dma_wait3A_2263 = arith.constant 0 : i32
      %dma_wait3A_2264 = tpu.memref_slice %arg5[%dma_wait3A_2262, %dma_wait3A_2263] : memref<32x1000000xf32, #tpu.memory_space<hbm>> -> memref<32x128xf32, #tpu.memory_space<hbm>>
      %dma_wait3A_2265 = arith.constant 0 : i32
      %dma_wait3A_2266 = arith.constant 0 : i32
      %dma_wait3A_2267 = tpu.memref_slice %arg10[%dma_wait3A_2257, %dma_wait3A_2265, %dma_wait3A_2266] : memref<8x32x128xf32, #tpu.memory_space<vmem>> -> memref<1x32x128xf32, #tpu.memory_space<vmem>>
      %dma_wait3A_2268 = tpu.memref_squeeze %dma_wait3A_2267 : memref<1x32x128xf32, #tpu.memory_space<vmem>> -> memref<32x128xf32, #tpu.memory_space<vmem>>
      %dma_wait3A_2269 = arith.constant 0 : i32
      %dma_wait3A_2270 = arith.constant 0 : i32
      %dma_wait3A_2271 = tpu.memref_slice %arg5[%dma_wait3A_2269, %dma_wait3A_2270] : memref<32x1000000xf32, #tpu.memory_space<hbm>> -> memref<32x128xf32, #tpu.memory_space<hbm>>
      tpu.wait_dma2 semaphore(%arg13 : memref<!tpu.dma_semaphore, #tpu.memory_space<semaphore_mem>>) src(%dma_wait3A_2271 : memref<32x128xf32, #tpu.memory_space<hbm>>) dst(%dma_wait3A_2268 : memref<32x128xf32, #tpu.memory_space<vmem>>)
      %broadcast_in_dim3A_2272 = arith.constant 0 : i32
      %broadcast_in_dim3A_2273 = vector.broadcast %broadcast_in_dim3A_2272 : i32 to vector<16xi32>
      %slice3A_2274 = vector.extract_strided_slice %get3A_596 {offsets = [8], sizes = [1], strides = [1]} : vector<16xi32> to vector<1xi32>
      %squeeze3A_2275 = vector.extract %slice3A_2274[0] : i32 from vector<1xi32>
      %jit3A_2276 = arith.constant 128 : i32
      %eq3A_2277 = arith.constant 0 : i32
      %eq3A_2278 = arith.cmpi eq, %jit3A_2276, %eq3A_2277 : i32
      %jit3A_2279 = arith.constant 1 : i32
      %select_n3A_2280 = arith.select %eq3A_2278, %jit3A_2279, %jit3A_2276 : i32
      %rem3A_2281 = arith.remsi %squeeze3A_2275, %select_n3A_2280 : i32
      %ne3A_2282 = arith.constant 0 : i32
      %ne3A_2283 = arith.cmpi ne, %rem3A_2281, %ne3A_2282 : i32
      %lt3A_2284 = arith.constant 0 : i32
      %lt3A_2285 = arith.cmpi slt, %rem3A_2281, %lt3A_2284 : i32
      %lt3A_2286 = arith.constant 0 : i32
      %lt3A_2287 = arith.cmpi slt, %select_n3A_2280, %lt3A_2286 : i32
      %ne3A_2288 = arith.xori %lt3A_2285, %lt3A_2287 : i1
      %and3A_2289 = arith.andi %ne3A_2288, %ne3A_2283 : i1
      %add3A_2290 = arith.addi %rem3A_2281, %select_n3A_2280 : i32
      %select_n3A_2291 = arith.select %and3A_2289, %add3A_2290, %rem3A_2281 : i32
      %add3A_2292 = vector.broadcast %select_n3A_2291 : i32 to vector<16xi32>
      %add3A_2293 = arith.addi %broadcast_in_dim3A_2273, %add3A_2292 : vector<16xi32>
      %broadcast_in_dim3A_2294 = arith.constant 0 : i32
      %broadcast_in_dim3A_2295 = vector.broadcast %broadcast_in_dim3A_2294 : i32 to vector<16xi32>
      %slice3A_2296 = vector.extract_strided_slice %get3A_600 {offsets = [8], sizes = [1], strides = [1]} : vector<16xi32> to vector<1xi32>
      %squeeze3A_2297 = vector.extract %slice3A_2296[0] : i32 from vector<1xi32>
      %jit3A_2298 = arith.constant 128 : i32
      %eq3A_2299 = arith.constant 0 : i32
      %eq3A_2300 = arith.cmpi eq, %jit3A_2298, %eq3A_2299 : i32
      %jit3A_2301 = arith.constant 1 : i32
      %select_n3A_2302 = arith.select %eq3A_2300, %jit3A_2301, %jit3A_2298 : i32
      %rem3A_2303 = arith.remsi %squeeze3A_2297, %select_n3A_2302 : i32
      %ne3A_2304 = arith.constant 0 : i32
      %ne3A_2305 = arith.cmpi ne, %rem3A_2303, %ne3A_2304 : i32
      %lt3A_2306 = arith.constant 0 : i32
      %lt3A_2307 = arith.cmpi slt, %rem3A_2303, %lt3A_2306 : i32
      %lt3A_2308 = arith.constant 0 : i32
      %lt3A_2309 = arith.cmpi slt, %select_n3A_2302, %lt3A_2308 : i32
      %ne3A_2310 = arith.xori %lt3A_2307, %lt3A_2309 : i1
      %and3A_2311 = arith.andi %ne3A_2310, %ne3A_2305 : i1
      %add3A_2312 = arith.addi %rem3A_2303, %select_n3A_2302 : i32
      %select_n3A_2313 = arith.select %and3A_2311, %add3A_2312, %rem3A_2303 : i32
      %add3A_2314 = vector.broadcast %select_n3A_2313 : i32 to vector<16xi32>
      %add3A_2315 = arith.addi %broadcast_in_dim3A_2295, %add3A_2314 : vector<16xi32>
      %gather3A_2316 = arith.constant 0 : i32
      %gather3A_2317 = arith.constant 0 : i32
      %gather3A_2318 = arith.constant 0 : i32
      %gather3A_2319 = tpu.memref_slice %arg9[%gather3A_2316, %gather3A_2317, %gather3A_2318] : memref<8x32x128xf32, #tpu.memory_space<vmem>> -> memref<1x32x128xf32, #tpu.memory_space<vmem>>
      %gather3A_2320 = tpu.memref_squeeze %gather3A_2319 : memref<1x32x128xf32, #tpu.memory_space<vmem>> -> memref<32x128xf32, #tpu.memory_space<vmem>>
      %gather3A_2321 = tpu.vector_load_idx %gather3A_2320[%iota3A, %add3A_2293] : memref<32x128xf32, #tpu.memory_space<vmem>>[vector<16xi32>, vector<16xi32>], vector<16xf32>,
      %gather3A_2322 = arith.constant 0 : i32
      %gather3A_2323 = arith.constant 0 : i32
      %gather3A_2324 = arith.constant 0 : i32
      %gather3A_2325 = tpu.memref_slice %arg9[%gather3A_2322, %gather3A_2323, %gather3A_2324] : memref<8x32x128xf32, #tpu.memory_space<vmem>> -> memref<1x32x128xf32, #tpu.memory_space<vmem>>
      %gather3A_2326 = tpu.memref_squeeze %gather3A_2325 : memref<1x32x128xf32, #tpu.memory_space<vmem>> -> memref<32x128xf32, #tpu.memory_space<vmem>>
      %gather3A_2327 = tpu.vector_load_idx %gather3A_2326[%add3A_5, %add3A_2293] : memref<32x128xf32, #tpu.memory_space<vmem>>[vector<16xi32>, vector<16xi32>], vector<16xf32>,
      %gather3A_2328 = arith.constant 0 : i32
      %gather3A_2329 = arith.constant 0 : i32
      %gather3A_2330 = arith.constant 0 : i32
      %gather3A_2331 = tpu.memref_slice %arg10[%gather3A_2328, %gather3A_2329, %gather3A_2330] : memref<8x32x128xf32, #tpu.memory_space<vmem>> -> memref<1x32x128xf32, #tpu.memory_space<vmem>>
      %gather3A_2332 = tpu.memref_squeeze %gather3A_2331 : memref<1x32x128xf32, #tpu.memory_space<vmem>> -> memref<32x128xf32, #tpu.memory_space<vmem>>
      %gather3A_2333 = tpu.vector_load_idx %gather3A_2332[%iota3A, %add3A_2315] : memref<32x128xf32, #tpu.memory_space<vmem>>[vector<16xi32>, vector<16xi32>], vector<16xf32>,
      %gather3A_2334 = arith.constant 0 : i32
      %gather3A_2335 = arith.constant 0 : i32
      %gather3A_2336 = arith.constant 0 : i32
      %gather3A_2337 = tpu.memref_slice %arg10[%gather3A_2334, %gather3A_2335, %gather3A_2336] : memref<8x32x128xf32, #tpu.memory_space<vmem>> -> memref<1x32x128xf32, #tpu.memory_space<vmem>>
      %gather3A_2338 = tpu.memref_squeeze %gather3A_2337 : memref<1x32x128xf32, #tpu.memory_space<vmem>> -> memref<32x128xf32, #tpu.memory_space<vmem>>
      %gather3A_2339 = tpu.vector_load_idx %gather3A_2338[%add3A_5, %add3A_2315] : memref<32x128xf32, #tpu.memory_space<vmem>>[vector<16xi32>, vector<16xi32>], vector<16xf32>,
      %mul3A_2340 = arith.mulf %gather3A_2321, %gather3A_2333 : vector<16xf32>
      %mul3A_2341 = arith.mulf %gather3A_2327, %gather3A_2339 : vector<16xf32>
      %add3A_2342 = arith.addf %mul3A_2340, %mul3A_2341 : vector<16xf32>
      %reduce_sum3A_2343 = arith.constant true
      %reduce_sum3A_2344 = vector.broadcast %reduce_sum3A_2343 : i1 to vector<16xi1>
      %reduce_sum3A_2345 = tpu.scan <sum>, %add3A_2342 masked %reduce_sum3A_2344 : vector<16xf32>, vector<16xi1> -> vector<16xf32>
      %reduce_sum3A_2346 = vector.extract %reduce_sum3A_2345[15] : f32 from vector<16xf32>
      %eq3A_2347 = arith.constant 8 : i32
      %eq3A_2348 = vector.broadcast %eq3A_2347 : i32 to vector<16xi32>
      %eq3A_2349 = arith.cmpi eq, %iota3A, %eq3A_2348 : vector<16xi32>
      %broadcast_in_dim3A_2350 = vector.broadcast %reduce_sum3A_2346 : f32 to vector<16xf32>
      %select_n3A_2351 = arith.select %eq3A_2349, %broadcast_in_dim3A_2350, %select_n3A_2157 : vector<16xi1>, vector<16xf32>
      %lt3A_2352 = arith.constant 31 : i32
      %lt3A_2353 = arith.cmpi slt, %scan3A_591, %lt3A_2352 : i32
      %convert_element_type3A = arith.extui %lt3A_2353 : i1 to i32
      %cond3A = arith.constant 0 : i32
      %cond3A_2354 = arith.cmpi ne, %convert_element_type3A, %cond3A : i32
      scf.if %cond3A_2354 {
        %slice3A_3159 = vector.extract_strided_slice %get3A_607 {offsets = [0], sizes = [1], strides = [1]} : vector<16xi32> to vector<1xi32>
        %squeeze3A_3160 = vector.extract %slice3A_3159[0] : i32 from vector<1xi32>
        %jit3A_3161 = arith.constant 128 : i32
        %div3A_3162 = arith.divsi %squeeze3A_3160, %jit3A_3161 : i32
        %sign3A_3163 = arith.constant 0 : i32
        %sign3A_3164 = arith.cmpi sgt, %squeeze3A_3160, %sign3A_3163 : i32
        %sign3A_3165 = arith.extui %sign3A_3164 : i1 to i32
        %sign3A_3166 = arith.constant 0 : i32
        %sign3A_3167 = arith.cmpi slt, %squeeze3A_3160, %sign3A_3166 : i32
        %sign3A_3168 = arith.extui %sign3A_3167 : i1 to i32
        %sign3A_3169 = arith.subi %sign3A_3165, %sign3A_3168 : i32
        %sign3A_3170 = arith.constant 0 : i32
        %sign3A_3171 = arith.cmpi sgt, %jit3A_3161, %sign3A_3170 : i32
        %sign3A_3172 = arith.extui %sign3A_3171 : i1 to i32
        %sign3A_3173 = arith.constant 0 : i32
        %sign3A_3174 = arith.cmpi slt, %jit3A_3161, %sign3A_3173 : i32
        %sign3A_3175 = arith.extui %sign3A_3174 : i1 to i32
        %sign3A_3176 = arith.subi %sign3A_3172, %sign3A_3175 : i32
        %ne3A_3177 = arith.cmpi ne, %sign3A_3169, %sign3A_3176 : i32
        %rem3A_3178 = arith.remsi %squeeze3A_3160, %jit3A_3161 : i32
        %ne3A_3179 = arith.constant 0 : i32
        %ne3A_3180 = arith.cmpi ne, %rem3A_3178, %ne3A_3179 : i32
        %and3A_3181 = arith.andi %ne3A_3177, %ne3A_3180 : i1
        %sub3A_3182 = arith.constant 1 : i32
        %sub3A_3183 = arith.subi %div3A_3162, %sub3A_3182 : i32
        %select_n3A_3184 = arith.select %and3A_3181, %sub3A_3183, %div3A_3162 : i32
        %mul3A_3185 = arith.constant 128 : i32
        %mul3A_3186 = arith.muli %select_n3A_3184, %mul3A_3185 : i32
        %multiple_of3A_3187 = tpu.assume_multiple %mul3A_3186, 128 : i32
        %slice3A_3188 = vector.extract_strided_slice %get3A_609 {offsets = [0], sizes = [1], strides = [1]} : vector<16xi32> to vector<1xi32>
        %squeeze3A_3189 = vector.extract %slice3A_3188[0] : i32 from vector<1xi32>
        %jit3A_3190 = arith.constant 128 : i32
        %div3A_3191 = arith.divsi %squeeze3A_3189, %jit3A_3190 : i32
        %sign3A_3192 = arith.constant 0 : i32
        %sign3A_3193 = arith.cmpi sgt, %squeeze3A_3189, %sign3A_3192 : i32
        %sign3A_3194 = arith.extui %sign3A_3193 : i1 to i32
        %sign3A_3195 = arith.constant 0 : i32
        %sign3A_3196 = arith.cmpi slt, %squeeze3A_3189, %sign3A_3195 : i32
        %sign3A_3197 = arith.extui %sign3A_3196 : i1 to i32
        %sign3A_3198 = arith.subi %sign3A_3194, %sign3A_3197 : i32
        %sign3A_3199 = arith.constant 0 : i32
        %sign3A_3200 = arith.cmpi sgt, %jit3A_3190, %sign3A_3199 : i32
        %sign3A_3201 = arith.extui %sign3A_3200 : i1 to i32
        %sign3A_3202 = arith.constant 0 : i32
        %sign3A_3203 = arith.cmpi slt, %jit3A_3190, %sign3A_3202 : i32
        %sign3A_3204 = arith.extui %sign3A_3203 : i1 to i32
        %sign3A_3205 = arith.subi %sign3A_3201, %sign3A_3204 : i32
        %ne3A_3206 = arith.cmpi ne, %sign3A_3198, %sign3A_3205 : i32
        %rem3A_3207 = arith.remsi %squeeze3A_3189, %jit3A_3190 : i32
        %ne3A_3208 = arith.constant 0 : i32
        %ne3A_3209 = arith.cmpi ne, %rem3A_3207, %ne3A_3208 : i32
        %and3A_3210 = arith.andi %ne3A_3206, %ne3A_3209 : i1
        %sub3A_3211 = arith.constant 1 : i32
        %sub3A_3212 = arith.subi %div3A_3191, %sub3A_3211 : i32
        %select_n3A_3213 = arith.select %and3A_3210, %sub3A_3212, %div3A_3191 : i32
        %mul3A_3214 = arith.constant 128 : i32
        %mul3A_3215 = arith.muli %select_n3A_3213, %mul3A_3214 : i32
        %multiple_of3A_3216 = tpu.assume_multiple %mul3A_3215, 128 : i32
        %dma_start3A_3217 = arith.constant 0 : i32
        %dma_start3A_3218 = arith.constant 0 : i32
        %dma_start3A_3219 = arith.constant 0 : i32
        %dma_start3A_3220 = tpu.memref_slice %arg9[%dma_start3A_3217, %dma_start3A_3218, %dma_start3A_3219] : memref<8x32x128xf32, #tpu.memory_space<vmem>> -> memref<1x32x128xf32, #tpu.memory_space<vmem>>
        %dma_start3A_3221 = tpu.memref_squeeze %dma_start3A_3220 : memref<1x32x128xf32, #tpu.memory_space<vmem>> -> memref<32x128xf32, #tpu.memory_space<vmem>>
        %dma_start3A_3222 = arith.constant 0 : i32
        %dma_start3A_3223 = tpu.memref_slice %arg4[%dma_start3A_3222, %multiple_of3A_3187] : memref<32x1000000xf32, #tpu.memory_space<hbm>> -> memref<32x128xf32, #tpu.memory_space<hbm>>
        %dma_start3A_3224 = arith.constant 0 : i32
        %dma_start3A_3225 = arith.constant 0 : i32
        %dma_start3A_3226 = tpu.memref_slice %arg9[%dma_start3A_3217, %dma_start3A_3224, %dma_start3A_3225] : memref<8x32x128xf32, #tpu.memory_space<vmem>> -> memref<1x32x128xf32, #tpu.memory_space<vmem>>
        %dma_start3A_3227 = tpu.memref_squeeze %dma_start3A_3226 : memref<1x32x128xf32, #tpu.memory_space<vmem>> -> memref<32x128xf32, #tpu.memory_space<vmem>>
        %dma_start3A_3228 = arith.constant 0 : i32
        %dma_start3A_3229 = tpu.memref_slice %arg4[%dma_start3A_3228, %multiple_of3A_3187] : memref<32x1000000xf32, #tpu.memory_space<hbm>> -> memref<32x128xf32, #tpu.memory_space<hbm>>
        tpu.enqueue_dma source(%dma_start3A_3229 : memref<32x128xf32, #tpu.memory_space<hbm>>) target(%dma_start3A_3227 : memref<32x128xf32, #tpu.memory_space<vmem>>) target_semaphore(%arg12 : memref<!tpu.dma_semaphore, #tpu.memory_space<semaphore_mem>>)
        %dma_start3A_3230 = arith.constant 0 : i32
        %dma_start3A_3231 = arith.constant 0 : i32
        %dma_start3A_3232 = arith.constant 0 : i32
        %dma_start3A_3233 = tpu.memref_slice %arg10[%dma_start3A_3230, %dma_start3A_3231, %dma_start3A_3232] : memref<8x32x128xf32, #tpu.memory_space<vmem>> -> memref<1x32x128xf32, #tpu.memory_space<vmem>>
        %dma_start3A_3234 = tpu.memref_squeeze %dma_start3A_3233 : memref<1x32x128xf32, #tpu.memory_space<vmem>> -> memref<32x128xf32, #tpu.memory_space<vmem>>
        %dma_start3A_3235 = arith.constant 0 : i32
        %dma_start3A_3236 = tpu.memref_slice %arg5[%dma_start3A_3235, %multiple_of3A_3216] : memref<32x1000000xf32, #tpu.memory_space<hbm>> -> memref<32x128xf32, #tpu.memory_space<hbm>>
        %dma_start3A_3237 = arith.constant 0 : i32
        %dma_start3A_3238 = arith.constant 0 : i32
        %dma_start3A_3239 = tpu.memref_slice %arg10[%dma_start3A_3230, %dma_start3A_3237, %dma_start3A_3238] : memref<8x32x128xf32, #tpu.memory_space<vmem>> -> memref<1x32x128xf32, #tpu.memory_space<vmem>>
        %dma_start3A_3240 = tpu.memref_squeeze %dma_start3A_3239 : memref<1x32x128xf32, #tpu.memory_space<vmem>> -> memref<32x128xf32, #tpu.memory_space<vmem>>
        %dma_start3A_3241 = arith.constant 0 : i32
        %dma_start3A_3242 = tpu.memref_slice %arg5[%dma_start3A_3241, %multiple_of3A_3216] : memref<32x1000000xf32, #tpu.memory_space<hbm>> -> memref<32x128xf32, #tpu.memory_space<hbm>>
        tpu.enqueue_dma source(%dma_start3A_3242 : memref<32x128xf32, #tpu.memory_space<hbm>>) target(%dma_start3A_3240 : memref<32x128xf32, #tpu.memory_space<vmem>>) target_semaphore(%arg13 : memref<!tpu.dma_semaphore, #tpu.memory_space<semaphore_mem>>)
      } else {
      }
      %dma_wait3A_2355 = arith.constant 1 : i32
      %dma_wait3A_2356 = arith.constant 0 : i32
      %dma_wait3A_2357 = arith.constant 0 : i32
      %dma_wait3A_2358 = tpu.memref_slice %arg9[%dma_wait3A_2355, %dma_wait3A_2356, %dma_wait3A_2357] : memref<8x32x128xf32, #tpu.memory_space<vmem>> -> memref<1x32x128xf32, #tpu.memory_space<vmem>>
      %dma_wait3A_2359 = tpu.memref_squeeze %dma_wait3A_2358 : memref<1x32x128xf32, #tpu.memory_space<vmem>> -> memref<32x128xf32, #tpu.memory_space<vmem>>
      %dma_wait3A_2360 = arith.constant 0 : i32
      %dma_wait3A_2361 = arith.constant 0 : i32
      %dma_wait3A_2362 = tpu.memref_slice %arg4[%dma_wait3A_2360, %dma_wait3A_2361] : memref<32x1000000xf32, #tpu.memory_space<hbm>> -> memref<32x128xf32, #tpu.memory_space<hbm>>
      %dma_wait3A_2363 = arith.constant 0 : i32
      %dma_wait3A_2364 = arith.constant 0 : i32
      %dma_wait3A_2365 = tpu.memref_slice %arg9[%dma_wait3A_2355, %dma_wait3A_2363, %dma_wait3A_2364] : memref<8x32x128xf32, #tpu.memory_space<vmem>> -> memref<1x32x128xf32, #tpu.memory_space<vmem>>
      %dma_wait3A_2366 = tpu.memref_squeeze %dma_wait3A_2365 : memref<1x32x128xf32, #tpu.memory_space<vmem>> -> memref<32x128xf32, #tpu.memory_space<vmem>>
      %dma_wait3A_2367 = arith.constant 0 : i32
      %dma_wait3A_2368 = arith.constant 0 : i32
      %dma_wait3A_2369 = tpu.memref_slice %arg4[%dma_wait3A_2367, %dma_wait3A_2368] : memref<32x1000000xf32, #tpu.memory_space<hbm>> -> memref<32x128xf32, #tpu.memory_space<hbm>>
      tpu.wait_dma2 semaphore(%arg12 : memref<!tpu.dma_semaphore, #tpu.memory_space<semaphore_mem>>) src(%dma_wait3A_2369 : memref<32x128xf32, #tpu.memory_space<hbm>>) dst(%dma_wait3A_2366 : memref<32x128xf32, #tpu.memory_space<vmem>>)
      %dma_wait3A_2370 = arith.constant 1 : i32
      %dma_wait3A_2371 = arith.constant 0 : i32
      %dma_wait3A_2372 = arith.constant 0 : i32
      %dma_wait3A_2373 = tpu.memref_slice %arg10[%dma_wait3A_2370, %dma_wait3A_2371, %dma_wait3A_2372] : memref<8x32x128xf32, #tpu.memory_space<vmem>> -> memref<1x32x128xf32, #tpu.memory_space<vmem>>
      %dma_wait3A_2374 = tpu.memref_squeeze %dma_wait3A_2373 : memref<1x32x128xf32, #tpu.memory_space<vmem>> -> memref<32x128xf32, #tpu.memory_space<vmem>>
      %dma_wait3A_2375 = arith.constant 0 : i32
      %dma_wait3A_2376 = arith.constant 0 : i32
      %dma_wait3A_2377 = tpu.memref_slice %arg5[%dma_wait3A_2375, %dma_wait3A_2376] : memref<32x1000000xf32, #tpu.memory_space<hbm>> -> memref<32x128xf32, #tpu.memory_space<hbm>>
      %dma_wait3A_2378 = arith.constant 0 : i32
      %dma_wait3A_2379 = arith.constant 0 : i32
      %dma_wait3A_2380 = tpu.memref_slice %arg10[%dma_wait3A_2370, %dma_wait3A_2378, %dma_wait3A_2379] : memref<8x32x128xf32, #tpu.memory_space<vmem>> -> memref<1x32x128xf32, #tpu.memory_space<vmem>>
      %dma_wait3A_2381 = tpu.memref_squeeze %dma_wait3A_2380 : memref<1x32x128xf32, #tpu.memory_space<vmem>> -> memref<32x128xf32, #tpu.memory_space<vmem>>
      %dma_wait3A_2382 = arith.constant 0 : i32
      %dma_wait3A_2383 = arith.constant 0 : i32
      %dma_wait3A_2384 = tpu.memref_slice %arg5[%dma_wait3A_2382, %dma_wait3A_2383] : memref<32x1000000xf32, #tpu.memory_space<hbm>> -> memref<32x128xf32, #tpu.memory_space<hbm>>
      tpu.wait_dma2 semaphore(%arg13 : memref<!tpu.dma_semaphore, #tpu.memory_space<semaphore_mem>>) src(%dma_wait3A_2384 : memref<32x128xf32, #tpu.memory_space<hbm>>) dst(%dma_wait3A_2381 : memref<32x128xf32, #tpu.memory_space<vmem>>)
      %broadcast_in_dim3A_2385 = arith.constant 0 : i32
      %broadcast_in_dim3A_2386 = vector.broadcast %broadcast_in_dim3A_2385 : i32 to vector<16xi32>
      %slice3A_2387 = vector.extract_strided_slice %get3A_596 {offsets = [9], sizes = [1], strides = [1]} : vector<16xi32> to vector<1xi32>
      %squeeze3A_2388 = vector.extract %slice3A_2387[0] : i32 from vector<1xi32>
      %jit3A_2389 = arith.constant 128 : i32
      %eq3A_2390 = arith.constant 0 : i32
      %eq3A_2391 = arith.cmpi eq, %jit3A_2389, %eq3A_2390 : i32
      %jit3A_2392 = arith.constant 1 : i32
      %select_n3A_2393 = arith.select %eq3A_2391, %jit3A_2392, %jit3A_2389 : i32
      %rem3A_2394 = arith.remsi %squeeze3A_2388, %select_n3A_2393 : i32
      %ne3A_2395 = arith.constant 0 : i32
      %ne3A_2396 = arith.cmpi ne, %rem3A_2394, %ne3A_2395 : i32
      %lt3A_2397 = arith.constant 0 : i32
      %lt3A_2398 = arith.cmpi slt, %rem3A_2394, %lt3A_2397 : i32
      %lt3A_2399 = arith.constant 0 : i32
      %lt3A_2400 = arith.cmpi slt, %select_n3A_2393, %lt3A_2399 : i32
      %ne3A_2401 = arith.xori %lt3A_2398, %lt3A_2400 : i1
      %and3A_2402 = arith.andi %ne3A_2401, %ne3A_2396 : i1
      %add3A_2403 = arith.addi %rem3A_2394, %select_n3A_2393 : i32
      %select_n3A_2404 = arith.select %and3A_2402, %add3A_2403, %rem3A_2394 : i32
      %add3A_2405 = vector.broadcast %select_n3A_2404 : i32 to vector<16xi32>
      %add3A_2406 = arith.addi %broadcast_in_dim3A_2386, %add3A_2405 : vector<16xi32>
      %broadcast_in_dim3A_2407 = arith.constant 0 : i32
      %broadcast_in_dim3A_2408 = vector.broadcast %broadcast_in_dim3A_2407 : i32 to vector<16xi32>
      %slice3A_2409 = vector.extract_strided_slice %get3A_600 {offsets = [9], sizes = [1], strides = [1]} : vector<16xi32> to vector<1xi32>
      %squeeze3A_2410 = vector.extract %slice3A_2409[0] : i32 from vector<1xi32>
      %jit3A_2411 = arith.constant 128 : i32
      %eq3A_2412 = arith.constant 0 : i32
      %eq3A_2413 = arith.cmpi eq, %jit3A_2411, %eq3A_2412 : i32
      %jit3A_2414 = arith.constant 1 : i32
      %select_n3A_2415 = arith.select %eq3A_2413, %jit3A_2414, %jit3A_2411 : i32
      %rem3A_2416 = arith.remsi %squeeze3A_2410, %select_n3A_2415 : i32
      %ne3A_2417 = arith.constant 0 : i32
      %ne3A_2418 = arith.cmpi ne, %rem3A_2416, %ne3A_2417 : i32
      %lt3A_2419 = arith.constant 0 : i32
      %lt3A_2420 = arith.cmpi slt, %rem3A_2416, %lt3A_2419 : i32
      %lt3A_2421 = arith.constant 0 : i32
      %lt3A_2422 = arith.cmpi slt, %select_n3A_2415, %lt3A_2421 : i32
      %ne3A_2423 = arith.xori %lt3A_2420, %lt3A_2422 : i1
      %and3A_2424 = arith.andi %ne3A_2423, %ne3A_2418 : i1
      %add3A_2425 = arith.addi %rem3A_2416, %select_n3A_2415 : i32
      %select_n3A_2426 = arith.select %and3A_2424, %add3A_2425, %rem3A_2416 : i32
      %add3A_2427 = vector.broadcast %select_n3A_2426 : i32 to vector<16xi32>
      %add3A_2428 = arith.addi %broadcast_in_dim3A_2408, %add3A_2427 : vector<16xi32>
      %gather3A_2429 = arith.constant 1 : i32
      %gather3A_2430 = arith.constant 0 : i32
      %gather3A_2431 = arith.constant 0 : i32
      %gather3A_2432 = tpu.memref_slice %arg9[%gather3A_2429, %gather3A_2430, %gather3A_2431] : memref<8x32x128xf32, #tpu.memory_space<vmem>> -> memref<1x32x128xf32, #tpu.memory_space<vmem>>
      %gather3A_2433 = tpu.memref_squeeze %gather3A_2432 : memref<1x32x128xf32, #tpu.memory_space<vmem>> -> memref<32x128xf32, #tpu.memory_space<vmem>>
      %gather3A_2434 = tpu.vector_load_idx %gather3A_2433[%iota3A, %add3A_2406] : memref<32x128xf32, #tpu.memory_space<vmem>>[vector<16xi32>, vector<16xi32>], vector<16xf32>,
      %gather3A_2435 = arith.constant 1 : i32
      %gather3A_2436 = arith.constant 0 : i32
      %gather3A_2437 = arith.constant 0 : i32
      %gather3A_2438 = tpu.memref_slice %arg9[%gather3A_2435, %gather3A_2436, %gather3A_2437] : memref<8x32x128xf32, #tpu.memory_space<vmem>> -> memref<1x32x128xf32, #tpu.memory_space<vmem>>
      %gather3A_2439 = tpu.memref_squeeze %gather3A_2438 : memref<1x32x128xf32, #tpu.memory_space<vmem>> -> memref<32x128xf32, #tpu.memory_space<vmem>>
      %gather3A_2440 = tpu.vector_load_idx %gather3A_2439[%add3A_5, %add3A_2406] : memref<32x128xf32, #tpu.memory_space<vmem>>[vector<16xi32>, vector<16xi32>], vector<16xf32>,
      %gather3A_2441 = arith.constant 1 : i32
      %gather3A_2442 = arith.constant 0 : i32
      %gather3A_2443 = arith.constant 0 : i32
      %gather3A_2444 = tpu.memref_slice %arg10[%gather3A_2441, %gather3A_2442, %gather3A_2443] : memref<8x32x128xf32, #tpu.memory_space<vmem>> -> memref<1x32x128xf32, #tpu.memory_space<vmem>>
      %gather3A_2445 = tpu.memref_squeeze %gather3A_2444 : memref<1x32x128xf32, #tpu.memory_space<vmem>> -> memref<32x128xf32, #tpu.memory_space<vmem>>
      %gather3A_2446 = tpu.vector_load_idx %gather3A_2445[%iota3A, %add3A_2428] : memref<32x128xf32, #tpu.memory_space<vmem>>[vector<16xi32>, vector<16xi32>], vector<16xf32>,
      %gather3A_2447 = arith.constant 1 : i32
      %gather3A_2448 = arith.constant 0 : i32
      %gather3A_2449 = arith.constant 0 : i32
      %gather3A_2450 = tpu.memref_slice %arg10[%gather3A_2447, %gather3A_2448, %gather3A_2449] : memref<8x32x128xf32, #tpu.memory_space<vmem>> -> memref<1x32x128xf32, #tpu.memory_space<vmem>>
      %gather3A_2451 = tpu.memref_squeeze %gather3A_2450 : memref<1x32x128xf32, #tpu.memory_space<vmem>> -> memref<32x128xf32, #tpu.memory_space<vmem>>
      %gather3A_2452 = tpu.vector_load_idx %gather3A_2451[%add3A_5, %add3A_2428] : memref<32x128xf32, #tpu.memory_space<vmem>>[vector<16xi32>, vector<16xi32>], vector<16xf32>,
      %mul3A_2453 = arith.mulf %gather3A_2434, %gather3A_2446 : vector<16xf32>
      %mul3A_2454 = arith.mulf %gather3A_2440, %gather3A_2452 : vector<16xf32>
      %add3A_2455 = arith.addf %mul3A_2453, %mul3A_2454 : vector<16xf32>
      %reduce_sum3A_2456 = arith.constant true
      %reduce_sum3A_2457 = vector.broadcast %reduce_sum3A_2456 : i1 to vector<16xi1>
      %reduce_sum3A_2458 = tpu.scan <sum>, %add3A_2455 masked %reduce_sum3A_2457 : vector<16xf32>, vector<16xi1> -> vector<16xf32>
      %reduce_sum3A_2459 = vector.extract %reduce_sum3A_2458[15] : f32 from vector<16xf32>
      %eq3A_2460 = arith.constant 9 : i32
      %eq3A_2461 = vector.broadcast %eq3A_2460 : i32 to vector<16xi32>
      %eq3A_2462 = arith.cmpi eq, %iota3A, %eq3A_2461 : vector<16xi32>
      %broadcast_in_dim3A_2463 = vector.broadcast %reduce_sum3A_2459 : f32 to vector<16xf32>
      %select_n3A_2464 = arith.select %eq3A_2462, %broadcast_in_dim3A_2463, %select_n3A_2351 : vector<16xi1>, vector<16xf32>
      %lt3A_2465 = arith.constant 31 : i32
      %lt3A_2466 = arith.cmpi slt, %scan3A_591, %lt3A_2465 : i32
      %convert_element_type3A_2467 = arith.extui %lt3A_2466 : i1 to i32
      %cond3A_2468 = arith.constant 0 : i32
      %cond3A_2469 = arith.cmpi ne, %convert_element_type3A_2467, %cond3A_2468 : i32
      scf.if %cond3A_2469 {
        %slice3A_3159 = vector.extract_strided_slice %get3A_607 {offsets = [1], sizes = [1], strides = [1]} : vector<16xi32> to vector<1xi32>
        %squeeze3A_3160 = vector.extract %slice3A_3159[0] : i32 from vector<1xi32>
        %jit3A_3161 = arith.constant 128 : i32
        %div3A_3162 = arith.divsi %squeeze3A_3160, %jit3A_3161 : i32
        %sign3A_3163 = arith.constant 0 : i32
        %sign3A_3164 = arith.cmpi sgt, %squeeze3A_3160, %sign3A_3163 : i32
        %sign3A_3165 = arith.extui %sign3A_3164 : i1 to i32
        %sign3A_3166 = arith.constant 0 : i32
        %sign3A_3167 = arith.cmpi slt, %squeeze3A_3160, %sign3A_3166 : i32
        %sign3A_3168 = arith.extui %sign3A_3167 : i1 to i32
        %sign3A_3169 = arith.subi %sign3A_3165, %sign3A_3168 : i32
        %sign3A_3170 = arith.constant 0 : i32
        %sign3A_3171 = arith.cmpi sgt, %jit3A_3161, %sign3A_3170 : i32
        %sign3A_3172 = arith.extui %sign3A_3171 : i1 to i32
        %sign3A_3173 = arith.constant 0 : i32
        %sign3A_3174 = arith.cmpi slt, %jit3A_3161, %sign3A_3173 : i32
        %sign3A_3175 = arith.extui %sign3A_3174 : i1 to i32
        %sign3A_3176 = arith.subi %sign3A_3172, %sign3A_3175 : i32
        %ne3A_3177 = arith.cmpi ne, %sign3A_3169, %sign3A_3176 : i32
        %rem3A_3178 = arith.remsi %squeeze3A_3160, %jit3A_3161 : i32
        %ne3A_3179 = arith.constant 0 : i32
        %ne3A_3180 = arith.cmpi ne, %rem3A_3178, %ne3A_3179 : i32
        %and3A_3181 = arith.andi %ne3A_3177, %ne3A_3180 : i1
        %sub3A_3182 = arith.constant 1 : i32
        %sub3A_3183 = arith.subi %div3A_3162, %sub3A_3182 : i32
        %select_n3A_3184 = arith.select %and3A_3181, %sub3A_3183, %div3A_3162 : i32
        %mul3A_3185 = arith.constant 128 : i32
        %mul3A_3186 = arith.muli %select_n3A_3184, %mul3A_3185 : i32
        %multiple_of3A_3187 = tpu.assume_multiple %mul3A_3186, 128 : i32
        %slice3A_3188 = vector.extract_strided_slice %get3A_609 {offsets = [1], sizes = [1], strides = [1]} : vector<16xi32> to vector<1xi32>
        %squeeze3A_3189 = vector.extract %slice3A_3188[0] : i32 from vector<1xi32>
        %jit3A_3190 = arith.constant 128 : i32
        %div3A_3191 = arith.divsi %squeeze3A_3189, %jit3A_3190 : i32
        %sign3A_3192 = arith.constant 0 : i32
        %sign3A_3193 = arith.cmpi sgt, %squeeze3A_3189, %sign3A_3192 : i32
        %sign3A_3194 = arith.extui %sign3A_3193 : i1 to i32
        %sign3A_3195 = arith.constant 0 : i32
        %sign3A_3196 = arith.cmpi slt, %squeeze3A_3189, %sign3A_3195 : i32
        %sign3A_3197 = arith.extui %sign3A_3196 : i1 to i32
        %sign3A_3198 = arith.subi %sign3A_3194, %sign3A_3197 : i32
        %sign3A_3199 = arith.constant 0 : i32
        %sign3A_3200 = arith.cmpi sgt, %jit3A_3190, %sign3A_3199 : i32
        %sign3A_3201 = arith.extui %sign3A_3200 : i1 to i32
        %sign3A_3202 = arith.constant 0 : i32
        %sign3A_3203 = arith.cmpi slt, %jit3A_3190, %sign3A_3202 : i32
        %sign3A_3204 = arith.extui %sign3A_3203 : i1 to i32
        %sign3A_3205 = arith.subi %sign3A_3201, %sign3A_3204 : i32
        %ne3A_3206 = arith.cmpi ne, %sign3A_3198, %sign3A_3205 : i32
        %rem3A_3207 = arith.remsi %squeeze3A_3189, %jit3A_3190 : i32
        %ne3A_3208 = arith.constant 0 : i32
        %ne3A_3209 = arith.cmpi ne, %rem3A_3207, %ne3A_3208 : i32
        %and3A_3210 = arith.andi %ne3A_3206, %ne3A_3209 : i1
        %sub3A_3211 = arith.constant 1 : i32
        %sub3A_3212 = arith.subi %div3A_3191, %sub3A_3211 : i32
        %select_n3A_3213 = arith.select %and3A_3210, %sub3A_3212, %div3A_3191 : i32
        %mul3A_3214 = arith.constant 128 : i32
        %mul3A_3215 = arith.muli %select_n3A_3213, %mul3A_3214 : i32
        %multiple_of3A_3216 = tpu.assume_multiple %mul3A_3215, 128 : i32
        %dma_start3A_3217 = arith.constant 1 : i32
        %dma_start3A_3218 = arith.constant 0 : i32
        %dma_start3A_3219 = arith.constant 0 : i32
        %dma_start3A_3220 = tpu.memref_slice %arg9[%dma_start3A_3217, %dma_start3A_3218, %dma_start3A_3219] : memref<8x32x128xf32, #tpu.memory_space<vmem>> -> memref<1x32x128xf32, #tpu.memory_space<vmem>>
        %dma_start3A_3221 = tpu.memref_squeeze %dma_start3A_3220 : memref<1x32x128xf32, #tpu.memory_space<vmem>> -> memref<32x128xf32, #tpu.memory_space<vmem>>
        %dma_start3A_3222 = arith.constant 0 : i32
        %dma_start3A_3223 = tpu.memref_slice %arg4[%dma_start3A_3222, %multiple_of3A_3187] : memref<32x1000000xf32, #tpu.memory_space<hbm>> -> memref<32x128xf32, #tpu.memory_space<hbm>>
        %dma_start3A_3224 = arith.constant 0 : i32
        %dma_start3A_3225 = arith.constant 0 : i32
        %dma_start3A_3226 = tpu.memref_slice %arg9[%dma_start3A_3217, %dma_start3A_3224, %dma_start3A_3225] : memref<8x32x128xf32, #tpu.memory_space<vmem>> -> memref<1x32x128xf32, #tpu.memory_space<vmem>>
        %dma_start3A_3227 = tpu.memref_squeeze %dma_start3A_3226 : memref<1x32x128xf32, #tpu.memory_space<vmem>> -> memref<32x128xf32, #tpu.memory_space<vmem>>
        %dma_start3A_3228 = arith.constant 0 : i32
        %dma_start3A_3229 = tpu.memref_slice %arg4[%dma_start3A_3228, %multiple_of3A_3187] : memref<32x1000000xf32, #tpu.memory_space<hbm>> -> memref<32x128xf32, #tpu.memory_space<hbm>>
        tpu.enqueue_dma source(%dma_start3A_3229 : memref<32x128xf32, #tpu.memory_space<hbm>>) target(%dma_start3A_3227 : memref<32x128xf32, #tpu.memory_space<vmem>>) target_semaphore(%arg12 : memref<!tpu.dma_semaphore, #tpu.memory_space<semaphore_mem>>)
        %dma_start3A_3230 = arith.constant 1 : i32
        %dma_start3A_3231 = arith.constant 0 : i32
        %dma_start3A_3232 = arith.constant 0 : i32
        %dma_start3A_3233 = tpu.memref_slice %arg10[%dma_start3A_3230, %dma_start3A_3231, %dma_start3A_3232] : memref<8x32x128xf32, #tpu.memory_space<vmem>> -> memref<1x32x128xf32, #tpu.memory_space<vmem>>
        %dma_start3A_3234 = tpu.memref_squeeze %dma_start3A_3233 : memref<1x32x128xf32, #tpu.memory_space<vmem>> -> memref<32x128xf32, #tpu.memory_space<vmem>>
        %dma_start3A_3235 = arith.constant 0 : i32
        %dma_start3A_3236 = tpu.memref_slice %arg5[%dma_start3A_3235, %multiple_of3A_3216] : memref<32x1000000xf32, #tpu.memory_space<hbm>> -> memref<32x128xf32, #tpu.memory_space<hbm>>
        %dma_start3A_3237 = arith.constant 0 : i32
        %dma_start3A_3238 = arith.constant 0 : i32
        %dma_start3A_3239 = tpu.memref_slice %arg10[%dma_start3A_3230, %dma_start3A_3237, %dma_start3A_3238] : memref<8x32x128xf32, #tpu.memory_space<vmem>> -> memref<1x32x128xf32, #tpu.memory_space<vmem>>
        %dma_start3A_3240 = tpu.memref_squeeze %dma_start3A_3239 : memref<1x32x128xf32, #tpu.memory_space<vmem>> -> memref<32x128xf32, #tpu.memory_space<vmem>>
        %dma_start3A_3241 = arith.constant 0 : i32
        %dma_start3A_3242 = tpu.memref_slice %arg5[%dma_start3A_3241, %multiple_of3A_3216] : memref<32x1000000xf32, #tpu.memory_space<hbm>> -> memref<32x128xf32, #tpu.memory_space<hbm>>
        tpu.enqueue_dma source(%dma_start3A_3242 : memref<32x128xf32, #tpu.memory_space<hbm>>) target(%dma_start3A_3240 : memref<32x128xf32, #tpu.memory_space<vmem>>) target_semaphore(%arg13 : memref<!tpu.dma_semaphore, #tpu.memory_space<semaphore_mem>>)
      } else {
      }
      %dma_wait3A_2470 = arith.constant 2 : i32
      %dma_wait3A_2471 = arith.constant 0 : i32
      %dma_wait3A_2472 = arith.constant 0 : i32
      %dma_wait3A_2473 = tpu.memref_slice %arg9[%dma_wait3A_2470, %dma_wait3A_2471, %dma_wait3A_2472] : memref<8x32x128xf32, #tpu.memory_space<vmem>> -> memref<1x32x128xf32, #tpu.memory_space<vmem>>
      %dma_wait3A_2474 = tpu.memref_squeeze %dma_wait3A_2473 : memref<1x32x128xf32, #tpu.memory_space<vmem>> -> memref<32x128xf32, #tpu.memory_space<vmem>>
      %dma_wait3A_2475 = arith.constant 0 : i32
      %dma_wait3A_2476 = arith.constant 0 : i32
      %dma_wait3A_2477 = tpu.memref_slice %arg4[%dma_wait3A_2475, %dma_wait3A_2476] : memref<32x1000000xf32, #tpu.memory_space<hbm>> -> memref<32x128xf32, #tpu.memory_space<hbm>>
      %dma_wait3A_2478 = arith.constant 0 : i32
      %dma_wait3A_2479 = arith.constant 0 : i32
      %dma_wait3A_2480 = tpu.memref_slice %arg9[%dma_wait3A_2470, %dma_wait3A_2478, %dma_wait3A_2479] : memref<8x32x128xf32, #tpu.memory_space<vmem>> -> memref<1x32x128xf32, #tpu.memory_space<vmem>>
      %dma_wait3A_2481 = tpu.memref_squeeze %dma_wait3A_2480 : memref<1x32x128xf32, #tpu.memory_space<vmem>> -> memref<32x128xf32, #tpu.memory_space<vmem>>
      %dma_wait3A_2482 = arith.constant 0 : i32
      %dma_wait3A_2483 = arith.constant 0 : i32
      %dma_wait3A_2484 = tpu.memref_slice %arg4[%dma_wait3A_2482, %dma_wait3A_2483] : memref<32x1000000xf32, #tpu.memory_space<hbm>> -> memref<32x128xf32, #tpu.memory_space<hbm>>
      tpu.wait_dma2 semaphore(%arg12 : memref<!tpu.dma_semaphore, #tpu.memory_space<semaphore_mem>>) src(%dma_wait3A_2484 : memref<32x128xf32, #tpu.memory_space<hbm>>) dst(%dma_wait3A_2481 : memref<32x128xf32, #tpu.memory_space<vmem>>)
      %dma_wait3A_2485 = arith.constant 2 : i32
      %dma_wait3A_2486 = arith.constant 0 : i32
      %dma_wait3A_2487 = arith.constant 0 : i32
      %dma_wait3A_2488 = tpu.memref_slice %arg10[%dma_wait3A_2485, %dma_wait3A_2486, %dma_wait3A_2487] : memref<8x32x128xf32, #tpu.memory_space<vmem>> -> memref<1x32x128xf32, #tpu.memory_space<vmem>>
      %dma_wait3A_2489 = tpu.memref_squeeze %dma_wait3A_2488 : memref<1x32x128xf32, #tpu.memory_space<vmem>> -> memref<32x128xf32, #tpu.memory_space<vmem>>
      %dma_wait3A_2490 = arith.constant 0 : i32
      %dma_wait3A_2491 = arith.constant 0 : i32
      %dma_wait3A_2492 = tpu.memref_slice %arg5[%dma_wait3A_2490, %dma_wait3A_2491] : memref<32x1000000xf32, #tpu.memory_space<hbm>> -> memref<32x128xf32, #tpu.memory_space<hbm>>
      %dma_wait3A_2493 = arith.constant 0 : i32
      %dma_wait3A_2494 = arith.constant 0 : i32
      %dma_wait3A_2495 = tpu.memref_slice %arg10[%dma_wait3A_2485, %dma_wait3A_2493, %dma_wait3A_2494] : memref<8x32x128xf32, #tpu.memory_space<vmem>> -> memref<1x32x128xf32, #tpu.memory_space<vmem>>
      %dma_wait3A_2496 = tpu.memref_squeeze %dma_wait3A_2495 : memref<1x32x128xf32, #tpu.memory_space<vmem>> -> memref<32x128xf32, #tpu.memory_space<vmem>>
      %dma_wait3A_2497 = arith.constant 0 : i32
      %dma_wait3A_2498 = arith.constant 0 : i32
      %dma_wait3A_2499 = tpu.memref_slice %arg5[%dma_wait3A_2497, %dma_wait3A_2498] : memref<32x1000000xf32, #tpu.memory_space<hbm>> -> memref<32x128xf32, #tpu.memory_space<hbm>>
      tpu.wait_dma2 semaphore(%arg13 : memref<!tpu.dma_semaphore, #tpu.memory_space<semaphore_mem>>) src(%dma_wait3A_2499 : memref<32x128xf32, #tpu.memory_space<hbm>>) dst(%dma_wait3A_2496 : memref<32x128xf32, #tpu.memory_space<vmem>>)
      %broadcast_in_dim3A_2500 = arith.constant 0 : i32
      %broadcast_in_dim3A_2501 = vector.broadcast %broadcast_in_dim3A_2500 : i32 to vector<16xi32>
      %slice3A_2502 = vector.extract_strided_slice %get3A_596 {offsets = [10], sizes = [1], strides = [1]} : vector<16xi32> to vector<1xi32>
      %squeeze3A_2503 = vector.extract %slice3A_2502[0] : i32 from vector<1xi32>
      %jit3A_2504 = arith.constant 128 : i32
      %eq3A_2505 = arith.constant 0 : i32
      %eq3A_2506 = arith.cmpi eq, %jit3A_2504, %eq3A_2505 : i32
      %jit3A_2507 = arith.constant 1 : i32
      %select_n3A_2508 = arith.select %eq3A_2506, %jit3A_2507, %jit3A_2504 : i32
      %rem3A_2509 = arith.remsi %squeeze3A_2503, %select_n3A_2508 : i32
      %ne3A_2510 = arith.constant 0 : i32
      %ne3A_2511 = arith.cmpi ne, %rem3A_2509, %ne3A_2510 : i32
      %lt3A_2512 = arith.constant 0 : i32
      %lt3A_2513 = arith.cmpi slt, %rem3A_2509, %lt3A_2512 : i32
      %lt3A_2514 = arith.constant 0 : i32
      %lt3A_2515 = arith.cmpi slt, %select_n3A_2508, %lt3A_2514 : i32
      %ne3A_2516 = arith.xori %lt3A_2513, %lt3A_2515 : i1
      %and3A_2517 = arith.andi %ne3A_2516, %ne3A_2511 : i1
      %add3A_2518 = arith.addi %rem3A_2509, %select_n3A_2508 : i32
      %select_n3A_2519 = arith.select %and3A_2517, %add3A_2518, %rem3A_2509 : i32
      %add3A_2520 = vector.broadcast %select_n3A_2519 : i32 to vector<16xi32>
      %add3A_2521 = arith.addi %broadcast_in_dim3A_2501, %add3A_2520 : vector<16xi32>
      %broadcast_in_dim3A_2522 = arith.constant 0 : i32
      %broadcast_in_dim3A_2523 = vector.broadcast %broadcast_in_dim3A_2522 : i32 to vector<16xi32>
      %slice3A_2524 = vector.extract_strided_slice %get3A_600 {offsets = [10], sizes = [1], strides = [1]} : vector<16xi32> to vector<1xi32>
      %squeeze3A_2525 = vector.extract %slice3A_2524[0] : i32 from vector<1xi32>
      %jit3A_2526 = arith.constant 128 : i32
      %eq3A_2527 = arith.constant 0 : i32
      %eq3A_2528 = arith.cmpi eq, %jit3A_2526, %eq3A_2527 : i32
      %jit3A_2529 = arith.constant 1 : i32
      %select_n3A_2530 = arith.select %eq3A_2528, %jit3A_2529, %jit3A_2526 : i32
      %rem3A_2531 = arith.remsi %squeeze3A_2525, %select_n3A_2530 : i32
      %ne3A_2532 = arith.constant 0 : i32
      %ne3A_2533 = arith.cmpi ne, %rem3A_2531, %ne3A_2532 : i32
      %lt3A_2534 = arith.constant 0 : i32
      %lt3A_2535 = arith.cmpi slt, %rem3A_2531, %lt3A_2534 : i32
      %lt3A_2536 = arith.constant 0 : i32
      %lt3A_2537 = arith.cmpi slt, %select_n3A_2530, %lt3A_2536 : i32
      %ne3A_2538 = arith.xori %lt3A_2535, %lt3A_2537 : i1
      %and3A_2539 = arith.andi %ne3A_2538, %ne3A_2533 : i1
      %add3A_2540 = arith.addi %rem3A_2531, %select_n3A_2530 : i32
      %select_n3A_2541 = arith.select %and3A_2539, %add3A_2540, %rem3A_2531 : i32
      %add3A_2542 = vector.broadcast %select_n3A_2541 : i32 to vector<16xi32>
      %add3A_2543 = arith.addi %broadcast_in_dim3A_2523, %add3A_2542 : vector<16xi32>
      %gather3A_2544 = arith.constant 2 : i32
      %gather3A_2545 = arith.constant 0 : i32
      %gather3A_2546 = arith.constant 0 : i32
      %gather3A_2547 = tpu.memref_slice %arg9[%gather3A_2544, %gather3A_2545, %gather3A_2546] : memref<8x32x128xf32, #tpu.memory_space<vmem>> -> memref<1x32x128xf32, #tpu.memory_space<vmem>>
      %gather3A_2548 = tpu.memref_squeeze %gather3A_2547 : memref<1x32x128xf32, #tpu.memory_space<vmem>> -> memref<32x128xf32, #tpu.memory_space<vmem>>
      %gather3A_2549 = tpu.vector_load_idx %gather3A_2548[%iota3A, %add3A_2521] : memref<32x128xf32, #tpu.memory_space<vmem>>[vector<16xi32>, vector<16xi32>], vector<16xf32>,
      %gather3A_2550 = arith.constant 2 : i32
      %gather3A_2551 = arith.constant 0 : i32
      %gather3A_2552 = arith.constant 0 : i32
      %gather3A_2553 = tpu.memref_slice %arg9[%gather3A_2550, %gather3A_2551, %gather3A_2552] : memref<8x32x128xf32, #tpu.memory_space<vmem>> -> memref<1x32x128xf32, #tpu.memory_space<vmem>>
      %gather3A_2554 = tpu.memref_squeeze %gather3A_2553 : memref<1x32x128xf32, #tpu.memory_space<vmem>> -> memref<32x128xf32, #tpu.memory_space<vmem>>
      %gather3A_2555 = tpu.vector_load_idx %gather3A_2554[%add3A_5, %add3A_2521] : memref<32x128xf32, #tpu.memory_space<vmem>>[vector<16xi32>, vector<16xi32>], vector<16xf32>,
      %gather3A_2556 = arith.constant 2 : i32
      %gather3A_2557 = arith.constant 0 : i32
      %gather3A_2558 = arith.constant 0 : i32
      %gather3A_2559 = tpu.memref_slice %arg10[%gather3A_2556, %gather3A_2557, %gather3A_2558] : memref<8x32x128xf32, #tpu.memory_space<vmem>> -> memref<1x32x128xf32, #tpu.memory_space<vmem>>
      %gather3A_2560 = tpu.memref_squeeze %gather3A_2559 : memref<1x32x128xf32, #tpu.memory_space<vmem>> -> memref<32x128xf32, #tpu.memory_space<vmem>>
      %gather3A_2561 = tpu.vector_load_idx %gather3A_2560[%iota3A, %add3A_2543] : memref<32x128xf32, #tpu.memory_space<vmem>>[vector<16xi32>, vector<16xi32>], vector<16xf32>,
      %gather3A_2562 = arith.constant 2 : i32
      %gather3A_2563 = arith.constant 0 : i32
      %gather3A_2564 = arith.constant 0 : i32
      %gather3A_2565 = tpu.memref_slice %arg10[%gather3A_2562, %gather3A_2563, %gather3A_2564] : memref<8x32x128xf32, #tpu.memory_space<vmem>> -> memref<1x32x128xf32, #tpu.memory_space<vmem>>
      %gather3A_2566 = tpu.memref_squeeze %gather3A_2565 : memref<1x32x128xf32, #tpu.memory_space<vmem>> -> memref<32x128xf32, #tpu.memory_space<vmem>>
      %gather3A_2567 = tpu.vector_load_idx %gather3A_2566[%add3A_5, %add3A_2543] : memref<32x128xf32, #tpu.memory_space<vmem>>[vector<16xi32>, vector<16xi32>], vector<16xf32>,
      %mul3A_2568 = arith.mulf %gather3A_2549, %gather3A_2561 : vector<16xf32>
      %mul3A_2569 = arith.mulf %gather3A_2555, %gather3A_2567 : vector<16xf32>
      %add3A_2570 = arith.addf %mul3A_2568, %mul3A_2569 : vector<16xf32>
      %reduce_sum3A_2571 = arith.constant true
      %reduce_sum3A_2572 = vector.broadcast %reduce_sum3A_2571 : i1 to vector<16xi1>
      %reduce_sum3A_2573 = tpu.scan <sum>, %add3A_2570 masked %reduce_sum3A_2572 : vector<16xf32>, vector<16xi1> -> vector<16xf32>
      %reduce_sum3A_2574 = vector.extract %reduce_sum3A_2573[15] : f32 from vector<16xf32>
      %eq3A_2575 = arith.constant 10 : i32
      %eq3A_2576 = vector.broadcast %eq3A_2575 : i32 to vector<16xi32>
      %eq3A_2577 = arith.cmpi eq, %iota3A, %eq3A_2576 : vector<16xi32>
      %broadcast_in_dim3A_2578 = vector.broadcast %reduce_sum3A_2574 : f32 to vector<16xf32>
      %select_n3A_2579 = arith.select %eq3A_2577, %broadcast_in_dim3A_2578, %select_n3A_2464 : vector<16xi1>, vector<16xf32>
      %lt3A_2580 = arith.constant 31 : i32
      %lt3A_2581 = arith.cmpi slt, %scan3A_591, %lt3A_2580 : i32
      %convert_element_type3A_2582 = arith.extui %lt3A_2581 : i1 to i32
      %cond3A_2583 = arith.constant 0 : i32
      %cond3A_2584 = arith.cmpi ne, %convert_element_type3A_2582, %cond3A_2583 : i32
      scf.if %cond3A_2584 {
        %slice3A_3159 = vector.extract_strided_slice %get3A_607 {offsets = [2], sizes = [1], strides = [1]} : vector<16xi32> to vector<1xi32>
        %squeeze3A_3160 = vector.extract %slice3A_3159[0] : i32 from vector<1xi32>
        %jit3A_3161 = arith.constant 128 : i32
        %div3A_3162 = arith.divsi %squeeze3A_3160, %jit3A_3161 : i32
        %sign3A_3163 = arith.constant 0 : i32
        %sign3A_3164 = arith.cmpi sgt, %squeeze3A_3160, %sign3A_3163 : i32
        %sign3A_3165 = arith.extui %sign3A_3164 : i1 to i32
        %sign3A_3166 = arith.constant 0 : i32
        %sign3A_3167 = arith.cmpi slt, %squeeze3A_3160, %sign3A_3166 : i32
        %sign3A_3168 = arith.extui %sign3A_3167 : i1 to i32
        %sign3A_3169 = arith.subi %sign3A_3165, %sign3A_3168 : i32
        %sign3A_3170 = arith.constant 0 : i32
        %sign3A_3171 = arith.cmpi sgt, %jit3A_3161, %sign3A_3170 : i32
        %sign3A_3172 = arith.extui %sign3A_3171 : i1 to i32
        %sign3A_3173 = arith.constant 0 : i32
        %sign3A_3174 = arith.cmpi slt, %jit3A_3161, %sign3A_3173 : i32
        %sign3A_3175 = arith.extui %sign3A_3174 : i1 to i32
        %sign3A_3176 = arith.subi %sign3A_3172, %sign3A_3175 : i32
        %ne3A_3177 = arith.cmpi ne, %sign3A_3169, %sign3A_3176 : i32
        %rem3A_3178 = arith.remsi %squeeze3A_3160, %jit3A_3161 : i32
        %ne3A_3179 = arith.constant 0 : i32
        %ne3A_3180 = arith.cmpi ne, %rem3A_3178, %ne3A_3179 : i32
        %and3A_3181 = arith.andi %ne3A_3177, %ne3A_3180 : i1
        %sub3A_3182 = arith.constant 1 : i32
        %sub3A_3183 = arith.subi %div3A_3162, %sub3A_3182 : i32
        %select_n3A_3184 = arith.select %and3A_3181, %sub3A_3183, %div3A_3162 : i32
        %mul3A_3185 = arith.constant 128 : i32
        %mul3A_3186 = arith.muli %select_n3A_3184, %mul3A_3185 : i32
        %multiple_of3A_3187 = tpu.assume_multiple %mul3A_3186, 128 : i32
        %slice3A_3188 = vector.extract_strided_slice %get3A_609 {offsets = [2], sizes = [1], strides = [1]} : vector<16xi32> to vector<1xi32>
        %squeeze3A_3189 = vector.extract %slice3A_3188[0] : i32 from vector<1xi32>
        %jit3A_3190 = arith.constant 128 : i32
        %div3A_3191 = arith.divsi %squeeze3A_3189, %jit3A_3190 : i32
        %sign3A_3192 = arith.constant 0 : i32
        %sign3A_3193 = arith.cmpi sgt, %squeeze3A_3189, %sign3A_3192 : i32
        %sign3A_3194 = arith.extui %sign3A_3193 : i1 to i32
        %sign3A_3195 = arith.constant 0 : i32
        %sign3A_3196 = arith.cmpi slt, %squeeze3A_3189, %sign3A_3195 : i32
        %sign3A_3197 = arith.extui %sign3A_3196 : i1 to i32
        %sign3A_3198 = arith.subi %sign3A_3194, %sign3A_3197 : i32
        %sign3A_3199 = arith.constant 0 : i32
        %sign3A_3200 = arith.cmpi sgt, %jit3A_3190, %sign3A_3199 : i32
        %sign3A_3201 = arith.extui %sign3A_3200 : i1 to i32
        %sign3A_3202 = arith.constant 0 : i32
        %sign3A_3203 = arith.cmpi slt, %jit3A_3190, %sign3A_3202 : i32
        %sign3A_3204 = arith.extui %sign3A_3203 : i1 to i32
        %sign3A_3205 = arith.subi %sign3A_3201, %sign3A_3204 : i32
        %ne3A_3206 = arith.cmpi ne, %sign3A_3198, %sign3A_3205 : i32
        %rem3A_3207 = arith.remsi %squeeze3A_3189, %jit3A_3190 : i32
        %ne3A_3208 = arith.constant 0 : i32
        %ne3A_3209 = arith.cmpi ne, %rem3A_3207, %ne3A_3208 : i32
        %and3A_3210 = arith.andi %ne3A_3206, %ne3A_3209 : i1
        %sub3A_3211 = arith.constant 1 : i32
        %sub3A_3212 = arith.subi %div3A_3191, %sub3A_3211 : i32
        %select_n3A_3213 = arith.select %and3A_3210, %sub3A_3212, %div3A_3191 : i32
        %mul3A_3214 = arith.constant 128 : i32
        %mul3A_3215 = arith.muli %select_n3A_3213, %mul3A_3214 : i32
        %multiple_of3A_3216 = tpu.assume_multiple %mul3A_3215, 128 : i32
        %dma_start3A_3217 = arith.constant 2 : i32
        %dma_start3A_3218 = arith.constant 0 : i32
        %dma_start3A_3219 = arith.constant 0 : i32
        %dma_start3A_3220 = tpu.memref_slice %arg9[%dma_start3A_3217, %dma_start3A_3218, %dma_start3A_3219] : memref<8x32x128xf32, #tpu.memory_space<vmem>> -> memref<1x32x128xf32, #tpu.memory_space<vmem>>
        %dma_start3A_3221 = tpu.memref_squeeze %dma_start3A_3220 : memref<1x32x128xf32, #tpu.memory_space<vmem>> -> memref<32x128xf32, #tpu.memory_space<vmem>>
        %dma_start3A_3222 = arith.constant 0 : i32
        %dma_start3A_3223 = tpu.memref_slice %arg4[%dma_start3A_3222, %multiple_of3A_3187] : memref<32x1000000xf32, #tpu.memory_space<hbm>> -> memref<32x128xf32, #tpu.memory_space<hbm>>
        %dma_start3A_3224 = arith.constant 0 : i32
        %dma_start3A_3225 = arith.constant 0 : i32
        %dma_start3A_3226 = tpu.memref_slice %arg9[%dma_start3A_3217, %dma_start3A_3224, %dma_start3A_3225] : memref<8x32x128xf32, #tpu.memory_space<vmem>> -> memref<1x32x128xf32, #tpu.memory_space<vmem>>
        %dma_start3A_3227 = tpu.memref_squeeze %dma_start3A_3226 : memref<1x32x128xf32, #tpu.memory_space<vmem>> -> memref<32x128xf32, #tpu.memory_space<vmem>>
        %dma_start3A_3228 = arith.constant 0 : i32
        %dma_start3A_3229 = tpu.memref_slice %arg4[%dma_start3A_3228, %multiple_of3A_3187] : memref<32x1000000xf32, #tpu.memory_space<hbm>> -> memref<32x128xf32, #tpu.memory_space<hbm>>
        tpu.enqueue_dma source(%dma_start3A_3229 : memref<32x128xf32, #tpu.memory_space<hbm>>) target(%dma_start3A_3227 : memref<32x128xf32, #tpu.memory_space<vmem>>) target_semaphore(%arg12 : memref<!tpu.dma_semaphore, #tpu.memory_space<semaphore_mem>>)
        %dma_start3A_3230 = arith.constant 2 : i32
        %dma_start3A_3231 = arith.constant 0 : i32
        %dma_start3A_3232 = arith.constant 0 : i32
        %dma_start3A_3233 = tpu.memref_slice %arg10[%dma_start3A_3230, %dma_start3A_3231, %dma_start3A_3232] : memref<8x32x128xf32, #tpu.memory_space<vmem>> -> memref<1x32x128xf32, #tpu.memory_space<vmem>>
        %dma_start3A_3234 = tpu.memref_squeeze %dma_start3A_3233 : memref<1x32x128xf32, #tpu.memory_space<vmem>> -> memref<32x128xf32, #tpu.memory_space<vmem>>
        %dma_start3A_3235 = arith.constant 0 : i32
        %dma_start3A_3236 = tpu.memref_slice %arg5[%dma_start3A_3235, %multiple_of3A_3216] : memref<32x1000000xf32, #tpu.memory_space<hbm>> -> memref<32x128xf32, #tpu.memory_space<hbm>>
        %dma_start3A_3237 = arith.constant 0 : i32
        %dma_start3A_3238 = arith.constant 0 : i32
        %dma_start3A_3239 = tpu.memref_slice %arg10[%dma_start3A_3230, %dma_start3A_3237, %dma_start3A_3238] : memref<8x32x128xf32, #tpu.memory_space<vmem>> -> memref<1x32x128xf32, #tpu.memory_space<vmem>>
        %dma_start3A_3240 = tpu.memref_squeeze %dma_start3A_3239 : memref<1x32x128xf32, #tpu.memory_space<vmem>> -> memref<32x128xf32, #tpu.memory_space<vmem>>
        %dma_start3A_3241 = arith.constant 0 : i32
        %dma_start3A_3242 = tpu.memref_slice %arg5[%dma_start3A_3241, %multiple_of3A_3216] : memref<32x1000000xf32, #tpu.memory_space<hbm>> -> memref<32x128xf32, #tpu.memory_space<hbm>>
        tpu.enqueue_dma source(%dma_start3A_3242 : memref<32x128xf32, #tpu.memory_space<hbm>>) target(%dma_start3A_3240 : memref<32x128xf32, #tpu.memory_space<vmem>>) target_semaphore(%arg13 : memref<!tpu.dma_semaphore, #tpu.memory_space<semaphore_mem>>)
      } else {
      }
      %dma_wait3A_2585 = arith.constant 3 : i32
      %dma_wait3A_2586 = arith.constant 0 : i32
      %dma_wait3A_2587 = arith.constant 0 : i32
      %dma_wait3A_2588 = tpu.memref_slice %arg9[%dma_wait3A_2585, %dma_wait3A_2586, %dma_wait3A_2587] : memref<8x32x128xf32, #tpu.memory_space<vmem>> -> memref<1x32x128xf32, #tpu.memory_space<vmem>>
      %dma_wait3A_2589 = tpu.memref_squeeze %dma_wait3A_2588 : memref<1x32x128xf32, #tpu.memory_space<vmem>> -> memref<32x128xf32, #tpu.memory_space<vmem>>
      %dma_wait3A_2590 = arith.constant 0 : i32
      %dma_wait3A_2591 = arith.constant 0 : i32
      %dma_wait3A_2592 = tpu.memref_slice %arg4[%dma_wait3A_2590, %dma_wait3A_2591] : memref<32x1000000xf32, #tpu.memory_space<hbm>> -> memref<32x128xf32, #tpu.memory_space<hbm>>
      %dma_wait3A_2593 = arith.constant 0 : i32
      %dma_wait3A_2594 = arith.constant 0 : i32
      %dma_wait3A_2595 = tpu.memref_slice %arg9[%dma_wait3A_2585, %dma_wait3A_2593, %dma_wait3A_2594] : memref<8x32x128xf32, #tpu.memory_space<vmem>> -> memref<1x32x128xf32, #tpu.memory_space<vmem>>
      %dma_wait3A_2596 = tpu.memref_squeeze %dma_wait3A_2595 : memref<1x32x128xf32, #tpu.memory_space<vmem>> -> memref<32x128xf32, #tpu.memory_space<vmem>>
      %dma_wait3A_2597 = arith.constant 0 : i32
      %dma_wait3A_2598 = arith.constant 0 : i32
      %dma_wait3A_2599 = tpu.memref_slice %arg4[%dma_wait3A_2597, %dma_wait3A_2598] : memref<32x1000000xf32, #tpu.memory_space<hbm>> -> memref<32x128xf32, #tpu.memory_space<hbm>>
      tpu.wait_dma2 semaphore(%arg12 : memref<!tpu.dma_semaphore, #tpu.memory_space<semaphore_mem>>) src(%dma_wait3A_2599 : memref<32x128xf32, #tpu.memory_space<hbm>>) dst(%dma_wait3A_2596 : memref<32x128xf32, #tpu.memory_space<vmem>>)
      %dma_wait3A_2600 = arith.constant 3 : i32
      %dma_wait3A_2601 = arith.constant 0 : i32
      %dma_wait3A_2602 = arith.constant 0 : i32
      %dma_wait3A_2603 = tpu.memref_slice %arg10[%dma_wait3A_2600, %dma_wait3A_2601, %dma_wait3A_2602] : memref<8x32x128xf32, #tpu.memory_space<vmem>> -> memref<1x32x128xf32, #tpu.memory_space<vmem>>
      %dma_wait3A_2604 = tpu.memref_squeeze %dma_wait3A_2603 : memref<1x32x128xf32, #tpu.memory_space<vmem>> -> memref<32x128xf32, #tpu.memory_space<vmem>>
      %dma_wait3A_2605 = arith.constant 0 : i32
      %dma_wait3A_2606 = arith.constant 0 : i32
      %dma_wait3A_2607 = tpu.memref_slice %arg5[%dma_wait3A_2605, %dma_wait3A_2606] : memref<32x1000000xf32, #tpu.memory_space<hbm>> -> memref<32x128xf32, #tpu.memory_space<hbm>>
      %dma_wait3A_2608 = arith.constant 0 : i32
      %dma_wait3A_2609 = arith.constant 0 : i32
      %dma_wait3A_2610 = tpu.memref_slice %arg10[%dma_wait3A_2600, %dma_wait3A_2608, %dma_wait3A_2609] : memref<8x32x128xf32, #tpu.memory_space<vmem>> -> memref<1x32x128xf32, #tpu.memory_space<vmem>>
      %dma_wait3A_2611 = tpu.memref_squeeze %dma_wait3A_2610 : memref<1x32x128xf32, #tpu.memory_space<vmem>> -> memref<32x128xf32, #tpu.memory_space<vmem>>
      %dma_wait3A_2612 = arith.constant 0 : i32
      %dma_wait3A_2613 = arith.constant 0 : i32
      %dma_wait3A_2614 = tpu.memref_slice %arg5[%dma_wait3A_2612, %dma_wait3A_2613] : memref<32x1000000xf32, #tpu.memory_space<hbm>> -> memref<32x128xf32, #tpu.memory_space<hbm>>
      tpu.wait_dma2 semaphore(%arg13 : memref<!tpu.dma_semaphore, #tpu.memory_space<semaphore_mem>>) src(%dma_wait3A_2614 : memref<32x128xf32, #tpu.memory_space<hbm>>) dst(%dma_wait3A_2611 : memref<32x128xf32, #tpu.memory_space<vmem>>)
      %broadcast_in_dim3A_2615 = arith.constant 0 : i32
      %broadcast_in_dim3A_2616 = vector.broadcast %broadcast_in_dim3A_2615 : i32 to vector<16xi32>
      %slice3A_2617 = vector.extract_strided_slice %get3A_596 {offsets = [11], sizes = [1], strides = [1]} : vector<16xi32> to vector<1xi32>
      %squeeze3A_2618 = vector.extract %slice3A_2617[0] : i32 from vector<1xi32>
      %jit3A_2619 = arith.constant 128 : i32
      %eq3A_2620 = arith.constant 0 : i32
      %eq3A_2621 = arith.cmpi eq, %jit3A_2619, %eq3A_2620 : i32
      %jit3A_2622 = arith.constant 1 : i32
      %select_n3A_2623 = arith.select %eq3A_2621, %jit3A_2622, %jit3A_2619 : i32
      %rem3A_2624 = arith.remsi %squeeze3A_2618, %select_n3A_2623 : i32
      %ne3A_2625 = arith.constant 0 : i32
      %ne3A_2626 = arith.cmpi ne, %rem3A_2624, %ne3A_2625 : i32
      %lt3A_2627 = arith.constant 0 : i32
      %lt3A_2628 = arith.cmpi slt, %rem3A_2624, %lt3A_2627 : i32
      %lt3A_2629 = arith.constant 0 : i32
      %lt3A_2630 = arith.cmpi slt, %select_n3A_2623, %lt3A_2629 : i32
      %ne3A_2631 = arith.xori %lt3A_2628, %lt3A_2630 : i1
      %and3A_2632 = arith.andi %ne3A_2631, %ne3A_2626 : i1
      %add3A_2633 = arith.addi %rem3A_2624, %select_n3A_2623 : i32
      %select_n3A_2634 = arith.select %and3A_2632, %add3A_2633, %rem3A_2624 : i32
      %add3A_2635 = vector.broadcast %select_n3A_2634 : i32 to vector<16xi32>
      %add3A_2636 = arith.addi %broadcast_in_dim3A_2616, %add3A_2635 : vector<16xi32>
      %broadcast_in_dim3A_2637 = arith.constant 0 : i32
      %broadcast_in_dim3A_2638 = vector.broadcast %broadcast_in_dim3A_2637 : i32 to vector<16xi32>
      %slice3A_2639 = vector.extract_strided_slice %get3A_600 {offsets = [11], sizes = [1], strides = [1]} : vector<16xi32> to vector<1xi32>
      %squeeze3A_2640 = vector.extract %slice3A_2639[0] : i32 from vector<1xi32>
      %jit3A_2641 = arith.constant 128 : i32
      %eq3A_2642 = arith.constant 0 : i32
      %eq3A_2643 = arith.cmpi eq, %jit3A_2641, %eq3A_2642 : i32
      %jit3A_2644 = arith.constant 1 : i32
      %select_n3A_2645 = arith.select %eq3A_2643, %jit3A_2644, %jit3A_2641 : i32
      %rem3A_2646 = arith.remsi %squeeze3A_2640, %select_n3A_2645 : i32
      %ne3A_2647 = arith.constant 0 : i32
      %ne3A_2648 = arith.cmpi ne, %rem3A_2646, %ne3A_2647 : i32
      %lt3A_2649 = arith.constant 0 : i32
      %lt3A_2650 = arith.cmpi slt, %rem3A_2646, %lt3A_2649 : i32
      %lt3A_2651 = arith.constant 0 : i32
      %lt3A_2652 = arith.cmpi slt, %select_n3A_2645, %lt3A_2651 : i32
      %ne3A_2653 = arith.xori %lt3A_2650, %lt3A_2652 : i1
      %and3A_2654 = arith.andi %ne3A_2653, %ne3A_2648 : i1
      %add3A_2655 = arith.addi %rem3A_2646, %select_n3A_2645 : i32
      %select_n3A_2656 = arith.select %and3A_2654, %add3A_2655, %rem3A_2646 : i32
      %add3A_2657 = vector.broadcast %select_n3A_2656 : i32 to vector<16xi32>
      %add3A_2658 = arith.addi %broadcast_in_dim3A_2638, %add3A_2657 : vector<16xi32>
      %gather3A_2659 = arith.constant 3 : i32
      %gather3A_2660 = arith.constant 0 : i32
      %gather3A_2661 = arith.constant 0 : i32
      %gather3A_2662 = tpu.memref_slice %arg9[%gather3A_2659, %gather3A_2660, %gather3A_2661] : memref<8x32x128xf32, #tpu.memory_space<vmem>> -> memref<1x32x128xf32, #tpu.memory_space<vmem>>
      %gather3A_2663 = tpu.memref_squeeze %gather3A_2662 : memref<1x32x128xf32, #tpu.memory_space<vmem>> -> memref<32x128xf32, #tpu.memory_space<vmem>>
      %gather3A_2664 = tpu.vector_load_idx %gather3A_2663[%iota3A, %add3A_2636] : memref<32x128xf32, #tpu.memory_space<vmem>>[vector<16xi32>, vector<16xi32>], vector<16xf32>,
      %gather3A_2665 = arith.constant 3 : i32
      %gather3A_2666 = arith.constant 0 : i32
      %gather3A_2667 = arith.constant 0 : i32
      %gather3A_2668 = tpu.memref_slice %arg9[%gather3A_2665, %gather3A_2666, %gather3A_2667] : memref<8x32x128xf32, #tpu.memory_space<vmem>> -> memref<1x32x128xf32, #tpu.memory_space<vmem>>
      %gather3A_2669 = tpu.memref_squeeze %gather3A_2668 : memref<1x32x128xf32, #tpu.memory_space<vmem>> -> memref<32x128xf32, #tpu.memory_space<vmem>>
      %gather3A_2670 = tpu.vector_load_idx %gather3A_2669[%add3A_5, %add3A_2636] : memref<32x128xf32, #tpu.memory_space<vmem>>[vector<16xi32>, vector<16xi32>], vector<16xf32>,
      %gather3A_2671 = arith.constant 3 : i32
      %gather3A_2672 = arith.constant 0 : i32
      %gather3A_2673 = arith.constant 0 : i32
      %gather3A_2674 = tpu.memref_slice %arg10[%gather3A_2671, %gather3A_2672, %gather3A_2673] : memref<8x32x128xf32, #tpu.memory_space<vmem>> -> memref<1x32x128xf32, #tpu.memory_space<vmem>>
      %gather3A_2675 = tpu.memref_squeeze %gather3A_2674 : memref<1x32x128xf32, #tpu.memory_space<vmem>> -> memref<32x128xf32, #tpu.memory_space<vmem>>
      %gather3A_2676 = tpu.vector_load_idx %gather3A_2675[%iota3A, %add3A_2658] : memref<32x128xf32, #tpu.memory_space<vmem>>[vector<16xi32>, vector<16xi32>], vector<16xf32>,
      %gather3A_2677 = arith.constant 3 : i32
      %gather3A_2678 = arith.constant 0 : i32
      %gather3A_2679 = arith.constant 0 : i32
      %gather3A_2680 = tpu.memref_slice %arg10[%gather3A_2677, %gather3A_2678, %gather3A_2679] : memref<8x32x128xf32, #tpu.memory_space<vmem>> -> memref<1x32x128xf32, #tpu.memory_space<vmem>>
      %gather3A_2681 = tpu.memref_squeeze %gather3A_2680 : memref<1x32x128xf32, #tpu.memory_space<vmem>> -> memref<32x128xf32, #tpu.memory_space<vmem>>
      %gather3A_2682 = tpu.vector_load_idx %gather3A_2681[%add3A_5, %add3A_2658] : memref<32x128xf32, #tpu.memory_space<vmem>>[vector<16xi32>, vector<16xi32>], vector<16xf32>,
      %mul3A_2683 = arith.mulf %gather3A_2664, %gather3A_2676 : vector<16xf32>
      %mul3A_2684 = arith.mulf %gather3A_2670, %gather3A_2682 : vector<16xf32>
      %add3A_2685 = arith.addf %mul3A_2683, %mul3A_2684 : vector<16xf32>
      %reduce_sum3A_2686 = arith.constant true
      %reduce_sum3A_2687 = vector.broadcast %reduce_sum3A_2686 : i1 to vector<16xi1>
      %reduce_sum3A_2688 = tpu.scan <sum>, %add3A_2685 masked %reduce_sum3A_2687 : vector<16xf32>, vector<16xi1> -> vector<16xf32>
      %reduce_sum3A_2689 = vector.extract %reduce_sum3A_2688[15] : f32 from vector<16xf32>
      %eq3A_2690 = arith.constant 11 : i32
      %eq3A_2691 = vector.broadcast %eq3A_2690 : i32 to vector<16xi32>
      %eq3A_2692 = arith.cmpi eq, %iota3A, %eq3A_2691 : vector<16xi32>
      %broadcast_in_dim3A_2693 = vector.broadcast %reduce_sum3A_2689 : f32 to vector<16xf32>
      %select_n3A_2694 = arith.select %eq3A_2692, %broadcast_in_dim3A_2693, %select_n3A_2579 : vector<16xi1>, vector<16xf32>
      %lt3A_2695 = arith.constant 31 : i32
      %lt3A_2696 = arith.cmpi slt, %scan3A_591, %lt3A_2695 : i32
      %convert_element_type3A_2697 = arith.extui %lt3A_2696 : i1 to i32
      %cond3A_2698 = arith.constant 0 : i32
      %cond3A_2699 = arith.cmpi ne, %convert_element_type3A_2697, %cond3A_2698 : i32
      scf.if %cond3A_2699 {
        %slice3A_3159 = vector.extract_strided_slice %get3A_607 {offsets = [3], sizes = [1], strides = [1]} : vector<16xi32> to vector<1xi32>
        %squeeze3A_3160 = vector.extract %slice3A_3159[0] : i32 from vector<1xi32>
        %jit3A_3161 = arith.constant 128 : i32
        %div3A_3162 = arith.divsi %squeeze3A_3160, %jit3A_3161 : i32
        %sign3A_3163 = arith.constant 0 : i32
        %sign3A_3164 = arith.cmpi sgt, %squeeze3A_3160, %sign3A_3163 : i32
        %sign3A_3165 = arith.extui %sign3A_3164 : i1 to i32
        %sign3A_3166 = arith.constant 0 : i32
        %sign3A_3167 = arith.cmpi slt, %squeeze3A_3160, %sign3A_3166 : i32
        %sign3A_3168 = arith.extui %sign3A_3167 : i1 to i32
        %sign3A_3169 = arith.subi %sign3A_3165, %sign3A_3168 : i32
        %sign3A_3170 = arith.constant 0 : i32
        %sign3A_3171 = arith.cmpi sgt, %jit3A_3161, %sign3A_3170 : i32
        %sign3A_3172 = arith.extui %sign3A_3171 : i1 to i32
        %sign3A_3173 = arith.constant 0 : i32
        %sign3A_3174 = arith.cmpi slt, %jit3A_3161, %sign3A_3173 : i32
        %sign3A_3175 = arith.extui %sign3A_3174 : i1 to i32
        %sign3A_3176 = arith.subi %sign3A_3172, %sign3A_3175 : i32
        %ne3A_3177 = arith.cmpi ne, %sign3A_3169, %sign3A_3176 : i32
        %rem3A_3178 = arith.remsi %squeeze3A_3160, %jit3A_3161 : i32
        %ne3A_3179 = arith.constant 0 : i32
        %ne3A_3180 = arith.cmpi ne, %rem3A_3178, %ne3A_3179 : i32
        %and3A_3181 = arith.andi %ne3A_3177, %ne3A_3180 : i1
        %sub3A_3182 = arith.constant 1 : i32
        %sub3A_3183 = arith.subi %div3A_3162, %sub3A_3182 : i32
        %select_n3A_3184 = arith.select %and3A_3181, %sub3A_3183, %div3A_3162 : i32
        %mul3A_3185 = arith.constant 128 : i32
        %mul3A_3186 = arith.muli %select_n3A_3184, %mul3A_3185 : i32
        %multiple_of3A_3187 = tpu.assume_multiple %mul3A_3186, 128 : i32
        %slice3A_3188 = vector.extract_strided_slice %get3A_609 {offsets = [3], sizes = [1], strides = [1]} : vector<16xi32> to vector<1xi32>
        %squeeze3A_3189 = vector.extract %slice3A_3188[0] : i32 from vector<1xi32>
        %jit3A_3190 = arith.constant 128 : i32
        %div3A_3191 = arith.divsi %squeeze3A_3189, %jit3A_3190 : i32
        %sign3A_3192 = arith.constant 0 : i32
        %sign3A_3193 = arith.cmpi sgt, %squeeze3A_3189, %sign3A_3192 : i32
        %sign3A_3194 = arith.extui %sign3A_3193 : i1 to i32
        %sign3A_3195 = arith.constant 0 : i32
        %sign3A_3196 = arith.cmpi slt, %squeeze3A_3189, %sign3A_3195 : i32
        %sign3A_3197 = arith.extui %sign3A_3196 : i1 to i32
        %sign3A_3198 = arith.subi %sign3A_3194, %sign3A_3197 : i32
        %sign3A_3199 = arith.constant 0 : i32
        %sign3A_3200 = arith.cmpi sgt, %jit3A_3190, %sign3A_3199 : i32
        %sign3A_3201 = arith.extui %sign3A_3200 : i1 to i32
        %sign3A_3202 = arith.constant 0 : i32
        %sign3A_3203 = arith.cmpi slt, %jit3A_3190, %sign3A_3202 : i32
        %sign3A_3204 = arith.extui %sign3A_3203 : i1 to i32
        %sign3A_3205 = arith.subi %sign3A_3201, %sign3A_3204 : i32
        %ne3A_3206 = arith.cmpi ne, %sign3A_3198, %sign3A_3205 : i32
        %rem3A_3207 = arith.remsi %squeeze3A_3189, %jit3A_3190 : i32
        %ne3A_3208 = arith.constant 0 : i32
        %ne3A_3209 = arith.cmpi ne, %rem3A_3207, %ne3A_3208 : i32
        %and3A_3210 = arith.andi %ne3A_3206, %ne3A_3209 : i1
        %sub3A_3211 = arith.constant 1 : i32
        %sub3A_3212 = arith.subi %div3A_3191, %sub3A_3211 : i32
        %select_n3A_3213 = arith.select %and3A_3210, %sub3A_3212, %div3A_3191 : i32
        %mul3A_3214 = arith.constant 128 : i32
        %mul3A_3215 = arith.muli %select_n3A_3213, %mul3A_3214 : i32
        %multiple_of3A_3216 = tpu.assume_multiple %mul3A_3215, 128 : i32
        %dma_start3A_3217 = arith.constant 3 : i32
        %dma_start3A_3218 = arith.constant 0 : i32
        %dma_start3A_3219 = arith.constant 0 : i32
        %dma_start3A_3220 = tpu.memref_slice %arg9[%dma_start3A_3217, %dma_start3A_3218, %dma_start3A_3219] : memref<8x32x128xf32, #tpu.memory_space<vmem>> -> memref<1x32x128xf32, #tpu.memory_space<vmem>>
        %dma_start3A_3221 = tpu.memref_squeeze %dma_start3A_3220 : memref<1x32x128xf32, #tpu.memory_space<vmem>> -> memref<32x128xf32, #tpu.memory_space<vmem>>
        %dma_start3A_3222 = arith.constant 0 : i32
        %dma_start3A_3223 = tpu.memref_slice %arg4[%dma_start3A_3222, %multiple_of3A_3187] : memref<32x1000000xf32, #tpu.memory_space<hbm>> -> memref<32x128xf32, #tpu.memory_space<hbm>>
        %dma_start3A_3224 = arith.constant 0 : i32
        %dma_start3A_3225 = arith.constant 0 : i32
        %dma_start3A_3226 = tpu.memref_slice %arg9[%dma_start3A_3217, %dma_start3A_3224, %dma_start3A_3225] : memref<8x32x128xf32, #tpu.memory_space<vmem>> -> memref<1x32x128xf32, #tpu.memory_space<vmem>>
        %dma_start3A_3227 = tpu.memref_squeeze %dma_start3A_3226 : memref<1x32x128xf32, #tpu.memory_space<vmem>> -> memref<32x128xf32, #tpu.memory_space<vmem>>
        %dma_start3A_3228 = arith.constant 0 : i32
        %dma_start3A_3229 = tpu.memref_slice %arg4[%dma_start3A_3228, %multiple_of3A_3187] : memref<32x1000000xf32, #tpu.memory_space<hbm>> -> memref<32x128xf32, #tpu.memory_space<hbm>>
        tpu.enqueue_dma source(%dma_start3A_3229 : memref<32x128xf32, #tpu.memory_space<hbm>>) target(%dma_start3A_3227 : memref<32x128xf32, #tpu.memory_space<vmem>>) target_semaphore(%arg12 : memref<!tpu.dma_semaphore, #tpu.memory_space<semaphore_mem>>)
        %dma_start3A_3230 = arith.constant 3 : i32
        %dma_start3A_3231 = arith.constant 0 : i32
        %dma_start3A_3232 = arith.constant 0 : i32
        %dma_start3A_3233 = tpu.memref_slice %arg10[%dma_start3A_3230, %dma_start3A_3231, %dma_start3A_3232] : memref<8x32x128xf32, #tpu.memory_space<vmem>> -> memref<1x32x128xf32, #tpu.memory_space<vmem>>
        %dma_start3A_3234 = tpu.memref_squeeze %dma_start3A_3233 : memref<1x32x128xf32, #tpu.memory_space<vmem>> -> memref<32x128xf32, #tpu.memory_space<vmem>>
        %dma_start3A_3235 = arith.constant 0 : i32
        %dma_start3A_3236 = tpu.memref_slice %arg5[%dma_start3A_3235, %multiple_of3A_3216] : memref<32x1000000xf32, #tpu.memory_space<hbm>> -> memref<32x128xf32, #tpu.memory_space<hbm>>
        %dma_start3A_3237 = arith.constant 0 : i32
        %dma_start3A_3238 = arith.constant 0 : i32
        %dma_start3A_3239 = tpu.memref_slice %arg10[%dma_start3A_3230, %dma_start3A_3237, %dma_start3A_3238] : memref<8x32x128xf32, #tpu.memory_space<vmem>> -> memref<1x32x128xf32, #tpu.memory_space<vmem>>
        %dma_start3A_3240 = tpu.memref_squeeze %dma_start3A_3239 : memref<1x32x128xf32, #tpu.memory_space<vmem>> -> memref<32x128xf32, #tpu.memory_space<vmem>>
        %dma_start3A_3241 = arith.constant 0 : i32
        %dma_start3A_3242 = tpu.memref_slice %arg5[%dma_start3A_3241, %multiple_of3A_3216] : memref<32x1000000xf32, #tpu.memory_space<hbm>> -> memref<32x128xf32, #tpu.memory_space<hbm>>
        tpu.enqueue_dma source(%dma_start3A_3242 : memref<32x128xf32, #tpu.memory_space<hbm>>) target(%dma_start3A_3240 : memref<32x128xf32, #tpu.memory_space<vmem>>) target_semaphore(%arg13 : memref<!tpu.dma_semaphore, #tpu.memory_space<semaphore_mem>>)
      } else {
      }
      %dma_wait3A_2700 = arith.constant 4 : i32
      %dma_wait3A_2701 = arith.constant 0 : i32
      %dma_wait3A_2702 = arith.constant 0 : i32
      %dma_wait3A_2703 = tpu.memref_slice %arg9[%dma_wait3A_2700, %dma_wait3A_2701, %dma_wait3A_2702] : memref<8x32x128xf32, #tpu.memory_space<vmem>> -> memref<1x32x128xf32, #tpu.memory_space<vmem>>
      %dma_wait3A_2704 = tpu.memref_squeeze %dma_wait3A_2703 : memref<1x32x128xf32, #tpu.memory_space<vmem>> -> memref<32x128xf32, #tpu.memory_space<vmem>>
      %dma_wait3A_2705 = arith.constant 0 : i32
      %dma_wait3A_2706 = arith.constant 0 : i32
      %dma_wait3A_2707 = tpu.memref_slice %arg4[%dma_wait3A_2705, %dma_wait3A_2706] : memref<32x1000000xf32, #tpu.memory_space<hbm>> -> memref<32x128xf32, #tpu.memory_space<hbm>>
      %dma_wait3A_2708 = arith.constant 0 : i32
      %dma_wait3A_2709 = arith.constant 0 : i32
      %dma_wait3A_2710 = tpu.memref_slice %arg9[%dma_wait3A_2700, %dma_wait3A_2708, %dma_wait3A_2709] : memref<8x32x128xf32, #tpu.memory_space<vmem>> -> memref<1x32x128xf32, #tpu.memory_space<vmem>>
      %dma_wait3A_2711 = tpu.memref_squeeze %dma_wait3A_2710 : memref<1x32x128xf32, #tpu.memory_space<vmem>> -> memref<32x128xf32, #tpu.memory_space<vmem>>
      %dma_wait3A_2712 = arith.constant 0 : i32
      %dma_wait3A_2713 = arith.constant 0 : i32
      %dma_wait3A_2714 = tpu.memref_slice %arg4[%dma_wait3A_2712, %dma_wait3A_2713] : memref<32x1000000xf32, #tpu.memory_space<hbm>> -> memref<32x128xf32, #tpu.memory_space<hbm>>
      tpu.wait_dma2 semaphore(%arg12 : memref<!tpu.dma_semaphore, #tpu.memory_space<semaphore_mem>>) src(%dma_wait3A_2714 : memref<32x128xf32, #tpu.memory_space<hbm>>) dst(%dma_wait3A_2711 : memref<32x128xf32, #tpu.memory_space<vmem>>)
      %dma_wait3A_2715 = arith.constant 4 : i32
      %dma_wait3A_2716 = arith.constant 0 : i32
      %dma_wait3A_2717 = arith.constant 0 : i32
      %dma_wait3A_2718 = tpu.memref_slice %arg10[%dma_wait3A_2715, %dma_wait3A_2716, %dma_wait3A_2717] : memref<8x32x128xf32, #tpu.memory_space<vmem>> -> memref<1x32x128xf32, #tpu.memory_space<vmem>>
      %dma_wait3A_2719 = tpu.memref_squeeze %dma_wait3A_2718 : memref<1x32x128xf32, #tpu.memory_space<vmem>> -> memref<32x128xf32, #tpu.memory_space<vmem>>
      %dma_wait3A_2720 = arith.constant 0 : i32
      %dma_wait3A_2721 = arith.constant 0 : i32
      %dma_wait3A_2722 = tpu.memref_slice %arg5[%dma_wait3A_2720, %dma_wait3A_2721] : memref<32x1000000xf32, #tpu.memory_space<hbm>> -> memref<32x128xf32, #tpu.memory_space<hbm>>
      %dma_wait3A_2723 = arith.constant 0 : i32
      %dma_wait3A_2724 = arith.constant 0 : i32
      %dma_wait3A_2725 = tpu.memref_slice %arg10[%dma_wait3A_2715, %dma_wait3A_2723, %dma_wait3A_2724] : memref<8x32x128xf32, #tpu.memory_space<vmem>> -> memref<1x32x128xf32, #tpu.memory_space<vmem>>
      %dma_wait3A_2726 = tpu.memref_squeeze %dma_wait3A_2725 : memref<1x32x128xf32, #tpu.memory_space<vmem>> -> memref<32x128xf32, #tpu.memory_space<vmem>>
      %dma_wait3A_2727 = arith.constant 0 : i32
      %dma_wait3A_2728 = arith.constant 0 : i32
      %dma_wait3A_2729 = tpu.memref_slice %arg5[%dma_wait3A_2727, %dma_wait3A_2728] : memref<32x1000000xf32, #tpu.memory_space<hbm>> -> memref<32x128xf32, #tpu.memory_space<hbm>>
      tpu.wait_dma2 semaphore(%arg13 : memref<!tpu.dma_semaphore, #tpu.memory_space<semaphore_mem>>) src(%dma_wait3A_2729 : memref<32x128xf32, #tpu.memory_space<hbm>>) dst(%dma_wait3A_2726 : memref<32x128xf32, #tpu.memory_space<vmem>>)
      %broadcast_in_dim3A_2730 = arith.constant 0 : i32
      %broadcast_in_dim3A_2731 = vector.broadcast %broadcast_in_dim3A_2730 : i32 to vector<16xi32>
      %slice3A_2732 = vector.extract_strided_slice %get3A_596 {offsets = [12], sizes = [1], strides = [1]} : vector<16xi32> to vector<1xi32>
      %squeeze3A_2733 = vector.extract %slice3A_2732[0] : i32 from vector<1xi32>
      %jit3A_2734 = arith.constant 128 : i32
      %eq3A_2735 = arith.constant 0 : i32
      %eq3A_2736 = arith.cmpi eq, %jit3A_2734, %eq3A_2735 : i32
      %jit3A_2737 = arith.constant 1 : i32
      %select_n3A_2738 = arith.select %eq3A_2736, %jit3A_2737, %jit3A_2734 : i32
      %rem3A_2739 = arith.remsi %squeeze3A_2733, %select_n3A_2738 : i32
      %ne3A_2740 = arith.constant 0 : i32
      %ne3A_2741 = arith.cmpi ne, %rem3A_2739, %ne3A_2740 : i32
      %lt3A_2742 = arith.constant 0 : i32
      %lt3A_2743 = arith.cmpi slt, %rem3A_2739, %lt3A_2742 : i32
      %lt3A_2744 = arith.constant 0 : i32
      %lt3A_2745 = arith.cmpi slt, %select_n3A_2738, %lt3A_2744 : i32
      %ne3A_2746 = arith.xori %lt3A_2743, %lt3A_2745 : i1
      %and3A_2747 = arith.andi %ne3A_2746, %ne3A_2741 : i1
      %add3A_2748 = arith.addi %rem3A_2739, %select_n3A_2738 : i32
      %select_n3A_2749 = arith.select %and3A_2747, %add3A_2748, %rem3A_2739 : i32
      %add3A_2750 = vector.broadcast %select_n3A_2749 : i32 to vector<16xi32>
      %add3A_2751 = arith.addi %broadcast_in_dim3A_2731, %add3A_2750 : vector<16xi32>
      %broadcast_in_dim3A_2752 = arith.constant 0 : i32
      %broadcast_in_dim3A_2753 = vector.broadcast %broadcast_in_dim3A_2752 : i32 to vector<16xi32>
      %slice3A_2754 = vector.extract_strided_slice %get3A_600 {offsets = [12], sizes = [1], strides = [1]} : vector<16xi32> to vector<1xi32>
      %squeeze3A_2755 = vector.extract %slice3A_2754[0] : i32 from vector<1xi32>
      %jit3A_2756 = arith.constant 128 : i32
      %eq3A_2757 = arith.constant 0 : i32
      %eq3A_2758 = arith.cmpi eq, %jit3A_2756, %eq3A_2757 : i32
      %jit3A_2759 = arith.constant 1 : i32
      %select_n3A_2760 = arith.select %eq3A_2758, %jit3A_2759, %jit3A_2756 : i32
      %rem3A_2761 = arith.remsi %squeeze3A_2755, %select_n3A_2760 : i32
      %ne3A_2762 = arith.constant 0 : i32
      %ne3A_2763 = arith.cmpi ne, %rem3A_2761, %ne3A_2762 : i32
      %lt3A_2764 = arith.constant 0 : i32
      %lt3A_2765 = arith.cmpi slt, %rem3A_2761, %lt3A_2764 : i32
      %lt3A_2766 = arith.constant 0 : i32
      %lt3A_2767 = arith.cmpi slt, %select_n3A_2760, %lt3A_2766 : i32
      %ne3A_2768 = arith.xori %lt3A_2765, %lt3A_2767 : i1
      %and3A_2769 = arith.andi %ne3A_2768, %ne3A_2763 : i1
      %add3A_2770 = arith.addi %rem3A_2761, %select_n3A_2760 : i32
      %select_n3A_2771 = arith.select %and3A_2769, %add3A_2770, %rem3A_2761 : i32
      %add3A_2772 = vector.broadcast %select_n3A_2771 : i32 to vector<16xi32>
      %add3A_2773 = arith.addi %broadcast_in_dim3A_2753, %add3A_2772 : vector<16xi32>
      %gather3A_2774 = arith.constant 4 : i32
      %gather3A_2775 = arith.constant 0 : i32
      %gather3A_2776 = arith.constant 0 : i32
      %gather3A_2777 = tpu.memref_slice %arg9[%gather3A_2774, %gather3A_2775, %gather3A_2776] : memref<8x32x128xf32, #tpu.memory_space<vmem>> -> memref<1x32x128xf32, #tpu.memory_space<vmem>>
      %gather3A_2778 = tpu.memref_squeeze %gather3A_2777 : memref<1x32x128xf32, #tpu.memory_space<vmem>> -> memref<32x128xf32, #tpu.memory_space<vmem>>
      %gather3A_2779 = tpu.vector_load_idx %gather3A_2778[%iota3A, %add3A_2751] : memref<32x128xf32, #tpu.memory_space<vmem>>[vector<16xi32>, vector<16xi32>], vector<16xf32>,
      %gather3A_2780 = arith.constant 4 : i32
      %gather3A_2781 = arith.constant 0 : i32
      %gather3A_2782 = arith.constant 0 : i32
      %gather3A_2783 = tpu.memref_slice %arg9[%gather3A_2780, %gather3A_2781, %gather3A_2782] : memref<8x32x128xf32, #tpu.memory_space<vmem>> -> memref<1x32x128xf32, #tpu.memory_space<vmem>>
      %gather3A_2784 = tpu.memref_squeeze %gather3A_2783 : memref<1x32x128xf32, #tpu.memory_space<vmem>> -> memref<32x128xf32, #tpu.memory_space<vmem>>
      %gather3A_2785 = tpu.vector_load_idx %gather3A_2784[%add3A_5, %add3A_2751] : memref<32x128xf32, #tpu.memory_space<vmem>>[vector<16xi32>, vector<16xi32>], vector<16xf32>,
      %gather3A_2786 = arith.constant 4 : i32
      %gather3A_2787 = arith.constant 0 : i32
      %gather3A_2788 = arith.constant 0 : i32
      %gather3A_2789 = tpu.memref_slice %arg10[%gather3A_2786, %gather3A_2787, %gather3A_2788] : memref<8x32x128xf32, #tpu.memory_space<vmem>> -> memref<1x32x128xf32, #tpu.memory_space<vmem>>
      %gather3A_2790 = tpu.memref_squeeze %gather3A_2789 : memref<1x32x128xf32, #tpu.memory_space<vmem>> -> memref<32x128xf32, #tpu.memory_space<vmem>>
      %gather3A_2791 = tpu.vector_load_idx %gather3A_2790[%iota3A, %add3A_2773] : memref<32x128xf32, #tpu.memory_space<vmem>>[vector<16xi32>, vector<16xi32>], vector<16xf32>,
      %gather3A_2792 = arith.constant 4 : i32
      %gather3A_2793 = arith.constant 0 : i32
      %gather3A_2794 = arith.constant 0 : i32
      %gather3A_2795 = tpu.memref_slice %arg10[%gather3A_2792, %gather3A_2793, %gather3A_2794] : memref<8x32x128xf32, #tpu.memory_space<vmem>> -> memref<1x32x128xf32, #tpu.memory_space<vmem>>
      %gather3A_2796 = tpu.memref_squeeze %gather3A_2795 : memref<1x32x128xf32, #tpu.memory_space<vmem>> -> memref<32x128xf32, #tpu.memory_space<vmem>>
      %gather3A_2797 = tpu.vector_load_idx %gather3A_2796[%add3A_5, %add3A_2773] : memref<32x128xf32, #tpu.memory_space<vmem>>[vector<16xi32>, vector<16xi32>], vector<16xf32>,
      %mul3A_2798 = arith.mulf %gather3A_2779, %gather3A_2791 : vector<16xf32>
      %mul3A_2799 = arith.mulf %gather3A_2785, %gather3A_2797 : vector<16xf32>
      %add3A_2800 = arith.addf %mul3A_2798, %mul3A_2799 : vector<16xf32>
      %reduce_sum3A_2801 = arith.constant true
      %reduce_sum3A_2802 = vector.broadcast %reduce_sum3A_2801 : i1 to vector<16xi1>
      %reduce_sum3A_2803 = tpu.scan <sum>, %add3A_2800 masked %reduce_sum3A_2802 : vector<16xf32>, vector<16xi1> -> vector<16xf32>
      %reduce_sum3A_2804 = vector.extract %reduce_sum3A_2803[15] : f32 from vector<16xf32>
      %eq3A_2805 = arith.constant 12 : i32
      %eq3A_2806 = vector.broadcast %eq3A_2805 : i32 to vector<16xi32>
      %eq3A_2807 = arith.cmpi eq, %iota3A, %eq3A_2806 : vector<16xi32>
      %broadcast_in_dim3A_2808 = vector.broadcast %reduce_sum3A_2804 : f32 to vector<16xf32>
      %select_n3A_2809 = arith.select %eq3A_2807, %broadcast_in_dim3A_2808, %select_n3A_2694 : vector<16xi1>, vector<16xf32>
      %lt3A_2810 = arith.constant 31 : i32
      %lt3A_2811 = arith.cmpi slt, %scan3A_591, %lt3A_2810 : i32
      %convert_element_type3A_2812 = arith.extui %lt3A_2811 : i1 to i32
      %cond3A_2813 = arith.constant 0 : i32
      %cond3A_2814 = arith.cmpi ne, %convert_element_type3A_2812, %cond3A_2813 : i32
      scf.if %cond3A_2814 {
        %slice3A_3159 = vector.extract_strided_slice %get3A_607 {offsets = [4], sizes = [1], strides = [1]} : vector<16xi32> to vector<1xi32>
        %squeeze3A_3160 = vector.extract %slice3A_3159[0] : i32 from vector<1xi32>
        %jit3A_3161 = arith.constant 128 : i32
        %div3A_3162 = arith.divsi %squeeze3A_3160, %jit3A_3161 : i32
        %sign3A_3163 = arith.constant 0 : i32
        %sign3A_3164 = arith.cmpi sgt, %squeeze3A_3160, %sign3A_3163 : i32
        %sign3A_3165 = arith.extui %sign3A_3164 : i1 to i32
        %sign3A_3166 = arith.constant 0 : i32
        %sign3A_3167 = arith.cmpi slt, %squeeze3A_3160, %sign3A_3166 : i32
        %sign3A_3168 = arith.extui %sign3A_3167 : i1 to i32
        %sign3A_3169 = arith.subi %sign3A_3165, %sign3A_3168 : i32
        %sign3A_3170 = arith.constant 0 : i32
        %sign3A_3171 = arith.cmpi sgt, %jit3A_3161, %sign3A_3170 : i32
        %sign3A_3172 = arith.extui %sign3A_3171 : i1 to i32
        %sign3A_3173 = arith.constant 0 : i32
        %sign3A_3174 = arith.cmpi slt, %jit3A_3161, %sign3A_3173 : i32
        %sign3A_3175 = arith.extui %sign3A_3174 : i1 to i32
        %sign3A_3176 = arith.subi %sign3A_3172, %sign3A_3175 : i32
        %ne3A_3177 = arith.cmpi ne, %sign3A_3169, %sign3A_3176 : i32
        %rem3A_3178 = arith.remsi %squeeze3A_3160, %jit3A_3161 : i32
        %ne3A_3179 = arith.constant 0 : i32
        %ne3A_3180 = arith.cmpi ne, %rem3A_3178, %ne3A_3179 : i32
        %and3A_3181 = arith.andi %ne3A_3177, %ne3A_3180 : i1
        %sub3A_3182 = arith.constant 1 : i32
        %sub3A_3183 = arith.subi %div3A_3162, %sub3A_3182 : i32
        %select_n3A_3184 = arith.select %and3A_3181, %sub3A_3183, %div3A_3162 : i32
        %mul3A_3185 = arith.constant 128 : i32
        %mul3A_3186 = arith.muli %select_n3A_3184, %mul3A_3185 : i32
        %multiple_of3A_3187 = tpu.assume_multiple %mul3A_3186, 128 : i32
        %slice3A_3188 = vector.extract_strided_slice %get3A_609 {offsets = [4], sizes = [1], strides = [1]} : vector<16xi32> to vector<1xi32>
        %squeeze3A_3189 = vector.extract %slice3A_3188[0] : i32 from vector<1xi32>
        %jit3A_3190 = arith.constant 128 : i32
        %div3A_3191 = arith.divsi %squeeze3A_3189, %jit3A_3190 : i32
        %sign3A_3192 = arith.constant 0 : i32
        %sign3A_3193 = arith.cmpi sgt, %squeeze3A_3189, %sign3A_3192 : i32
        %sign3A_3194 = arith.extui %sign3A_3193 : i1 to i32
        %sign3A_3195 = arith.constant 0 : i32
        %sign3A_3196 = arith.cmpi slt, %squeeze3A_3189, %sign3A_3195 : i32
        %sign3A_3197 = arith.extui %sign3A_3196 : i1 to i32
        %sign3A_3198 = arith.subi %sign3A_3194, %sign3A_3197 : i32
        %sign3A_3199 = arith.constant 0 : i32
        %sign3A_3200 = arith.cmpi sgt, %jit3A_3190, %sign3A_3199 : i32
        %sign3A_3201 = arith.extui %sign3A_3200 : i1 to i32
        %sign3A_3202 = arith.constant 0 : i32
        %sign3A_3203 = arith.cmpi slt, %jit3A_3190, %sign3A_3202 : i32
        %sign3A_3204 = arith.extui %sign3A_3203 : i1 to i32
        %sign3A_3205 = arith.subi %sign3A_3201, %sign3A_3204 : i32
        %ne3A_3206 = arith.cmpi ne, %sign3A_3198, %sign3A_3205 : i32
        %rem3A_3207 = arith.remsi %squeeze3A_3189, %jit3A_3190 : i32
        %ne3A_3208 = arith.constant 0 : i32
        %ne3A_3209 = arith.cmpi ne, %rem3A_3207, %ne3A_3208 : i32
        %and3A_3210 = arith.andi %ne3A_3206, %ne3A_3209 : i1
        %sub3A_3211 = arith.constant 1 : i32
        %sub3A_3212 = arith.subi %div3A_3191, %sub3A_3211 : i32
        %select_n3A_3213 = arith.select %and3A_3210, %sub3A_3212, %div3A_3191 : i32
        %mul3A_3214 = arith.constant 128 : i32
        %mul3A_3215 = arith.muli %select_n3A_3213, %mul3A_3214 : i32
        %multiple_of3A_3216 = tpu.assume_multiple %mul3A_3215, 128 : i32
        %dma_start3A_3217 = arith.constant 4 : i32
        %dma_start3A_3218 = arith.constant 0 : i32
        %dma_start3A_3219 = arith.constant 0 : i32
        %dma_start3A_3220 = tpu.memref_slice %arg9[%dma_start3A_3217, %dma_start3A_3218, %dma_start3A_3219] : memref<8x32x128xf32, #tpu.memory_space<vmem>> -> memref<1x32x128xf32, #tpu.memory_space<vmem>>
        %dma_start3A_3221 = tpu.memref_squeeze %dma_start3A_3220 : memref<1x32x128xf32, #tpu.memory_space<vmem>> -> memref<32x128xf32, #tpu.memory_space<vmem>>
        %dma_start3A_3222 = arith.constant 0 : i32
        %dma_start3A_3223 = tpu.memref_slice %arg4[%dma_start3A_3222, %multiple_of3A_3187] : memref<32x1000000xf32, #tpu.memory_space<hbm>> -> memref<32x128xf32, #tpu.memory_space<hbm>>
        %dma_start3A_3224 = arith.constant 0 : i32
        %dma_start3A_3225 = arith.constant 0 : i32
        %dma_start3A_3226 = tpu.memref_slice %arg9[%dma_start3A_3217, %dma_start3A_3224, %dma_start3A_3225] : memref<8x32x128xf32, #tpu.memory_space<vmem>> -> memref<1x32x128xf32, #tpu.memory_space<vmem>>
        %dma_start3A_3227 = tpu.memref_squeeze %dma_start3A_3226 : memref<1x32x128xf32, #tpu.memory_space<vmem>> -> memref<32x128xf32, #tpu.memory_space<vmem>>
        %dma_start3A_3228 = arith.constant 0 : i32
        %dma_start3A_3229 = tpu.memref_slice %arg4[%dma_start3A_3228, %multiple_of3A_3187] : memref<32x1000000xf32, #tpu.memory_space<hbm>> -> memref<32x128xf32, #tpu.memory_space<hbm>>
        tpu.enqueue_dma source(%dma_start3A_3229 : memref<32x128xf32, #tpu.memory_space<hbm>>) target(%dma_start3A_3227 : memref<32x128xf32, #tpu.memory_space<vmem>>) target_semaphore(%arg12 : memref<!tpu.dma_semaphore, #tpu.memory_space<semaphore_mem>>)
        %dma_start3A_3230 = arith.constant 4 : i32
        %dma_start3A_3231 = arith.constant 0 : i32
        %dma_start3A_3232 = arith.constant 0 : i32
        %dma_start3A_3233 = tpu.memref_slice %arg10[%dma_start3A_3230, %dma_start3A_3231, %dma_start3A_3232] : memref<8x32x128xf32, #tpu.memory_space<vmem>> -> memref<1x32x128xf32, #tpu.memory_space<vmem>>
        %dma_start3A_3234 = tpu.memref_squeeze %dma_start3A_3233 : memref<1x32x128xf32, #tpu.memory_space<vmem>> -> memref<32x128xf32, #tpu.memory_space<vmem>>
        %dma_start3A_3235 = arith.constant 0 : i32
        %dma_start3A_3236 = tpu.memref_slice %arg5[%dma_start3A_3235, %multiple_of3A_3216] : memref<32x1000000xf32, #tpu.memory_space<hbm>> -> memref<32x128xf32, #tpu.memory_space<hbm>>
        %dma_start3A_3237 = arith.constant 0 : i32
        %dma_start3A_3238 = arith.constant 0 : i32
        %dma_start3A_3239 = tpu.memref_slice %arg10[%dma_start3A_3230, %dma_start3A_3237, %dma_start3A_3238] : memref<8x32x128xf32, #tpu.memory_space<vmem>> -> memref<1x32x128xf32, #tpu.memory_space<vmem>>
        %dma_start3A_3240 = tpu.memref_squeeze %dma_start3A_3239 : memref<1x32x128xf32, #tpu.memory_space<vmem>> -> memref<32x128xf32, #tpu.memory_space<vmem>>
        %dma_start3A_3241 = arith.constant 0 : i32
        %dma_start3A_3242 = tpu.memref_slice %arg5[%dma_start3A_3241, %multiple_of3A_3216] : memref<32x1000000xf32, #tpu.memory_space<hbm>> -> memref<32x128xf32, #tpu.memory_space<hbm>>
        tpu.enqueue_dma source(%dma_start3A_3242 : memref<32x128xf32, #tpu.memory_space<hbm>>) target(%dma_start3A_3240 : memref<32x128xf32, #tpu.memory_space<vmem>>) target_semaphore(%arg13 : memref<!tpu.dma_semaphore, #tpu.memory_space<semaphore_mem>>)
      } else {
      }
      %dma_wait3A_2815 = arith.constant 5 : i32
      %dma_wait3A_2816 = arith.constant 0 : i32
      %dma_wait3A_2817 = arith.constant 0 : i32
      %dma_wait3A_2818 = tpu.memref_slice %arg9[%dma_wait3A_2815, %dma_wait3A_2816, %dma_wait3A_2817] : memref<8x32x128xf32, #tpu.memory_space<vmem>> -> memref<1x32x128xf32, #tpu.memory_space<vmem>>
      %dma_wait3A_2819 = tpu.memref_squeeze %dma_wait3A_2818 : memref<1x32x128xf32, #tpu.memory_space<vmem>> -> memref<32x128xf32, #tpu.memory_space<vmem>>
      %dma_wait3A_2820 = arith.constant 0 : i32
      %dma_wait3A_2821 = arith.constant 0 : i32
      %dma_wait3A_2822 = tpu.memref_slice %arg4[%dma_wait3A_2820, %dma_wait3A_2821] : memref<32x1000000xf32, #tpu.memory_space<hbm>> -> memref<32x128xf32, #tpu.memory_space<hbm>>
      %dma_wait3A_2823 = arith.constant 0 : i32
      %dma_wait3A_2824 = arith.constant 0 : i32
      %dma_wait3A_2825 = tpu.memref_slice %arg9[%dma_wait3A_2815, %dma_wait3A_2823, %dma_wait3A_2824] : memref<8x32x128xf32, #tpu.memory_space<vmem>> -> memref<1x32x128xf32, #tpu.memory_space<vmem>>
      %dma_wait3A_2826 = tpu.memref_squeeze %dma_wait3A_2825 : memref<1x32x128xf32, #tpu.memory_space<vmem>> -> memref<32x128xf32, #tpu.memory_space<vmem>>
      %dma_wait3A_2827 = arith.constant 0 : i32
      %dma_wait3A_2828 = arith.constant 0 : i32
      %dma_wait3A_2829 = tpu.memref_slice %arg4[%dma_wait3A_2827, %dma_wait3A_2828] : memref<32x1000000xf32, #tpu.memory_space<hbm>> -> memref<32x128xf32, #tpu.memory_space<hbm>>
      tpu.wait_dma2 semaphore(%arg12 : memref<!tpu.dma_semaphore, #tpu.memory_space<semaphore_mem>>) src(%dma_wait3A_2829 : memref<32x128xf32, #tpu.memory_space<hbm>>) dst(%dma_wait3A_2826 : memref<32x128xf32, #tpu.memory_space<vmem>>)
      %dma_wait3A_2830 = arith.constant 5 : i32
      %dma_wait3A_2831 = arith.constant 0 : i32
      %dma_wait3A_2832 = arith.constant 0 : i32
      %dma_wait3A_2833 = tpu.memref_slice %arg10[%dma_wait3A_2830, %dma_wait3A_2831, %dma_wait3A_2832] : memref<8x32x128xf32, #tpu.memory_space<vmem>> -> memref<1x32x128xf32, #tpu.memory_space<vmem>>
      %dma_wait3A_2834 = tpu.memref_squeeze %dma_wait3A_2833 : memref<1x32x128xf32, #tpu.memory_space<vmem>> -> memref<32x128xf32, #tpu.memory_space<vmem>>
      %dma_wait3A_2835 = arith.constant 0 : i32
      %dma_wait3A_2836 = arith.constant 0 : i32
      %dma_wait3A_2837 = tpu.memref_slice %arg5[%dma_wait3A_2835, %dma_wait3A_2836] : memref<32x1000000xf32, #tpu.memory_space<hbm>> -> memref<32x128xf32, #tpu.memory_space<hbm>>
      %dma_wait3A_2838 = arith.constant 0 : i32
      %dma_wait3A_2839 = arith.constant 0 : i32
      %dma_wait3A_2840 = tpu.memref_slice %arg10[%dma_wait3A_2830, %dma_wait3A_2838, %dma_wait3A_2839] : memref<8x32x128xf32, #tpu.memory_space<vmem>> -> memref<1x32x128xf32, #tpu.memory_space<vmem>>
      %dma_wait3A_2841 = tpu.memref_squeeze %dma_wait3A_2840 : memref<1x32x128xf32, #tpu.memory_space<vmem>> -> memref<32x128xf32, #tpu.memory_space<vmem>>
      %dma_wait3A_2842 = arith.constant 0 : i32
      %dma_wait3A_2843 = arith.constant 0 : i32
      %dma_wait3A_2844 = tpu.memref_slice %arg5[%dma_wait3A_2842, %dma_wait3A_2843] : memref<32x1000000xf32, #tpu.memory_space<hbm>> -> memref<32x128xf32, #tpu.memory_space<hbm>>
      tpu.wait_dma2 semaphore(%arg13 : memref<!tpu.dma_semaphore, #tpu.memory_space<semaphore_mem>>) src(%dma_wait3A_2844 : memref<32x128xf32, #tpu.memory_space<hbm>>) dst(%dma_wait3A_2841 : memref<32x128xf32, #tpu.memory_space<vmem>>)
      %broadcast_in_dim3A_2845 = arith.constant 0 : i32
      %broadcast_in_dim3A_2846 = vector.broadcast %broadcast_in_dim3A_2845 : i32 to vector<16xi32>
      %slice3A_2847 = vector.extract_strided_slice %get3A_596 {offsets = [13], sizes = [1], strides = [1]} : vector<16xi32> to vector<1xi32>
      %squeeze3A_2848 = vector.extract %slice3A_2847[0] : i32 from vector<1xi32>
      %jit3A_2849 = arith.constant 128 : i32
      %eq3A_2850 = arith.constant 0 : i32
      %eq3A_2851 = arith.cmpi eq, %jit3A_2849, %eq3A_2850 : i32
      %jit3A_2852 = arith.constant 1 : i32
      %select_n3A_2853 = arith.select %eq3A_2851, %jit3A_2852, %jit3A_2849 : i32
      %rem3A_2854 = arith.remsi %squeeze3A_2848, %select_n3A_2853 : i32
      %ne3A_2855 = arith.constant 0 : i32
      %ne3A_2856 = arith.cmpi ne, %rem3A_2854, %ne3A_2855 : i32
      %lt3A_2857 = arith.constant 0 : i32
      %lt3A_2858 = arith.cmpi slt, %rem3A_2854, %lt3A_2857 : i32
      %lt3A_2859 = arith.constant 0 : i32
      %lt3A_2860 = arith.cmpi slt, %select_n3A_2853, %lt3A_2859 : i32
      %ne3A_2861 = arith.xori %lt3A_2858, %lt3A_2860 : i1
      %and3A_2862 = arith.andi %ne3A_2861, %ne3A_2856 : i1
      %add3A_2863 = arith.addi %rem3A_2854, %select_n3A_2853 : i32
      %select_n3A_2864 = arith.select %and3A_2862, %add3A_2863, %rem3A_2854 : i32
      %add3A_2865 = vector.broadcast %select_n3A_2864 : i32 to vector<16xi32>
      %add3A_2866 = arith.addi %broadcast_in_dim3A_2846, %add3A_2865 : vector<16xi32>
      %broadcast_in_dim3A_2867 = arith.constant 0 : i32
      %broadcast_in_dim3A_2868 = vector.broadcast %broadcast_in_dim3A_2867 : i32 to vector<16xi32>
      %slice3A_2869 = vector.extract_strided_slice %get3A_600 {offsets = [13], sizes = [1], strides = [1]} : vector<16xi32> to vector<1xi32>
      %squeeze3A_2870 = vector.extract %slice3A_2869[0] : i32 from vector<1xi32>
      %jit3A_2871 = arith.constant 128 : i32
      %eq3A_2872 = arith.constant 0 : i32
      %eq3A_2873 = arith.cmpi eq, %jit3A_2871, %eq3A_2872 : i32
      %jit3A_2874 = arith.constant 1 : i32
      %select_n3A_2875 = arith.select %eq3A_2873, %jit3A_2874, %jit3A_2871 : i32
      %rem3A_2876 = arith.remsi %squeeze3A_2870, %select_n3A_2875 : i32
      %ne3A_2877 = arith.constant 0 : i32
      %ne3A_2878 = arith.cmpi ne, %rem3A_2876, %ne3A_2877 : i32
      %lt3A_2879 = arith.constant 0 : i32
      %lt3A_2880 = arith.cmpi slt, %rem3A_2876, %lt3A_2879 : i32
      %lt3A_2881 = arith.constant 0 : i32
      %lt3A_2882 = arith.cmpi slt, %select_n3A_2875, %lt3A_2881 : i32
      %ne3A_2883 = arith.xori %lt3A_2880, %lt3A_2882 : i1
      %and3A_2884 = arith.andi %ne3A_2883, %ne3A_2878 : i1
      %add3A_2885 = arith.addi %rem3A_2876, %select_n3A_2875 : i32
      %select_n3A_2886 = arith.select %and3A_2884, %add3A_2885, %rem3A_2876 : i32
      %add3A_2887 = vector.broadcast %select_n3A_2886 : i32 to vector<16xi32>
      %add3A_2888 = arith.addi %broadcast_in_dim3A_2868, %add3A_2887 : vector<16xi32>
      %gather3A_2889 = arith.constant 5 : i32
      %gather3A_2890 = arith.constant 0 : i32
      %gather3A_2891 = arith.constant 0 : i32
      %gather3A_2892 = tpu.memref_slice %arg9[%gather3A_2889, %gather3A_2890, %gather3A_2891] : memref<8x32x128xf32, #tpu.memory_space<vmem>> -> memref<1x32x128xf32, #tpu.memory_space<vmem>>
      %gather3A_2893 = tpu.memref_squeeze %gather3A_2892 : memref<1x32x128xf32, #tpu.memory_space<vmem>> -> memref<32x128xf32, #tpu.memory_space<vmem>>
      %gather3A_2894 = tpu.vector_load_idx %gather3A_2893[%iota3A, %add3A_2866] : memref<32x128xf32, #tpu.memory_space<vmem>>[vector<16xi32>, vector<16xi32>], vector<16xf32>,
      %gather3A_2895 = arith.constant 5 : i32
      %gather3A_2896 = arith.constant 0 : i32
      %gather3A_2897 = arith.constant 0 : i32
      %gather3A_2898 = tpu.memref_slice %arg9[%gather3A_2895, %gather3A_2896, %gather3A_2897] : memref<8x32x128xf32, #tpu.memory_space<vmem>> -> memref<1x32x128xf32, #tpu.memory_space<vmem>>
      %gather3A_2899 = tpu.memref_squeeze %gather3A_2898 : memref<1x32x128xf32, #tpu.memory_space<vmem>> -> memref<32x128xf32, #tpu.memory_space<vmem>>
      %gather3A_2900 = tpu.vector_load_idx %gather3A_2899[%add3A_5, %add3A_2866] : memref<32x128xf32, #tpu.memory_space<vmem>>[vector<16xi32>, vector<16xi32>], vector<16xf32>,
      %gather3A_2901 = arith.constant 5 : i32
      %gather3A_2902 = arith.constant 0 : i32
      %gather3A_2903 = arith.constant 0 : i32
      %gather3A_2904 = tpu.memref_slice %arg10[%gather3A_2901, %gather3A_2902, %gather3A_2903] : memref<8x32x128xf32, #tpu.memory_space<vmem>> -> memref<1x32x128xf32, #tpu.memory_space<vmem>>
      %gather3A_2905 = tpu.memref_squeeze %gather3A_2904 : memref<1x32x128xf32, #tpu.memory_space<vmem>> -> memref<32x128xf32, #tpu.memory_space<vmem>>
      %gather3A_2906 = tpu.vector_load_idx %gather3A_2905[%iota3A, %add3A_2888] : memref<32x128xf32, #tpu.memory_space<vmem>>[vector<16xi32>, vector<16xi32>], vector<16xf32>,
      %gather3A_2907 = arith.constant 5 : i32
      %gather3A_2908 = arith.constant 0 : i32
      %gather3A_2909 = arith.constant 0 : i32
      %gather3A_2910 = tpu.memref_slice %arg10[%gather3A_2907, %gather3A_2908, %gather3A_2909] : memref<8x32x128xf32, #tpu.memory_space<vmem>> -> memref<1x32x128xf32, #tpu.memory_space<vmem>>
      %gather3A_2911 = tpu.memref_squeeze %gather3A_2910 : memref<1x32x128xf32, #tpu.memory_space<vmem>> -> memref<32x128xf32, #tpu.memory_space<vmem>>
      %gather3A_2912 = tpu.vector_load_idx %gather3A_2911[%add3A_5, %add3A_2888] : memref<32x128xf32, #tpu.memory_space<vmem>>[vector<16xi32>, vector<16xi32>], vector<16xf32>,
      %mul3A_2913 = arith.mulf %gather3A_2894, %gather3A_2906 : vector<16xf32>
      %mul3A_2914 = arith.mulf %gather3A_2900, %gather3A_2912 : vector<16xf32>
      %add3A_2915 = arith.addf %mul3A_2913, %mul3A_2914 : vector<16xf32>
      %reduce_sum3A_2916 = arith.constant true
      %reduce_sum3A_2917 = vector.broadcast %reduce_sum3A_2916 : i1 to vector<16xi1>
      %reduce_sum3A_2918 = tpu.scan <sum>, %add3A_2915 masked %reduce_sum3A_2917 : vector<16xf32>, vector<16xi1> -> vector<16xf32>
      %reduce_sum3A_2919 = vector.extract %reduce_sum3A_2918[15] : f32 from vector<16xf32>
      %eq3A_2920 = arith.constant 13 : i32
      %eq3A_2921 = vector.broadcast %eq3A_2920 : i32 to vector<16xi32>
      %eq3A_2922 = arith.cmpi eq, %iota3A, %eq3A_2921 : vector<16xi32>
      %broadcast_in_dim3A_2923 = vector.broadcast %reduce_sum3A_2919 : f32 to vector<16xf32>
      %select_n3A_2924 = arith.select %eq3A_2922, %broadcast_in_dim3A_2923, %select_n3A_2809 : vector<16xi1>, vector<16xf32>
      %lt3A_2925 = arith.constant 31 : i32
      %lt3A_2926 = arith.cmpi slt, %scan3A_591, %lt3A_2925 : i32
      %convert_element_type3A_2927 = arith.extui %lt3A_2926 : i1 to i32
      %cond3A_2928 = arith.constant 0 : i32
      %cond3A_2929 = arith.cmpi ne, %convert_element_type3A_2927, %cond3A_2928 : i32
      scf.if %cond3A_2929 {
        %slice3A_3159 = vector.extract_strided_slice %get3A_607 {offsets = [5], sizes = [1], strides = [1]} : vector<16xi32> to vector<1xi32>
        %squeeze3A_3160 = vector.extract %slice3A_3159[0] : i32 from vector<1xi32>
        %jit3A_3161 = arith.constant 128 : i32
        %div3A_3162 = arith.divsi %squeeze3A_3160, %jit3A_3161 : i32
        %sign3A_3163 = arith.constant 0 : i32
        %sign3A_3164 = arith.cmpi sgt, %squeeze3A_3160, %sign3A_3163 : i32
        %sign3A_3165 = arith.extui %sign3A_3164 : i1 to i32
        %sign3A_3166 = arith.constant 0 : i32
        %sign3A_3167 = arith.cmpi slt, %squeeze3A_3160, %sign3A_3166 : i32
        %sign3A_3168 = arith.extui %sign3A_3167 : i1 to i32
        %sign3A_3169 = arith.subi %sign3A_3165, %sign3A_3168 : i32
        %sign3A_3170 = arith.constant 0 : i32
        %sign3A_3171 = arith.cmpi sgt, %jit3A_3161, %sign3A_3170 : i32
        %sign3A_3172 = arith.extui %sign3A_3171 : i1 to i32
        %sign3A_3173 = arith.constant 0 : i32
        %sign3A_3174 = arith.cmpi slt, %jit3A_3161, %sign3A_3173 : i32
        %sign3A_3175 = arith.extui %sign3A_3174 : i1 to i32
        %sign3A_3176 = arith.subi %sign3A_3172, %sign3A_3175 : i32
        %ne3A_3177 = arith.cmpi ne, %sign3A_3169, %sign3A_3176 : i32
        %rem3A_3178 = arith.remsi %squeeze3A_3160, %jit3A_3161 : i32
        %ne3A_3179 = arith.constant 0 : i32
        %ne3A_3180 = arith.cmpi ne, %rem3A_3178, %ne3A_3179 : i32
        %and3A_3181 = arith.andi %ne3A_3177, %ne3A_3180 : i1
        %sub3A_3182 = arith.constant 1 : i32
        %sub3A_3183 = arith.subi %div3A_3162, %sub3A_3182 : i32
        %select_n3A_3184 = arith.select %and3A_3181, %sub3A_3183, %div3A_3162 : i32
        %mul3A_3185 = arith.constant 128 : i32
        %mul3A_3186 = arith.muli %select_n3A_3184, %mul3A_3185 : i32
        %multiple_of3A_3187 = tpu.assume_multiple %mul3A_3186, 128 : i32
        %slice3A_3188 = vector.extract_strided_slice %get3A_609 {offsets = [5], sizes = [1], strides = [1]} : vector<16xi32> to vector<1xi32>
        %squeeze3A_3189 = vector.extract %slice3A_3188[0] : i32 from vector<1xi32>
        %jit3A_3190 = arith.constant 128 : i32
        %div3A_3191 = arith.divsi %squeeze3A_3189, %jit3A_3190 : i32
        %sign3A_3192 = arith.constant 0 : i32
        %sign3A_3193 = arith.cmpi sgt, %squeeze3A_3189, %sign3A_3192 : i32
        %sign3A_3194 = arith.extui %sign3A_3193 : i1 to i32
        %sign3A_3195 = arith.constant 0 : i32
        %sign3A_3196 = arith.cmpi slt, %squeeze3A_3189, %sign3A_3195 : i32
        %sign3A_3197 = arith.extui %sign3A_3196 : i1 to i32
        %sign3A_3198 = arith.subi %sign3A_3194, %sign3A_3197 : i32
        %sign3A_3199 = arith.constant 0 : i32
        %sign3A_3200 = arith.cmpi sgt, %jit3A_3190, %sign3A_3199 : i32
        %sign3A_3201 = arith.extui %sign3A_3200 : i1 to i32
        %sign3A_3202 = arith.constant 0 : i32
        %sign3A_3203 = arith.cmpi slt, %jit3A_3190, %sign3A_3202 : i32
        %sign3A_3204 = arith.extui %sign3A_3203 : i1 to i32
        %sign3A_3205 = arith.subi %sign3A_3201, %sign3A_3204 : i32
        %ne3A_3206 = arith.cmpi ne, %sign3A_3198, %sign3A_3205 : i32
        %rem3A_3207 = arith.remsi %squeeze3A_3189, %jit3A_3190 : i32
        %ne3A_3208 = arith.constant 0 : i32
        %ne3A_3209 = arith.cmpi ne, %rem3A_3207, %ne3A_3208 : i32
        %and3A_3210 = arith.andi %ne3A_3206, %ne3A_3209 : i1
        %sub3A_3211 = arith.constant 1 : i32
        %sub3A_3212 = arith.subi %div3A_3191, %sub3A_3211 : i32
        %select_n3A_3213 = arith.select %and3A_3210, %sub3A_3212, %div3A_3191 : i32
        %mul3A_3214 = arith.constant 128 : i32
        %mul3A_3215 = arith.muli %select_n3A_3213, %mul3A_3214 : i32
        %multiple_of3A_3216 = tpu.assume_multiple %mul3A_3215, 128 : i32
        %dma_start3A_3217 = arith.constant 5 : i32
        %dma_start3A_3218 = arith.constant 0 : i32
        %dma_start3A_3219 = arith.constant 0 : i32
        %dma_start3A_3220 = tpu.memref_slice %arg9[%dma_start3A_3217, %dma_start3A_3218, %dma_start3A_3219] : memref<8x32x128xf32, #tpu.memory_space<vmem>> -> memref<1x32x128xf32, #tpu.memory_space<vmem>>
        %dma_start3A_3221 = tpu.memref_squeeze %dma_start3A_3220 : memref<1x32x128xf32, #tpu.memory_space<vmem>> -> memref<32x128xf32, #tpu.memory_space<vmem>>
        %dma_start3A_3222 = arith.constant 0 : i32
        %dma_start3A_3223 = tpu.memref_slice %arg4[%dma_start3A_3222, %multiple_of3A_3187] : memref<32x1000000xf32, #tpu.memory_space<hbm>> -> memref<32x128xf32, #tpu.memory_space<hbm>>
        %dma_start3A_3224 = arith.constant 0 : i32
        %dma_start3A_3225 = arith.constant 0 : i32
        %dma_start3A_3226 = tpu.memref_slice %arg9[%dma_start3A_3217, %dma_start3A_3224, %dma_start3A_3225] : memref<8x32x128xf32, #tpu.memory_space<vmem>> -> memref<1x32x128xf32, #tpu.memory_space<vmem>>
        %dma_start3A_3227 = tpu.memref_squeeze %dma_start3A_3226 : memref<1x32x128xf32, #tpu.memory_space<vmem>> -> memref<32x128xf32, #tpu.memory_space<vmem>>
        %dma_start3A_3228 = arith.constant 0 : i32
        %dma_start3A_3229 = tpu.memref_slice %arg4[%dma_start3A_3228, %multiple_of3A_3187] : memref<32x1000000xf32, #tpu.memory_space<hbm>> -> memref<32x128xf32, #tpu.memory_space<hbm>>
        tpu.enqueue_dma source(%dma_start3A_3229 : memref<32x128xf32, #tpu.memory_space<hbm>>) target(%dma_start3A_3227 : memref<32x128xf32, #tpu.memory_space<vmem>>) target_semaphore(%arg12 : memref<!tpu.dma_semaphore, #tpu.memory_space<semaphore_mem>>)
        %dma_start3A_3230 = arith.constant 5 : i32
        %dma_start3A_3231 = arith.constant 0 : i32
        %dma_start3A_3232 = arith.constant 0 : i32
        %dma_start3A_3233 = tpu.memref_slice %arg10[%dma_start3A_3230, %dma_start3A_3231, %dma_start3A_3232] : memref<8x32x128xf32, #tpu.memory_space<vmem>> -> memref<1x32x128xf32, #tpu.memory_space<vmem>>
        %dma_start3A_3234 = tpu.memref_squeeze %dma_start3A_3233 : memref<1x32x128xf32, #tpu.memory_space<vmem>> -> memref<32x128xf32, #tpu.memory_space<vmem>>
        %dma_start3A_3235 = arith.constant 0 : i32
        %dma_start3A_3236 = tpu.memref_slice %arg5[%dma_start3A_3235, %multiple_of3A_3216] : memref<32x1000000xf32, #tpu.memory_space<hbm>> -> memref<32x128xf32, #tpu.memory_space<hbm>>
        %dma_start3A_3237 = arith.constant 0 : i32
        %dma_start3A_3238 = arith.constant 0 : i32
        %dma_start3A_3239 = tpu.memref_slice %arg10[%dma_start3A_3230, %dma_start3A_3237, %dma_start3A_3238] : memref<8x32x128xf32, #tpu.memory_space<vmem>> -> memref<1x32x128xf32, #tpu.memory_space<vmem>>
        %dma_start3A_3240 = tpu.memref_squeeze %dma_start3A_3239 : memref<1x32x128xf32, #tpu.memory_space<vmem>> -> memref<32x128xf32, #tpu.memory_space<vmem>>
        %dma_start3A_3241 = arith.constant 0 : i32
        %dma_start3A_3242 = tpu.memref_slice %arg5[%dma_start3A_3241, %multiple_of3A_3216] : memref<32x1000000xf32, #tpu.memory_space<hbm>> -> memref<32x128xf32, #tpu.memory_space<hbm>>
        tpu.enqueue_dma source(%dma_start3A_3242 : memref<32x128xf32, #tpu.memory_space<hbm>>) target(%dma_start3A_3240 : memref<32x128xf32, #tpu.memory_space<vmem>>) target_semaphore(%arg13 : memref<!tpu.dma_semaphore, #tpu.memory_space<semaphore_mem>>)
      } else {
      }
      %dma_wait3A_2930 = arith.constant 6 : i32
      %dma_wait3A_2931 = arith.constant 0 : i32
      %dma_wait3A_2932 = arith.constant 0 : i32
      %dma_wait3A_2933 = tpu.memref_slice %arg9[%dma_wait3A_2930, %dma_wait3A_2931, %dma_wait3A_2932] : memref<8x32x128xf32, #tpu.memory_space<vmem>> -> memref<1x32x128xf32, #tpu.memory_space<vmem>>
      %dma_wait3A_2934 = tpu.memref_squeeze %dma_wait3A_2933 : memref<1x32x128xf32, #tpu.memory_space<vmem>> -> memref<32x128xf32, #tpu.memory_space<vmem>>
      %dma_wait3A_2935 = arith.constant 0 : i32
      %dma_wait3A_2936 = arith.constant 0 : i32
      %dma_wait3A_2937 = tpu.memref_slice %arg4[%dma_wait3A_2935, %dma_wait3A_2936] : memref<32x1000000xf32, #tpu.memory_space<hbm>> -> memref<32x128xf32, #tpu.memory_space<hbm>>
      %dma_wait3A_2938 = arith.constant 0 : i32
      %dma_wait3A_2939 = arith.constant 0 : i32
      %dma_wait3A_2940 = tpu.memref_slice %arg9[%dma_wait3A_2930, %dma_wait3A_2938, %dma_wait3A_2939] : memref<8x32x128xf32, #tpu.memory_space<vmem>> -> memref<1x32x128xf32, #tpu.memory_space<vmem>>
      %dma_wait3A_2941 = tpu.memref_squeeze %dma_wait3A_2940 : memref<1x32x128xf32, #tpu.memory_space<vmem>> -> memref<32x128xf32, #tpu.memory_space<vmem>>
      %dma_wait3A_2942 = arith.constant 0 : i32
      %dma_wait3A_2943 = arith.constant 0 : i32
      %dma_wait3A_2944 = tpu.memref_slice %arg4[%dma_wait3A_2942, %dma_wait3A_2943] : memref<32x1000000xf32, #tpu.memory_space<hbm>> -> memref<32x128xf32, #tpu.memory_space<hbm>>
      tpu.wait_dma2 semaphore(%arg12 : memref<!tpu.dma_semaphore, #tpu.memory_space<semaphore_mem>>) src(%dma_wait3A_2944 : memref<32x128xf32, #tpu.memory_space<hbm>>) dst(%dma_wait3A_2941 : memref<32x128xf32, #tpu.memory_space<vmem>>)
      %dma_wait3A_2945 = arith.constant 6 : i32
      %dma_wait3A_2946 = arith.constant 0 : i32
      %dma_wait3A_2947 = arith.constant 0 : i32
      %dma_wait3A_2948 = tpu.memref_slice %arg10[%dma_wait3A_2945, %dma_wait3A_2946, %dma_wait3A_2947] : memref<8x32x128xf32, #tpu.memory_space<vmem>> -> memref<1x32x128xf32, #tpu.memory_space<vmem>>
      %dma_wait3A_2949 = tpu.memref_squeeze %dma_wait3A_2948 : memref<1x32x128xf32, #tpu.memory_space<vmem>> -> memref<32x128xf32, #tpu.memory_space<vmem>>
      %dma_wait3A_2950 = arith.constant 0 : i32
      %dma_wait3A_2951 = arith.constant 0 : i32
      %dma_wait3A_2952 = tpu.memref_slice %arg5[%dma_wait3A_2950, %dma_wait3A_2951] : memref<32x1000000xf32, #tpu.memory_space<hbm>> -> memref<32x128xf32, #tpu.memory_space<hbm>>
      %dma_wait3A_2953 = arith.constant 0 : i32
      %dma_wait3A_2954 = arith.constant 0 : i32
      %dma_wait3A_2955 = tpu.memref_slice %arg10[%dma_wait3A_2945, %dma_wait3A_2953, %dma_wait3A_2954] : memref<8x32x128xf32, #tpu.memory_space<vmem>> -> memref<1x32x128xf32, #tpu.memory_space<vmem>>
      %dma_wait3A_2956 = tpu.memref_squeeze %dma_wait3A_2955 : memref<1x32x128xf32, #tpu.memory_space<vmem>> -> memref<32x128xf32, #tpu.memory_space<vmem>>
      %dma_wait3A_2957 = arith.constant 0 : i32
      %dma_wait3A_2958 = arith.constant 0 : i32
      %dma_wait3A_2959 = tpu.memref_slice %arg5[%dma_wait3A_2957, %dma_wait3A_2958] : memref<32x1000000xf32, #tpu.memory_space<hbm>> -> memref<32x128xf32, #tpu.memory_space<hbm>>
      tpu.wait_dma2 semaphore(%arg13 : memref<!tpu.dma_semaphore, #tpu.memory_space<semaphore_mem>>) src(%dma_wait3A_2959 : memref<32x128xf32, #tpu.memory_space<hbm>>) dst(%dma_wait3A_2956 : memref<32x128xf32, #tpu.memory_space<vmem>>)
      %broadcast_in_dim3A_2960 = arith.constant 0 : i32
      %broadcast_in_dim3A_2961 = vector.broadcast %broadcast_in_dim3A_2960 : i32 to vector<16xi32>
      %slice3A_2962 = vector.extract_strided_slice %get3A_596 {offsets = [14], sizes = [1], strides = [1]} : vector<16xi32> to vector<1xi32>
      %squeeze3A_2963 = vector.extract %slice3A_2962[0] : i32 from vector<1xi32>
      %jit3A_2964 = arith.constant 128 : i32
      %eq3A_2965 = arith.constant 0 : i32
      %eq3A_2966 = arith.cmpi eq, %jit3A_2964, %eq3A_2965 : i32
      %jit3A_2967 = arith.constant 1 : i32
      %select_n3A_2968 = arith.select %eq3A_2966, %jit3A_2967, %jit3A_2964 : i32
      %rem3A_2969 = arith.remsi %squeeze3A_2963, %select_n3A_2968 : i32
      %ne3A_2970 = arith.constant 0 : i32
      %ne3A_2971 = arith.cmpi ne, %rem3A_2969, %ne3A_2970 : i32
      %lt3A_2972 = arith.constant 0 : i32
      %lt3A_2973 = arith.cmpi slt, %rem3A_2969, %lt3A_2972 : i32
      %lt3A_2974 = arith.constant 0 : i32
      %lt3A_2975 = arith.cmpi slt, %select_n3A_2968, %lt3A_2974 : i32
      %ne3A_2976 = arith.xori %lt3A_2973, %lt3A_2975 : i1
      %and3A_2977 = arith.andi %ne3A_2976, %ne3A_2971 : i1
      %add3A_2978 = arith.addi %rem3A_2969, %select_n3A_2968 : i32
      %select_n3A_2979 = arith.select %and3A_2977, %add3A_2978, %rem3A_2969 : i32
      %add3A_2980 = vector.broadcast %select_n3A_2979 : i32 to vector<16xi32>
      %add3A_2981 = arith.addi %broadcast_in_dim3A_2961, %add3A_2980 : vector<16xi32>
      %broadcast_in_dim3A_2982 = arith.constant 0 : i32
      %broadcast_in_dim3A_2983 = vector.broadcast %broadcast_in_dim3A_2982 : i32 to vector<16xi32>
      %slice3A_2984 = vector.extract_strided_slice %get3A_600 {offsets = [14], sizes = [1], strides = [1]} : vector<16xi32> to vector<1xi32>
      %squeeze3A_2985 = vector.extract %slice3A_2984[0] : i32 from vector<1xi32>
      %jit3A_2986 = arith.constant 128 : i32
      %eq3A_2987 = arith.constant 0 : i32
      %eq3A_2988 = arith.cmpi eq, %jit3A_2986, %eq3A_2987 : i32
      %jit3A_2989 = arith.constant 1 : i32
      %select_n3A_2990 = arith.select %eq3A_2988, %jit3A_2989, %jit3A_2986 : i32
      %rem3A_2991 = arith.remsi %squeeze3A_2985, %select_n3A_2990 : i32
      %ne3A_2992 = arith.constant 0 : i32
      %ne3A_2993 = arith.cmpi ne, %rem3A_2991, %ne3A_2992 : i32
      %lt3A_2994 = arith.constant 0 : i32
      %lt3A_2995 = arith.cmpi slt, %rem3A_2991, %lt3A_2994 : i32
      %lt3A_2996 = arith.constant 0 : i32
      %lt3A_2997 = arith.cmpi slt, %select_n3A_2990, %lt3A_2996 : i32
      %ne3A_2998 = arith.xori %lt3A_2995, %lt3A_2997 : i1
      %and3A_2999 = arith.andi %ne3A_2998, %ne3A_2993 : i1
      %add3A_3000 = arith.addi %rem3A_2991, %select_n3A_2990 : i32
      %select_n3A_3001 = arith.select %and3A_2999, %add3A_3000, %rem3A_2991 : i32
      %add3A_3002 = vector.broadcast %select_n3A_3001 : i32 to vector<16xi32>
      %add3A_3003 = arith.addi %broadcast_in_dim3A_2983, %add3A_3002 : vector<16xi32>
      %gather3A_3004 = arith.constant 6 : i32
      %gather3A_3005 = arith.constant 0 : i32
      %gather3A_3006 = arith.constant 0 : i32
      %gather3A_3007 = tpu.memref_slice %arg9[%gather3A_3004, %gather3A_3005, %gather3A_3006] : memref<8x32x128xf32, #tpu.memory_space<vmem>> -> memref<1x32x128xf32, #tpu.memory_space<vmem>>
      %gather3A_3008 = tpu.memref_squeeze %gather3A_3007 : memref<1x32x128xf32, #tpu.memory_space<vmem>> -> memref<32x128xf32, #tpu.memory_space<vmem>>
      %gather3A_3009 = tpu.vector_load_idx %gather3A_3008[%iota3A, %add3A_2981] : memref<32x128xf32, #tpu.memory_space<vmem>>[vector<16xi32>, vector<16xi32>], vector<16xf32>,
      %gather3A_3010 = arith.constant 6 : i32
      %gather3A_3011 = arith.constant 0 : i32
      %gather3A_3012 = arith.constant 0 : i32
      %gather3A_3013 = tpu.memref_slice %arg9[%gather3A_3010, %gather3A_3011, %gather3A_3012] : memref<8x32x128xf32, #tpu.memory_space<vmem>> -> memref<1x32x128xf32, #tpu.memory_space<vmem>>
      %gather3A_3014 = tpu.memref_squeeze %gather3A_3013 : memref<1x32x128xf32, #tpu.memory_space<vmem>> -> memref<32x128xf32, #tpu.memory_space<vmem>>
      %gather3A_3015 = tpu.vector_load_idx %gather3A_3014[%add3A_5, %add3A_2981] : memref<32x128xf32, #tpu.memory_space<vmem>>[vector<16xi32>, vector<16xi32>], vector<16xf32>,
      %gather3A_3016 = arith.constant 6 : i32
      %gather3A_3017 = arith.constant 0 : i32
      %gather3A_3018 = arith.constant 0 : i32
      %gather3A_3019 = tpu.memref_slice %arg10[%gather3A_3016, %gather3A_3017, %gather3A_3018] : memref<8x32x128xf32, #tpu.memory_space<vmem>> -> memref<1x32x128xf32, #tpu.memory_space<vmem>>
      %gather3A_3020 = tpu.memref_squeeze %gather3A_3019 : memref<1x32x128xf32, #tpu.memory_space<vmem>> -> memref<32x128xf32, #tpu.memory_space<vmem>>
      %gather3A_3021 = tpu.vector_load_idx %gather3A_3020[%iota3A, %add3A_3003] : memref<32x128xf32, #tpu.memory_space<vmem>>[vector<16xi32>, vector<16xi32>], vector<16xf32>,
      %gather3A_3022 = arith.constant 6 : i32
      %gather3A_3023 = arith.constant 0 : i32
      %gather3A_3024 = arith.constant 0 : i32
      %gather3A_3025 = tpu.memref_slice %arg10[%gather3A_3022, %gather3A_3023, %gather3A_3024] : memref<8x32x128xf32, #tpu.memory_space<vmem>> -> memref<1x32x128xf32, #tpu.memory_space<vmem>>
      %gather3A_3026 = tpu.memref_squeeze %gather3A_3025 : memref<1x32x128xf32, #tpu.memory_space<vmem>> -> memref<32x128xf32, #tpu.memory_space<vmem>>
      %gather3A_3027 = tpu.vector_load_idx %gather3A_3026[%add3A_5, %add3A_3003] : memref<32x128xf32, #tpu.memory_space<vmem>>[vector<16xi32>, vector<16xi32>], vector<16xf32>,
      %mul3A_3028 = arith.mulf %gather3A_3009, %gather3A_3021 : vector<16xf32>
      %mul3A_3029 = arith.mulf %gather3A_3015, %gather3A_3027 : vector<16xf32>
      %add3A_3030 = arith.addf %mul3A_3028, %mul3A_3029 : vector<16xf32>
      %reduce_sum3A_3031 = arith.constant true
      %reduce_sum3A_3032 = vector.broadcast %reduce_sum3A_3031 : i1 to vector<16xi1>
      %reduce_sum3A_3033 = tpu.scan <sum>, %add3A_3030 masked %reduce_sum3A_3032 : vector<16xf32>, vector<16xi1> -> vector<16xf32>
      %reduce_sum3A_3034 = vector.extract %reduce_sum3A_3033[15] : f32 from vector<16xf32>
      %eq3A_3035 = arith.constant 14 : i32
      %eq3A_3036 = vector.broadcast %eq3A_3035 : i32 to vector<16xi32>
      %eq3A_3037 = arith.cmpi eq, %iota3A, %eq3A_3036 : vector<16xi32>
      %broadcast_in_dim3A_3038 = vector.broadcast %reduce_sum3A_3034 : f32 to vector<16xf32>
      %select_n3A_3039 = arith.select %eq3A_3037, %broadcast_in_dim3A_3038, %select_n3A_2924 : vector<16xi1>, vector<16xf32>
      %lt3A_3040 = arith.constant 31 : i32
      %lt3A_3041 = arith.cmpi slt, %scan3A_591, %lt3A_3040 : i32
      %convert_element_type3A_3042 = arith.extui %lt3A_3041 : i1 to i32
      %cond3A_3043 = arith.constant 0 : i32
      %cond3A_3044 = arith.cmpi ne, %convert_element_type3A_3042, %cond3A_3043 : i32
      scf.if %cond3A_3044 {
        %slice3A_3159 = vector.extract_strided_slice %get3A_607 {offsets = [6], sizes = [1], strides = [1]} : vector<16xi32> to vector<1xi32>
        %squeeze3A_3160 = vector.extract %slice3A_3159[0] : i32 from vector<1xi32>
        %jit3A_3161 = arith.constant 128 : i32
        %div3A_3162 = arith.divsi %squeeze3A_3160, %jit3A_3161 : i32
        %sign3A_3163 = arith.constant 0 : i32
        %sign3A_3164 = arith.cmpi sgt, %squeeze3A_3160, %sign3A_3163 : i32
        %sign3A_3165 = arith.extui %sign3A_3164 : i1 to i32
        %sign3A_3166 = arith.constant 0 : i32
        %sign3A_3167 = arith.cmpi slt, %squeeze3A_3160, %sign3A_3166 : i32
        %sign3A_3168 = arith.extui %sign3A_3167 : i1 to i32
        %sign3A_3169 = arith.subi %sign3A_3165, %sign3A_3168 : i32
        %sign3A_3170 = arith.constant 0 : i32
        %sign3A_3171 = arith.cmpi sgt, %jit3A_3161, %sign3A_3170 : i32
        %sign3A_3172 = arith.extui %sign3A_3171 : i1 to i32
        %sign3A_3173 = arith.constant 0 : i32
        %sign3A_3174 = arith.cmpi slt, %jit3A_3161, %sign3A_3173 : i32
        %sign3A_3175 = arith.extui %sign3A_3174 : i1 to i32
        %sign3A_3176 = arith.subi %sign3A_3172, %sign3A_3175 : i32
        %ne3A_3177 = arith.cmpi ne, %sign3A_3169, %sign3A_3176 : i32
        %rem3A_3178 = arith.remsi %squeeze3A_3160, %jit3A_3161 : i32
        %ne3A_3179 = arith.constant 0 : i32
        %ne3A_3180 = arith.cmpi ne, %rem3A_3178, %ne3A_3179 : i32
        %and3A_3181 = arith.andi %ne3A_3177, %ne3A_3180 : i1
        %sub3A_3182 = arith.constant 1 : i32
        %sub3A_3183 = arith.subi %div3A_3162, %sub3A_3182 : i32
        %select_n3A_3184 = arith.select %and3A_3181, %sub3A_3183, %div3A_3162 : i32
        %mul3A_3185 = arith.constant 128 : i32
        %mul3A_3186 = arith.muli %select_n3A_3184, %mul3A_3185 : i32
        %multiple_of3A_3187 = tpu.assume_multiple %mul3A_3186, 128 : i32
        %slice3A_3188 = vector.extract_strided_slice %get3A_609 {offsets = [6], sizes = [1], strides = [1]} : vector<16xi32> to vector<1xi32>
        %squeeze3A_3189 = vector.extract %slice3A_3188[0] : i32 from vector<1xi32>
        %jit3A_3190 = arith.constant 128 : i32
        %div3A_3191 = arith.divsi %squeeze3A_3189, %jit3A_3190 : i32
        %sign3A_3192 = arith.constant 0 : i32
        %sign3A_3193 = arith.cmpi sgt, %squeeze3A_3189, %sign3A_3192 : i32
        %sign3A_3194 = arith.extui %sign3A_3193 : i1 to i32
        %sign3A_3195 = arith.constant 0 : i32
        %sign3A_3196 = arith.cmpi slt, %squeeze3A_3189, %sign3A_3195 : i32
        %sign3A_3197 = arith.extui %sign3A_3196 : i1 to i32
        %sign3A_3198 = arith.subi %sign3A_3194, %sign3A_3197 : i32
        %sign3A_3199 = arith.constant 0 : i32
        %sign3A_3200 = arith.cmpi sgt, %jit3A_3190, %sign3A_3199 : i32
        %sign3A_3201 = arith.extui %sign3A_3200 : i1 to i32
        %sign3A_3202 = arith.constant 0 : i32
        %sign3A_3203 = arith.cmpi slt, %jit3A_3190, %sign3A_3202 : i32
        %sign3A_3204 = arith.extui %sign3A_3203 : i1 to i32
        %sign3A_3205 = arith.subi %sign3A_3201, %sign3A_3204 : i32
        %ne3A_3206 = arith.cmpi ne, %sign3A_3198, %sign3A_3205 : i32
        %rem3A_3207 = arith.remsi %squeeze3A_3189, %jit3A_3190 : i32
        %ne3A_3208 = arith.constant 0 : i32
        %ne3A_3209 = arith.cmpi ne, %rem3A_3207, %ne3A_3208 : i32
        %and3A_3210 = arith.andi %ne3A_3206, %ne3A_3209 : i1
        %sub3A_3211 = arith.constant 1 : i32
        %sub3A_3212 = arith.subi %div3A_3191, %sub3A_3211 : i32
        %select_n3A_3213 = arith.select %and3A_3210, %sub3A_3212, %div3A_3191 : i32
        %mul3A_3214 = arith.constant 128 : i32
        %mul3A_3215 = arith.muli %select_n3A_3213, %mul3A_3214 : i32
        %multiple_of3A_3216 = tpu.assume_multiple %mul3A_3215, 128 : i32
        %dma_start3A_3217 = arith.constant 6 : i32
        %dma_start3A_3218 = arith.constant 0 : i32
        %dma_start3A_3219 = arith.constant 0 : i32
        %dma_start3A_3220 = tpu.memref_slice %arg9[%dma_start3A_3217, %dma_start3A_3218, %dma_start3A_3219] : memref<8x32x128xf32, #tpu.memory_space<vmem>> -> memref<1x32x128xf32, #tpu.memory_space<vmem>>
        %dma_start3A_3221 = tpu.memref_squeeze %dma_start3A_3220 : memref<1x32x128xf32, #tpu.memory_space<vmem>> -> memref<32x128xf32, #tpu.memory_space<vmem>>
        %dma_start3A_3222 = arith.constant 0 : i32
        %dma_start3A_3223 = tpu.memref_slice %arg4[%dma_start3A_3222, %multiple_of3A_3187] : memref<32x1000000xf32, #tpu.memory_space<hbm>> -> memref<32x128xf32, #tpu.memory_space<hbm>>
        %dma_start3A_3224 = arith.constant 0 : i32
        %dma_start3A_3225 = arith.constant 0 : i32
        %dma_start3A_3226 = tpu.memref_slice %arg9[%dma_start3A_3217, %dma_start3A_3224, %dma_start3A_3225] : memref<8x32x128xf32, #tpu.memory_space<vmem>> -> memref<1x32x128xf32, #tpu.memory_space<vmem>>
        %dma_start3A_3227 = tpu.memref_squeeze %dma_start3A_3226 : memref<1x32x128xf32, #tpu.memory_space<vmem>> -> memref<32x128xf32, #tpu.memory_space<vmem>>
        %dma_start3A_3228 = arith.constant 0 : i32
        %dma_start3A_3229 = tpu.memref_slice %arg4[%dma_start3A_3228, %multiple_of3A_3187] : memref<32x1000000xf32, #tpu.memory_space<hbm>> -> memref<32x128xf32, #tpu.memory_space<hbm>>
        tpu.enqueue_dma source(%dma_start3A_3229 : memref<32x128xf32, #tpu.memory_space<hbm>>) target(%dma_start3A_3227 : memref<32x128xf32, #tpu.memory_space<vmem>>) target_semaphore(%arg12 : memref<!tpu.dma_semaphore, #tpu.memory_space<semaphore_mem>>)
        %dma_start3A_3230 = arith.constant 6 : i32
        %dma_start3A_3231 = arith.constant 0 : i32
        %dma_start3A_3232 = arith.constant 0 : i32
        %dma_start3A_3233 = tpu.memref_slice %arg10[%dma_start3A_3230, %dma_start3A_3231, %dma_start3A_3232] : memref<8x32x128xf32, #tpu.memory_space<vmem>> -> memref<1x32x128xf32, #tpu.memory_space<vmem>>
        %dma_start3A_3234 = tpu.memref_squeeze %dma_start3A_3233 : memref<1x32x128xf32, #tpu.memory_space<vmem>> -> memref<32x128xf32, #tpu.memory_space<vmem>>
        %dma_start3A_3235 = arith.constant 0 : i32
        %dma_start3A_3236 = tpu.memref_slice %arg5[%dma_start3A_3235, %multiple_of3A_3216] : memref<32x1000000xf32, #tpu.memory_space<hbm>> -> memref<32x128xf32, #tpu.memory_space<hbm>>
        %dma_start3A_3237 = arith.constant 0 : i32
        %dma_start3A_3238 = arith.constant 0 : i32
        %dma_start3A_3239 = tpu.memref_slice %arg10[%dma_start3A_3230, %dma_start3A_3237, %dma_start3A_3238] : memref<8x32x128xf32, #tpu.memory_space<vmem>> -> memref<1x32x128xf32, #tpu.memory_space<vmem>>
        %dma_start3A_3240 = tpu.memref_squeeze %dma_start3A_3239 : memref<1x32x128xf32, #tpu.memory_space<vmem>> -> memref<32x128xf32, #tpu.memory_space<vmem>>
        %dma_start3A_3241 = arith.constant 0 : i32
        %dma_start3A_3242 = tpu.memref_slice %arg5[%dma_start3A_3241, %multiple_of3A_3216] : memref<32x1000000xf32, #tpu.memory_space<hbm>> -> memref<32x128xf32, #tpu.memory_space<hbm>>
        tpu.enqueue_dma source(%dma_start3A_3242 : memref<32x128xf32, #tpu.memory_space<hbm>>) target(%dma_start3A_3240 : memref<32x128xf32, #tpu.memory_space<vmem>>) target_semaphore(%arg13 : memref<!tpu.dma_semaphore, #tpu.memory_space<semaphore_mem>>)
      } else {
      }
      %dma_wait3A_3045 = arith.constant 7 : i32
      %dma_wait3A_3046 = arith.constant 0 : i32
      %dma_wait3A_3047 = arith.constant 0 : i32
      %dma_wait3A_3048 = tpu.memref_slice %arg9[%dma_wait3A_3045, %dma_wait3A_3046, %dma_wait3A_3047] : memref<8x32x128xf32, #tpu.memory_space<vmem>> -> memref<1x32x128xf32, #tpu.memory_space<vmem>>
      %dma_wait3A_3049 = tpu.memref_squeeze %dma_wait3A_3048 : memref<1x32x128xf32, #tpu.memory_space<vmem>> -> memref<32x128xf32, #tpu.memory_space<vmem>>
      %dma_wait3A_3050 = arith.constant 0 : i32
      %dma_wait3A_3051 = arith.constant 0 : i32
      %dma_wait3A_3052 = tpu.memref_slice %arg4[%dma_wait3A_3050, %dma_wait3A_3051] : memref<32x1000000xf32, #tpu.memory_space<hbm>> -> memref<32x128xf32, #tpu.memory_space<hbm>>
      %dma_wait3A_3053 = arith.constant 0 : i32
      %dma_wait3A_3054 = arith.constant 0 : i32
      %dma_wait3A_3055 = tpu.memref_slice %arg9[%dma_wait3A_3045, %dma_wait3A_3053, %dma_wait3A_3054] : memref<8x32x128xf32, #tpu.memory_space<vmem>> -> memref<1x32x128xf32, #tpu.memory_space<vmem>>
      %dma_wait3A_3056 = tpu.memref_squeeze %dma_wait3A_3055 : memref<1x32x128xf32, #tpu.memory_space<vmem>> -> memref<32x128xf32, #tpu.memory_space<vmem>>
      %dma_wait3A_3057 = arith.constant 0 : i32
      %dma_wait3A_3058 = arith.constant 0 : i32
      %dma_wait3A_3059 = tpu.memref_slice %arg4[%dma_wait3A_3057, %dma_wait3A_3058] : memref<32x1000000xf32, #tpu.memory_space<hbm>> -> memref<32x128xf32, #tpu.memory_space<hbm>>
      tpu.wait_dma2 semaphore(%arg12 : memref<!tpu.dma_semaphore, #tpu.memory_space<semaphore_mem>>) src(%dma_wait3A_3059 : memref<32x128xf32, #tpu.memory_space<hbm>>) dst(%dma_wait3A_3056 : memref<32x128xf32, #tpu.memory_space<vmem>>)
      %dma_wait3A_3060 = arith.constant 7 : i32
      %dma_wait3A_3061 = arith.constant 0 : i32
      %dma_wait3A_3062 = arith.constant 0 : i32
      %dma_wait3A_3063 = tpu.memref_slice %arg10[%dma_wait3A_3060, %dma_wait3A_3061, %dma_wait3A_3062] : memref<8x32x128xf32, #tpu.memory_space<vmem>> -> memref<1x32x128xf32, #tpu.memory_space<vmem>>
      %dma_wait3A_3064 = tpu.memref_squeeze %dma_wait3A_3063 : memref<1x32x128xf32, #tpu.memory_space<vmem>> -> memref<32x128xf32, #tpu.memory_space<vmem>>
      %dma_wait3A_3065 = arith.constant 0 : i32
      %dma_wait3A_3066 = arith.constant 0 : i32
      %dma_wait3A_3067 = tpu.memref_slice %arg5[%dma_wait3A_3065, %dma_wait3A_3066] : memref<32x1000000xf32, #tpu.memory_space<hbm>> -> memref<32x128xf32, #tpu.memory_space<hbm>>
      %dma_wait3A_3068 = arith.constant 0 : i32
      %dma_wait3A_3069 = arith.constant 0 : i32
      %dma_wait3A_3070 = tpu.memref_slice %arg10[%dma_wait3A_3060, %dma_wait3A_3068, %dma_wait3A_3069] : memref<8x32x128xf32, #tpu.memory_space<vmem>> -> memref<1x32x128xf32, #tpu.memory_space<vmem>>
      %dma_wait3A_3071 = tpu.memref_squeeze %dma_wait3A_3070 : memref<1x32x128xf32, #tpu.memory_space<vmem>> -> memref<32x128xf32, #tpu.memory_space<vmem>>
      %dma_wait3A_3072 = arith.constant 0 : i32
      %dma_wait3A_3073 = arith.constant 0 : i32
      %dma_wait3A_3074 = tpu.memref_slice %arg5[%dma_wait3A_3072, %dma_wait3A_3073] : memref<32x1000000xf32, #tpu.memory_space<hbm>> -> memref<32x128xf32, #tpu.memory_space<hbm>>
      tpu.wait_dma2 semaphore(%arg13 : memref<!tpu.dma_semaphore, #tpu.memory_space<semaphore_mem>>) src(%dma_wait3A_3074 : memref<32x128xf32, #tpu.memory_space<hbm>>) dst(%dma_wait3A_3071 : memref<32x128xf32, #tpu.memory_space<vmem>>)
      %broadcast_in_dim3A_3075 = arith.constant 0 : i32
      %broadcast_in_dim3A_3076 = vector.broadcast %broadcast_in_dim3A_3075 : i32 to vector<16xi32>
      %slice3A_3077 = vector.extract_strided_slice %get3A_596 {offsets = [15], sizes = [1], strides = [1]} : vector<16xi32> to vector<1xi32>
      %squeeze3A_3078 = vector.extract %slice3A_3077[0] : i32 from vector<1xi32>
      %jit3A_3079 = arith.constant 128 : i32
      %eq3A_3080 = arith.constant 0 : i32
      %eq3A_3081 = arith.cmpi eq, %jit3A_3079, %eq3A_3080 : i32
      %jit3A_3082 = arith.constant 1 : i32
      %select_n3A_3083 = arith.select %eq3A_3081, %jit3A_3082, %jit3A_3079 : i32
      %rem3A_3084 = arith.remsi %squeeze3A_3078, %select_n3A_3083 : i32
      %ne3A_3085 = arith.constant 0 : i32
      %ne3A_3086 = arith.cmpi ne, %rem3A_3084, %ne3A_3085 : i32
      %lt3A_3087 = arith.constant 0 : i32
      %lt3A_3088 = arith.cmpi slt, %rem3A_3084, %lt3A_3087 : i32
      %lt3A_3089 = arith.constant 0 : i32
      %lt3A_3090 = arith.cmpi slt, %select_n3A_3083, %lt3A_3089 : i32
      %ne3A_3091 = arith.xori %lt3A_3088, %lt3A_3090 : i1
      %and3A_3092 = arith.andi %ne3A_3091, %ne3A_3086 : i1
      %add3A_3093 = arith.addi %rem3A_3084, %select_n3A_3083 : i32
      %select_n3A_3094 = arith.select %and3A_3092, %add3A_3093, %rem3A_3084 : i32
      %add3A_3095 = vector.broadcast %select_n3A_3094 : i32 to vector<16xi32>
      %add3A_3096 = arith.addi %broadcast_in_dim3A_3076, %add3A_3095 : vector<16xi32>
      %broadcast_in_dim3A_3097 = arith.constant 0 : i32
      %broadcast_in_dim3A_3098 = vector.broadcast %broadcast_in_dim3A_3097 : i32 to vector<16xi32>
      %slice3A_3099 = vector.extract_strided_slice %get3A_600 {offsets = [15], sizes = [1], strides = [1]} : vector<16xi32> to vector<1xi32>
      %squeeze3A_3100 = vector.extract %slice3A_3099[0] : i32 from vector<1xi32>
      %jit3A_3101 = arith.constant 128 : i32
      %eq3A_3102 = arith.constant 0 : i32
      %eq3A_3103 = arith.cmpi eq, %jit3A_3101, %eq3A_3102 : i32
      %jit3A_3104 = arith.constant 1 : i32
      %select_n3A_3105 = arith.select %eq3A_3103, %jit3A_3104, %jit3A_3101 : i32
      %rem3A_3106 = arith.remsi %squeeze3A_3100, %select_n3A_3105 : i32
      %ne3A_3107 = arith.constant 0 : i32
      %ne3A_3108 = arith.cmpi ne, %rem3A_3106, %ne3A_3107 : i32
      %lt3A_3109 = arith.constant 0 : i32
      %lt3A_3110 = arith.cmpi slt, %rem3A_3106, %lt3A_3109 : i32
      %lt3A_3111 = arith.constant 0 : i32
      %lt3A_3112 = arith.cmpi slt, %select_n3A_3105, %lt3A_3111 : i32
      %ne3A_3113 = arith.xori %lt3A_3110, %lt3A_3112 : i1
      %and3A_3114 = arith.andi %ne3A_3113, %ne3A_3108 : i1
      %add3A_3115 = arith.addi %rem3A_3106, %select_n3A_3105 : i32
      %select_n3A_3116 = arith.select %and3A_3114, %add3A_3115, %rem3A_3106 : i32
      %add3A_3117 = vector.broadcast %select_n3A_3116 : i32 to vector<16xi32>
      %add3A_3118 = arith.addi %broadcast_in_dim3A_3098, %add3A_3117 : vector<16xi32>
      %gather3A_3119 = arith.constant 7 : i32
      %gather3A_3120 = arith.constant 0 : i32
      %gather3A_3121 = arith.constant 0 : i32
      %gather3A_3122 = tpu.memref_slice %arg9[%gather3A_3119, %gather3A_3120, %gather3A_3121] : memref<8x32x128xf32, #tpu.memory_space<vmem>> -> memref<1x32x128xf32, #tpu.memory_space<vmem>>
      %gather3A_3123 = tpu.memref_squeeze %gather3A_3122 : memref<1x32x128xf32, #tpu.memory_space<vmem>> -> memref<32x128xf32, #tpu.memory_space<vmem>>
      %gather3A_3124 = tpu.vector_load_idx %gather3A_3123[%iota3A, %add3A_3096] : memref<32x128xf32, #tpu.memory_space<vmem>>[vector<16xi32>, vector<16xi32>], vector<16xf32>,
      %gather3A_3125 = arith.constant 7 : i32
      %gather3A_3126 = arith.constant 0 : i32
      %gather3A_3127 = arith.constant 0 : i32
      %gather3A_3128 = tpu.memref_slice %arg9[%gather3A_3125, %gather3A_3126, %gather3A_3127] : memref<8x32x128xf32, #tpu.memory_space<vmem>> -> memref<1x32x128xf32, #tpu.memory_space<vmem>>
      %gather3A_3129 = tpu.memref_squeeze %gather3A_3128 : memref<1x32x128xf32, #tpu.memory_space<vmem>> -> memref<32x128xf32, #tpu.memory_space<vmem>>
      %gather3A_3130 = tpu.vector_load_idx %gather3A_3129[%add3A_5, %add3A_3096] : memref<32x128xf32, #tpu.memory_space<vmem>>[vector<16xi32>, vector<16xi32>], vector<16xf32>,
      %gather3A_3131 = arith.constant 7 : i32
      %gather3A_3132 = arith.constant 0 : i32
      %gather3A_3133 = arith.constant 0 : i32
      %gather3A_3134 = tpu.memref_slice %arg10[%gather3A_3131, %gather3A_3132, %gather3A_3133] : memref<8x32x128xf32, #tpu.memory_space<vmem>> -> memref<1x32x128xf32, #tpu.memory_space<vmem>>
      %gather3A_3135 = tpu.memref_squeeze %gather3A_3134 : memref<1x32x128xf32, #tpu.memory_space<vmem>> -> memref<32x128xf32, #tpu.memory_space<vmem>>
      %gather3A_3136 = tpu.vector_load_idx %gather3A_3135[%iota3A, %add3A_3118] : memref<32x128xf32, #tpu.memory_space<vmem>>[vector<16xi32>, vector<16xi32>], vector<16xf32>,
      %gather3A_3137 = arith.constant 7 : i32
      %gather3A_3138 = arith.constant 0 : i32
      %gather3A_3139 = arith.constant 0 : i32
      %gather3A_3140 = tpu.memref_slice %arg10[%gather3A_3137, %gather3A_3138, %gather3A_3139] : memref<8x32x128xf32, #tpu.memory_space<vmem>> -> memref<1x32x128xf32, #tpu.memory_space<vmem>>
      %gather3A_3141 = tpu.memref_squeeze %gather3A_3140 : memref<1x32x128xf32, #tpu.memory_space<vmem>> -> memref<32x128xf32, #tpu.memory_space<vmem>>
      %gather3A_3142 = tpu.vector_load_idx %gather3A_3141[%add3A_5, %add3A_3118] : memref<32x128xf32, #tpu.memory_space<vmem>>[vector<16xi32>, vector<16xi32>], vector<16xf32>,
      %mul3A_3143 = arith.mulf %gather3A_3124, %gather3A_3136 : vector<16xf32>
      %mul3A_3144 = arith.mulf %gather3A_3130, %gather3A_3142 : vector<16xf32>
      %add3A_3145 = arith.addf %mul3A_3143, %mul3A_3144 : vector<16xf32>
      %reduce_sum3A_3146 = arith.constant true
      %reduce_sum3A_3147 = vector.broadcast %reduce_sum3A_3146 : i1 to vector<16xi1>
      %reduce_sum3A_3148 = tpu.scan <sum>, %add3A_3145 masked %reduce_sum3A_3147 : vector<16xf32>, vector<16xi1> -> vector<16xf32>
      %reduce_sum3A_3149 = vector.extract %reduce_sum3A_3148[15] : f32 from vector<16xf32>
      %eq3A_3150 = arith.constant 15 : i32
      %eq3A_3151 = vector.broadcast %eq3A_3150 : i32 to vector<16xi32>
      %eq3A_3152 = arith.cmpi eq, %iota3A, %eq3A_3151 : vector<16xi32>
      %broadcast_in_dim3A_3153 = vector.broadcast %reduce_sum3A_3149 : f32 to vector<16xf32>
      %select_n3A_3154 = arith.select %eq3A_3152, %broadcast_in_dim3A_3153, %select_n3A_3039 : vector<16xi1>, vector<16xf32>
      %mul3A_3155 = arith.constant 16 : i32
      %mul3A_3156 = arith.muli %scan3A_591, %mul3A_3155 : i32
      %swap3A = arith.index_cast %mul3A_3156 : i32 to index
      %swap3A_3157 = tpu.vector_load %arg11[%swap3A] {strides = array<i32>} : memref<512xf32, #tpu.memory_space<vmem>>, vector<16xf32>,
      tpu.vector_store %arg11[%swap3A], %select_n3A_3154 {strides = array<i32>} : memref<512xf32, #tpu.memory_space<vmem>>, vector<16xf32>,
      %scan3A_3158 = arith.constant 0 : i32
      scf.yield %scan3A_3158 : i32
    }
    %scan3A_590 = arith.constant 32 : i32
    "tpu.region"() ({
      %run_scoped3A = tpu.sem_alloc : memref<!tpu.dma_semaphore, #tpu.memory_space<semaphore_mem>>
      %dma_start3A_591 = tpu.memref_slice %arg6[%mul3A_2] : memref<16384xf32, #tpu.memory_space<hbm>> -> memref<512xf32, #tpu.memory_space<hbm>>
      %dma_start3A_592 = tpu.memref_slice %arg6[%mul3A_2] : memref<16384xf32, #tpu.memory_space<hbm>> -> memref<512xf32, #tpu.memory_space<hbm>>
      tpu.enqueue_dma source(%arg11 : memref<512xf32, #tpu.memory_space<vmem>>) target(%dma_start3A_592 : memref<512xf32, #tpu.memory_space<hbm>>) target_semaphore(%run_scoped3A : memref<!tpu.dma_semaphore, #tpu.memory_space<semaphore_mem>>)
      %dma_wait3A = tpu.memref_slice %arg6[%mul3A_2] : memref<16384xf32, #tpu.memory_space<hbm>> -> memref<512xf32, #tpu.memory_space<hbm>>
      %dma_wait3A_593 = tpu.memref_slice %arg6[%mul3A_2] : memref<16384xf32, #tpu.memory_space<hbm>> -> memref<512xf32, #tpu.memory_space<hbm>>
      tpu.wait_dma2 semaphore(%run_scoped3A : memref<!tpu.dma_semaphore, #tpu.memory_space<semaphore_mem>>) src(%arg11 : memref<512xf32, #tpu.memory_space<vmem>>) dst(%dma_wait3A_593 : memref<512xf32, #tpu.memory_space<hbm>>)
      tpu.yield
    }) : () -> ()
    return
  }
}

</mosaic_0001>

<sc_bundles>
// kernel: kernel.3.cloned.1.call-start
scs
__scs_entry_jumppad:
0x0: {  	(pc) =	sbr.rel $0x88, $3  }
0x1: {  	(tag) =	ssettag $0x0;
	lr =	simm.s32 $0x1  }
0x2: {  	[smem:$0x3F9D] =	sst lr;
	_ =	strace $0xD0000000  }
0x3: {  	_ = 	snop  }
0x4: {  	_ = 	snop  }
0x5: {  	_ = 	snop  }
0x6: {  	_ = 	snop  }
0x7: {  	_ = 	snop  }
__scs_overlays_trampoline_lowered:
0x8: {  	[smem:$0x3FAC] =	sst s0  }
0x9: {  	[smem:$0x3FAD] =	sst s1  }
0xa: {  	[smem:$0x3FAE] =	sst s2  }
0xb: {  	[smem:$0x3FAF] =	sst s3  }
0xc: {  	[smem:$0x3FB0] =	sst s4  }
0xd: {  	[smem:$0x3FB1] =	sst s5  }
0xe: {  	[smem:$0x3FB2] =	sst s6  }
0xf: {  	[smem:$0x3FB3] =	sst s7  }
0x10: {  	[smem:$0x3FB4] =	sst s8  }
0x11: {  	[smem:$0x3FB5] =	sst s9;
	s0 =	simm.s32 @!p0 $0x0  }
0x12: {  	s1 =	sld [smem:$0x3F9B];
	s0 =	simm.s32 @p0 $0x1  }
0x13: {  	[smem:$0x3FB6] =	sst s0;
	s0 =	simm.s32 @!p1 $0x0  }
0x14: {  	s2 =	sld [smem:$0x3F9A];
	s0 =	simm.s32 @p1 $0x1  }
0x15: {  	[smem:$0x3FB7] =	sst s0;
	s0 =	simm.s32 @!p2 $0x0  }
0x16: {  	s3 =	sld [smem:$0x3FDB];
	s0 =	simm.s32 @p2 $0x1  }
0x17: {  	s4 =	simm.s32 $0x1BF5;
	[smem:$0x3FB9] =	sst s0  }
0x18: {  	s0 =	sld [smem:$0x3F9C];
	_ =	swait.ge [sflag:s4], $0x0  }
0x19: {  	s7 =	sld [smem:$0x3F9D]  }
0x1a: {  	s8 =	sadd.s32 $0xFFFFE003, lr  }
0x1b: {  	s9 =	sadd.s32 $0xFFFFFEF7, lr;
	s5 =	simm.s32 $0xFFFFFFFF;
	p2 =	slt.u32 s8, $0xFFFFF086  }
0x1c: {  	p1 =	slt.u32 s9, $0xF7A;
	s5 =	simm.s32 @!p2 $0x0  }
0x1d: {  	s5 =	simm.s32 @p1 $0x1;
	p0 =	seq.s32 s7, s2  }
0x1e: {  	s7 =	smul.u32 @!p0 $0xF7A, s2;
	p2 =	seq.s32 @!p0 s5, $0x0  }
0x1f: {  	s9 =	smul.u32 $0xF7A, s1;
	s8 =	simm.s32 @!p0 $0x1BF5;
	p2 =	por !p2, p0  }
0x20: {  	[sflag:s8] =	ssyncset.s32 @!p0 $0xFFFFF086;
	s6 =	sadd.s32 @!p0 s3, s7;
	s7 =	simm.s32 @!p0 $0x108  }
0x21: {  	s3 =	sadd.s32 s3, s9;
	s6 =	sadd.s32 @!p0 $0x88, s6;
	s7 =	simm.s32 @p2 $0x1082  }
0x22: {  	[simem:s7], [sflag:s8] =	dma.local @!p0 [hbm:s6], $0xF7A  }
0x23: {  	s9 =	sor.u32 $0xD0000000, s2;
	s6 =	simm.s32 $0x108;
	_ =	swait.ge @!p0 [sflag:s8], $0x0  }
0x24: {  	s3 =	sadd.s32 $0x88, s3;
	s6 =	simm.s32 @!p1 $0x1082;
	[sflag:s4] =	ssyncset.s32 $0xFFFFF086  }
0x25: {  	[simem:s6], [sflag:s4] =	dma.local [hbm:s3], $0xF7A  }
0x26: {  	[smem:$0x3F9D] =	sst s1;
	(tag) =	ssettag s2;
	_ =	strace s9  }
0x27: {  	s1 =	sld [smem:$0x3FAD]  }
0x28: {  	s2 =	sld [smem:$0x3FAE]  }
0x29: {  	s4 =	sld [smem:$0x3FB0]  }
0x2a: {  	p0 =	seq.s32 s5, $0x0;
	s5 =	sld [smem:$0x3FB1]  }
0x2b: {  	s6 =	sld [smem:$0x3FB2]  }
0x2c: {  	s7 =	sld [smem:$0x3FB3]  }
0x2d: {  	s3 =	simm.s32 $0x108;
	s8 =	sld [smem:$0x3FB4]  }
0x2e: {  	s3 =	simm.s32 @!p0 $0x1082;
	s9 =	sld [smem:$0x3FB5]  }
0x2f: {  	lr =	sadd.s32 s0, s3;
	s0 =	sld [smem:$0x3FAC]  }
0x30: {  	s3 =	sld [smem:$0x3FAF]  }
0x31: {  	[smem:$0x3FB8] =	sst s10  }
0x32: {  	s10 =	sld [smem:$0x3FB6];
	_ =	sdelay $0x3  }
0x33: {  	p0 =	seq.s32 s10, $0x1;
	s10 =	sld [smem:$0x3FB8];
	_ =	sdelay $0x3  }
0x34: {  	[smem:$0x3FB8] =	sst s10  }
0x35: {  	s10 =	sld [smem:$0x3FB7];
	_ =	sdelay $0x3  }
0x36: {  	p1 =	seq.s32 s10, $0x1;
	s10 =	sld [smem:$0x3FB8];
	_ =	sdelay $0x3  }
0x37: {  	[smem:$0x3FB8] =	sst s10  }
0x38: {  	s10 =	sld [smem:$0x3FB9]  }
0x39: {  	_ = 	snop;
	(pc) =	sbr.ind lr, $3  }
0x3a: {  	_ = 	snop  }
0x3b: {  	_ = 	snop  }
0x3c: {  	p2 =	seq.s32 s10, $0x1;
	s10 =	sld [smem:$0x3FB8]  }
0x3d: {  	_ =	shalt  }
0x3e: {  	_ =	shalt  }
0x3f: {  	_ =	shalt  }
0x40: {  	_ =	shalt  }
0x41: {  	_ =	shalt  }
0x42: {  	_ =	shalt  }
0x43: {  	_ =	shalt  }
0x44: {  	_ =	shalt  }
0x45: {  	_ =	shalt  }
0x46: {  	_ =	shalt  }
0x47: {  	_ =	shalt  }
0x48: {  	_ =	shalt  }
0x49: {  	_ =	shalt  }
0x4a: {  	_ =	shalt  }
0x4b: {  	_ =	shalt  }
0x4c: {  	_ =	shalt  }
0x4d: {  	_ =	shalt  }
0x4e: {  	_ =	shalt  }
0x4f: {  	_ =	shalt  }
0x50: {  	_ =	shalt  }
0x51: {  	_ =	shalt  }
0x52: {  	_ =	shalt  }
0x53: {  	_ =	shalt  }
0x54: {  	_ =	shalt  }
0x55: {  	_ =	shalt  }
0x56: {  	_ =	shalt  }
0x57: {  	_ =	shalt  }
0x58: {  	_ =	shalt  }
0x59: {  	_ =	shalt  }
0x5a: {  	_ =	shalt  }
0x5b: {  	_ =	shalt  }
0x5c: {  	_ =	shalt  }
0x5d: {  	_ =	shalt  }
0x5e: {  	_ =	shalt  }
0x5f: {  	_ =	shalt  }
0x60: {  	_ =	shalt  }
0x61: {  	_ =	shalt  }
0x62: {  	_ =	shalt  }
0x63: {  	_ =	shalt  }
0x64: {  	_ =	shalt  }
0x65: {  	_ =	shalt  }
0x66: {  	_ =	shalt  }
0x67: {  	_ =	shalt  }
0x68: {  	_ =	shalt  }
0x69: {  	_ =	shalt  }
0x6a: {  	_ =	shalt  }
0x6b: {  	_ =	shalt  }
0x6c: {  	_ =	shalt  }
0x6d: {  	_ =	shalt  }
0x6e: {  	_ =	shalt  }
0x6f: {  	_ =	shalt  }
0x70: {  	_ =	shalt  }
0x71: {  	_ =	shalt  }
0x72: {  	_ =	shalt  }
0x73: {  	_ =	shalt  }
0x74: {  	_ =	shalt  }
0x75: {  	_ =	shalt  }
0x76: {  	_ =	shalt  }
0x77: {  	_ =	shalt  }
0x78: {  	_ =	shalt  }
0x79: {  	_ =	shalt  }
0x7a: {  	_ =	shalt  }
0x7b: {  	_ =	shalt  }
0x7c: {  	_ =	shalt  }
0x7d: {  	_ =	shalt  }
0x7e: {  	_ =	shalt  }
0x7f: {  	_ =	shalt  }
0x80: {  	_ =	shalt  }
0x81: {  	_ =	shalt  }
0x82: {  	_ =	shalt  }
0x83: {  	_ =	shalt  }
0x84: {  	_ =	shalt  }
0x85: {  	_ =	shalt  }
0x86: {  	_ =	shalt  }
0x87: {  	_ =	shalt  }
.Lfunc_end0:
.L_simem_size_0:
called_computation_lowered:
.L_overlay_start_0:
0x88: {  	s2 =	sld [smem:$0x3FD9]  }
0x89: {  	s3 =	sld [smem:$0x3FFE];
	_ =	sdelay $0x1  }
0x8a: {  	s1 =	srdreg.scid  }
0x8b: {  	s0 =	sand.u32 $0x1, s1  }
0x8c: {  	s18 =	sshll.u32 s0, $0xA;
	s2 =	sadd.s32 s3, s2  }
0x8d: {  	s2 =	sadd.s32 s2, s18  }
0x8e: {  	[smem:$0x3FC4] =	sst s2  }
0x8f: {  	_ = 	snop  }
0x90: {  	s2 =	sld [smem:$0x3FC9]  }
0x91: {  	s19 =	sld [smem:$0x3FC8]  }
0x92: {  	s4 =	sld [smem:$0x3FC7]  }
0x93: {  	s5 =	sld [smem:$0x3FC6]  }
0x94: {  	s6 =	sld [smem:$0x3FD0];
	(tm) =	ssettm $0x1  }
0x95: {  	s7 =	sld [smem:$0x3FFB];
	_ =	sdelay $0x3  }
0x96: {  	_ =	strace s7  }
0x97: {  	s7 =	sld [smem:$0x3FFC];
	_ =	sdelay $0x3  }
0x98: {  	_ =	strace s7  }
0x99: {  	s7 =	sld [smem:$0x3FFD];
	_ =	sdelay $0x3  }
0x9a: {  	_ =	strace s7  }
0x9b: {  	_ =	strace $0x8FFFFFFF  }
0x9c: {  	s20 =	sld [smem:$0x3FDB];
	_ =	sdelay $0x1  }
0x9d: {  	s8 =	simm.s32 $_scs_section_size  }
0x9e: {  	s9 =	simm.s32 $_size__tile_overlayer_lowered;
	s10 =	simm.s32 $_tile_overlayer_lowered  }
0x9f: {  	s23 =	simm.s32 $0x1BFF;
	s22 =	sshll.u32 s10, $0x1;
	s7 =	sadd.s32 s8, s20  }
0xa0: {  	s11 =	simm.s32 $0x0;
	s21 =	sshll.u32 s9, $0x1;
	s9 =	sadd.s32 s22, s7  }
0xa1: {  	[timem:s11], [sflag:s23] =	dma.local [hbm:s9], s21  }
0xa2: {  	_ =	swait.ge [sflag:s23], s21  }
0xa3: {  	s8 =	ssub.s32 $0x0, s21;
	[sflag:s23] =	ssyncset.done $0x0  }
0xa4: {  	[sflag:s23] =	ssyncadd.s32 s8;
	_ =	sdelay $0x1  }
0xa5: {  	s24 =	simm.s32 $0x1B8B  }
0xa6: {  	_ =	swait.ge [sflag:s24], $0x1  }
0xa7: {  	[sflag:s24] =	ssyncset.done $0x0  }
0xa8: {  	s25 =	simm.s32 $0x1B8E;
	[sflag:s24] =	ssyncadd.s32 $0xFFFFFFFF  }
0xa9: {  	s26 =	simm.s32 $execute0_lowered;
	[smem:$0x3FD2] =	sst s25  }
0xaa: {  	s8 =	sshll.u32 s26, $0x1;
	_ =	strace $0x80000046;
	[dreg:$0x1] =	wrdreg $0xFFFFFFFF  }
0xab: {  	s28 =	simm.s32 $_size_execute0_lowered;
	s7 =	sadd.s32 s7, s8;
	[dreg:$0x0] =	wrdreg $0x0  }
0xac: {  	s8 =	sshll.u32 s28, $0x1;
	[dreg:$0x2] =	wrdreg s7  }
0xad: {  	[dreg:$0x3] =	wrdreg s8  }
0xae: {  	[dreg:$0x4] =	wrdreg $0xC0  }
0xaf: {  	_ =	task [dreg:s11], $0x5FFFF  }
0xb0: {  	[dreg:$0x1] =	wrdreg $0xFFFFFFFF  }
0xb1: {  	[dreg:$0x0] =	wrdreg $0x60  }
0xb2: {  	[dreg:$0x2] =	wrdreg s2  }
0xb3: {  	[dreg:$0x3] =	wrdreg s19  }
0xb4: {  	[dreg:$0x4] =	wrdreg s4  }
0xb5: {  	[dreg:$0x5] =	wrdreg s5  }
0xb6: {  	[dreg:$0x6] =	wrdreg s6  }
0xb7: {  	[dreg:$0x7] =	wrdreg $0x9  }
0xb8: {  	_ =	task.clear_ibuf [dreg:s11], $0x8FFFF;
	_ =	strace $0x90000046  }
0xb9: {  	s29 =	simm.s32 $0x9;
	_ =	strace $0x80000048  }
0xba: {  	_ =	swait.ge [sflag:s29], $0x1  }
0xbb: {  	[sflag:s29] =	ssyncadd.s32 $0xFFFFFFFF  }
0xbc: {  	_ =	strace $0x90000048  }
0xbd: {  	_ =	sfence  }
0xbe: {  	s30 =	sld [smem:$0x0];
	_ =	sdelay $0x2  }
0xbf: {  	s31 =	sshll.u32 s1, $0xD;
	s1 =	sshrl.u32 s1, $0x2  }
0xc0: {  	s3 =	sand.u32 $0x4000, s31;
	s1 =	sadd.s32 s1, s30  }
0xc1: {  	s0 =	sor.u32 s3, s0;
	s1 =	sshll.u32 s1, $0x11  }
0xc2: {  	s0 =	sor.u32 s1, s0  }
0xc3: {  	s0 =	sadd.s32 $0x8F2B, s0  }
0xc4: {  	[sflag:s0] =	ssyncadd.remote.s32 $0x1  }
0xc5: {  	_ =	sfence.sel $0xFFFF  }
0xc6: {  	[dreg:$0x0] =	wrdreg $0xFFFFFFFF;
	(pc) =	sbr.abs _section_cstart, $3  }
0xc7: {  	[dreg:$0x1] =	wrdreg $0xFFFFFFFF  }
0xc8: {  	_ =	task.clear_ibuf [dreg:s11], $0x2FFFF;
	_ =	strace $0x9FFFFFFF  }
0xc9: {  	(tm) =	ssettm $0x7FFFFFFF  }
tec
execute0_lowered:
.L_overlay_start_1:
0x0: {  	(tag) =	ssettag $0x1  }
0x1: {  	s0 =	rddreg [dreg:$0x0]  }
0x2: {  	s3 =	rddreg [dreg:$0x1]  }
0x3: {  	s26 =	rddreg [dreg:$0x2]  }
0x4: {  	s2 =	rddreg [dreg:$0x3]  }
0x5: {  	s4 =	rddreg [dreg:$0x4]  }
0x6: {  	s9 =	simm.s32 $0x0;
	s5 =	srdreg.scid;
	s7 =	stileid.u32  }
0x7: {  	s10 =	simm.s32 $0x1;
	s11 =	simm.s32 $0x7A1400;
	s12 =	simm.s32 $0x400  }
0x8: {  	s24 =	simm.s32 $0x1400;
	s18 =	simm.s32 $0x2400;
	s23 =	simm.s32 $0xA400  }
0x9: {  	s13 =	simm.s32 $0xB400;
	s14 =	simm.s32 $0x4400;
	s15 =	simm.s32 $0xC400  }
0xa: {  	s16 =	simm.s32 $0x5400;
	s17 =	simm.s32 $0xD400;
	s19 =	simm.s32 $0x6400  }
0xb: {  	s20 =	simm.s32 $0xE400;
	s21 =	simm.s32 $0x7400;
	s22 =	simm.s32 $0xF400  }
0xc: {  	s29 =	simm.s32 $0x2;
	[smem:$0x7FF] =	sst s9;
	s5 =	sand.u32 $0x1, s5  }
0xd: {  	s7 =	sshll.u32 s7, $0x7;
	s6 =	ssub.s32 $0x2, s5;
	s5 =	sshll.u32 s5, $0x6  }
0xe: {  	v0 =	vlaneseq.u32;
	vm0 =	vmmov $0x1;
	vm1 =	vmmov $0x3;
	s28 =	simm.s32 $0x7400;
	_ =	strace $0x80000047;
	s5 =	sor.u32 s5, s7  }
0xf: {  	vm2 =	vmmov $0x7;
	vm3 =	vmmov $0xf;
	vm4 =	vmmov $0x1f;
	s8 =	sshrl.u32 s6, $0x1;
	s7 =	simm.s32 $0x9400;
	s0 =	sadd.s32 s0, s5  }
0x10: {  	vm5 =	vmmov $0x3f;
	vm6 =	vmmov $0x7f;
	vm7 =	vmmov $0xff;
	s6 =	ssub.s32 s6, s8;
	s25 =	sadd.s32 s3, s5;
	[dreg:$0x6] =	wrdreg s0  }
0x11: {  	vm8 =	vcmask $0x2724;
	vm9 =	vcmask $0x2B28;
	v0 =	vmul.u32 $0x80, v0;
	s30 =	sadd.s32 s4, s5;
	s4 =	simm.s32 $0x3;
	[dreg:$0x7] =	wrdreg s25  }
0x12: {  	vm10 =	vcmask $0x2F2C;
	vm11 =	vcmask $0x3330;
	vm12 =	vcmask $0x3734;
	s8 =	simm.s32 $0x3400;
	[dreg:$0x8] =	wrdreg s30;
	s31 =	smax.u32 s6, $0x1  }
0x13: {  	vm13 =	vcmask $0x3B38;
	vm14 =	vmmov $0x7fff;
	v1 =	vor.u32 $0x800, v0;
	s3 =	simm.s32 $0x0;
	s25 =	simm.s32 $0x8400;
	[dreg:$0x9] =	wrdreg s31  }
.LBB2_1:
0x14: {  	[dreg:$0xa] =	wrdreg s3  }
0x15: {  	s0 =	rddreg [dreg:$0x6]  }
0x16: {  	[tilespmem:s9], [sflag:$0x3] =	stream.linear.gather [hbm4b:s0+s9], $0x200, $0x38;
	[tilespmem:$0x10600] =	vst v63  }
0x17: {  	_ =	swait.ge [sflag:s4], $0x200  }
0x18: {  	[sflag:s4] =	ssyncset.done $0x0  }
0x19: {  	s0 =	simm.s32 $0x200;
	s6 =	rddreg [dreg:$0x7];
	[sflag:s4] =	ssyncadd.s32 $0xFFFFFE00  }
0x1a: {  	[tilespmem:s0], [sflag:$0x3] =	stream.linear.gather [hbm4b:s6+s9], $0x200, $0x38;
	[tilespmem:$0x10600] =	vst v63  }
0x1b: {  	_ =	swait.ge [sflag:s4], $0x200  }
0x1c: {  	[sflag:s4] =	ssyncset.done $0x0  }
0x1d: {  	[sflag:s4] =	ssyncadd.s32 $0xFFFFFE00  }
0x1e: {  	v3 =	vld [tilespmem:$0x200];
	_ =	sdelay $0x1  }
0x1f: {  	v2 =	vld [tilespmem:$0x0];
	_ =	sdelay $0x2  }
0x20: {  	(v2sf) =	vpush v3, $0x0;
	_ =	sdelay $0x1  }
0x21: {  	(v2sf) =	vpush v2, $0x0;
	_ =	sdelay $0xa  }
0x22: {  	(v2sf) =	vpush v3, $0x1;
	_ =	sdelay $0x1  }
0x23: {  	s3 =	spop (v2sf);
	(v2sf) =	vpush v2, $0x1  }
0x24: {  	s9 =	sand.u32 $0x7F, s3  }
0x25: {  	s5 =	spop (v2sf);
	s6 =	sshra.s32 s3, $0x1F;
	p6 =	slt.s32 s3, $0x1  }
0x26: {  	p0 =	sne.s32 s9, $0x0;
	s31 =	sand.u32 $0x7F, s5;
	s1 =	sshra.s32 s5, $0x1F  }
0x27: {  	p2 =	slt.s32 s5, $0x1;
	s6 =	sshrl.u32 s6, $0x19;
	p1 =	sne.s32 s31, $0x0  }
0x28: {  	s4 =	sshrl.u32 s1, $0x19;
	s3 =	sadd.s32 s6, s3;
	p1 =	por !p2, !p1  }
0x29: {  	s4 =	sadd.s32 s4, s5;
	s5 =	simm.s32 $0x1;
	p1 =	por !p1, !p1  }
0x2a: {  	p0 =	por !p6, !p0;
	s4 =	sshrl.u32 s4, $0x7;
	s5 =	simm.s32 @!p1 $0x0  }
0x2b: {  	p0 =	por !p0, !p0;
	s4 =	ssub.s32 s4, s5;
	s5 =	simm.s32 $0x1  }
0x2c: {  	s3 =	sshrl.u32 s3, $0x7;
	s4 =	sshll.u32 s4, $0x7;
	s5 =	simm.s32 @!p0 $0x0  }
0x2d: {  	s4 =	sand.u32 $0x1FFFFF80, s4;
	s3 =	ssub.s32 s3, s5  }
0x2e: {  	s4 =	sadd.s32 s26, s4;
	s3 =	sshll.u32 s3, $0x7  }
0x2f: {  	[tilespmem:s12], [sflag:$0x1] =	stream.strided.gather [hbm4b:s4+s12], $0x1000, s11, s12, $0x38;
	[tilespmem:$0x10600] =	vst v63  }
0x30: {  	(v2sf) =	vpush v3, $0x2;
	s3 =	sand.u32 $0x1FFFFF80, s3;
	s4 =	spop (v2sf)  }
0x31: {  	s3 =	sadd.s32 s2, s3;
	s6 =	sand.u32 $0x7F, s4  }
0x32: {  	s9 =	sshra.s32 s4, $0x1F;
	p6 =	slt.s32 s4, $0x1;
	s5 =	spop (v2sf);
	(v2sf) =	vpush v2, $0x2  }
0x33: {  	[tilespmem:s25], [sflag:$0x2] =	stream.strided.gather [hbm4b:s3+s12], $0x1000, s11, s12, $0x38;
	[tilespmem:$0x10600] =	vst v63  }
0x34: {  	p3 =	sne.s32 s6, $0x0;
	s6 =	sshrl.u32 s9, $0x19;
	s31 =	sand.u32 $0x7F, s5  }
0x35: {  	s1 =	sshra.s32 s5, $0x1F;
	p5 =	slt.s32 s5, $0x1;
	p4 =	sne.s32 s31, $0x0  }
0x36: {  	s4 =	sadd.s32 s6, s4;
	s3 =	sshrl.u32 s1, $0x19;
	p1 =	por !p5, !p4  }
0x37: {  	s3 =	sadd.s32 s3, s5;
	s5 =	simm.s32 $0x1;
	p1 =	por !p1, !p1  }
0x38: {  	p0 =	por !p6, !p3;
	s3 =	sshrl.u32 s3, $0x7;
	s5 =	simm.s32 @!p1 $0x0  }
0x39: {  	p0 =	por !p0, !p0;
	s3 =	ssub.s32 s3, s5;
	s5 =	simm.s32 $0x1  }
0x3a: {  	s4 =	sshrl.u32 s4, $0x7;
	s3 =	sshll.u32 s3, $0x7;
	s5 =	simm.s32 @!p0 $0x0  }
0x3b: {  	s3 =	sand.u32 $0x1FFFFF80, s3;
	s4 =	ssub.s32 s4, s5  }
0x3c: {  	s3 =	sadd.s32 s26, s3;
	s5 =	sshll.u32 s4, $0x7  }
0x3d: {  	[tilespmem:s24], [sflag:$0x1] =	stream.strided.gather [hbm4b:s3+s12], $0x1000, s11, s12, $0x38;
	[tilespmem:$0x10600] =	vst v63  }
0x3e: {  	s3 =	sand.u32 $0x1FFFFF80, s5  }
0x3f: {  	s4 =	spop (v2sf);
	(v2sf) =	vpush v3, $0x3;
	s3 =	sadd.s32 s2, s3  }
0x40: {  	[tilespmem:s7], [sflag:$0x2] =	stream.strided.gather [hbm4b:s3+s12], $0x1000, s11, s12, $0x38;
	[tilespmem:$0x10600] =	vst v63  }
0x41: {  	s7 =	spop (v2sf);
	(v2sf) =	vpush v2, $0x3;
	_ =	sdelay $0x3  }
0x42: {  	s6 =	sand.u32 $0x7F, s4;
	s9 =	sshra.s32 s4, $0x1F;
	s5 =	simm.s32 $0x1  }
0x43: {  	p6 =	slt.s32 s4, $0x1;
	p3 =	sne.s32 s6, $0x0;
	s31 =	sand.u32 $0x7F, s7  }
0x44: {  	s1 =	sshra.s32 s7, $0x1F;
	p5 =	slt.s32 s7, $0x1;
	p4 =	sne.s32 s31, $0x0  }
0x45: {  	s6 =	sshrl.u32 s9, $0x19;
	s3 =	sshrl.u32 s1, $0x19;
	p1 =	por !p5, !p4  }
0x46: {  	s4 =	sadd.s32 s6, s4;
	s3 =	sadd.s32 s3, s7;
	p1 =	por !p1, !p1  }
0x47: {  	p0 =	por !p6, !p3;
	s3 =	sshrl.u32 s3, $0x7;
	s5 =	simm.s32 @!p1 $0x0  }
0x48: {  	p0 =	por !p0, !p0;
	s3 =	ssub.s32 s3, s5;
	s5 =	simm.s32 $0x1  }
0x49: {  	s4 =	sshrl.u32 s4, $0x7;
	s3 =	sshll.u32 s3, $0x7;
	s5 =	simm.s32 @!p0 $0x0  }
0x4a: {  	s3 =	sand.u32 $0x1FFFFF80, s3;
	s4 =	ssub.s32 s4, s5  }
0x4b: {  	s3 =	sadd.s32 s26, s3;
	s6 =	sshll.u32 s4, $0x7;
	s4 =	spop (v2sf);
	(v2sf) =	vpush v3, $0x4  }
0x4c: {  	[tilespmem:s18], [sflag:$0x1] =	stream.strided.gather [hbm4b:s3+s12], $0x1000, s11, s12, $0x38;
	[tilespmem:$0x10600] =	vst v63  }
0x4d: {  	s3 =	sand.u32 $0x1FFFFF80, s6;
	s9 =	spop (v2sf);
	(v2sf) =	vpush v2, $0x4  }
0x4e: {  	s7 =	sand.u32 $0x7F, s4;
	s3 =	sadd.s32 s2, s3  }
0x4f: {  	[tilespmem:s23], [sflag:$0x2] =	stream.strided.gather [hbm4b:s3+s12], $0x1000, s11, s12, $0x38;
	[tilespmem:$0x10600] =	vst v63  }
0x50: {  	s5 =	simm.s32 $0x1;
	p3 =	sne.s32 s7, $0x0;
	s1 =	sand.u32 $0x7F, s9  }
0x51: {  	s7 =	sshra.s32 s9, $0x1F;
	p5 =	slt.s32 s9, $0x1;
	p4 =	sne.s32 s1, $0x0  }
0x52: {  	s31 =	sshra.s32 s4, $0x1F;
	s3 =	sshrl.u32 s7, $0x19;
	p1 =	por !p5, !p4  }
0x53: {  	p6 =	slt.s32 s4, $0x1;
	s3 =	sadd.s32 s3, s9;
	p1 =	por !p1, !p1  }
0x54: {  	s6 =	sshrl.u32 s31, $0x19;
	s3 =	sshrl.u32 s3, $0x7;
	s5 =	simm.s32 @!p1 $0x0  }
0x55: {  	s4 =	sadd.s32 s6, s4;
	p0 =	por !p6, !p3;
	s3 =	ssub.s32 s3, s5  }
0x56: {  	p0 =	por !p0, !p0;
	s5 =	simm.s32 $0x1;
	s3 =	sshll.u32 s3, $0x7  }
0x57: {  	s4 =	sshrl.u32 s4, $0x7;
	s5 =	simm.s32 @!p0 $0x0;
	s3 =	sand.u32 $0x1FFFFF80, s3  }
0x58: {  	s4 =	ssub.s32 s4, s5;
	s3 =	sadd.s32 s26, s3  }
0x59: {  	[tilespmem:s8], [sflag:$0x1] =	stream.strided.gather [hbm4b:s3+s12], $0x1000, s11, s12, $0x38;
	[tilespmem:$0x10600] =	vst v63  }
0x5a: {  	s9 =	spop (v2sf);
	(v2sf) =	vpush v3, $0x5;
	s8 =	sshll.u32 s4, $0x7  }
0x5b: {  	s5 =	simm.s32 $0x1;
	s1 =	sshra.s32 s9, $0x1F;
	s3 =	sand.u32 $0x1FFFFF80, s8  }
0x5c: {  	s6 =	sshrl.u32 s1, $0x19;
	s3 =	sadd.s32 s2, s3;
	s31 =	spop (v2sf);
	(v2sf) =	vpush v2, $0x5  }
0x5d: {  	[tilespmem:s13], [sflag:$0x2] =	stream.strided.gather [hbm4b:s3+s12], $0x1000, s11, s12, $0x38;
	[tilespmem:$0x10600] =	vst v63  }
0x5e: {  	p6 =	slt.s32 s9, $0x1;
	s4 =	sadd.s32 s6, s9;
	s7 =	sand.u32 $0x7F, s31  }
0x5f: {  	s8 =	sshra.s32 s31, $0x1F;
	p5 =	slt.s32 s31, $0x1;
	p4 =	sne.s32 s7, $0x0  }
0x60: {  	s13 =	sand.u32 $0x7F, s9;
	s3 =	sshrl.u32 s8, $0x19;
	p1 =	por !p5, !p4  }
0x61: {  	p3 =	sne.s32 s13, $0x0;
	s3 =	sadd.s32 s3, s31;
	p1 =	por !p1, !p1  }
0x62: {  	p0 =	por !p6, !p3;
	s3 =	sshrl.u32 s3, $0x7;
	s5 =	simm.s32 @!p1 $0x0  }
0x63: {  	p0 =	por !p0, !p0;
	s3 =	ssub.s32 s3, s5;
	s5 =	simm.s32 $0x1  }
0x64: {  	s4 =	sshrl.u32 s4, $0x7;
	s3 =	sshll.u32 s3, $0x7;
	s5 =	simm.s32 @!p0 $0x0  }
0x65: {  	s3 =	sand.u32 $0x1FFFFF80, s3;
	s4 =	ssub.s32 s4, s5  }
0x66: {  	s3 =	sadd.s32 s26, s3;
	s9 =	sshll.u32 s4, $0x7  }
0x67: {  	[tilespmem:s14], [sflag:$0x1] =	stream.strided.gather [hbm4b:s3+s12], $0x1000, s11, s12, $0x38;
	[tilespmem:$0x10600] =	vst v63  }
0x68: {  	s3 =	sand.u32 $0x1FFFFF80, s9  }
0x69: {  	s13 =	spop (v2sf);
	(v2sf) =	vpush v3, $0x6;
	s3 =	sadd.s32 s2, s3  }
0x6a: {  	[tilespmem:s15], [sflag:$0x2] =	stream.strided.gather [hbm4b:s3+s12], $0x1000, s11, s12, $0x38;
	[tilespmem:$0x10600] =	vst v63  }
0x6b: {  	s15 =	spop (v2sf);
	(v2sf) =	vpush v2, $0x6  }
0x6c: {  	s5 =	simm.s32 $0x1;
	s14 =	sand.u32 $0x7F, s13;
	s31 =	sshra.s32 s13, $0x1F  }
0x6d: {  	p6 =	slt.s32 s13, $0x1;
	p3 =	sne.s32 s14, $0x0;
	s1 =	sand.u32 $0x7F, s15  }
0x6e: {  	s7 =	sshra.s32 s15, $0x1F;
	p5 =	slt.s32 s15, $0x1;
	p4 =	sne.s32 s1, $0x0  }
0x6f: {  	s6 =	sshrl.u32 s31, $0x19;
	s3 =	sshrl.u32 s7, $0x19;
	p1 =	por !p5, !p4  }
0x70: {  	s4 =	sadd.s32 s6, s13;
	s3 =	sadd.s32 s3, s15;
	p1 =	por !p1, !p1  }
0x71: {  	p0 =	por !p6, !p3;
	s3 =	sshrl.u32 s3, $0x7;
	s5 =	simm.s32 @!p1 $0x0  }
0x72: {  	p0 =	por !p0, !p0;
	s3 =	ssub.s32 s3, s5;
	s5 =	simm.s32 $0x1  }
0x73: {  	s4 =	sshrl.u32 s4, $0x7;
	s3 =	sshll.u32 s3, $0x7;
	s5 =	simm.s32 @!p0 $0x0  }
0x74: {  	s3 =	sand.u32 $0x1FFFFF80, s3;
	s4 =	ssub.s32 s4, s5  }
0x75: {  	s3 =	sadd.s32 s26, s3;
	s8 =	sshll.u32 s4, $0x7  }
0x76: {  	[tilespmem:s16], [sflag:$0x1] =	stream.strided.gather [hbm4b:s3+s12], $0x1000, s11, s12, $0x38;
	[tilespmem:$0x10600] =	vst v63  }
0x77: {  	s3 =	sand.u32 $0x1FFFFF80, s8  }
0x78: {  	s5 =	simm.s32 $0x1;
	s9 =	spop (v2sf);
	s3 =	sadd.s32 s2, s3  }
0x79: {  	[tilespmem:s17], [sflag:$0x2] =	stream.strided.gather [hbm4b:s3+s12], $0x1000, s11, s12, $0x38;
	[tilespmem:$0x10600] =	vst v63  }
0x7a: {  	s13 =	sand.u32 $0x7F, s9;
	s15 =	sshra.s32 s9, $0x1F;
	s14 =	spop (v2sf)  }
0x7b: {  	p6 =	slt.s32 s9, $0x1;
	p3 =	sne.s32 s13, $0x0;
	s16 =	sand.u32 $0x7F, s14  }
0x7c: {  	s17 =	sshra.s32 s14, $0x1F;
	p5 =	slt.s32 s14, $0x1;
	p4 =	sne.s32 s16, $0x0  }
0x7d: {  	s6 =	sshrl.u32 s15, $0x19;
	s3 =	sshrl.u32 s17, $0x19;
	p1 =	por !p5, !p4  }
0x7e: {  	s4 =	sadd.s32 s6, s9;
	s3 =	sadd.s32 s3, s14;
	p1 =	por !p1, !p1  }
0x7f: {  	p0 =	por !p6, !p3;
	s3 =	sshrl.u32 s3, $0x7;
	s5 =	simm.s32 @!p1 $0x0  }
0x80: {  	p0 =	por !p0, !p0;
	s3 =	ssub.s32 s3, s5;
	s5 =	simm.s32 $0x1  }
0x81: {  	s4 =	sshrl.u32 s4, $0x7;
	s3 =	sshll.u32 s3, $0x7;
	s5 =	simm.s32 @!p0 $0x0  }
0x82: {  	s3 =	sand.u32 $0x1FFFFF80, s3;
	s4 =	ssub.s32 s4, s5  }
0x83: {  	s3 =	sadd.s32 s26, s3;
	s31 =	sshll.u32 s4, $0x7  }
0x84: {  	[tilespmem:s19], [sflag:$0x1] =	stream.strided.gather [hbm4b:s3+s12], $0x1000, s11, s12, $0x38;
	[tilespmem:$0x10600] =	vst v63  }
0x85: {  	s3 =	sand.u32 $0x1FFFFF80, s31  }
0x86: {  	s3 =	sadd.s32 s2, s3  }
0x87: {  	[tilespmem:s20], [sflag:$0x2] =	stream.strided.gather [hbm4b:s3+s12], $0x1000, s11, s12, $0x38;
	[tilespmem:$0x10600] =	vst v63  }
0x88: {  	s30 =	simm.s32 $0x10400;
	s5 =	simm.s32 $0x0;
	s3 =	simm.s32 $0xFFFFFFE0  }
.LBB2_2:
0x89: {  	v11 =	vld [tilespmem:s5+$0x0];
	_ =	sdelay $0x1  }
0x8a: {  	v12 =	vld [tilespmem:s0+$0x0];
	_ =	sdelay $0x2  }
0x8b: {  	(v2sf) =	vpush v11, $0x7;
	_ =	sdelay $0x1  }
0x8c: {  	(v2sf) =	vpush v12, $0x7;
	_ =	sdelay $0xc  }
0x8d: {  	s6 =	spop (v2sf)  }
0x8e: {  	[dreg:$0xb] =	wrdreg s0;
	s4 =	sshra.s32 s6, $0x1F  }
0x8f: {  	s7 =	sadd.s32 $0x21, s3;
	s15 =	spop (v2sf);
	s4 =	sshrl.u32 s4, $0x19  }
0x90: {  	s13 =	simm.s32 $0x1;
	s9 =	sshra.s32 s15, $0x1F;
	s4 =	sadd.s32 s4, s6  }
0x91: {  	s7 =	smin.u32 s7, $0x1F;
	s9 =	sshrl.u32 s9, $0x19;
	s8 =	sand.u32 $0xFFFFFF80, s4  }
0x92: {  	p0 =	slt.s32 s6, $0x1;
	s0 =	sadd.s32 s9, s15;
	p1 =	sne.s32 s6, s8  }
0x93: {  	s7 =	sshll.u32 s7, $0x4;
	s9 =	sand.u32 $0xFFFFFF80, s0;
	p0 =	por !p0, !p1  }
0x94: {  	p6 =	slt.s32 s15, $0x1;
	p2 =	sne.s32 s15, s9;
	p0 =	por !p0, !p0  }
0x95: {  	s4 =	sshrl.u32 s4, $0x7;
	p2 =	por !p6, !p2;
	s13 =	simm.s32 @!p0 $0x0  }
0x96: {  	s9 =	simm.s32 $0x1;
	p0 =	por !p2, !p2;
	s4 =	ssub.s32 s4, s13  }
0x97: {  	s8 =	sshrl.u32 s0, $0x7;
	s9 =	simm.s32 @!p0 $0x0;
	s4 =	sshll.u32 s4, $0x7  }
0x98: {  	v3 =	vld [tilespmem:s7+$0x0];
	s1 =	ssub.s32 s8, s9;
	s4 =	sand.u32 $0x1FFFFF80, s4  }
0x99: {  	v4 =	vld [tilespmem:s7+$0x200];
	s7 =	sshll.u32 s1, $0x7;
	s4 =	sadd.s32 s26, s4  }
0x9a: {  	[tilespmem:s21], [sflag:$0x1] =	stream.strided.gather [hbm4b:s4+s12], $0x1000, s11, s12, $0x38;
	[tilespmem:$0x10600] =	vst v63  }
0x9b: {  	s4 =	sand.u32 $0x1FFFFF80, s7  }
0x9c: {  	s4 =	sadd.s32 s2, s4  }
0x9d: {  	[tilespmem:s22], [sflag:$0x2] =	stream.strided.gather [hbm4b:s4+s12], $0x1000, s11, s12, $0x38;
	[tilespmem:$0x10600] =	vst v63  }
0x9e: {  	_ =	swait.ge [sflag:s10], $0x1000  }
0x9f: {  	[sflag:s10] =	ssyncset.done $0x0  }
0xa0: {  	[sflag:s10] =	ssyncadd.s32 $0xFFFFF000  }
0xa1: {  	_ =	swait.ge [sflag:s29], $0x1000  }
0xa2: {  	(v2sf) =	vpush v11, $0x0;
	_ =	sdelay $0x1  }
0xa3: {  	(v2sf) =	vpush v12, $0x0  }
0xa4: {  	(v2sf) =	vpush v11, $0x8;
	_ =	sdelay $0xb  }
0xa5: {  	s8 =	spop (v2sf);
	(v2sf) =	vpush v12, $0x8  }
0xa6: {  	s4 =	sand.u32 $0x7F, s8  }
0xa7: {  	s9 =	spop (v2sf);
	v2 =	vor.u32 s4, v0  }
0xa8: {  	s7 =	sand.u32 $0x7F, s9;
	v5 =	vor.u32 s4, v1;
	s16 =	spop (v2sf)  }
0xa9: {  	v6 =	vor.u32 s7, v0;
	s13 =	sshra.s32 s16, $0x1F  }
0xaa: {  	[sflag:s29] =	ssyncset.done $0x0;
	v7 =	vor.u32 s7, v1;
	s4 =	sshrl.u32 s13, $0x19  }
0xab: {  	[sflag:s29] =	ssyncadd.s32 $0xFFFFF000;
	s4 =	sadd.s32 s4, s16  }
0xac: {  	s14 =	sand.u32 $0xFFFFFF80, s4;
	v2 =	vld.idx.msk [tilespmem:v2+s12+$0x0], $0xffff  }
0xad: {  	p3 =	slt.s32 s16, $0x1;
	v5 =	vld.idx.msk [tilespmem:v5+s12+$0x0], $0xffff;
	p4 =	sne.s32 s16, s14  }
0xae: {  	v6 =	vld.idx.msk [tilespmem:v6+s25+$0x0], $0xffff;
	p0 =	por !p3, !p4  }
0xaf: {  	s9 =	simm.s32 $0x1;
	v7 =	vld.idx.msk [tilespmem:v7+s25+$0x0], $0xffff;
	p0 =	por !p0, !p0  }
0xb0: {  	s4 =	sshrl.u32 s4, $0x7;
	s9 =	simm.s32 @!p0 $0x0  }
0xb1: {  	s4 =	ssub.s32 s4, s9  }
0xb2: {  	s4 =	sshll.u32 s4, $0x7  }
0xb3: {  	s4 =	sand.u32 $0x1FFFFF80, s4  }
0xb4: {  	v2 =	vmul.f32 v6, v2;
	v5 =	vmul.f32 v7, v5;
	s4 =	sadd.s32 s26, s4;
	s22 =	spop (v2sf)  }
0xb5: {  	[tilespmem:s12], [sflag:$0x1] =	stream.strided.gather [hbm4b:s4+s12], $0x1000, s11, s12, $0x38;
	[tilespmem:$0x10600] =	vst v63  }
0xb6: {  	v2 =	vadd.f32 v5, v2;
	s17 =	sshra.s32 s22, $0x1F  }
0xb7: {  	s8 =	sshrl.u32 s17, $0x19  }
0xb8: {  	(xrf2) =	vadd.scan.msk.f32 $0xffff, v2;
	s19 =	sadd.s32 s8, s22  }
0xb9: {  	s8 =	sand.u32 $0xFFFFFF80, s19  }
0xba: {  	p5 =	slt.s32 s22, $0x1;
	p6 =	sne.s32 s22, s8  }
0xbb: {  	p2 =	por !p5, !p6  }
0xbc: {  	s8 =	simm.s32 $0x1;
	p0 =	por !p2, !p2  }
0xbd: {  	s7 =	sshrl.u32 s19, $0x7;
	s8 =	simm.s32 @!p0 $0x0  }
0xbe: {  	s7 =	ssub.s32 s7, s8  }
0xbf: {  	s20 =	sshll.u32 s7, $0x7  }
0xc0: {  	s4 =	sand.u32 $0x1FFFFF80, s20  }
0xc1: {  	s4 =	sadd.s32 s2, s4  }
0xc2: {  	v2, _, _ =	vpop (xrf2);
	[tilespmem:s25], [sflag:$0x2] =	stream.strided.gather [hbm4b:s4+s12], $0x1000, s11, s12, $0x38;
	[tilespmem:$0x10600] =	vst v63  }
0xc3: {  	_ =	swait.ge [sflag:s10], $0x1000  }
0xc4: {  	[sflag:s10] =	ssyncset.done $0x0  }
0xc5: {  	[sflag:s10] =	ssyncadd.s32 $0xFFFFF000  }
0xc6: {  	_ =	swait.ge [sflag:s29], $0x1000  }
0xc7: {  	(v2sf) =	vpush v11, $0x1;
	_ =	sdelay $0x1  }
0xc8: {  	(v2sf) =	vpush v12, $0x1;
	_ =	sdelay $0x1  }
0xc9: {  	(v2sf) =	vpush v11, $0x9;
	_ =	sdelay $0xa  }
0xca: {  	s21 =	spop (v2sf);
	(v2sf) =	vpush v12, $0x9  }
0xcb: {  	s4 =	sand.u32 $0x7F, s21  }
0xcc: {  	s25 =	spop (v2sf);
	v52 =	vor.u32 s4, v0  }
0xcd: {  	s7 =	sand.u32 $0x7F, s25;
	v53 =	vor.u32 s4, v1  }
0xce: {  	v54 =	vor.u32 s7, v0;
	v8 =	vor.u32 s7, v1;
	s7 =	spop (v2sf)  }
0xcf: {  	[sflag:s29] =	ssyncset.done $0x0;
	s9 =	sshra.s32 s7, $0x1F  }
0xd0: {  	[sflag:s29] =	ssyncadd.s32 $0xFFFFF000;
	s4 =	sshrl.u32 s9, $0x19  }
0xd1: {  	s4 =	sadd.s32 s4, s7;
	v5 =	vld.idx.msk [tilespmem:v52+s24+$0x0], $0xffff  }
0xd2: {  	s31 =	simm.s32 $0x9400;
	v6 =	vld.idx.msk [tilespmem:v53+s24+$0x0], $0xffff;
	s13 =	sand.u32 $0xFFFFFF80, s4  }
0xd3: {  	p3 =	slt.s32 s7, $0x1;
	v7 =	vld.idx.msk [tilespmem:v54+s31+$0x0], $0xffff;
	p4 =	sne.s32 s7, s13  }
0xd4: {  	v8 =	vld.idx.msk [tilespmem:v8+s31+$0x0], $0xffff;
	p0 =	por !p3, !p4  }
0xd5: {  	s13 =	simm.s32 $0x1;
	p0 =	por !p0, !p0  }
0xd6: {  	s4 =	sshrl.u32 s4, $0x7;
	s13 =	simm.s32 @!p0 $0x0  }
0xd7: {  	s4 =	ssub.s32 s4, s13  }
0xd8: {  	s4 =	sshll.u32 s4, $0x7  }
0xd9: {  	v5 =	vmul.f32 v7, v5;
	v6 =	vmul.f32 v8, v6;
	s4 =	sand.u32 $0x1FFFFF80, s4;
	s17 =	spop (v2sf)  }
0xda: {  	s4 =	sadd.s32 s26, s4;
	s14 =	sshra.s32 s17, $0x1F  }
0xdb: {  	v5 =	vadd.f32 v6, v5;
	[tilespmem:s24], [sflag:$0x1] =	stream.strided.gather [hbm4b:s4+s12], $0x1000, s11, s12, $0x38;
	[tilespmem:$0x10600] =	vst v63  }
0xdc: {  	s9 =	sshrl.u32 s14, $0x19  }
0xdd: {  	(xrf2) =	vadd.scan.msk.f32 $0xffff, v5;
	s19 =	sadd.s32 s9, s17  }
0xde: {  	s9 =	sand.u32 $0xFFFFFF80, s19  }
0xdf: {  	p5 =	slt.s32 s17, $0x1;
	p6 =	sne.s32 s17, s9  }
0xe0: {  	p2 =	por !p5, !p6  }
0xe1: {  	s9 =	simm.s32 $0x1;
	p0 =	por !p2, !p2  }
0xe2: {  	s8 =	sshrl.u32 s19, $0x7;
	s9 =	simm.s32 @!p0 $0x0  }
0xe3: {  	s8 =	ssub.s32 s8, s9  }
0xe4: {  	s20 =	sshll.u32 s8, $0x7  }
0xe5: {  	s4 =	sand.u32 $0x1FFFFF80, s20  }
0xe6: {  	s1 =	simm.s32 $0x9400;
	s4 =	sadd.s32 s2, s4  }
0xe7: {  	v5, _, _ =	vpop (xrf2);
	[tilespmem:s1], [sflag:$0x2] =	stream.strided.gather [hbm4b:s4+s12], $0x1000, s11, s12, $0x38;
	[tilespmem:$0x10600] =	vst v63  }
0xe8: {  	_ =	swait.ge [sflag:s10], $0x1000  }
0xe9: {  	[sflag:s10] =	ssyncset.done $0x0  }
0xea: {  	[sflag:s10] =	ssyncadd.s32 $0xFFFFF000  }
0xeb: {  	_ =	swait.ge [sflag:s29], $0x1000  }
0xec: {  	(v2sf) =	vpush v11, $0x2;
	_ =	sdelay $0x1  }
0xed: {  	(v2sf) =	vpush v12, $0x2;
	_ =	sdelay $0x1  }
0xee: {  	(v2sf) =	vpush v11, $0xA;
	_ =	sdelay $0xa  }
0xef: {  	s21 =	spop (v2sf);
	(v2sf) =	vpush v12, $0xA  }
0xf0: {  	s4 =	sand.u32 $0x7F, s21  }
0xf1: {  	s24 =	spop (v2sf);
	v55 =	vor.u32 s4, v0  }
0xf2: {  	s8 =	sand.u32 $0x7F, s24;
	v56 =	vor.u32 s4, v1  }
0xf3: {  	v57 =	vor.u32 s8, v0;
	v9 =	vor.u32 s8, v1;
	s8 =	spop (v2sf)  }
0xf4: {  	[sflag:s29] =	ssyncset.done $0x0;
	s25 =	sshra.s32 s8, $0x1F  }
0xf5: {  	[sflag:s29] =	ssyncadd.s32 $0xFFFFF000;
	s4 =	sshrl.u32 s25, $0x19  }
0xf6: {  	s4 =	sadd.s32 s4, s8;
	v6 =	vld.idx.msk [tilespmem:v55+s18+$0x0], $0xffff  }
0xf7: {  	v7 =	vld.idx.msk [tilespmem:v56+s18+$0x0], $0xffff;
	s31 =	sand.u32 $0xFFFFFF80, s4  }
0xf8: {  	p3 =	slt.s32 s8, $0x1;
	v8 =	vld.idx.msk [tilespmem:v57+s23+$0x0], $0xffff;
	p4 =	sne.s32 s8, s31  }
0xf9: {  	v9 =	vld.idx.msk [tilespmem:v9+s23+$0x0], $0xffff;
	p0 =	por !p3, !p4  }
0xfa: {  	s14 =	simm.s32 $0x1;
	p0 =	por !p0, !p0  }
0xfb: {  	s4 =	sshrl.u32 s4, $0x7;
	s14 =	simm.s32 @!p0 $0x0  }
0xfc: {  	s4 =	ssub.s32 s4, s14  }
0xfd: {  	s4 =	sshll.u32 s4, $0x7  }
0xfe: {  	v6 =	vmul.f32 v8, v6;
	v7 =	vmul.f32 v9, v7;
	s4 =	sand.u32 $0x1FFFFF80, s4;
	s18 =	spop (v2sf)  }
0xff: {  	s19 =	simm.s32 $0x2400;
	s4 =	sadd.s32 s26, s4;
	s0 =	sshra.s32 s18, $0x1F  }
0x100: {  	v6 =	vadd.f32 v7, v6;
	[tilespmem:s19], [sflag:$0x1] =	stream.strided.gather [hbm4b:s4+s12], $0x1000, s11, s12, $0x38;
	[tilespmem:$0x10600] =	vst v63  }
0x101: {  	s13 =	sshrl.u32 s0, $0x19  }
0x102: {  	(xrf2) =	vadd.scan.msk.f32 $0xffff, v6;
	s1 =	sadd.s32 s13, s18  }
0x103: {  	s13 =	sand.u32 $0xFFFFFF80, s1  }
0x104: {  	p5 =	slt.s32 s18, $0x1;
	p6 =	sne.s32 s18, s13  }
0x105: {  	p2 =	por !p5, !p6  }
0x106: {  	s13 =	simm.s32 $0x1;
	p0 =	por !p2, !p2  }
0x107: {  	s9 =	sshrl.u32 s1, $0x7;
	s13 =	simm.s32 @!p0 $0x0  }
0x108: {  	s9 =	ssub.s32 s9, s13  }
0x109: {  	s13 =	sshll.u32 s9, $0x7  }
0x10a: {  	s4 =	sand.u32 $0x1FFFFF80, s13  }
0x10b: {  	s4 =	sadd.s32 s2, s4  }
0x10c: {  	v6, _, _ =	vpop (xrf2);
	[tilespmem:s23], [sflag:$0x2] =	stream.strided.gather [hbm4b:s4+s12], $0x1000, s11, s12, $0x38;
	[tilespmem:$0x10600] =	vst v63  }
0x10d: {  	_ =	swait.ge [sflag:s10], $0x1000  }
0x10e: {  	[sflag:s10] =	ssyncset.done $0x0  }
0x10f: {  	[sflag:s10] =	ssyncadd.s32 $0xFFFFF000  }
0x110: {  	_ =	swait.ge [sflag:s29], $0x1000  }
0x111: {  	(v2sf) =	vpush v11, $0x3;
	_ =	sdelay $0x1  }
0x112: {  	(v2sf) =	vpush v12, $0x3  }
0x113: {  	(v2sf) =	vpush v11, $0xB;
	_ =	sdelay $0xb  }
0x114: {  	s14 =	spop (v2sf);
	(v2sf) =	vpush v12, $0xB  }
0x115: {  	s4 =	sand.u32 $0x7F, s14  }
0x116: {  	s19 =	spop (v2sf);
	v58 =	vor.u32 s4, v0  }
0x117: {  	s9 =	sand.u32 $0x7F, s19;
	v59 =	vor.u32 s4, v1;
	s4 =	spop (v2sf)  }
0x118: {  	v60 =	vor.u32 s9, v0;
	s24 =	sshra.s32 s4, $0x1F  }
0x119: {  	[sflag:s29] =	ssyncset.done $0x0;
	v10 =	vor.u32 s9, v1;
	s9 =	sshrl.u32 s24, $0x19  }
0x11a: {  	s20 =	simm.s32 $0x3400;
	[sflag:s29] =	ssyncadd.s32 $0xFFFFF000;
	s9 =	sadd.s32 s9, s4  }
0x11b: {  	s25 =	sand.u32 $0xFFFFFF80, s9;
	v7 =	vld.idx.msk [tilespmem:v58+s20+$0x0], $0xffff  }
0x11c: {  	s21 =	simm.s32 $0xB400;
	p3 =	slt.s32 s4, $0x1;
	v8 =	vld.idx.msk [tilespmem:v59+s20+$0x0], $0xffff;
	p4 =	sne.s32 s4, s25  }
0x11d: {  	v9 =	vld.idx.msk [tilespmem:v60+s21+$0x0], $0xffff;
	p0 =	por !p3, !p4  }
0x11e: {  	s20 =	simm.s32 $0x1;
	v10 =	vld.idx.msk [tilespmem:v10+s21+$0x0], $0xffff;
	p0 =	por !p0, !p0  }
0x11f: {  	s9 =	sshrl.u32 s9, $0x7;
	s20 =	simm.s32 @!p0 $0x0  }
0x120: {  	s9 =	ssub.s32 s9, s20  }
0x121: {  	s9 =	sshll.u32 s9, $0x7  }
0x122: {  	s9 =	sand.u32 $0x1FFFFF80, s9  }
0x123: {  	s0 =	simm.s32 $0x3400;
	v7 =	vmul.f32 v9, v7;
	v8 =	vmul.f32 v10, v8;
	s9 =	sadd.s32 s26, s9;
	s19 =	spop (v2sf)  }
0x124: {  	[tilespmem:s0], [sflag:$0x1] =	stream.strided.gather [hbm4b:s9+s12], $0x1000, s11, s12, $0x38;
	[tilespmem:$0x10600] =	vst v63  }
0x125: {  	v7 =	vadd.f32 v8, v7;
	s31 =	sshra.s32 s19, $0x1F  }
0x126: {  	s14 =	sshrl.u32 s31, $0x19  }
0x127: {  	(xrf2) =	vadd.scan.msk.f32 $0xffff, v7;
	s1 =	sadd.s32 s14, s19  }
0x128: {  	s14 =	sand.u32 $0xFFFFFF80, s1  }
0x129: {  	p5 =	slt.s32 s19, $0x1;
	p6 =	sne.s32 s19, s14  }
0x12a: {  	p2 =	por !p5, !p6  }
0x12b: {  	s14 =	simm.s32 $0x1;
	p0 =	por !p2, !p2  }
0x12c: {  	s13 =	sshrl.u32 s1, $0x7;
	s14 =	simm.s32 @!p0 $0x0  }
0x12d: {  	s13 =	ssub.s32 s13, s14  }
0x12e: {  	s20 =	sshll.u32 s13, $0x7  }
0x12f: {  	s9 =	sand.u32 $0x1FFFFF80, s20  }
0x130: {  	s23 =	simm.s32 $0xB400;
	s9 =	sadd.s32 s2, s9  }
0x131: {  	v7, _, _ =	vpop (xrf2);
	[tilespmem:s23], [sflag:$0x2] =	stream.strided.gather [hbm4b:s9+s12], $0x1000, s11, s12, $0x38;
	[tilespmem:$0x10600] =	vst v63  }
0x132: {  	_ =	swait.ge [sflag:s10], $0x1000  }
0x133: {  	[sflag:s10] =	ssyncset.done $0x0  }
0x134: {  	[sflag:s10] =	ssyncadd.s32 $0xFFFFF000  }
0x135: {  	_ =	swait.ge [sflag:s29], $0x1000  }
0x136: {  	(v2sf) =	vpush v11, $0x4;
	_ =	sdelay $0x1  }
0x137: {  	(v2sf) =	vpush v12, $0x4  }
0x138: {  	(v2sf) =	vpush v11, $0xC;
	_ =	sdelay $0xb  }
0x139: {  	s21 =	spop (v2sf);
	(v2sf) =	vpush v12, $0xC  }
0x13a: {  	s9 =	sand.u32 $0x7F, s21  }
0x13b: {  	s23 =	spop (v2sf);
	v61 =	vor.u32 s9, v0  }
0x13c: {  	s13 =	sand.u32 $0x7F, s23;
	v62 =	vor.u32 s9, v1;
	s9 =	spop (v2sf)  }
0x13d: {  	v63 =	vor.u32 s13, v0;
	s31 =	sshra.s32 s9, $0x1F  }
0x13e: {  	[sflag:s29] =	ssyncset.done $0x0;
	v13 =	vor.u32 s13, v1;
	s13 =	sshrl.u32 s31, $0x19  }
0x13f: {  	s24 =	simm.s32 $0x4400;
	[sflag:s29] =	ssyncadd.s32 $0xFFFFF000;
	s13 =	sadd.s32 s13, s9  }
0x140: {  	s1 =	sand.u32 $0xFFFFFF80, s13;
	v8 =	vld.idx.msk [tilespmem:v61+s24+$0x0], $0xffff  }
0x141: {  	s25 =	simm.s32 $0xC400;
	p3 =	slt.s32 s9, $0x1;
	v9 =	vld.idx.msk [tilespmem:v62+s24+$0x0], $0xffff;
	p4 =	sne.s32 s9, s1  }
0x142: {  	v10 =	vld.idx.msk [tilespmem:v63+s25+$0x0], $0xffff;
	p0 =	por !p3, !p4  }
0x143: {  	s31 =	simm.s32 $0x1;
	v13 =	vld.idx.msk [tilespmem:v13+s25+$0x0], $0xffff;
	p0 =	por !p0, !p0  }
0x144: {  	s13 =	sshrl.u32 s13, $0x7;
	s31 =	simm.s32 @!p0 $0x0  }
0x145: {  	s13 =	ssub.s32 s13, s31  }
0x146: {  	s13 =	sshll.u32 s13, $0x7  }
0x147: {  	s13 =	sand.u32 $0x1FFFFF80, s13  }
0x148: {  	s0 =	simm.s32 $0x4400;
	v8 =	vmul.f32 v10, v8;
	v9 =	vmul.f32 v13, v9;
	s13 =	sadd.s32 s26, s13;
	s20 =	spop (v2sf)  }
0x149: {  	[tilespmem:s0], [sflag:$0x1] =	stream.strided.gather [hbm4b:s13+s12], $0x1000, s11, s12, $0x38;
	[tilespmem:$0x10600] =	vst v63  }
0x14a: {  	v8 =	vadd.f32 v9, v8;
	s24 =	sshra.s32 s20, $0x1F  }
0x14b: {  	s21 =	sshrl.u32 s24, $0x19  }
0x14c: {  	(xrf2) =	vadd.scan.msk.f32 $0xffff, v8;
	s25 =	sadd.s32 s21, s20  }
0x14d: {  	s21 =	sand.u32 $0xFFFFFF80, s25  }
0x14e: {  	p5 =	slt.s32 s20, $0x1;
	p6 =	sne.s32 s20, s21  }
0x14f: {  	p2 =	por !p5, !p6  }
0x150: {  	s21 =	simm.s32 $0x1;
	p0 =	por !p2, !p2  }
0x151: {  	s14 =	sshrl.u32 s25, $0x7;
	s21 =	simm.s32 @!p0 $0x0  }
0x152: {  	s14 =	ssub.s32 s14, s21  }
0x153: {  	s31 =	sshll.u32 s14, $0x7  }
0x154: {  	s13 =	sand.u32 $0x1FFFFF80, s31  }
0x155: {  	s23 =	simm.s32 $0xC400;
	s13 =	sadd.s32 s2, s13  }
0x156: {  	v8, _, _ =	vpop (xrf2);
	[tilespmem:s23], [sflag:$0x2] =	stream.strided.gather [hbm4b:s13+s12], $0x1000, s11, s12, $0x38;
	[tilespmem:$0x10600] =	vst v63  }
0x157: {  	_ =	swait.ge [sflag:s10], $0x1000  }
0x158: {  	[sflag:s10] =	ssyncset.done $0x0  }
0x159: {  	[sflag:s10] =	ssyncadd.s32 $0xFFFFF000  }
0x15a: {  	_ =	swait.ge [sflag:s29], $0x1000  }
0x15b: {  	(v2sf) =	vpush v11, $0x5;
	_ =	sdelay $0x1  }
0x15c: {  	(v2sf) =	vpush v12, $0x5;
	_ =	sdelay $0x8  }
0x15d: {  	(v2sf) =	vpush v11, $0xD;
	_ =	sdelay $0x3  }
0x15e: {  	s0 =	spop (v2sf);
	(v2sf) =	vpush v12, $0xD  }
0x15f: {  	s13 =	sand.u32 $0x7F, s0  }
0x160: {  	s1 =	spop (v2sf);
	v16 =	vor.u32 s13, v0  }
0x161: {  	s14 =	sand.u32 $0x7F, s1;
	v17 =	vor.u32 s13, v1  }
0x162: {  	v18 =	vor.u32 s14, v0  }
0x163: {  	[sflag:s29] =	ssyncset.done $0x0;
	v14 =	vor.u32 s14, v1  }
0x164: {  	s21 =	simm.s32 $0x5400;
	[sflag:s29] =	ssyncadd.s32 $0xFFFFF000  }
0x165: {  	v9 =	vld.idx.msk [tilespmem:v16+s21+$0x0], $0xffff  }
0x166: {  	s23 =	simm.s32 $0xD400;
	v10 =	vld.idx.msk [tilespmem:v17+s21+$0x0], $0xffff  }
0x167: {  	v13 =	vld.idx.msk [tilespmem:v18+s23+$0x0], $0xffff  }
0x168: {  	v14 =	vld.idx.msk [tilespmem:v14+s23+$0x0], $0xffff  }
0x169: {  	s31 =	spop (v2sf)  }
0x16a: {  	s24 =	sshra.s32 s31, $0x1F  }
0x16b: {  	s13 =	sshrl.u32 s24, $0x19  }
0x16c: {  	s13 =	sadd.s32 s13, s31  }
0x16d: {  	s1 =	sand.u32 $0xFFFFFF80, s13;
	v9 =	vmul.f32 v13, v9;
	v10 =	vmul.f32 v14, v10;
	s21 =	spop (v2sf)  }
0x16e: {  	p3 =	slt.s32 s31, $0x1;
	p4 =	sne.s32 s31, s1;
	s24 =	sshra.s32 s21, $0x1F  }
0x16f: {  	p0 =	por !p3, !p4;
	v9 =	vadd.f32 v10, v9;
	s23 =	sshrl.u32 s24, $0x19  }
0x170: {  	p0 =	por !p0, !p0;
	s24 =	simm.s32 $0x1;
	s1 =	sadd.s32 s23, s21  }
0x171: {  	s13 =	sshrl.u32 s13, $0x7;
	(xrf2) =	vadd.scan.msk.f32 $0xffff, v9;
	s24 =	simm.s32 @!p0 $0x0;
	s23 =	sand.u32 $0xFFFFFF80, s1  }
0x172: {  	p5 =	slt.s32 s21, $0x1;
	s13 =	ssub.s32 s13, s24;
	p6 =	sne.s32 s21, s23  }
0x173: {  	s0 =	simm.s32 $0x5400;
	s13 =	sshll.u32 s13, $0x7;
	p2 =	por !p5, !p6  }
0x174: {  	s23 =	simm.s32 $0x1;
	s13 =	sand.u32 $0x1FFFFF80, s13;
	p0 =	por !p2, !p2  }
0x175: {  	s14 =	sshrl.u32 s1, $0x7;
	s13 =	sadd.s32 s26, s13;
	s23 =	simm.s32 @!p0 $0x0  }
0x176: {  	[tilespmem:s0], [sflag:$0x1] =	stream.strided.gather [hbm4b:s13+s12], $0x1000, s11, s12, $0x38;
	[tilespmem:$0x10600] =	vst v63  }
0x177: {  	s14 =	ssub.s32 s14, s23  }
0x178: {  	s24 =	sshll.u32 s14, $0x7  }
0x179: {  	s13 =	sand.u32 $0x1FFFFF80, s24  }
0x17a: {  	s25 =	simm.s32 $0xD400;
	s13 =	sadd.s32 s2, s13  }
0x17b: {  	v9, _, _ =	vpop (xrf2);
	[tilespmem:s25], [sflag:$0x2] =	stream.strided.gather [hbm4b:s13+s12], $0x1000, s11, s12, $0x38;
	[tilespmem:$0x10600] =	vst v63  }
0x17c: {  	_ =	swait.ge [sflag:s10], $0x1000  }
0x17d: {  	[sflag:s10] =	ssyncset.done $0x0  }
0x17e: {  	[sflag:s10] =	ssyncadd.s32 $0xFFFFF000  }
0x17f: {  	_ =	swait.ge [sflag:s29], $0x1000  }
0x180: {  	(v2sf) =	vpush v11, $0x6;
	_ =	sdelay $0x1  }
0x181: {  	(v2sf) =	vpush v12, $0x6;
	_ =	sdelay $0xa  }
0x182: {  	(v2sf) =	vpush v11, $0xE;
	_ =	sdelay $0x1  }
0x183: {  	(v2sf) =	vpush v12, $0xE;
	s0 =	spop (v2sf)  }
0x184: {  	s13 =	sand.u32 $0x7F, s0  }
0x185: {  	s1 =	spop (v2sf);
	v19 =	vor.u32 s13, v0  }
0x186: {  	s14 =	sand.u32 $0x7F, s1;
	v20 =	vor.u32 s13, v1  }
0x187: {  	v21 =	vor.u32 s14, v0  }
0x188: {  	[sflag:s29] =	ssyncset.done $0x0;
	v15 =	vor.u32 s14, v1  }
0x189: {  	[sflag:s29] =	ssyncadd.s32 $0xFFFFF000;
	s13 =	simm.s32 $0x6400  }
0x18a: {  	v10 =	vld.idx.msk [tilespmem:v19+s13+$0x0], $0xffff  }
0x18b: {  	s14 =	simm.s32 $0xE400;
	v13 =	vld.idx.msk [tilespmem:v20+s13+$0x0], $0xffff  }
0x18c: {  	v14 =	vld.idx.msk [tilespmem:v21+s14+$0x0], $0xffff  }
0x18d: {  	v15 =	vld.idx.msk [tilespmem:v15+s14+$0x0], $0xffff;
	_ =	sdelay $0x2  }
0x18e: {  	s13 =	spop (v2sf)  }
0x18f: {  	s23 =	sshra.s32 s13, $0x1F  }
0x190: {  	s14 =	spop (v2sf);
	s24 =	sshrl.u32 s23, $0x19;
	v10 =	vmul.f32 v14, v10;
	v13 =	vmul.f32 v15, v13  }
0x191: {  	s23 =	sadd.s32 s24, s13;
	s24 =	sshra.s32 s14, $0x1F  }
0x192: {  	s25 =	sand.u32 $0xFFFFFF80, s23;
	s24 =	sshrl.u32 s24, $0x19;
	v10 =	vadd.f32 v13, v10  }
0x193: {  	p3 =	slt.s32 s13, $0x1;
	s24 =	sadd.s32 s24, s14;
	p4 =	sne.s32 s13, s25  }
0x194: {  	p6 =	slt.s32 s14, $0x1;
	s25 =	sand.u32 $0xFFFFFF80, s24;
	p0 =	por !p3, !p4;
	(xrf2) =	vadd.scan.msk.f32 $0xffff, v10  }
0x195: {  	p5 =	sne.s32 s14, s25;
	p0 =	por !p0, !p0;
	s25 =	simm.s32 $0x1  }
0x196: {  	s23 =	sshrl.u32 s23, $0x7;
	s25 =	simm.s32 @!p0 $0x0;
	p1 =	por !p6, !p5  }
0x197: {  	s23 =	ssub.s32 s23, s25;
	p0 =	por !p1, !p1;
	s25 =	simm.s32 $0x1  }
0x198: {  	s24 =	sshrl.u32 s24, $0x7;
	s23 =	sshll.u32 s23, $0x7;
	s25 =	simm.s32 @!p0 $0x0  }
0x199: {  	s23 =	sand.u32 $0x1FFFFF80, s23;
	s24 =	ssub.s32 s24, s25  }
0x19a: {  	s1 =	simm.s32 $0x6400;
	s23 =	sadd.s32 s26, s23;
	s25 =	sshll.u32 s24, $0x7  }
0x19b: {  	[tilespmem:s1], [sflag:$0x1] =	stream.strided.gather [hbm4b:s23+s12], $0x1000, s11, s12, $0x38;
	[tilespmem:$0x10600] =	vst v63  }
0x19c: {  	s23 =	sand.u32 $0x1FFFFF80, s25  }
0x19d: {  	s0 =	simm.s32 $0xE400;
	s23 =	sadd.s32 s2, s23  }
0x19e: {  	[tilespmem:s0], [sflag:$0x2] =	stream.strided.gather [hbm4b:s23+s12], $0x1000, s11, s12, $0x38;
	v10, _, _ =	vpop (xrf2);
	[tilespmem:$0x10600] =	vst v63  }
0x19f: {  	_ =	swait.ge [sflag:s10], $0x1000  }
0x1a0: {  	[sflag:s10] =	ssyncset.done $0x0  }
0x1a1: {  	[sflag:s10] =	ssyncadd.s32 $0xFFFFF000  }
0x1a2: {  	_ =	swait.ge [sflag:s29], $0x1000  }
0x1a3: {  	(v2sf) =	vpush v11, $0xF;
	_ =	sdelay $0x1  }
0x1a4: {  	(v2sf) =	vpush v12, $0xF  }
0x1a5: {  	s6 =	sand.u32 $0x7F, s6  }
0x1a6: {  	v22 =	vor.u32 s6, v0  }
0x1a7: {  	s15 =	sand.u32 $0x7F, s15;
	v23 =	vor.u32 s6, v1  }
0x1a8: {  	v24 =	vor.u32 s15, v0  }
0x1a9: {  	v25 =	vor.u32 s15, v1;
	[sflag:s29] =	ssyncset.done $0x0  }
0x1aa: {  	[sflag:s29] =	ssyncadd.s32 $0xFFFFF000  }
0x1ab: {  	v11 =	vld.idx.msk [tilespmem:v22+s28+$0x0], $0xffff  }
0x1ac: {  	s1 =	simm.s32 $0xF400;
	v12 =	vld.idx.msk [tilespmem:v23+s28+$0x0], $0xffff  }
0x1ad: {  	s15 =	simm.s32 $0xF400;
	v13 =	vld.idx.msk [tilespmem:v24+s1+$0x0], $0xffff  }
0x1ae: {  	v14 =	vld.idx.msk [tilespmem:v25+s15+$0x0], $0xffff;
	_ =	sdelay $0x2  }
0x1af: {  	s6 =	spop (v2sf)  }
0x1b0: {  	s23 =	sshra.s32 s6, $0x1F  }
0x1b1: {  	v11 =	vmul.f32 v13, v11;
	v12 =	vmul.f32 v14, v12;
	s15 =	spop (v2sf);
	s24 =	sshrl.u32 s23, $0x19  }
0x1b2: {  	s25 =	sshra.s32 s15, $0x1F;
	s23 =	sadd.s32 s24, s6  }
0x1b3: {  	v11 =	vadd.f32 v12, v11;
	s24 =	sshrl.u32 s25, $0x19;
	s0 =	sand.u32 $0xFFFFFF80, s23  }
0x1b4: {  	p2 =	slt.s32 s6, $0x1;
	s24 =	sadd.s32 s24, s15;
	p3 =	sne.s32 s6, s0  }
0x1b5: {  	(xrf2) =	vadd.scan.msk.f32 $0xffff, v11;
	p5 =	slt.s32 s15, $0x1;
	s1 =	sand.u32 $0xFFFFFF80, s24;
	p0 =	por !p2, !p3  }
0x1b6: {  	s25 =	simm.s32 $0x1;
	p4 =	sne.s32 s15, s1;
	p0 =	por !p0, !p0  }
0x1b7: {  	s23 =	sshrl.u32 s23, $0x7;
	p6 =	por !p5, !p4;
	s25 =	simm.s32 @!p0 $0x0  }
0x1b8: {  	p0 =	por !p6, !p6;
	s23 =	ssub.s32 s23, s25;
	s25 =	simm.s32 $0x1  }
0x1b9: {  	s24 =	sshrl.u32 s24, $0x7;
	s23 =	sshll.u32 s23, $0x7;
	s25 =	simm.s32 @!p0 $0x0  }
0x1ba: {  	s23 =	sand.u32 $0x1FFFFF80, s23;
	s24 =	ssub.s32 s24, s25  }
0x1bb: {  	s23 =	sadd.s32 s26, s23;
	s24 =	sshll.u32 s24, $0x7  }
0x1bc: {  	[tilespmem:s28], [sflag:$0x1] =	stream.strided.gather [hbm4b:s23+s12], $0x1000, s11, s12, $0x38;
	[tilespmem:$0x10600] =	vst v63  }
0x1bd: {  	s23 =	sand.u32 $0x1FFFFF80, s24  }
0x1be: {  	s0 =	simm.s32 $0xF400;
	s23 =	sadd.s32 s2, s23  }
0x1bf: {  	v11, _, _ =	vpop (xrf2);
	[tilespmem:s0], [sflag:$0x2] =	stream.strided.gather [hbm4b:s23+s12], $0x1000, s11, s12, $0x38;
	[tilespmem:$0x10600] =	vst v63  }
0x1c0: {  	_ =	swait.ge [sflag:s10], $0x1000  }
0x1c1: {  	[sflag:s10] =	ssyncset.done $0x0  }
0x1c2: {  	[sflag:s10] =	ssyncadd.s32 $0xFFFFF000  }
0x1c3: {  	p0 =	seq.s32 s3, $0xFFFFFFFF;
	_ =	swait.ge [sflag:s29], $0x1000  }
0x1c4: {  	(v2sf) =	vpush @!p0 v4, $0x0;
	_ =	sdelay $0x1  }
0x1c5: {  	s16 =	sand.u32 $0x7F, s16;
	(v2sf) =	vpush @!p0 v3, $0x0  }
0x1c6: {  	v26 =	vor.u32 s16, v0  }
0x1c7: {  	v27 =	vor.u32 s16, v1;
	s22 =	sand.u32 $0x7F, s22  }
0x1c8: {  	v28 =	vor.u32 s22, v0  }
0x1c9: {  	v29 =	vor.u32 s22, v1;
	[sflag:s29] =	ssyncset.done $0x0  }
0x1ca: {  	[sflag:s29] =	ssyncadd.s32 $0xFFFFF000  }
0x1cb: {  	v12 =	vld.idx.msk [tilespmem:v26+s12+$0x0], $0xffff  }
0x1cc: {  	s25 =	simm.s32 $0x8400;
	v13 =	vld.idx.msk [tilespmem:v27+s12+$0x0], $0xffff  }
0x1cd: {  	v14 =	vld.idx.msk [tilespmem:v28+s25+$0x0], $0xffff  }
0x1ce: {  	v15 =	vld.idx.msk [tilespmem:v29+s25+$0x0], $0xffff;
	_ =	sdelay $0x3  }
0x1cf: {  	s16 =	spop @!p0 (v2sf)  }
0x1d0: {  	v12 =	vmul.f32 v14, v12;
	v13 =	vmul.f32 v15, v13;
	s22 =	sshra.s32 @!p0 s16, $0x1F;
	s23 =	sand.u32 @!p0 $0x7F, s16  }
0x1d1: {  	s24 =	spop @!p0 (v2sf);
	p1 =	slt.s32 @!p0 s16, $0x1;
	p2 =	sne.s32 @!p0 s23, $0x0  }
0x1d2: {  	v12 =	vadd.f32 v13, v12;
	s23 =	sand.u32 @!p0 $0x7F, s24;
	s22 =	sshrl.u32 @!p0 s22, $0x19;
	p1 =	por @!p0 !p1, !p2  }
0x1d3: {  	p2 =	slt.s32 @!p0 s24, $0x1;
	p3 =	sne.s32 @!p0 s23, $0x0;
	s23 =	sshra.s32 @!p0 s24, $0x1F  }
0x1d4: {  	(xrf2) =	vadd.scan.msk.f32 $0xffff, v12;
	s16 =	sadd.s32 @!p0 s22, s16;
	p2 =	por @!p0 !p2, !p3;
	s22 =	sshrl.u32 @!p0 s23, $0x19  }
0x1d5: {  	s23 =	simm.s32 @!p0 $0x1;
	p1 =	por @!p0 !p1, !p1;
	p2 =	por @!p0 !p2, !p2  }
0x1d6: {  	s22 =	sadd.s32 @!p0 s22, s24;
	p1 =	por !p1, p0;
	p2 =	por !p2, p0  }
0x1d7: {  	s24 =	simm.s32 @!p0 $0x1;
	s22 =	sshrl.u32 @!p0 s22, $0x7;
	s23 =	simm.s32 @p2 $0x0  }
0x1d8: {  	s16 =	sshrl.u32 @!p0 s16, $0x7;
	s24 =	simm.s32 @p1 $0x0;
	s22 =	ssub.s32 @!p0 s22, s23  }
0x1d9: {  	s23 =	ssub.s32 @!p0 s16, s24;
	s22 =	sshll.u32 @!p0 s22, $0x7  }
0x1da: {  	s23 =	sshll.u32 @!p0 s23, $0x7;
	s16 =	sand.u32 @!p0 $0x1FFFFF80, s22;
	s22 =	simm.s32 @!p0 $0x400  }
0x1db: {  	s23 =	sand.u32 @!p0 $0x1FFFFF80, s23;
	s24 =	sadd.s32 @!p0 s26, s16;
	s16 =	simm.s32 @!p0 $0x7A1400  }
0x1dc: {  	[tilespmem:s22], [sflag:$0x1] =	stream.strided.gather @!p0 [hbm4b:s24+s22], $0x1000, s16, s22, $0x38;
	[tilespmem:$0x10600] =	vst v63  }
0x1dd: {  	s23 =	sadd.s32 @!p0 s2, s23;
	s24 =	simm.s32 @!p0 $0x8400  }
0x1de: {  	v12, _, _ =	vpop (xrf2);
	[tilespmem:s24], [sflag:$0x2] =	stream.strided.gather @!p0 [hbm4b:s23+s22], $0x1000, s16, s22, $0x38;
	[tilespmem:$0x10600] =	vst v63  }
0x1df: {  	_ =	swait.ge [sflag:s10], $0x1000  }
0x1e0: {  	[sflag:s10] =	ssyncset.done $0x0  }
0x1e1: {  	[sflag:s10] =	ssyncadd.s32 $0xFFFFF000  }
0x1e2: {  	_ =	swait.ge [sflag:s29], $0x1000  }
0x1e3: {  	(v2sf) =	vpush @!p0 v4, $0x1  }
0x1e4: {  	(v2sf) =	vpush @!p0 v3, $0x1;
	_ =	sdelay $0x8  }
0x1e5: {  	s7 =	sand.u32 $0x7F, s7  }
0x1e6: {  	v30 =	vor.u32 s7, v0  }
0x1e7: {  	v31 =	vor.u32 s7, v1;
	s17 =	sand.u32 $0x7F, s17  }
0x1e8: {  	v32 =	vor.u32 s17, v0  }
0x1e9: {  	v16 =	vor.u32 s17, v1;
	[sflag:s29] =	ssyncset.done $0x0  }
0x1ea: {  	s24 =	simm.s32 $0x1400;
	[sflag:s29] =	ssyncadd.s32 $0xFFFFF000;
	s7 =	spop @!p0 (v2sf)  }
0x1eb: {  	v13 =	vld.idx.msk [tilespmem:v30+s24+$0x0], $0xffff;
	s17 =	spop @!p0 (v2sf)  }
0x1ec: {  	s1 =	simm.s32 $0x9400;
	v14 =	vld.idx.msk [tilespmem:v31+s24+$0x0], $0xffff;
	s23 =	sand.u32 @!p0 $0x7F, s17  }
0x1ed: {  	v15 =	vld.idx.msk [tilespmem:v32+s1+$0x0], $0xffff;
	p1 =	slt.s32 @!p0 s17, $0x1;
	p2 =	sne.s32 @!p0 s23, $0x0  }
0x1ee: {  	v16 =	vld.idx.msk [tilespmem:v16+s1+$0x0], $0xffff;
	s23 =	sshra.s32 @!p0 s17, $0x1F;
	p1 =	por @!p0 !p1, !p2  }
0x1ef: {  	s23 =	sshrl.u32 @!p0 s23, $0x19;
	p1 =	por @!p0 !p1, !p1  }
0x1f0: {  	s17 =	sadd.s32 @!p0 s23, s17;
	s23 =	simm.s32 @!p0 $0x1;
	p1 =	por !p1, p0  }
0x1f1: {  	s17 =	sshrl.u32 @!p0 s17, $0x7;
	s23 =	simm.s32 @p1 $0x0  }
0x1f2: {  	s17 =	ssub.s32 @!p0 s17, s23  }
0x1f3: {  	v13 =	vmul.f32 v15, v13;
	v14 =	vmul.f32 v16, v14;
	s17 =	sshll.u32 @!p0 s17, $0x7  }
0x1f4: {  	s17 =	sand.u32 @!p0 $0x1FFFFF80, s17  }
0x1f5: {  	v13 =	vadd.f32 v14, v13;
	s23 =	simm.s32 @!p0 $0x1400;
	s17 =	sadd.s32 @!p0 s26, s17  }
0x1f6: {  	[tilespmem:s23], [sflag:$0x1] =	stream.strided.gather @!p0 [hbm4b:s17+s22], $0x1000, s16, s22, $0x38;
	[tilespmem:$0x10600] =	vst v63  }
0x1f7: {  	(xrf2) =	vadd.scan.msk.f32 $0xffff, v13;
	s17 =	sand.u32 @!p0 $0x7F, s7  }
0x1f8: {  	p1 =	slt.s32 @!p0 s7, $0x1;
	p2 =	sne.s32 @!p0 s17, $0x0  }
0x1f9: {  	s17 =	sshra.s32 @!p0 s7, $0x1F;
	p1 =	por @!p0 !p1, !p2  }
0x1fa: {  	s17 =	sshrl.u32 @!p0 s17, $0x19;
	p1 =	por @!p0 !p1, !p1  }
0x1fb: {  	s7 =	sadd.s32 @!p0 s17, s7;
	s17 =	simm.s32 @!p0 $0x1;
	p1 =	por !p1, p0  }
0x1fc: {  	s7 =	sshrl.u32 @!p0 s7, $0x7;
	s17 =	simm.s32 @p1 $0x0  }
0x1fd: {  	s7 =	ssub.s32 @!p0 s7, s17  }
0x1fe: {  	s7 =	sshll.u32 @!p0 s7, $0x7  }
0x1ff: {  	s7 =	sand.u32 @!p0 $0x1FFFFF80, s7  }
0x200: {  	s17 =	simm.s32 @!p0 $0x9400;
	s7 =	sadd.s32 @!p0 s2, s7  }
0x201: {  	v13, _, _ =	vpop (xrf2);
	[tilespmem:s17], [sflag:$0x2] =	stream.strided.gather @!p0 [hbm4b:s7+s22], $0x1000, s16, s22, $0x38;
	[tilespmem:$0x10600] =	vst v63  }
0x202: {  	s0 =	rddreg [dreg:$0xb];
	_ =	swait.ge [sflag:s10], $0x1000  }
0x203: {  	[sflag:s10] =	ssyncset.done $0x0  }
0x204: {  	[sflag:s10] =	ssyncadd.s32 $0xFFFFF000  }
0x205: {  	_ =	swait.ge [sflag:s29], $0x1000  }
0x206: {  	(v2sf) =	vpush @!p0 v4, $0x2  }
0x207: {  	(v2sf) =	vpush @!p0 v3, $0x2;
	_ =	sdelay $0x8  }
0x208: {  	s17 =	sand.u32 $0x7F, s8  }
0x209: {  	v33 =	vor.u32 s17, v0  }
0x20a: {  	s1 =	sand.u32 $0x7F, s18;
	v34 =	vor.u32 s17, v1  }
0x20b: {  	v35 =	vor.u32 s1, v0  }
0x20c: {  	v17 =	vor.u32 s1, v1;
	[sflag:s29] =	ssyncset.done $0x0  }
0x20d: {  	s18 =	simm.s32 $0x2400;
	[sflag:s29] =	ssyncadd.s32 $0xFFFFF000;
	s7 =	spop @!p0 (v2sf)  }
0x20e: {  	v14 =	vld.idx.msk [tilespmem:v33+s18+$0x0], $0xffff;
	s8 =	spop @!p0 (v2sf)  }
0x20f: {  	s23 =	simm.s32 $0xA400;
	v15 =	vld.idx.msk [tilespmem:v34+s18+$0x0], $0xffff;
	s17 =	sand.u32 @!p0 $0x7F, s8  }
0x210: {  	v16 =	vld.idx.msk [tilespmem:v35+s23+$0x0], $0xffff;
	p1 =	slt.s32 @!p0 s8, $0x1;
	p2 =	sne.s32 @!p0 s17, $0x0  }
0x211: {  	v17 =	vld.idx.msk [tilespmem:v17+s23+$0x0], $0xffff;
	s17 =	sshra.s32 @!p0 s8, $0x1F;
	p1 =	por @!p0 !p1, !p2  }
0x212: {  	s17 =	sshrl.u32 @!p0 s17, $0x19;
	p1 =	por @!p0 !p1, !p1  }
0x213: {  	s8 =	sadd.s32 @!p0 s17, s8;
	s17 =	simm.s32 @!p0 $0x1;
	p1 =	por !p1, p0  }
0x214: {  	s8 =	sshrl.u32 @!p0 s8, $0x7;
	s17 =	simm.s32 @p1 $0x0  }
0x215: {  	s8 =	ssub.s32 @!p0 s8, s17  }
0x216: {  	v14 =	vmul.f32 v16, v14;
	v15 =	vmul.f32 v17, v15;
	s8 =	sshll.u32 @!p0 s8, $0x7  }
0x217: {  	s8 =	sand.u32 @!p0 $0x1FFFFF80, s8  }
0x218: {  	v14 =	vadd.f32 v15, v14;
	s17 =	simm.s32 @!p0 $0x2400;
	s8 =	sadd.s32 @!p0 s26, s8  }
0x219: {  	[tilespmem:s17], [sflag:$0x1] =	stream.strided.gather @!p0 [hbm4b:s8+s22], $0x1000, s16, s22, $0x38;
	[tilespmem:$0x10600] =	vst v63  }
0x21a: {  	(xrf2) =	vadd.scan.msk.f32 $0xffff, v14;
	s8 =	sand.u32 @!p0 $0x7F, s7  }
0x21b: {  	p1 =	slt.s32 @!p0 s7, $0x1;
	p2 =	sne.s32 @!p0 s8, $0x0  }
0x21c: {  	s8 =	sshra.s32 @!p0 s7, $0x1F;
	p1 =	por @!p0 !p1, !p2  }
0x21d: {  	s8 =	sshrl.u32 @!p0 s8, $0x19;
	p1 =	por @!p0 !p1, !p1  }
0x21e: {  	s7 =	sadd.s32 @!p0 s8, s7;
	s8 =	simm.s32 @!p0 $0x1;
	p1 =	por !p1, p0  }
0x21f: {  	s7 =	sshrl.u32 @!p0 s7, $0x7;
	s8 =	simm.s32 @p1 $0x0  }
0x220: {  	s7 =	ssub.s32 @!p0 s7, s8  }
0x221: {  	s7 =	sshll.u32 @!p0 s7, $0x7  }
0x222: {  	s7 =	sand.u32 @!p0 $0x1FFFFF80, s7  }
0x223: {  	s8 =	simm.s32 @!p0 $0xA400;
	s7 =	sadd.s32 @!p0 s2, s7  }
0x224: {  	v14, _, _ =	vpop (xrf2);
	[tilespmem:s8], [sflag:$0x2] =	stream.strided.gather @!p0 [hbm4b:s7+s22], $0x1000, s16, s22, $0x38;
	[tilespmem:$0x10600] =	vst v63  }
0x225: {  	_ =	swait.ge [sflag:s10], $0x1000  }
0x226: {  	[sflag:s10] =	ssyncset.done $0x0  }
0x227: {  	[sflag:s10] =	ssyncadd.s32 $0xFFFFF000  }
0x228: {  	_ =	swait.ge [sflag:s29], $0x1000  }
0x229: {  	(v2sf) =	vpush @!p0 v4, $0x3  }
0x22a: {  	(v2sf) =	vpush @!p0 v3, $0x3;
	_ =	sdelay $0x8  }
0x22b: {  	s4 =	sand.u32 $0x7F, s4  }
0x22c: {  	v36 =	vor.u32 s4, v0  }
0x22d: {  	v37 =	vor.u32 s4, v1;
	s17 =	sand.u32 $0x7F, s19  }
0x22e: {  	v38 =	vor.u32 s17, v0  }
0x22f: {  	v18 =	vor.u32 s17, v1;
	[sflag:s29] =	ssyncset.done $0x0  }
0x230: {  	s19 =	simm.s32 $0x3400;
	[sflag:s29] =	ssyncadd.s32 $0xFFFFF000;
	s4 =	spop @!p0 (v2sf)  }
0x231: {  	v15 =	vld.idx.msk [tilespmem:v36+s19+$0x0], $0xffff;
	s7 =	spop @!p0 (v2sf)  }
0x232: {  	s1 =	simm.s32 $0xB400;
	v16 =	vld.idx.msk [tilespmem:v37+s19+$0x0], $0xffff;
	s8 =	sand.u32 @!p0 $0x7F, s7  }
0x233: {  	v17 =	vld.idx.msk [tilespmem:v38+s1+$0x0], $0xffff;
	p1 =	slt.s32 @!p0 s7, $0x1;
	p2 =	sne.s32 @!p0 s8, $0x0  }
0x234: {  	v18 =	vld.idx.msk [tilespmem:v18+s1+$0x0], $0xffff;
	s8 =	sshra.s32 @!p0 s7, $0x1F;
	p1 =	por @!p0 !p1, !p2  }
0x235: {  	s8 =	sshrl.u32 @!p0 s8, $0x19;
	p1 =	por @!p0 !p1, !p1  }
0x236: {  	s7 =	sadd.s32 @!p0 s8, s7;
	s8 =	simm.s32 @!p0 $0x1;
	p1 =	por !p1, p0  }
0x237: {  	s7 =	sshrl.u32 @!p0 s7, $0x7;
	s8 =	simm.s32 @p1 $0x0  }
0x238: {  	s7 =	ssub.s32 @!p0 s7, s8  }
0x239: {  	v15 =	vmul.f32 v17, v15;
	v16 =	vmul.f32 v18, v16;
	s7 =	sshll.u32 @!p0 s7, $0x7  }
0x23a: {  	s7 =	sand.u32 @!p0 $0x1FFFFF80, s7  }
0x23b: {  	v15 =	vadd.f32 v16, v15;
	s8 =	simm.s32 @!p0 $0x3400;
	s7 =	sadd.s32 @!p0 s26, s7  }
0x23c: {  	[tilespmem:s8], [sflag:$0x1] =	stream.strided.gather @!p0 [hbm4b:s7+s22], $0x1000, s16, s22, $0x38;
	[tilespmem:$0x10600] =	vst v63  }
0x23d: {  	(xrf2) =	vadd.scan.msk.f32 $0xffff, v15;
	s7 =	sand.u32 @!p0 $0x7F, s4  }
0x23e: {  	p1 =	slt.s32 @!p0 s4, $0x1;
	p2 =	sne.s32 @!p0 s7, $0x0  }
0x23f: {  	s7 =	sshra.s32 @!p0 s4, $0x1F;
	p1 =	por @!p0 !p1, !p2  }
0x240: {  	s7 =	sshrl.u32 @!p0 s7, $0x19;
	p1 =	por @!p0 !p1, !p1  }
0x241: {  	s4 =	sadd.s32 @!p0 s7, s4;
	s7 =	simm.s32 @!p0 $0x1;
	p1 =	por !p1, p0  }
0x242: {  	s4 =	sshrl.u32 @!p0 s4, $0x7;
	s7 =	simm.s32 @p1 $0x0  }
0x243: {  	s4 =	ssub.s32 @!p0 s4, s7  }
0x244: {  	s4 =	sshll.u32 @!p0 s4, $0x7  }
0x245: {  	s4 =	sand.u32 @!p0 $0x1FFFFF80, s4  }
0x246: {  	s7 =	simm.s32 @!p0 $0xB400;
	s4 =	sadd.s32 @!p0 s2, s4  }
0x247: {  	v15, _, _ =	vpop (xrf2);
	[tilespmem:s7], [sflag:$0x2] =	stream.strided.gather @!p0 [hbm4b:s4+s22], $0x1000, s16, s22, $0x38;
	[tilespmem:$0x10600] =	vst v63  }
0x248: {  	_ =	swait.ge [sflag:s10], $0x1000  }
0x249: {  	[sflag:s10] =	ssyncset.done $0x0  }
0x24a: {  	[sflag:s10] =	ssyncadd.s32 $0xFFFFF000  }
0x24b: {  	_ =	swait.ge [sflag:s29], $0x1000  }
0x24c: {  	(v2sf) =	vpush @!p0 v4, $0x4  }
0x24d: {  	(v2sf) =	vpush @!p0 v3, $0x4;
	_ =	sdelay $0x8  }
0x24e: {  	s7 =	sand.u32 $0x7F, s9  }
0x24f: {  	v39 =	vor.u32 s7, v0  }
0x250: {  	s8 =	sand.u32 $0x7F, s20;
	v40 =	vor.u32 s7, v1  }
0x251: {  	v41 =	vor.u32 s8, v0  }
0x252: {  	v19 =	vor.u32 s8, v1;
	[sflag:s29] =	ssyncset.done $0x0  }
0x253: {  	s9 =	simm.s32 $0x4400;
	[sflag:s29] =	ssyncadd.s32 $0xFFFFF000;
	s4 =	spop @!p0 (v2sf)  }
0x254: {  	v16 =	vld.idx.msk [tilespmem:v39+s9+$0x0], $0xffff;
	s7 =	spop @!p0 (v2sf)  }
0x255: {  	s17 =	simm.s32 $0xC400;
	v17 =	vld.idx.msk [tilespmem:v40+s9+$0x0], $0xffff;
	s8 =	sand.u32 @!p0 $0x7F, s7  }
0x256: {  	v18 =	vld.idx.msk [tilespmem:v41+s17+$0x0], $0xffff;
	p1 =	slt.s32 @!p0 s7, $0x1;
	p2 =	sne.s32 @!p0 s8, $0x0  }
0x257: {  	v19 =	vld.idx.msk [tilespmem:v19+s17+$0x0], $0xffff;
	s8 =	sshra.s32 @!p0 s7, $0x1F;
	p1 =	por @!p0 !p1, !p2  }
0x258: {  	s8 =	sshrl.u32 @!p0 s8, $0x19;
	p1 =	por @!p0 !p1, !p1  }
0x259: {  	s7 =	sadd.s32 @!p0 s8, s7;
	s8 =	simm.s32 @!p0 $0x1;
	p1 =	por !p1, p0  }
0x25a: {  	s7 =	sshrl.u32 @!p0 s7, $0x7;
	s8 =	simm.s32 @p1 $0x0  }
0x25b: {  	s7 =	ssub.s32 @!p0 s7, s8  }
0x25c: {  	v16 =	vmul.f32 v18, v16;
	v17 =	vmul.f32 v19, v17;
	s7 =	sshll.u32 @!p0 s7, $0x7  }
0x25d: {  	s7 =	sand.u32 @!p0 $0x1FFFFF80, s7  }
0x25e: {  	v16 =	vadd.f32 v17, v16;
	s8 =	simm.s32 @!p0 $0x4400;
	s7 =	sadd.s32 @!p0 s26, s7  }
0x25f: {  	[tilespmem:s8], [sflag:$0x1] =	stream.strided.gather @!p0 [hbm4b:s7+s22], $0x1000, s16, s22, $0x38;
	[tilespmem:$0x10600] =	vst v63  }
0x260: {  	(xrf2) =	vadd.scan.msk.f32 $0xffff, v16;
	s7 =	sand.u32 @!p0 $0x7F, s4  }
0x261: {  	p1 =	slt.s32 @!p0 s4, $0x1;
	p2 =	sne.s32 @!p0 s7, $0x0  }
0x262: {  	s7 =	sshra.s32 @!p0 s4, $0x1F;
	p1 =	por @!p0 !p1, !p2  }
0x263: {  	s7 =	sshrl.u32 @!p0 s7, $0x19;
	p1 =	por @!p0 !p1, !p1  }
0x264: {  	s4 =	sadd.s32 @!p0 s7, s4;
	s7 =	simm.s32 @!p0 $0x1;
	p1 =	por !p1, p0  }
0x265: {  	s4 =	sshrl.u32 @!p0 s4, $0x7;
	s7 =	simm.s32 @p1 $0x0  }
0x266: {  	s4 =	ssub.s32 @!p0 s4, s7  }
0x267: {  	s4 =	sshll.u32 @!p0 s4, $0x7  }
0x268: {  	s4 =	sand.u32 @!p0 $0x1FFFFF80, s4  }
0x269: {  	s7 =	simm.s32 @!p0 $0xC400;
	s4 =	sadd.s32 @!p0 s2, s4  }
0x26a: {  	v16, _, _ =	vpop (xrf2);
	[tilespmem:s7], [sflag:$0x2] =	stream.strided.gather @!p0 [hbm4b:s4+s22], $0x1000, s16, s22, $0x38;
	[tilespmem:$0x10600] =	vst v63  }
0x26b: {  	_ =	swait.ge [sflag:s10], $0x1000  }
0x26c: {  	[sflag:s10] =	ssyncset.done $0x0  }
0x26d: {  	[sflag:s10] =	ssyncadd.s32 $0xFFFFF000  }
0x26e: {  	_ =	swait.ge [sflag:s29], $0x1000  }
0x26f: {  	(v2sf) =	vpush @!p0 v4, $0x5  }
0x270: {  	(v2sf) =	vpush @!p0 v3, $0x5;
	_ =	sdelay $0x8  }
0x271: {  	s19 =	sand.u32 $0x7F, s31  }
0x272: {  	v42 =	vor.u32 s19, v0  }
0x273: {  	v43 =	vor.u32 s19, v1;
	s20 =	sand.u32 $0x7F, s21  }
0x274: {  	v44 =	vor.u32 s20, v0  }
0x275: {  	v20 =	vor.u32 s20, v1;
	[sflag:s29] =	ssyncset.done $0x0  }
0x276: {  	s31 =	simm.s32 $0x5400;
	[sflag:s29] =	ssyncadd.s32 $0xFFFFF000;
	s4 =	spop @!p0 (v2sf)  }
0x277: {  	v17 =	vld.idx.msk [tilespmem:v42+s31+$0x0], $0xffff;
	s7 =	spop @!p0 (v2sf)  }
0x278: {  	s1 =	simm.s32 $0xD400;
	v18 =	vld.idx.msk [tilespmem:v43+s31+$0x0], $0xffff;
	s8 =	sand.u32 @!p0 $0x7F, s7  }
0x279: {  	v19 =	vld.idx.msk [tilespmem:v44+s1+$0x0], $0xffff;
	p1 =	slt.s32 @!p0 s7, $0x1;
	p2 =	sne.s32 @!p0 s8, $0x0  }
0x27a: {  	v20 =	vld.idx.msk [tilespmem:v20+s1+$0x0], $0xffff;
	s8 =	sshra.s32 @!p0 s7, $0x1F;
	p1 =	por @!p0 !p1, !p2  }
0x27b: {  	s8 =	sshrl.u32 @!p0 s8, $0x19;
	p1 =	por @!p0 !p1, !p1  }
0x27c: {  	s7 =	sadd.s32 @!p0 s8, s7;
	s8 =	simm.s32 @!p0 $0x1;
	p1 =	por !p1, p0  }
0x27d: {  	s7 =	sshrl.u32 @!p0 s7, $0x7;
	s8 =	simm.s32 @p1 $0x0  }
0x27e: {  	s7 =	ssub.s32 @!p0 s7, s8  }
0x27f: {  	v17 =	vmul.f32 v19, v17;
	v18 =	vmul.f32 v20, v18;
	s7 =	sshll.u32 @!p0 s7, $0x7  }
0x280: {  	s7 =	sand.u32 @!p0 $0x1FFFFF80, s7  }
0x281: {  	v17 =	vadd.f32 v18, v17;
	s8 =	simm.s32 @!p0 $0x5400;
	s7 =	sadd.s32 @!p0 s26, s7  }
0x282: {  	[tilespmem:s8], [sflag:$0x1] =	stream.strided.gather @!p0 [hbm4b:s7+s22], $0x1000, s16, s22, $0x38;
	[tilespmem:$0x10600] =	vst v63  }
0x283: {  	(xrf2) =	vadd.scan.msk.f32 $0xffff, v17;
	s7 =	sand.u32 @!p0 $0x7F, s4  }
0x284: {  	p1 =	slt.s32 @!p0 s4, $0x1;
	p2 =	sne.s32 @!p0 s7, $0x0  }
0x285: {  	s7 =	sshra.s32 @!p0 s4, $0x1F;
	p1 =	por @!p0 !p1, !p2  }
0x286: {  	s7 =	sshrl.u32 @!p0 s7, $0x19;
	p1 =	por @!p0 !p1, !p1  }
0x287: {  	s4 =	sadd.s32 @!p0 s7, s4;
	s7 =	simm.s32 @!p0 $0x1;
	p1 =	por !p1, p0  }
0x288: {  	s4 =	sshrl.u32 @!p0 s4, $0x7;
	s7 =	simm.s32 @p1 $0x0  }
0x289: {  	s4 =	ssub.s32 @!p0 s4, s7  }
0x28a: {  	s4 =	sshll.u32 @!p0 s4, $0x7  }
0x28b: {  	s4 =	sand.u32 @!p0 $0x1FFFFF80, s4  }
0x28c: {  	s7 =	simm.s32 @!p0 $0xD400;
	s4 =	sadd.s32 @!p0 s2, s4  }
0x28d: {  	v17, _, _ =	vpop (xrf2);
	[tilespmem:s7], [sflag:$0x2] =	stream.strided.gather @!p0 [hbm4b:s4+s22], $0x1000, s16, s22, $0x38;
	[tilespmem:$0x10600] =	vst v63  }
0x28e: {  	_ =	swait.ge [sflag:s10], $0x1000  }
0x28f: {  	[sflag:s10] =	ssyncset.done $0x0  }
0x290: {  	[sflag:s10] =	ssyncadd.s32 $0xFFFFF000  }
0x291: {  	_ =	swait.ge [sflag:s29], $0x1000  }
0x292: {  	(v2sf) =	vpush @!p0 v4, $0x6  }
0x293: {  	(v2sf) =	vpush @!p0 v3, $0x6;
	_ =	sdelay $0x8  }
0x294: {  	s13 =	sand.u32 $0x7F, s13  }
0x295: {  	v45 =	vor.u32 s13, v1;
	s14 =	sand.u32 $0x7F, s14  }
0x296: {  	v46 =	vor.u32 s14, v0  }
0x297: {  	v47 =	vor.u32 s14, v1  }
0x298: {  	[sflag:s29] =	ssyncset.done $0x0;
	v3 =	vor.u32 s13, v0  }
0x299: {  	s17 =	simm.s32 $0x6400;
	[sflag:s29] =	ssyncadd.s32 $0xFFFFF000;
	s4 =	spop @!p0 (v2sf)  }
0x29a: {  	s19 =	simm.s32 $0xE400;
	v4 =	vld.idx.msk [tilespmem:v45+s17+$0x0], $0xffff;
	s7 =	spop @!p0 (v2sf)  }
0x29b: {  	v18 =	vld.idx.msk [tilespmem:v46+s19+$0x0], $0xffff;
	s8 =	sand.u32 @!p0 $0x7F, s7  }
0x29c: {  	v19 =	vld.idx.msk [tilespmem:v47+s19+$0x0], $0xffff;
	p1 =	slt.s32 @!p0 s7, $0x1;
	p2 =	sne.s32 @!p0 s8, $0x0  }
0x29d: {  	v3 =	vld.idx.msk [tilespmem:v3+s17+$0x0], $0xffff;
	s8 =	sshra.s32 @!p0 s7, $0x1F;
	p1 =	por @!p0 !p1, !p2  }
0x29e: {  	s8 =	sshrl.u32 @!p0 s8, $0x19;
	p1 =	por @!p0 !p1, !p1  }
0x29f: {  	s7 =	sadd.s32 @!p0 s8, s7;
	s8 =	simm.s32 @!p0 $0x1;
	p1 =	por !p1, p0  }
0x2a0: {  	s7 =	sshrl.u32 @!p0 s7, $0x7;
	s8 =	simm.s32 @p1 $0x0  }
0x2a1: {  	s7 =	ssub.s32 @!p0 s7, s8  }
0x2a2: {  	v4 =	vmul.f32 v19, v4;
	v3 =	vmul.f32 v18, v3;
	s7 =	sshll.u32 @!p0 s7, $0x7  }
0x2a3: {  	s7 =	sand.u32 @!p0 $0x1FFFFF80, s7  }
0x2a4: {  	v3 =	vadd.f32 v4, v3;
	s8 =	simm.s32 @!p0 $0x6400;
	s7 =	sadd.s32 @!p0 s26, s7  }
0x2a5: {  	[tilespmem:s8], [sflag:$0x1] =	stream.strided.gather @!p0 [hbm4b:s7+s22], $0x1000, s16, s22, $0x38;
	[tilespmem:$0x10600] =	vst v63  }
0x2a6: {  	(xrf2) =	vadd.scan.msk.f32 $0xffff, v3;
	s7 =	sand.u32 @!p0 $0x7F, s4  }
0x2a7: {  	p1 =	slt.s32 @!p0 s4, $0x1;
	p2 =	sne.s32 @!p0 s7, $0x0  }
0x2a8: {  	s7 =	sshra.s32 @!p0 s4, $0x1F;
	p1 =	por @!p0 !p1, !p2  }
0x2a9: {  	s7 =	sshrl.u32 @!p0 s7, $0x19;
	p1 =	por @!p0 !p1, !p1  }
0x2aa: {  	s4 =	sadd.s32 @!p0 s7, s4;
	s7 =	simm.s32 @!p0 $0x1;
	p1 =	por !p1, p0  }
0x2ab: {  	s4 =	sshrl.u32 @!p0 s4, $0x7;
	s7 =	simm.s32 @p1 $0x0  }
0x2ac: {  	s4 =	ssub.s32 @!p0 s4, s7  }
0x2ad: {  	s4 =	sshll.u32 @!p0 s4, $0x7  }
0x2ae: {  	s4 =	sand.u32 @!p0 $0x1FFFFF80, s4  }
0x2af: {  	s7 =	simm.s32 @!p0 $0xE400;
	s4 =	sadd.s32 @!p0 s2, s4  }
0x2b0: {  	v3, _, _ =	vpop (xrf2);
	[tilespmem:s7], [sflag:$0x2] =	stream.strided.gather @!p0 [hbm4b:s4+s22], $0x1000, s16, s22, $0x38;
	[tilespmem:$0x10600] =	vst v63  }
0x2b1: {  	s20 =	sand.u32 $0x7F, s6;
	_ =	swait.ge [sflag:s10], $0x1000  }
0x2b2: {  	v48 =	vor.u32 s20, v0;
	s31 =	sand.u32 $0x7F, s15;
	[sflag:s10] =	ssyncset.done $0x0  }
0x2b3: {  	v49 =	vor.u32 s31, v0;
	[sflag:s10] =	ssyncadd.s32 $0xFFFFF000  }
0x2b4: {  	v50 =	vor.u32 s20, v1;
	_ =	swait.ge [sflag:s29], $0x1000  }
0x2b5: {  	v51 =	vor.u32 s31, v1;
	[sflag:s29] =	ssyncset.done $0x0  }
0x2b6: {  	s21 =	simm.s32 $0x7400;
	[sflag:s29] =	ssyncadd.s32 $0xFFFFF000  }
0x2b7: {  	s22 =	simm.s32 $0xF400;
	v4 =	vld.idx.msk [tilespmem:v48+s21+$0x0], $0xffff  }
0x2b8: {  	v18 =	vld.idx.msk [tilespmem:v49+s22+$0x0], $0xffff  }
0x2b9: {  	v19 =	vld.idx.msk [tilespmem:v50+s21+$0x0], $0xffff  }
0x2ba: {  	v20 =	vld.idx.msk [tilespmem:v51+s22+$0x0], $0xffff;
	_ =	sdelay $0x2  }
0x2bb: {  	v2 =	vbroadcast v2, $0xF  }
0x2bc: {  	v5 =	vbroadcast v5, $0xF;
	v6 =	vbroadcast v6, $0xF  }
0x2bd: {  	v4 =	vmul.f32 v18, v4;
	v52 =	vmul.f32 v20, v19  }
0x2be: {  	v2 =	vsel vm0, v2, v5;
	v53 =	vbroadcast v7, $0xF  }
0x2bf: {  	v2 =	vsel vm1, v2, v6;
	v54 =	vbroadcast v8, $0xF;
	v4 =	vadd.f32 v52, v4  }
0x2c0: {  	v2 =	vsel vm2, v2, v53;
	v55 =	vbroadcast v9, $0xF  }
0x2c1: {  	v2 =	vsel vm3, v2, v54;
	v56 =	vbroadcast v10, $0xF;
	(xrf2) =	vadd.scan.msk.f32 $0xffff, v4  }
0x2c2: {  	v2 =	vsel vm4, v2, v55;
	v57 =	vbroadcast v11, $0xF  }
0x2c3: {  	v2 =	vsel vm5, v2, v56;
	v58 =	vbroadcast v12, $0xF  }
0x2c4: {  	v2 =	vsel vm6, v2, v57;
	v59 =	vbroadcast v13, $0xF  }
0x2c5: {  	v2 =	vsel vm7, v2, v58;
	v60 =	vbroadcast v14, $0xF  }
0x2c6: {  	v2 =	vsel vm8, v59, v2;
	v61 =	vbroadcast v15, $0xF  }
0x2c7: {  	s3 =	sadd.s32 $0x1, s3;
	v2 =	vsel vm9, v60, v2;
	v62 =	vbroadcast v16, $0xF;
	v3 =	vbroadcast v3, $0xF  }
0x2c8: {  	v2 =	vsel vm10, v61, v2;
	v63 =	vbroadcast v17, $0xF;
	p0 =	seq.s32 s3, $0x0  }
.Ltmp0:
0x2c9: {  	v2 =	vsel vm11, v62, v2;
	(pc) =	sbr.rel @!p0 .LBB2_2-.Ltmp0, $4  }
0x2ca: {  	v2 =	vsel vm12, v63, v2  }
0x2cb: {  	v2 =	vsel vm13, v3, v2;
	v3, _, _ =	vpop (xrf2)  }
0x2cc: {  	v2 =	vsel vm14, v2, v3  }
0x2cd: {  	s5 =	sadd.s32 $0x10, s5;
	s0 =	sadd.s32 $0x10, s0;
	[tilespmem:s30+$0x0] =	vst v2;
	s30 =	sadd.s32 $0x10, s30  }
0x2ce: {  	s9 =	simm.s32 $0x0  }
0x2cf: {  	s0 =	rddreg [dreg:$0x8];
	s3 =	simm.s32 $0x10400;
	s4 =	simm.s32 $0x3  }
0x2d0: {  	[hbm4b:s0+s9] =	stream.linear.scatter [tilespmem:s3], [sflag:$0x3], $0x200, $0x38;
	[tilespmem:$0x10600] =	vst v63  }
0x2d1: {  	_ =	swait.ge [sflag:s4], $0x200  }
0x2d2: {  	s30 =	rddreg [dreg:$0xa]  }
0x2d3: {  	s31 =	rddreg [dreg:$0x9];
	s3 =	sadd.s32 $0x1, s30  }
0x2d4: {  	p0 =	sne.s32 s3, s31  }
.Ltmp1:
0x2d5: {  	_ = 	snop;
	(pc) =	sbr.rel @p0 .LBB2_1-.Ltmp1, $4  }
0x2d6: {  	s7 =	simm.s32 $0x9400;
	s8 =	simm.s32 $0x3400  }
0x2d7: {  	s13 =	simm.s32 $0xB400;
	s14 =	simm.s32 $0x4400;
	s15 =	simm.s32 $0xC400  }
0x2d8: {  	s16 =	simm.s32 $0x5400;
	s17 =	simm.s32 $0xD400;
	[sflag:s4] =	ssyncset.done $0x0  }
0x2d9: {  	s19 =	simm.s32 $0x6400;
	s20 =	simm.s32 $0xE400;
	[sflag:s4] =	ssyncadd.s32 $0xFFFFFE00  }
0x2da: {  	_ =	sfence.sel $0x180000  }
0x2db: {  	[bflag:$0x0] =	sbarrier.arrive $0xFFFF  }
0x2dc: {  	_ =	strace $0x90000047  }
0x2dd: {  	s0 =	stileid.u32;
	[bflag:$0x2] =	sbarrier.arrive $0xFFFF  }
0x2de: {  	p0 =	sne.s32 s0, $0x0;
	s0 =	rddreg [dreg:$0x5]  }
0x2df: {  	s0 =	sadd.s32 @!p0 $0x100000, s0  }
0x2e0: {  	[sflag:s0] =	ssyncadd.tile.s32 @!p0 $0x1;
	_ =	shalt  }
.Lfunc_end2:
_tile_overlayer_lowered:
.L_overlay_start_2:
0x2e1: {  	(tag) =	ssettag $0x2  }
0x2e2: {  	s0 =	rddreg [dreg:$0x0];
	s2 =	stileid.u32  }
0x2e3: {  	s1 =	rddreg [dreg:$0x1];
	p0 =	sne.s32 s2, $0x0  }
0x2e4: {  	s3 =	rddreg [dreg:$0x2];
	[bflag:$0x3] =	sbarrier.arrive $0xFFFF;
	s2 =	simm.s32 @!p0 $0x1C03  }
0x2e5: {  	[timem:s3], [sflag:s2] =	dma.local @!p0 [hbm:s0], s1  }
0x2e6: {  	s0 =	simm.s32 @!p0 $0x3  }
0x2e7: {  	_ =	swait.ge @!p0 [sflag:s0], s1  }
0x2e8: {  	s1 =	ssub.s32 @!p0 $0x0, s1;
	[sflag:s0] =	ssyncset.done @!p0 $0x0  }
0x2e9: {  	[sflag:s0] =	ssyncadd.s32 @!p0 s1  }
0x2ea: {  	[bflag:$0x3] =	sbarrier.arrive $0xFFFF  }
0x2eb: {  	_ =	shalt  }

</sc_bundles>
